<compile_context>
chip_gen: v7x
topology: tpu7x:2x2x1
jax: 0.10.2.dev20260603
libtpu: 0.0.44.dev20260713+nightly
codegen_flags: <defaults>
</compile_context>

<pallas_src>
import functools

import jax
import jax.numpy as jnp
from jax import lax
from jax.experimental import pallas as pl
from jax.experimental.pallas import tpu as pltpu
from jax.experimental.pallas import tpu_sc as plsc

HIDDEN = 64
CHUNK = 128
NBUF = 4


@functools.lru_cache(maxsize=None)
def _make_gather(B, DS, NB):
    info = plsc.get_sparse_core_info()
    nc, ns = info.num_cores, info.num_subcores
    nw = nc * ns
    rows_per_w = B // nw
    ng = rows_per_w // CHUNK
    npg = NB // CHUNK
    assert rows_per_w % CHUNK == 0 and ng % NBUF == 0 and NB % CHUNK == 0

    mesh = plsc.VectorSubcoreMesh(core_axis_name="c", subcore_axis_name="s")

    @functools.partial(
        pl.kernel,
        mesh=mesh,
        compiler_params=pltpu.CompilerParams(
            use_tc_tiling_on_sc=False, needs_layout_passes=False
        ),
        out_type=jax.ShapeDtypeStruct((DS, HIDDEN, NB), jnp.float32),
        scratch_types=(
            [pltpu.VMEM((rows_per_w,), jnp.int32)]
            + [pltpu.VMEM((CHUNK, HIDDEN), jnp.float32) for _ in range(NBUF)]
            + [pltpu.VMEM((HIDDEN, CHUNK), jnp.float32) for _ in range(2)]
            + [pltpu.SemaphoreType.DMA for _ in range(NBUF)]
            + [pltpu.SemaphoreType.DMA for _ in range(2)]
        ),
    )
    def gather_kernel(idx_hbm, table_hbm, out_hbm, idx_v, *rest):
        bufs = rest[:NBUF]
        tbufs = rest[NBUF:NBUF + 2]
        sems = rest[NBUF + 2:NBUF + 2 + NBUF]
        wsems = rest[NBUF + 2 + NBUF:]
        wid = lax.axis_index("s") * nc + lax.axis_index("c")
        base = wid * rows_per_w

        pltpu.sync_copy(idx_hbm.at[pl.ds(base, rows_per_w)], idx_v)

        iota = lax.iota(jnp.int32, 16)
        rowids = [iota + 16 * jg for jg in range(8)]

        def issue(t, b):
            pltpu.async_copy(
                table_hbm.at[idx_v.at[pl.ds(t * CHUNK, CHUNK)]], bufs[b], sems[b]
            )

        for b in range(NBUF):
            issue(b, b)

        def out_slice(t):
            gc = wid * ng + t
            ds = gc // npg
            b0 = (gc % npg) * CHUNK
            return out_hbm.at[ds, :, pl.ds(b0, CHUNK)]

        def process(t, b, tb):
            pltpu.make_async_copy(
                table_hbm.at[idx_v.at[pl.ds(t * CHUNK, CHUNK)]], bufs[b], sems[b]
            ).wait()

            @pl.when(t >= 2)
            def _():
                pltpu.make_async_copy(tbufs[tb], out_slice(t), wsems[tb]).wait()

            @plsc.parallel_loop(0, HIDDEN, unroll=16)
            def _(h):
                for jg in range(8):
                    v = plsc.load_gather(bufs[b], [rowids[jg], iota * 0 + h])
                    tbufs[tb][h, pl.ds(jg * 16, 16)] = v

            pltpu.async_copy(tbufs[tb], out_slice(t), wsems[tb])

        def outer(i, carry):
            for k in range(NBUF):
                t = i * NBUF + k
                process(t, k, k % 2)

                @pl.when(t + NBUF < ng)
                def _():
                    issue(t + NBUF, k)

            return carry

        lax.fori_loop(0, ng // NBUF, outer, 0)

        for tb in range(2):
            pltpu.make_async_copy(
                tbufs[tb], out_slice(ng - 2 + tb), wsems[tb]
            ).wait()

    return gather_kernel


def kernel(input_var, emb_weight):
    b, d, s = input_var.shape
    v, hid = emb_weight.shape
    idxt = jnp.transpose(input_var, (1, 2, 0)).reshape(-1).astype(jnp.int32)
    out3 = _make_gather(idxt.shape[0], d * s, b)(idxt, emb_weight)
    out4 = out3.reshape(d, s, hid, b)
    return jnp.transpose(out4, (3, 0, 1, 2))

# --- scband reference (transcript-rebuilt; emitter-appended) ---
"""Pipeline reference for scband-gnn-29884382446358 (READ-ONLY COPY).

The authoritative reference and input builder live on the scoring server;
editing this copy changes nothing except your own understanding.
"""

import jax, jax.numpy as jnp
import numpy as np

VOCAB_LEN = 1000000
HIDDEN_SIZE = 64

def setup_inputs(seed: int = 0) -> dict:
    key = jax.random.key(seed)
    k1, k2 = jax.random.split(key)
    # input_var: already-padded token ids [batch, discourse_len, sent_len]
    input_var = jax.random.randint(k1, (1024, 20, 20), 0, VOCAB_LEN, dtype=jnp.int64)
    # node_embedder weight (learned parameter)
    emb_weight = jax.random.normal(k2, (VOCAB_LEN, HIDDEN_SIZE), dtype=jnp.float32)
    return {"input_var": input_var, "emb_weight": emb_weight}

def reference(input_var, emb_weight):
    # node_init = self.node_embedder(input_var)
    node_init = jnp.take(emb_weight, input_var, axis=0)
    return node_init

if __name__ == "__main__":
    import jax
    _d = setup_inputs()
    print(jax.jit(kernel)(*tuple(_d.values())))

</pallas_src>

<mosaic_0001>
#map = affine_map<(d0, d1) -> (0)>
#map1 = affine_map<(d0, d1) -> (0, 0)>
#map2 = affine_map<(d0, d1) -> (0, 0, 0)>
module attributes {stable_mosaic.version = 14 : i64} {
  func.func @gather_kernel(%arg0: i32, %arg1: i32, %arg2: memref<409600xi32, #tpu.memory_space<hbm>>, %arg3: memref<1000000x64xf32, #tpu.memory_space<hbm>>, %arg4: memref<400x64x1024xf32, #tpu.memory_space<hbm>>, %arg5: memref<12800xi32, #tpu.memory_space<vmem>>, %arg6: memref<128x64xf32, #tpu.memory_space<vmem>>, %arg7: memref<128x64xf32, #tpu.memory_space<vmem>>, %arg8: memref<128x64xf32, #tpu.memory_space<vmem>>, %arg9: memref<128x64xf32, #tpu.memory_space<vmem>>, %arg10: memref<64x128xf32, #tpu.memory_space<vmem>>, %arg11: memref<64x128xf32, #tpu.memory_space<vmem>>, %arg12: memref<!tpu.dma_semaphore, #tpu.memory_space<semaphore_mem>>, %arg13: memref<!tpu.dma_semaphore, #tpu.memory_space<semaphore_mem>>, %arg14: memref<!tpu.dma_semaphore, #tpu.memory_space<semaphore_mem>>, %arg15: memref<!tpu.dma_semaphore, #tpu.memory_space<semaphore_mem>>, %arg16: memref<!tpu.dma_semaphore, #tpu.memory_space<semaphore_mem>>, %arg17: memref<!tpu.dma_semaphore, #tpu.memory_space<semaphore_mem>>) attributes {dimension_semantics = [#tpu.dimension_semantics<core_parallel>, #tpu.dimension_semantics<subcore_parallel>], iteration_bounds = array<i64: 2, 16>, scalar_prefetch = 0 : i64, scratch_operands = 13 : i64, tpu.core_type = #tpu.core_type<sc_vector_subcore>, window_params = [{transform_indices = #map}, {transform_indices = #map1}, {transform_indices = #map2}]} {
    %mul3A = arith.constant 2 : i32
    %mul3A_0 = arith.muli %arg1, %mul3A : i32
    %add3A = arith.addi %mul3A_0, %arg0 : i32
    %mul3A_1 = arith.constant 12800 : i32
    %mul3A_2 = arith.muli %add3A, %mul3A_1 : i32
    "tpu.region"() ({
      %run_scoped3A = tpu.sem_alloc : memref<!tpu.dma_semaphore, #tpu.memory_space<semaphore_mem>>
      %dma_start3A_144 = tpu.memref_slice %arg2[%mul3A_2] : memref<409600xi32, #tpu.memory_space<hbm>> -> memref<12800xi32, #tpu.memory_space<hbm>>
      %dma_start3A_145 = tpu.memref_slice %arg2[%mul3A_2] : memref<409600xi32, #tpu.memory_space<hbm>> -> memref<12800xi32, #tpu.memory_space<hbm>>
      tpu.enqueue_dma source(%dma_start3A_145 : memref<12800xi32, #tpu.memory_space<hbm>>) target(%arg5 : memref<12800xi32, #tpu.memory_space<vmem>>) target_semaphore(%run_scoped3A : memref<!tpu.dma_semaphore, #tpu.memory_space<semaphore_mem>>)
      %dma_wait3A_146 = tpu.memref_slice %arg2[%mul3A_2] : memref<409600xi32, #tpu.memory_space<hbm>> -> memref<12800xi32, #tpu.memory_space<hbm>>
      %dma_wait3A_147 = tpu.memref_slice %arg2[%mul3A_2] : memref<409600xi32, #tpu.memory_space<hbm>> -> memref<12800xi32, #tpu.memory_space<hbm>>
      tpu.wait_dma2 semaphore(%run_scoped3A : memref<!tpu.dma_semaphore, #tpu.memory_space<semaphore_mem>>) src(%dma_wait3A_147 : memref<12800xi32, #tpu.memory_space<hbm>>) dst(%arg5 : memref<12800xi32, #tpu.memory_space<vmem>>)
      tpu.yield
    }) : () -> ()
    %iota3A = tpu.iota {dimensions = array<i32: 0>} : vector<16xi32>
    %add3A_3 = arith.constant 0 : i32
    %add3A_4 = vector.broadcast %add3A_3 : i32 to vector<16xi32>
    %add3A_5 = arith.addi %iota3A, %add3A_4 : vector<16xi32>
    %add3A_6 = arith.constant 16 : i32
    %add3A_7 = vector.broadcast %add3A_6 : i32 to vector<16xi32>
    %add3A_8 = arith.addi %iota3A, %add3A_7 : vector<16xi32>
    %add3A_9 = arith.constant 32 : i32
    %add3A_10 = vector.broadcast %add3A_9 : i32 to vector<16xi32>
    %add3A_11 = arith.addi %iota3A, %add3A_10 : vector<16xi32>
    %add3A_12 = arith.constant 48 : i32
    %add3A_13 = vector.broadcast %add3A_12 : i32 to vector<16xi32>
    %add3A_14 = arith.addi %iota3A, %add3A_13 : vector<16xi32>
    %add3A_15 = arith.constant 64 : i32
    %add3A_16 = vector.broadcast %add3A_15 : i32 to vector<16xi32>
    %add3A_17 = arith.addi %iota3A, %add3A_16 : vector<16xi32>
    %add3A_18 = arith.constant 80 : i32
    %add3A_19 = vector.broadcast %add3A_18 : i32 to vector<16xi32>
    %add3A_20 = arith.addi %iota3A, %add3A_19 : vector<16xi32>
    %add3A_21 = arith.constant 96 : i32
    %add3A_22 = vector.broadcast %add3A_21 : i32 to vector<16xi32>
    %add3A_23 = arith.addi %iota3A, %add3A_22 : vector<16xi32>
    %add3A_24 = arith.constant 112 : i32
    %add3A_25 = vector.broadcast %add3A_24 : i32 to vector<16xi32>
    %add3A_26 = arith.addi %iota3A, %add3A_25 : vector<16xi32>
    %dma_start3A = arith.constant 0 : i32
    %dma_start3A_27 = tpu.memref_slice %arg5[%dma_start3A] : memref<12800xi32, #tpu.memory_space<vmem>> -> memref<128xi32, #tpu.memory_space<vmem>>
    %dma_start3A_28 = arith.constant 0 : i32
    %dma_start3A_29 = arith.constant 0 : i32
    %dma_start3A_30 = tpu.memref_slice %arg3[%dma_start3A_28, %dma_start3A_29] : memref<1000000x64xf32, #tpu.memory_space<hbm>> -> memref<1000000x64xf32, #tpu.memory_space<hbm>>
    tpu.enqueue_indirect_dma source(%dma_start3A_30 : memref<1000000x64xf32, #tpu.memory_space<hbm>>) target(%arg6 : memref<128x64xf32, #tpu.memory_space<vmem>>) offsets(%dma_start3A_27 : memref<128xi32, #tpu.memory_space<vmem>>) semaphore(%arg12 : memref<!tpu.dma_semaphore, #tpu.memory_space<semaphore_mem>>)
    %dma_start3A_31 = arith.constant 128 : i32
    %dma_start3A_32 = tpu.memref_slice %arg5[%dma_start3A_31] : memref<12800xi32, #tpu.memory_space<vmem>> -> memref<128xi32, #tpu.memory_space<vmem>>
    %dma_start3A_33 = arith.constant 0 : i32
    %dma_start3A_34 = arith.constant 0 : i32
    %dma_start3A_35 = tpu.memref_slice %arg3[%dma_start3A_33, %dma_start3A_34] : memref<1000000x64xf32, #tpu.memory_space<hbm>> -> memref<1000000x64xf32, #tpu.memory_space<hbm>>
    tpu.enqueue_indirect_dma source(%dma_start3A_35 : memref<1000000x64xf32, #tpu.memory_space<hbm>>) target(%arg7 : memref<128x64xf32, #tpu.memory_space<vmem>>) offsets(%dma_start3A_32 : memref<128xi32, #tpu.memory_space<vmem>>) semaphore(%arg13 : memref<!tpu.dma_semaphore, #tpu.memory_space<semaphore_mem>>)
    %dma_start3A_36 = arith.constant 256 : i32
    %dma_start3A_37 = tpu.memref_slice %arg5[%dma_start3A_36] : memref<12800xi32, #tpu.memory_space<vmem>> -> memref<128xi32, #tpu.memory_space<vmem>>
    %dma_start3A_38 = arith.constant 0 : i32
    %dma_start3A_39 = arith.constant 0 : i32
    %dma_start3A_40 = tpu.memref_slice %arg3[%dma_start3A_38, %dma_start3A_39] : memref<1000000x64xf32, #tpu.memory_space<hbm>> -> memref<1000000x64xf32, #tpu.memory_space<hbm>>
    tpu.enqueue_indirect_dma source(%dma_start3A_40 : memref<1000000x64xf32, #tpu.memory_space<hbm>>) target(%arg8 : memref<128x64xf32, #tpu.memory_space<vmem>>) offsets(%dma_start3A_37 : memref<128xi32, #tpu.memory_space<vmem>>) semaphore(%arg14 : memref<!tpu.dma_semaphore, #tpu.memory_space<semaphore_mem>>)
    %dma_start3A_41 = arith.constant 384 : i32
    %dma_start3A_42 = tpu.memref_slice %arg5[%dma_start3A_41] : memref<12800xi32, #tpu.memory_space<vmem>> -> memref<128xi32, #tpu.memory_space<vmem>>
    %dma_start3A_43 = arith.constant 0 : i32
    %dma_start3A_44 = arith.constant 0 : i32
    %dma_start3A_45 = tpu.memref_slice %arg3[%dma_start3A_43, %dma_start3A_44] : memref<1000000x64xf32, #tpu.memory_space<hbm>> -> memref<1000000x64xf32, #tpu.memory_space<hbm>>
    tpu.enqueue_indirect_dma source(%dma_start3A_45 : memref<1000000x64xf32, #tpu.memory_space<hbm>>) target(%arg9 : memref<128x64xf32, #tpu.memory_space<vmem>>) offsets(%dma_start3A_42 : memref<128xi32, #tpu.memory_space<vmem>>) semaphore(%arg15 : memref<!tpu.dma_semaphore, #tpu.memory_space<semaphore_mem>>)
    %scan3A = arith.constant 0 : i32
    %scan3A_46 = arith.constant 0 : i32
    %scan3A_47 = arith.constant 25 : i32
    %scan3A_48 = arith.addi %scan3A_46, %scan3A_47 : i32
    %scan3A_49 = arith.constant 1 : i32
    scf.for %scan3A_144 = %scan3A_46 to %scan3A_48 step %scan3A_49  : i32 {
      %mul3A_145 = arith.constant 4 : i32
      %mul3A_146 = arith.muli %scan3A_144, %mul3A_145 : i32
      %add3A_147 = arith.constant 0 : i32
      %add3A_148 = arith.addi %mul3A_146, %add3A_147 : i32
      %mul3A_149 = arith.constant 128 : i32
      %mul3A_150 = arith.muli %add3A_148, %mul3A_149 : i32
      %dma_wait3A_151 = tpu.memref_slice %arg5[%mul3A_150] : memref<12800xi32, #tpu.memory_space<vmem>> -> memref<128xi32, #tpu.memory_space<vmem>>
      %dma_wait3A_152 = arith.constant 0 : i32
      %dma_wait3A_153 = arith.constant 0 : i32
      %dma_wait3A_154 = tpu.memref_slice %arg3[%dma_wait3A_152, %dma_wait3A_153] : memref<1000000x64xf32, #tpu.memory_space<hbm>> -> memref<1000000x64xf32, #tpu.memory_space<hbm>>
      tpu.wait_indirect_dma semaphore(%arg12 : memref<!tpu.dma_semaphore, #tpu.memory_space<semaphore_mem>>) src(%dma_wait3A_154 : memref<1000000x64xf32, #tpu.memory_space<hbm>>) dst(%arg6 : memref<128x64xf32, #tpu.memory_space<vmem>>)
      %ge3A = arith.constant 2 : i32
      %ge3A_155 = arith.cmpi sge, %add3A_148, %ge3A : i32
      %convert_element_type3A = arith.extui %ge3A_155 : i1 to i32
      %cond3A = arith.constant 0 : i32
      %cond3A_156 = arith.cmpi ne, %convert_element_type3A, %cond3A : i32
      scf.if %cond3A_156 {
        %mul3A_445 = arith.constant 100 : i32
        %mul3A_446 = arith.muli %add3A, %mul3A_445 : i32
        %add3A_447 = arith.addi %mul3A_446, %add3A_148 : i32
        %jit3A_448 = arith.constant 8 : i32
        %div3A_449 = arith.divsi %add3A_447, %jit3A_448 : i32
        %sign3A_450 = arith.constant 0 : i32
        %sign3A_451 = arith.cmpi sgt, %add3A_447, %sign3A_450 : i32
        %sign3A_452 = arith.extui %sign3A_451 : i1 to i32
        %sign3A_453 = arith.constant 0 : i32
        %sign3A_454 = arith.cmpi slt, %add3A_447, %sign3A_453 : i32
        %sign3A_455 = arith.extui %sign3A_454 : i1 to i32
        %sign3A_456 = arith.subi %sign3A_452, %sign3A_455 : i32
        %sign3A_457 = arith.constant 0 : i32
        %sign3A_458 = arith.cmpi sgt, %jit3A_448, %sign3A_457 : i32
        %sign3A_459 = arith.extui %sign3A_458 : i1 to i32
        %sign3A_460 = arith.constant 0 : i32
        %sign3A_461 = arith.cmpi slt, %jit3A_448, %sign3A_460 : i32
        %sign3A_462 = arith.extui %sign3A_461 : i1 to i32
        %sign3A_463 = arith.subi %sign3A_459, %sign3A_462 : i32
        %ne3A_464 = arith.cmpi ne, %sign3A_456, %sign3A_463 : i32
        %rem3A_465 = arith.remsi %add3A_447, %jit3A_448 : i32
        %ne3A_466 = arith.constant 0 : i32
        %ne3A_467 = arith.cmpi ne, %rem3A_465, %ne3A_466 : i32
        %and3A_468 = arith.andi %ne3A_464, %ne3A_467 : i1
        %sub3A_469 = arith.constant 1 : i32
        %sub3A_470 = arith.subi %div3A_449, %sub3A_469 : i32
        %select_n3A_471 = arith.select %and3A_468, %sub3A_470, %div3A_449 : i32
        %jit3A_472 = arith.constant 8 : i32
        %eq3A_473 = arith.constant 0 : i32
        %eq3A_474 = arith.cmpi eq, %jit3A_472, %eq3A_473 : i32
        %jit3A_475 = arith.constant 1 : i32
        %select_n3A_476 = arith.select %eq3A_474, %jit3A_475, %jit3A_472 : i32
        %rem3A_477 = arith.remsi %add3A_447, %select_n3A_476 : i32
        %ne3A_478 = arith.constant 0 : i32
        %ne3A_479 = arith.cmpi ne, %rem3A_477, %ne3A_478 : i32
        %lt3A_480 = arith.constant 0 : i32
        %lt3A_481 = arith.cmpi slt, %rem3A_477, %lt3A_480 : i32
        %lt3A_482 = arith.constant 0 : i32
        %lt3A_483 = arith.cmpi slt, %select_n3A_476, %lt3A_482 : i32
        %ne3A_484 = arith.xori %lt3A_481, %lt3A_483 : i1
        %and3A_485 = arith.andi %ne3A_484, %ne3A_479 : i1
        %add3A_486 = arith.addi %rem3A_477, %select_n3A_476 : i32
        %select_n3A_487 = arith.select %and3A_485, %add3A_486, %rem3A_477 : i32
        %mul3A_488 = arith.constant 128 : i32
        %mul3A_489 = arith.muli %select_n3A_487, %mul3A_488 : i32
        %dma_wait3A_490 = arith.constant 0 : i32
        %dma_wait3A_491 = tpu.memref_slice %arg4[%select_n3A_471, %dma_wait3A_490, %mul3A_489] : memref<400x64x1024xf32, #tpu.memory_space<hbm>> -> memref<1x64x128xf32, #tpu.memory_space<hbm>>
        %dma_wait3A_492 = tpu.memref_squeeze %dma_wait3A_491 : memref<1x64x128xf32, #tpu.memory_space<hbm>> -> memref<64x128xf32, #tpu.memory_space<hbm>>
        %dma_wait3A_493 = arith.constant 0 : i32
        %dma_wait3A_494 = tpu.memref_slice %arg4[%select_n3A_471, %dma_wait3A_493, %mul3A_489] : memref<400x64x1024xf32, #tpu.memory_space<hbm>> -> memref<1x64x128xf32, #tpu.memory_space<hbm>>
        %dma_wait3A_495 = tpu.memref_squeeze %dma_wait3A_494 : memref<1x64x128xf32, #tpu.memory_space<hbm>> -> memref<64x128xf32, #tpu.memory_space<hbm>>
        tpu.wait_dma2 semaphore(%arg16 : memref<!tpu.dma_semaphore, #tpu.memory_space<semaphore_mem>>) src(%arg10 : memref<64x128xf32, #tpu.memory_space<vmem>>) dst(%dma_wait3A_495 : memref<64x128xf32, #tpu.memory_space<hbm>>)
      } else {
      }
      %parallel_loop3A = arith.constant 0 : i32
      %parallel_loop3A_157 = arith.constant 64 : i32
      %parallel_loop3A_158 = arith.constant 1 : i32
      scf.for %parallel_loop3A_445 = %parallel_loop3A to %parallel_loop3A_157 step %parallel_loop3A_158  : i32 {
        %parallel_loop3A_446 = arith.constant 0 : i32
        %parallel_loop3A_447 = vector.broadcast %parallel_loop3A_446 : i32 to vector<16xi32>
        %parallel_loop3A_448 = arith.muli %iota3A, %parallel_loop3A_447 : vector<16xi32>
        %parallel_loop3A_449 = vector.broadcast %parallel_loop3A_445 : i32 to vector<16xi32>
        %parallel_loop3A_450 = arith.addi %parallel_loop3A_448, %parallel_loop3A_449 : vector<16xi32>
        %parallel_loop3A_451 = tpu.vector_load_idx %arg6[%add3A_5, %parallel_loop3A_450] : memref<128x64xf32, #tpu.memory_space<vmem>>[vector<16xi32>, vector<16xi32>], vector<16xf32>,
        %parallel_loop3A_452 = arith.index_cast %parallel_loop3A_445 : i32 to index
        %parallel_loop3A_453 = arith.constant 0 : index
        %parallel_loop3A_454 = tpu.vector_load %arg10[%parallel_loop3A_452, %parallel_loop3A_453] {strides = array<i32>} : memref<64x128xf32, #tpu.memory_space<vmem>>, vector<16xf32>,
        tpu.vector_store %arg10[%parallel_loop3A_452, %parallel_loop3A_453], %parallel_loop3A_451 {strides = array<i32>} : memref<64x128xf32, #tpu.memory_space<vmem>>, vector<16xf32>,
        %parallel_loop3A_455 = arith.constant 0 : i32
        %parallel_loop3A_456 = vector.broadcast %parallel_loop3A_455 : i32 to vector<16xi32>
        %parallel_loop3A_457 = arith.muli %iota3A, %parallel_loop3A_456 : vector<16xi32>
        %parallel_loop3A_458 = vector.broadcast %parallel_loop3A_445 : i32 to vector<16xi32>
        %parallel_loop3A_459 = arith.addi %parallel_loop3A_457, %parallel_loop3A_458 : vector<16xi32>
        %parallel_loop3A_460 = tpu.vector_load_idx %arg6[%add3A_8, %parallel_loop3A_459] : memref<128x64xf32, #tpu.memory_space<vmem>>[vector<16xi32>, vector<16xi32>], vector<16xf32>,
        %parallel_loop3A_461 = arith.index_cast %parallel_loop3A_445 : i32 to index
        %parallel_loop3A_462 = arith.constant 16 : index
        %parallel_loop3A_463 = tpu.vector_load %arg10[%parallel_loop3A_461, %parallel_loop3A_462] {strides = array<i32>} : memref<64x128xf32, #tpu.memory_space<vmem>>, vector<16xf32>,
        tpu.vector_store %arg10[%parallel_loop3A_461, %parallel_loop3A_462], %parallel_loop3A_460 {strides = array<i32>} : memref<64x128xf32, #tpu.memory_space<vmem>>, vector<16xf32>,
        %parallel_loop3A_464 = arith.constant 0 : i32
        %parallel_loop3A_465 = vector.broadcast %parallel_loop3A_464 : i32 to vector<16xi32>
        %parallel_loop3A_466 = arith.muli %iota3A, %parallel_loop3A_465 : vector<16xi32>
        %parallel_loop3A_467 = vector.broadcast %parallel_loop3A_445 : i32 to vector<16xi32>
        %parallel_loop3A_468 = arith.addi %parallel_loop3A_466, %parallel_loop3A_467 : vector<16xi32>
        %parallel_loop3A_469 = tpu.vector_load_idx %arg6[%add3A_11, %parallel_loop3A_468] : memref<128x64xf32, #tpu.memory_space<vmem>>[vector<16xi32>, vector<16xi32>], vector<16xf32>,
        %parallel_loop3A_470 = arith.index_cast %parallel_loop3A_445 : i32 to index
        %parallel_loop3A_471 = arith.constant 32 : index
        %parallel_loop3A_472 = tpu.vector_load %arg10[%parallel_loop3A_470, %parallel_loop3A_471] {strides = array<i32>} : memref<64x128xf32, #tpu.memory_space<vmem>>, vector<16xf32>,
        tpu.vector_store %arg10[%parallel_loop3A_470, %parallel_loop3A_471], %parallel_loop3A_469 {strides = array<i32>} : memref<64x128xf32, #tpu.memory_space<vmem>>, vector<16xf32>,
        %parallel_loop3A_473 = arith.constant 0 : i32
        %parallel_loop3A_474 = vector.broadcast %parallel_loop3A_473 : i32 to vector<16xi32>
        %parallel_loop3A_475 = arith.muli %iota3A, %parallel_loop3A_474 : vector<16xi32>
        %parallel_loop3A_476 = vector.broadcast %parallel_loop3A_445 : i32 to vector<16xi32>
        %parallel_loop3A_477 = arith.addi %parallel_loop3A_475, %parallel_loop3A_476 : vector<16xi32>
        %parallel_loop3A_478 = tpu.vector_load_idx %arg6[%add3A_14, %parallel_loop3A_477] : memref<128x64xf32, #tpu.memory_space<vmem>>[vector<16xi32>, vector<16xi32>], vector<16xf32>,
        %parallel_loop3A_479 = arith.index_cast %parallel_loop3A_445 : i32 to index
        %parallel_loop3A_480 = arith.constant 48 : index
        %parallel_loop3A_481 = tpu.vector_load %arg10[%parallel_loop3A_479, %parallel_loop3A_480] {strides = array<i32>} : memref<64x128xf32, #tpu.memory_space<vmem>>, vector<16xf32>,
        tpu.vector_store %arg10[%parallel_loop3A_479, %parallel_loop3A_480], %parallel_loop3A_478 {strides = array<i32>} : memref<64x128xf32, #tpu.memory_space<vmem>>, vector<16xf32>,
        %parallel_loop3A_482 = arith.constant 0 : i32
        %parallel_loop3A_483 = vector.broadcast %parallel_loop3A_482 : i32 to vector<16xi32>
        %parallel_loop3A_484 = arith.muli %iota3A, %parallel_loop3A_483 : vector<16xi32>
        %parallel_loop3A_485 = vector.broadcast %parallel_loop3A_445 : i32 to vector<16xi32>
        %parallel_loop3A_486 = arith.addi %parallel_loop3A_484, %parallel_loop3A_485 : vector<16xi32>
        %parallel_loop3A_487 = tpu.vector_load_idx %arg6[%add3A_17, %parallel_loop3A_486] : memref<128x64xf32, #tpu.memory_space<vmem>>[vector<16xi32>, vector<16xi32>], vector<16xf32>,
        %parallel_loop3A_488 = arith.index_cast %parallel_loop3A_445 : i32 to index
        %parallel_loop3A_489 = arith.constant 64 : index
        %parallel_loop3A_490 = tpu.vector_load %arg10[%parallel_loop3A_488, %parallel_loop3A_489] {strides = array<i32>} : memref<64x128xf32, #tpu.memory_space<vmem>>, vector<16xf32>,
        tpu.vector_store %arg10[%parallel_loop3A_488, %parallel_loop3A_489], %parallel_loop3A_487 {strides = array<i32>} : memref<64x128xf32, #tpu.memory_space<vmem>>, vector<16xf32>,
        %parallel_loop3A_491 = arith.constant 0 : i32
        %parallel_loop3A_492 = vector.broadcast %parallel_loop3A_491 : i32 to vector<16xi32>
        %parallel_loop3A_493 = arith.muli %iota3A, %parallel_loop3A_492 : vector<16xi32>
        %parallel_loop3A_494 = vector.broadcast %parallel_loop3A_445 : i32 to vector<16xi32>
        %parallel_loop3A_495 = arith.addi %parallel_loop3A_493, %parallel_loop3A_494 : vector<16xi32>
        %parallel_loop3A_496 = tpu.vector_load_idx %arg6[%add3A_20, %parallel_loop3A_495] : memref<128x64xf32, #tpu.memory_space<vmem>>[vector<16xi32>, vector<16xi32>], vector<16xf32>,
        %parallel_loop3A_497 = arith.index_cast %parallel_loop3A_445 : i32 to index
        %parallel_loop3A_498 = arith.constant 80 : index
        %parallel_loop3A_499 = tpu.vector_load %arg10[%parallel_loop3A_497, %parallel_loop3A_498] {strides = array<i32>} : memref<64x128xf32, #tpu.memory_space<vmem>>, vector<16xf32>,
        tpu.vector_store %arg10[%parallel_loop3A_497, %parallel_loop3A_498], %parallel_loop3A_496 {strides = array<i32>} : memref<64x128xf32, #tpu.memory_space<vmem>>, vector<16xf32>,
        %parallel_loop3A_500 = arith.constant 0 : i32
        %parallel_loop3A_501 = vector.broadcast %parallel_loop3A_500 : i32 to vector<16xi32>
        %parallel_loop3A_502 = arith.muli %iota3A, %parallel_loop3A_501 : vector<16xi32>
        %parallel_loop3A_503 = vector.broadcast %parallel_loop3A_445 : i32 to vector<16xi32>
        %parallel_loop3A_504 = arith.addi %parallel_loop3A_502, %parallel_loop3A_503 : vector<16xi32>
        %parallel_loop3A_505 = tpu.vector_load_idx %arg6[%add3A_23, %parallel_loop3A_504] : memref<128x64xf32, #tpu.memory_space<vmem>>[vector<16xi32>, vector<16xi32>], vector<16xf32>,
        %parallel_loop3A_506 = arith.index_cast %parallel_loop3A_445 : i32 to index
        %parallel_loop3A_507 = arith.constant 96 : index
        %parallel_loop3A_508 = tpu.vector_load %arg10[%parallel_loop3A_506, %parallel_loop3A_507] {strides = array<i32>} : memref<64x128xf32, #tpu.memory_space<vmem>>, vector<16xf32>,
        tpu.vector_store %arg10[%parallel_loop3A_506, %parallel_loop3A_507], %parallel_loop3A_505 {strides = array<i32>} : memref<64x128xf32, #tpu.memory_space<vmem>>, vector<16xf32>,
        %parallel_loop3A_509 = arith.constant 0 : i32
        %parallel_loop3A_510 = vector.broadcast %parallel_loop3A_509 : i32 to vector<16xi32>
        %parallel_loop3A_511 = arith.muli %iota3A, %parallel_loop3A_510 : vector<16xi32>
        %parallel_loop3A_512 = vector.broadcast %parallel_loop3A_445 : i32 to vector<16xi32>
        %parallel_loop3A_513 = arith.addi %parallel_loop3A_511, %parallel_loop3A_512 : vector<16xi32>
        %parallel_loop3A_514 = tpu.vector_load_idx %arg6[%add3A_26, %parallel_loop3A_513] : memref<128x64xf32, #tpu.memory_space<vmem>>[vector<16xi32>, vector<16xi32>], vector<16xf32>,
        %parallel_loop3A_515 = arith.index_cast %parallel_loop3A_445 : i32 to index
        %parallel_loop3A_516 = arith.constant 112 : index
        %parallel_loop3A_517 = tpu.vector_load %arg10[%parallel_loop3A_515, %parallel_loop3A_516] {strides = array<i32>} : memref<64x128xf32, #tpu.memory_space<vmem>>, vector<16xf32>,
        tpu.vector_store %arg10[%parallel_loop3A_515, %parallel_loop3A_516], %parallel_loop3A_514 {strides = array<i32>} : memref<64x128xf32, #tpu.memory_space<vmem>>, vector<16xf32>,
      } {sc.loop_unroll_factor = 16 : i64, sc.parallel_access}
      %mul3A_159 = arith.constant 100 : i32
      %mul3A_160 = arith.muli %add3A, %mul3A_159 : i32
      %add3A_161 = arith.addi %mul3A_160, %add3A_148 : i32
      %jit3A_162 = arith.constant 8 : i32
      %div3A_163 = arith.divsi %add3A_161, %jit3A_162 : i32
      %sign3A_164 = arith.constant 0 : i32
      %sign3A_165 = arith.cmpi sgt, %add3A_161, %sign3A_164 : i32
      %sign3A_166 = arith.extui %sign3A_165 : i1 to i32
      %sign3A_167 = arith.constant 0 : i32
      %sign3A_168 = arith.cmpi slt, %add3A_161, %sign3A_167 : i32
      %sign3A_169 = arith.extui %sign3A_168 : i1 to i32
      %sign3A_170 = arith.subi %sign3A_166, %sign3A_169 : i32
      %sign3A_171 = arith.constant 0 : i32
      %sign3A_172 = arith.cmpi sgt, %jit3A_162, %sign3A_171 : i32
      %sign3A_173 = arith.extui %sign3A_172 : i1 to i32
      %sign3A_174 = arith.constant 0 : i32
      %sign3A_175 = arith.cmpi slt, %jit3A_162, %sign3A_174 : i32
      %sign3A_176 = arith.extui %sign3A_175 : i1 to i32
      %sign3A_177 = arith.subi %sign3A_173, %sign3A_176 : i32
      %ne3A_178 = arith.cmpi ne, %sign3A_170, %sign3A_177 : i32
      %rem3A_179 = arith.remsi %add3A_161, %jit3A_162 : i32
      %ne3A_180 = arith.constant 0 : i32
      %ne3A_181 = arith.cmpi ne, %rem3A_179, %ne3A_180 : i32
      %and3A_182 = arith.andi %ne3A_178, %ne3A_181 : i1
      %sub3A_183 = arith.constant 1 : i32
      %sub3A_184 = arith.subi %div3A_163, %sub3A_183 : i32
      %select_n3A_185 = arith.select %and3A_182, %sub3A_184, %div3A_163 : i32
      %jit3A_186 = arith.constant 8 : i32
      %eq3A_187 = arith.constant 0 : i32
      %eq3A_188 = arith.cmpi eq, %jit3A_186, %eq3A_187 : i32
      %jit3A_189 = arith.constant 1 : i32
      %select_n3A_190 = arith.select %eq3A_188, %jit3A_189, %jit3A_186 : i32
      %rem3A_191 = arith.remsi %add3A_161, %select_n3A_190 : i32
      %ne3A_192 = arith.constant 0 : i32
      %ne3A_193 = arith.cmpi ne, %rem3A_191, %ne3A_192 : i32
      %lt3A_194 = arith.constant 0 : i32
      %lt3A_195 = arith.cmpi slt, %rem3A_191, %lt3A_194 : i32
      %lt3A_196 = arith.constant 0 : i32
      %lt3A_197 = arith.cmpi slt, %select_n3A_190, %lt3A_196 : i32
      %ne3A_198 = arith.xori %lt3A_195, %lt3A_197 : i1
      %and3A_199 = arith.andi %ne3A_198, %ne3A_193 : i1
      %add3A_200 = arith.addi %rem3A_191, %select_n3A_190 : i32
      %select_n3A_201 = arith.select %and3A_199, %add3A_200, %rem3A_191 : i32
      %mul3A_202 = arith.constant 128 : i32
      %mul3A_203 = arith.muli %select_n3A_201, %mul3A_202 : i32
      %dma_start3A_204 = arith.constant 0 : i32
      %dma_start3A_205 = tpu.memref_slice %arg4[%select_n3A_185, %dma_start3A_204, %mul3A_203] : memref<400x64x1024xf32, #tpu.memory_space<hbm>> -> memref<1x64x128xf32, #tpu.memory_space<hbm>>
      %dma_start3A_206 = tpu.memref_squeeze %dma_start3A_205 : memref<1x64x128xf32, #tpu.memory_space<hbm>> -> memref<64x128xf32, #tpu.memory_space<hbm>>
      %dma_start3A_207 = arith.constant 0 : i32
      %dma_start3A_208 = tpu.memref_slice %arg4[%select_n3A_185, %dma_start3A_207, %mul3A_203] : memref<400x64x1024xf32, #tpu.memory_space<hbm>> -> memref<1x64x128xf32, #tpu.memory_space<hbm>>
      %dma_start3A_209 = tpu.memref_squeeze %dma_start3A_208 : memref<1x64x128xf32, #tpu.memory_space<hbm>> -> memref<64x128xf32, #tpu.memory_space<hbm>>
      tpu.enqueue_dma source(%arg10 : memref<64x128xf32, #tpu.memory_space<vmem>>) target(%dma_start3A_209 : memref<64x128xf32, #tpu.memory_space<hbm>>) target_semaphore(%arg16 : memref<!tpu.dma_semaphore, #tpu.memory_space<semaphore_mem>>)
      %add3A_210 = arith.constant 4 : i32
      %add3A_211 = arith.addi %add3A_148, %add3A_210 : i32
      %lt3A_212 = arith.constant 100 : i32
      %lt3A_213 = arith.cmpi slt, %add3A_211, %lt3A_212 : i32
      %convert_element_type3A_214 = arith.extui %lt3A_213 : i1 to i32
      %cond3A_215 = arith.constant 0 : i32
      %cond3A_216 = arith.cmpi ne, %convert_element_type3A_214, %cond3A_215 : i32
      scf.if %cond3A_216 {
        %add3A_445 = arith.constant 4 : i32
        %add3A_446 = arith.addi %add3A_148, %add3A_445 : i32
        %mul3A_447 = arith.constant 128 : i32
        %mul3A_448 = arith.muli %add3A_446, %mul3A_447 : i32
        %dma_start3A_449 = tpu.memref_slice %arg5[%mul3A_448] : memref<12800xi32, #tpu.memory_space<vmem>> -> memref<128xi32, #tpu.memory_space<vmem>>
        %dma_start3A_450 = arith.constant 0 : i32
        %dma_start3A_451 = arith.constant 0 : i32
        %dma_start3A_452 = tpu.memref_slice %arg3[%dma_start3A_450, %dma_start3A_451] : memref<1000000x64xf32, #tpu.memory_space<hbm>> -> memref<1000000x64xf32, #tpu.memory_space<hbm>>
        tpu.enqueue_indirect_dma source(%dma_start3A_452 : memref<1000000x64xf32, #tpu.memory_space<hbm>>) target(%arg6 : memref<128x64xf32, #tpu.memory_space<vmem>>) offsets(%dma_start3A_449 : memref<128xi32, #tpu.memory_space<vmem>>) semaphore(%arg12 : memref<!tpu.dma_semaphore, #tpu.memory_space<semaphore_mem>>)
      } else {
      }
      %mul3A_217 = arith.constant 4 : i32
      %mul3A_218 = arith.muli %scan3A_144, %mul3A_217 : i32
      %add3A_219 = arith.constant 1 : i32
      %add3A_220 = arith.addi %mul3A_218, %add3A_219 : i32
      %mul3A_221 = arith.constant 128 : i32
      %mul3A_222 = arith.muli %add3A_220, %mul3A_221 : i32
      %dma_wait3A_223 = tpu.memref_slice %arg5[%mul3A_222] : memref<12800xi32, #tpu.memory_space<vmem>> -> memref<128xi32, #tpu.memory_space<vmem>>
      %dma_wait3A_224 = arith.constant 0 : i32
      %dma_wait3A_225 = arith.constant 0 : i32
      %dma_wait3A_226 = tpu.memref_slice %arg3[%dma_wait3A_224, %dma_wait3A_225] : memref<1000000x64xf32, #tpu.memory_space<hbm>> -> memref<1000000x64xf32, #tpu.memory_space<hbm>>
      tpu.wait_indirect_dma semaphore(%arg13 : memref<!tpu.dma_semaphore, #tpu.memory_space<semaphore_mem>>) src(%dma_wait3A_226 : memref<1000000x64xf32, #tpu.memory_space<hbm>>) dst(%arg7 : memref<128x64xf32, #tpu.memory_space<vmem>>)
      %ge3A_227 = arith.constant 2 : i32
      %ge3A_228 = arith.cmpi sge, %add3A_220, %ge3A_227 : i32
      %convert_element_type3A_229 = arith.extui %ge3A_228 : i1 to i32
      %cond3A_230 = arith.constant 0 : i32
      %cond3A_231 = arith.cmpi ne, %convert_element_type3A_229, %cond3A_230 : i32
      scf.if %cond3A_231 {
        %mul3A_445 = arith.constant 100 : i32
        %mul3A_446 = arith.muli %add3A, %mul3A_445 : i32
        %add3A_447 = arith.addi %mul3A_446, %add3A_220 : i32
        %jit3A_448 = arith.constant 8 : i32
        %div3A_449 = arith.divsi %add3A_447, %jit3A_448 : i32
        %sign3A_450 = arith.constant 0 : i32
        %sign3A_451 = arith.cmpi sgt, %add3A_447, %sign3A_450 : i32
        %sign3A_452 = arith.extui %sign3A_451 : i1 to i32
        %sign3A_453 = arith.constant 0 : i32
        %sign3A_454 = arith.cmpi slt, %add3A_447, %sign3A_453 : i32
        %sign3A_455 = arith.extui %sign3A_454 : i1 to i32
        %sign3A_456 = arith.subi %sign3A_452, %sign3A_455 : i32
        %sign3A_457 = arith.constant 0 : i32
        %sign3A_458 = arith.cmpi sgt, %jit3A_448, %sign3A_457 : i32
        %sign3A_459 = arith.extui %sign3A_458 : i1 to i32
        %sign3A_460 = arith.constant 0 : i32
        %sign3A_461 = arith.cmpi slt, %jit3A_448, %sign3A_460 : i32
        %sign3A_462 = arith.extui %sign3A_461 : i1 to i32
        %sign3A_463 = arith.subi %sign3A_459, %sign3A_462 : i32
        %ne3A_464 = arith.cmpi ne, %sign3A_456, %sign3A_463 : i32
        %rem3A_465 = arith.remsi %add3A_447, %jit3A_448 : i32
        %ne3A_466 = arith.constant 0 : i32
        %ne3A_467 = arith.cmpi ne, %rem3A_465, %ne3A_466 : i32
        %and3A_468 = arith.andi %ne3A_464, %ne3A_467 : i1
        %sub3A_469 = arith.constant 1 : i32
        %sub3A_470 = arith.subi %div3A_449, %sub3A_469 : i32
        %select_n3A_471 = arith.select %and3A_468, %sub3A_470, %div3A_449 : i32
        %jit3A_472 = arith.constant 8 : i32
        %eq3A_473 = arith.constant 0 : i32
        %eq3A_474 = arith.cmpi eq, %jit3A_472, %eq3A_473 : i32
        %jit3A_475 = arith.constant 1 : i32
        %select_n3A_476 = arith.select %eq3A_474, %jit3A_475, %jit3A_472 : i32
        %rem3A_477 = arith.remsi %add3A_447, %select_n3A_476 : i32
        %ne3A_478 = arith.constant 0 : i32
        %ne3A_479 = arith.cmpi ne, %rem3A_477, %ne3A_478 : i32
        %lt3A_480 = arith.constant 0 : i32
        %lt3A_481 = arith.cmpi slt, %rem3A_477, %lt3A_480 : i32
        %lt3A_482 = arith.constant 0 : i32
        %lt3A_483 = arith.cmpi slt, %select_n3A_476, %lt3A_482 : i32
        %ne3A_484 = arith.xori %lt3A_481, %lt3A_483 : i1
        %and3A_485 = arith.andi %ne3A_484, %ne3A_479 : i1
        %add3A_486 = arith.addi %rem3A_477, %select_n3A_476 : i32
        %select_n3A_487 = arith.select %and3A_485, %add3A_486, %rem3A_477 : i32
        %mul3A_488 = arith.constant 128 : i32
        %mul3A_489 = arith.muli %select_n3A_487, %mul3A_488 : i32
        %dma_wait3A_490 = arith.constant 0 : i32
        %dma_wait3A_491 = tpu.memref_slice %arg4[%select_n3A_471, %dma_wait3A_490, %mul3A_489] : memref<400x64x1024xf32, #tpu.memory_space<hbm>> -> memref<1x64x128xf32, #tpu.memory_space<hbm>>
        %dma_wait3A_492 = tpu.memref_squeeze %dma_wait3A_491 : memref<1x64x128xf32, #tpu.memory_space<hbm>> -> memref<64x128xf32, #tpu.memory_space<hbm>>
        %dma_wait3A_493 = arith.constant 0 : i32
        %dma_wait3A_494 = tpu.memref_slice %arg4[%select_n3A_471, %dma_wait3A_493, %mul3A_489] : memref<400x64x1024xf32, #tpu.memory_space<hbm>> -> memref<1x64x128xf32, #tpu.memory_space<hbm>>
        %dma_wait3A_495 = tpu.memref_squeeze %dma_wait3A_494 : memref<1x64x128xf32, #tpu.memory_space<hbm>> -> memref<64x128xf32, #tpu.memory_space<hbm>>
        tpu.wait_dma2 semaphore(%arg17 : memref<!tpu.dma_semaphore, #tpu.memory_space<semaphore_mem>>) src(%arg11 : memref<64x128xf32, #tpu.memory_space<vmem>>) dst(%dma_wait3A_495 : memref<64x128xf32, #tpu.memory_space<hbm>>)
      } else {
      }
      %parallel_loop3A_232 = arith.constant 0 : i32
      %parallel_loop3A_233 = arith.constant 64 : i32
      %parallel_loop3A_234 = arith.constant 1 : i32
      scf.for %parallel_loop3A_445 = %parallel_loop3A_232 to %parallel_loop3A_233 step %parallel_loop3A_234  : i32 {
        %parallel_loop3A_446 = arith.constant 0 : i32
        %parallel_loop3A_447 = vector.broadcast %parallel_loop3A_446 : i32 to vector<16xi32>
        %parallel_loop3A_448 = arith.muli %iota3A, %parallel_loop3A_447 : vector<16xi32>
        %parallel_loop3A_449 = vector.broadcast %parallel_loop3A_445 : i32 to vector<16xi32>
        %parallel_loop3A_450 = arith.addi %parallel_loop3A_448, %parallel_loop3A_449 : vector<16xi32>
        %parallel_loop3A_451 = tpu.vector_load_idx %arg7[%add3A_5, %parallel_loop3A_450] : memref<128x64xf32, #tpu.memory_space<vmem>>[vector<16xi32>, vector<16xi32>], vector<16xf32>,
        %parallel_loop3A_452 = arith.index_cast %parallel_loop3A_445 : i32 to index
        %parallel_loop3A_453 = arith.constant 0 : index
        %parallel_loop3A_454 = tpu.vector_load %arg11[%parallel_loop3A_452, %parallel_loop3A_453] {strides = array<i32>} : memref<64x128xf32, #tpu.memory_space<vmem>>, vector<16xf32>,
        tpu.vector_store %arg11[%parallel_loop3A_452, %parallel_loop3A_453], %parallel_loop3A_451 {strides = array<i32>} : memref<64x128xf32, #tpu.memory_space<vmem>>, vector<16xf32>,
        %parallel_loop3A_455 = arith.constant 0 : i32
        %parallel_loop3A_456 = vector.broadcast %parallel_loop3A_455 : i32 to vector<16xi32>
        %parallel_loop3A_457 = arith.muli %iota3A, %parallel_loop3A_456 : vector<16xi32>
        %parallel_loop3A_458 = vector.broadcast %parallel_loop3A_445 : i32 to vector<16xi32>
        %parallel_loop3A_459 = arith.addi %parallel_loop3A_457, %parallel_loop3A_458 : vector<16xi32>
        %parallel_loop3A_460 = tpu.vector_load_idx %arg7[%add3A_8, %parallel_loop3A_459] : memref<128x64xf32, #tpu.memory_space<vmem>>[vector<16xi32>, vector<16xi32>], vector<16xf32>,
        %parallel_loop3A_461 = arith.index_cast %parallel_loop3A_445 : i32 to index
        %parallel_loop3A_462 = arith.constant 16 : index
        %parallel_loop3A_463 = tpu.vector_load %arg11[%parallel_loop3A_461, %parallel_loop3A_462] {strides = array<i32>} : memref<64x128xf32, #tpu.memory_space<vmem>>, vector<16xf32>,
        tpu.vector_store %arg11[%parallel_loop3A_461, %parallel_loop3A_462], %parallel_loop3A_460 {strides = array<i32>} : memref<64x128xf32, #tpu.memory_space<vmem>>, vector<16xf32>,
        %parallel_loop3A_464 = arith.constant 0 : i32
        %parallel_loop3A_465 = vector.broadcast %parallel_loop3A_464 : i32 to vector<16xi32>
        %parallel_loop3A_466 = arith.muli %iota3A, %parallel_loop3A_465 : vector<16xi32>
        %parallel_loop3A_467 = vector.broadcast %parallel_loop3A_445 : i32 to vector<16xi32>
        %parallel_loop3A_468 = arith.addi %parallel_loop3A_466, %parallel_loop3A_467 : vector<16xi32>
        %parallel_loop3A_469 = tpu.vector_load_idx %arg7[%add3A_11, %parallel_loop3A_468] : memref<128x64xf32, #tpu.memory_space<vmem>>[vector<16xi32>, vector<16xi32>], vector<16xf32>,
        %parallel_loop3A_470 = arith.index_cast %parallel_loop3A_445 : i32 to index
        %parallel_loop3A_471 = arith.constant 32 : index
        %parallel_loop3A_472 = tpu.vector_load %arg11[%parallel_loop3A_470, %parallel_loop3A_471] {strides = array<i32>} : memref<64x128xf32, #tpu.memory_space<vmem>>, vector<16xf32>,
        tpu.vector_store %arg11[%parallel_loop3A_470, %parallel_loop3A_471], %parallel_loop3A_469 {strides = array<i32>} : memref<64x128xf32, #tpu.memory_space<vmem>>, vector<16xf32>,
        %parallel_loop3A_473 = arith.constant 0 : i32
        %parallel_loop3A_474 = vector.broadcast %parallel_loop3A_473 : i32 to vector<16xi32>
        %parallel_loop3A_475 = arith.muli %iota3A, %parallel_loop3A_474 : vector<16xi32>
        %parallel_loop3A_476 = vector.broadcast %parallel_loop3A_445 : i32 to vector<16xi32>
        %parallel_loop3A_477 = arith.addi %parallel_loop3A_475, %parallel_loop3A_476 : vector<16xi32>
        %parallel_loop3A_478 = tpu.vector_load_idx %arg7[%add3A_14, %parallel_loop3A_477] : memref<128x64xf32, #tpu.memory_space<vmem>>[vector<16xi32>, vector<16xi32>], vector<16xf32>,
        %parallel_loop3A_479 = arith.index_cast %parallel_loop3A_445 : i32 to index
        %parallel_loop3A_480 = arith.constant 48 : index
        %parallel_loop3A_481 = tpu.vector_load %arg11[%parallel_loop3A_479, %parallel_loop3A_480] {strides = array<i32>} : memref<64x128xf32, #tpu.memory_space<vmem>>, vector<16xf32>,
        tpu.vector_store %arg11[%parallel_loop3A_479, %parallel_loop3A_480], %parallel_loop3A_478 {strides = array<i32>} : memref<64x128xf32, #tpu.memory_space<vmem>>, vector<16xf32>,
        %parallel_loop3A_482 = arith.constant 0 : i32
        %parallel_loop3A_483 = vector.broadcast %parallel_loop3A_482 : i32 to vector<16xi32>
        %parallel_loop3A_484 = arith.muli %iota3A, %parallel_loop3A_483 : vector<16xi32>
        %parallel_loop3A_485 = vector.broadcast %parallel_loop3A_445 : i32 to vector<16xi32>
        %parallel_loop3A_486 = arith.addi %parallel_loop3A_484, %parallel_loop3A_485 : vector<16xi32>
        %parallel_loop3A_487 = tpu.vector_load_idx %arg7[%add3A_17, %parallel_loop3A_486] : memref<128x64xf32, #tpu.memory_space<vmem>>[vector<16xi32>, vector<16xi32>], vector<16xf32>,
        %parallel_loop3A_488 = arith.index_cast %parallel_loop3A_445 : i32 to index
        %parallel_loop3A_489 = arith.constant 64 : index
        %parallel_loop3A_490 = tpu.vector_load %arg11[%parallel_loop3A_488, %parallel_loop3A_489] {strides = array<i32>} : memref<64x128xf32, #tpu.memory_space<vmem>>, vector<16xf32>,
        tpu.vector_store %arg11[%parallel_loop3A_488, %parallel_loop3A_489], %parallel_loop3A_487 {strides = array<i32>} : memref<64x128xf32, #tpu.memory_space<vmem>>, vector<16xf32>,
        %parallel_loop3A_491 = arith.constant 0 : i32
        %parallel_loop3A_492 = vector.broadcast %parallel_loop3A_491 : i32 to vector<16xi32>
        %parallel_loop3A_493 = arith.muli %iota3A, %parallel_loop3A_492 : vector<16xi32>
        %parallel_loop3A_494 = vector.broadcast %parallel_loop3A_445 : i32 to vector<16xi32>
        %parallel_loop3A_495 = arith.addi %parallel_loop3A_493, %parallel_loop3A_494 : vector<16xi32>
        %parallel_loop3A_496 = tpu.vector_load_idx %arg7[%add3A_20, %parallel_loop3A_495] : memref<128x64xf32, #tpu.memory_space<vmem>>[vector<16xi32>, vector<16xi32>], vector<16xf32>,
        %parallel_loop3A_497 = arith.index_cast %parallel_loop3A_445 : i32 to index
        %parallel_loop3A_498 = arith.constant 80 : index
        %parallel_loop3A_499 = tpu.vector_load %arg11[%parallel_loop3A_497, %parallel_loop3A_498] {strides = array<i32>} : memref<64x128xf32, #tpu.memory_space<vmem>>, vector<16xf32>,
        tpu.vector_store %arg11[%parallel_loop3A_497, %parallel_loop3A_498], %parallel_loop3A_496 {strides = array<i32>} : memref<64x128xf32, #tpu.memory_space<vmem>>, vector<16xf32>,
        %parallel_loop3A_500 = arith.constant 0 : i32
        %parallel_loop3A_501 = vector.broadcast %parallel_loop3A_500 : i32 to vector<16xi32>
        %parallel_loop3A_502 = arith.muli %iota3A, %parallel_loop3A_501 : vector<16xi32>
        %parallel_loop3A_503 = vector.broadcast %parallel_loop3A_445 : i32 to vector<16xi32>
        %parallel_loop3A_504 = arith.addi %parallel_loop3A_502, %parallel_loop3A_503 : vector<16xi32>
        %parallel_loop3A_505 = tpu.vector_load_idx %arg7[%add3A_23, %parallel_loop3A_504] : memref<128x64xf32, #tpu.memory_space<vmem>>[vector<16xi32>, vector<16xi32>], vector<16xf32>,
        %parallel_loop3A_506 = arith.index_cast %parallel_loop3A_445 : i32 to index
        %parallel_loop3A_507 = arith.constant 96 : index
        %parallel_loop3A_508 = tpu.vector_load %arg11[%parallel_loop3A_506, %parallel_loop3A_507] {strides = array<i32>} : memref<64x128xf32, #tpu.memory_space<vmem>>, vector<16xf32>,
        tpu.vector_store %arg11[%parallel_loop3A_506, %parallel_loop3A_507], %parallel_loop3A_505 {strides = array<i32>} : memref<64x128xf32, #tpu.memory_space<vmem>>, vector<16xf32>,
        %parallel_loop3A_509 = arith.constant 0 : i32
        %parallel_loop3A_510 = vector.broadcast %parallel_loop3A_509 : i32 to vector<16xi32>
        %parallel_loop3A_511 = arith.muli %iota3A, %parallel_loop3A_510 : vector<16xi32>
        %parallel_loop3A_512 = vector.broadcast %parallel_loop3A_445 : i32 to vector<16xi32>
        %parallel_loop3A_513 = arith.addi %parallel_loop3A_511, %parallel_loop3A_512 : vector<16xi32>
        %parallel_loop3A_514 = tpu.vector_load_idx %arg7[%add3A_26, %parallel_loop3A_513] : memref<128x64xf32, #tpu.memory_space<vmem>>[vector<16xi32>, vector<16xi32>], vector<16xf32>,
        %parallel_loop3A_515 = arith.index_cast %parallel_loop3A_445 : i32 to index
        %parallel_loop3A_516 = arith.constant 112 : index
        %parallel_loop3A_517 = tpu.vector_load %arg11[%parallel_loop3A_515, %parallel_loop3A_516] {strides = array<i32>} : memref<64x128xf32, #tpu.memory_space<vmem>>, vector<16xf32>,
        tpu.vector_store %arg11[%parallel_loop3A_515, %parallel_loop3A_516], %parallel_loop3A_514 {strides = array<i32>} : memref<64x128xf32, #tpu.memory_space<vmem>>, vector<16xf32>,
      } {sc.loop_unroll_factor = 16 : i64, sc.parallel_access}
      %mul3A_235 = arith.constant 100 : i32
      %mul3A_236 = arith.muli %add3A, %mul3A_235 : i32
      %add3A_237 = arith.addi %mul3A_236, %add3A_220 : i32
      %jit3A_238 = arith.constant 8 : i32
      %div3A_239 = arith.divsi %add3A_237, %jit3A_238 : i32
      %sign3A_240 = arith.constant 0 : i32
      %sign3A_241 = arith.cmpi sgt, %add3A_237, %sign3A_240 : i32
      %sign3A_242 = arith.extui %sign3A_241 : i1 to i32
      %sign3A_243 = arith.constant 0 : i32
      %sign3A_244 = arith.cmpi slt, %add3A_237, %sign3A_243 : i32
      %sign3A_245 = arith.extui %sign3A_244 : i1 to i32
      %sign3A_246 = arith.subi %sign3A_242, %sign3A_245 : i32
      %sign3A_247 = arith.constant 0 : i32
      %sign3A_248 = arith.cmpi sgt, %jit3A_238, %sign3A_247 : i32
      %sign3A_249 = arith.extui %sign3A_248 : i1 to i32
      %sign3A_250 = arith.constant 0 : i32
      %sign3A_251 = arith.cmpi slt, %jit3A_238, %sign3A_250 : i32
      %sign3A_252 = arith.extui %sign3A_251 : i1 to i32
      %sign3A_253 = arith.subi %sign3A_249, %sign3A_252 : i32
      %ne3A_254 = arith.cmpi ne, %sign3A_246, %sign3A_253 : i32
      %rem3A_255 = arith.remsi %add3A_237, %jit3A_238 : i32
      %ne3A_256 = arith.constant 0 : i32
      %ne3A_257 = arith.cmpi ne, %rem3A_255, %ne3A_256 : i32
      %and3A_258 = arith.andi %ne3A_254, %ne3A_257 : i1
      %sub3A_259 = arith.constant 1 : i32
      %sub3A_260 = arith.subi %div3A_239, %sub3A_259 : i32
      %select_n3A_261 = arith.select %and3A_258, %sub3A_260, %div3A_239 : i32
      %jit3A_262 = arith.constant 8 : i32
      %eq3A_263 = arith.constant 0 : i32
      %eq3A_264 = arith.cmpi eq, %jit3A_262, %eq3A_263 : i32
      %jit3A_265 = arith.constant 1 : i32
      %select_n3A_266 = arith.select %eq3A_264, %jit3A_265, %jit3A_262 : i32
      %rem3A_267 = arith.remsi %add3A_237, %select_n3A_266 : i32
      %ne3A_268 = arith.constant 0 : i32
      %ne3A_269 = arith.cmpi ne, %rem3A_267, %ne3A_268 : i32
      %lt3A_270 = arith.constant 0 : i32
      %lt3A_271 = arith.cmpi slt, %rem3A_267, %lt3A_270 : i32
      %lt3A_272 = arith.constant 0 : i32
      %lt3A_273 = arith.cmpi slt, %select_n3A_266, %lt3A_272 : i32
      %ne3A_274 = arith.xori %lt3A_271, %lt3A_273 : i1
      %and3A_275 = arith.andi %ne3A_274, %ne3A_269 : i1
      %add3A_276 = arith.addi %rem3A_267, %select_n3A_266 : i32
      %select_n3A_277 = arith.select %and3A_275, %add3A_276, %rem3A_267 : i32
      %mul3A_278 = arith.constant 128 : i32
      %mul3A_279 = arith.muli %select_n3A_277, %mul3A_278 : i32
      %dma_start3A_280 = arith.constant 0 : i32
      %dma_start3A_281 = tpu.memref_slice %arg4[%select_n3A_261, %dma_start3A_280, %mul3A_279] : memref<400x64x1024xf32, #tpu.memory_space<hbm>> -> memref<1x64x128xf32, #tpu.memory_space<hbm>>
      %dma_start3A_282 = tpu.memref_squeeze %dma_start3A_281 : memref<1x64x128xf32, #tpu.memory_space<hbm>> -> memref<64x128xf32, #tpu.memory_space<hbm>>
      %dma_start3A_283 = arith.constant 0 : i32
      %dma_start3A_284 = tpu.memref_slice %arg4[%select_n3A_261, %dma_start3A_283, %mul3A_279] : memref<400x64x1024xf32, #tpu.memory_space<hbm>> -> memref<1x64x128xf32, #tpu.memory_space<hbm>>
      %dma_start3A_285 = tpu.memref_squeeze %dma_start3A_284 : memref<1x64x128xf32, #tpu.memory_space<hbm>> -> memref<64x128xf32, #tpu.memory_space<hbm>>
      tpu.enqueue_dma source(%arg11 : memref<64x128xf32, #tpu.memory_space<vmem>>) target(%dma_start3A_285 : memref<64x128xf32, #tpu.memory_space<hbm>>) target_semaphore(%arg17 : memref<!tpu.dma_semaphore, #tpu.memory_space<semaphore_mem>>)
      %add3A_286 = arith.constant 4 : i32
      %add3A_287 = arith.addi %add3A_220, %add3A_286 : i32
      %lt3A_288 = arith.constant 100 : i32
      %lt3A_289 = arith.cmpi slt, %add3A_287, %lt3A_288 : i32
      %convert_element_type3A_290 = arith.extui %lt3A_289 : i1 to i32
      %cond3A_291 = arith.constant 0 : i32
      %cond3A_292 = arith.cmpi ne, %convert_element_type3A_290, %cond3A_291 : i32
      scf.if %cond3A_292 {
        %add3A_445 = arith.constant 4 : i32
        %add3A_446 = arith.addi %add3A_220, %add3A_445 : i32
        %mul3A_447 = arith.constant 128 : i32
        %mul3A_448 = arith.muli %add3A_446, %mul3A_447 : i32
        %dma_start3A_449 = tpu.memref_slice %arg5[%mul3A_448] : memref<12800xi32, #tpu.memory_space<vmem>> -> memref<128xi32, #tpu.memory_space<vmem>>
        %dma_start3A_450 = arith.constant 0 : i32
        %dma_start3A_451 = arith.constant 0 : i32
        %dma_start3A_452 = tpu.memref_slice %arg3[%dma_start3A_450, %dma_start3A_451] : memref<1000000x64xf32, #tpu.memory_space<hbm>> -> memref<1000000x64xf32, #tpu.memory_space<hbm>>
        tpu.enqueue_indirect_dma source(%dma_start3A_452 : memref<1000000x64xf32, #tpu.memory_space<hbm>>) target(%arg7 : memref<128x64xf32, #tpu.memory_space<vmem>>) offsets(%dma_start3A_449 : memref<128xi32, #tpu.memory_space<vmem>>) semaphore(%arg13 : memref<!tpu.dma_semaphore, #tpu.memory_space<semaphore_mem>>)
      } else {
      }
      %mul3A_293 = arith.constant 4 : i32
      %mul3A_294 = arith.muli %scan3A_144, %mul3A_293 : i32
      %add3A_295 = arith.constant 2 : i32
      %add3A_296 = arith.addi %mul3A_294, %add3A_295 : i32
      %mul3A_297 = arith.constant 128 : i32
      %mul3A_298 = arith.muli %add3A_296, %mul3A_297 : i32
      %dma_wait3A_299 = tpu.memref_slice %arg5[%mul3A_298] : memref<12800xi32, #tpu.memory_space<vmem>> -> memref<128xi32, #tpu.memory_space<vmem>>
      %dma_wait3A_300 = arith.constant 0 : i32
      %dma_wait3A_301 = arith.constant 0 : i32
      %dma_wait3A_302 = tpu.memref_slice %arg3[%dma_wait3A_300, %dma_wait3A_301] : memref<1000000x64xf32, #tpu.memory_space<hbm>> -> memref<1000000x64xf32, #tpu.memory_space<hbm>>
      tpu.wait_indirect_dma semaphore(%arg14 : memref<!tpu.dma_semaphore, #tpu.memory_space<semaphore_mem>>) src(%dma_wait3A_302 : memref<1000000x64xf32, #tpu.memory_space<hbm>>) dst(%arg8 : memref<128x64xf32, #tpu.memory_space<vmem>>)
      %ge3A_303 = arith.constant 2 : i32
      %ge3A_304 = arith.cmpi sge, %add3A_296, %ge3A_303 : i32
      %convert_element_type3A_305 = arith.extui %ge3A_304 : i1 to i32
      %cond3A_306 = arith.constant 0 : i32
      %cond3A_307 = arith.cmpi ne, %convert_element_type3A_305, %cond3A_306 : i32
      scf.if %cond3A_307 {
        %mul3A_445 = arith.constant 100 : i32
        %mul3A_446 = arith.muli %add3A, %mul3A_445 : i32
        %add3A_447 = arith.addi %mul3A_446, %add3A_296 : i32
        %jit3A_448 = arith.constant 8 : i32
        %div3A_449 = arith.divsi %add3A_447, %jit3A_448 : i32
        %sign3A_450 = arith.constant 0 : i32
        %sign3A_451 = arith.cmpi sgt, %add3A_447, %sign3A_450 : i32
        %sign3A_452 = arith.extui %sign3A_451 : i1 to i32
        %sign3A_453 = arith.constant 0 : i32
        %sign3A_454 = arith.cmpi slt, %add3A_447, %sign3A_453 : i32
        %sign3A_455 = arith.extui %sign3A_454 : i1 to i32
        %sign3A_456 = arith.subi %sign3A_452, %sign3A_455 : i32
        %sign3A_457 = arith.constant 0 : i32
        %sign3A_458 = arith.cmpi sgt, %jit3A_448, %sign3A_457 : i32
        %sign3A_459 = arith.extui %sign3A_458 : i1 to i32
        %sign3A_460 = arith.constant 0 : i32
        %sign3A_461 = arith.cmpi slt, %jit3A_448, %sign3A_460 : i32
        %sign3A_462 = arith.extui %sign3A_461 : i1 to i32
        %sign3A_463 = arith.subi %sign3A_459, %sign3A_462 : i32
        %ne3A_464 = arith.cmpi ne, %sign3A_456, %sign3A_463 : i32
        %rem3A_465 = arith.remsi %add3A_447, %jit3A_448 : i32
        %ne3A_466 = arith.constant 0 : i32
        %ne3A_467 = arith.cmpi ne, %rem3A_465, %ne3A_466 : i32
        %and3A_468 = arith.andi %ne3A_464, %ne3A_467 : i1
        %sub3A_469 = arith.constant 1 : i32
        %sub3A_470 = arith.subi %div3A_449, %sub3A_469 : i32
        %select_n3A_471 = arith.select %and3A_468, %sub3A_470, %div3A_449 : i32
        %jit3A_472 = arith.constant 8 : i32
        %eq3A_473 = arith.constant 0 : i32
        %eq3A_474 = arith.cmpi eq, %jit3A_472, %eq3A_473 : i32
        %jit3A_475 = arith.constant 1 : i32
        %select_n3A_476 = arith.select %eq3A_474, %jit3A_475, %jit3A_472 : i32
        %rem3A_477 = arith.remsi %add3A_447, %select_n3A_476 : i32
        %ne3A_478 = arith.constant 0 : i32
        %ne3A_479 = arith.cmpi ne, %rem3A_477, %ne3A_478 : i32
        %lt3A_480 = arith.constant 0 : i32
        %lt3A_481 = arith.cmpi slt, %rem3A_477, %lt3A_480 : i32
        %lt3A_482 = arith.constant 0 : i32
        %lt3A_483 = arith.cmpi slt, %select_n3A_476, %lt3A_482 : i32
        %ne3A_484 = arith.xori %lt3A_481, %lt3A_483 : i1
        %and3A_485 = arith.andi %ne3A_484, %ne3A_479 : i1
        %add3A_486 = arith.addi %rem3A_477, %select_n3A_476 : i32
        %select_n3A_487 = arith.select %and3A_485, %add3A_486, %rem3A_477 : i32
        %mul3A_488 = arith.constant 128 : i32
        %mul3A_489 = arith.muli %select_n3A_487, %mul3A_488 : i32
        %dma_wait3A_490 = arith.constant 0 : i32
        %dma_wait3A_491 = tpu.memref_slice %arg4[%select_n3A_471, %dma_wait3A_490, %mul3A_489] : memref<400x64x1024xf32, #tpu.memory_space<hbm>> -> memref<1x64x128xf32, #tpu.memory_space<hbm>>
        %dma_wait3A_492 = tpu.memref_squeeze %dma_wait3A_491 : memref<1x64x128xf32, #tpu.memory_space<hbm>> -> memref<64x128xf32, #tpu.memory_space<hbm>>
        %dma_wait3A_493 = arith.constant 0 : i32
        %dma_wait3A_494 = tpu.memref_slice %arg4[%select_n3A_471, %dma_wait3A_493, %mul3A_489] : memref<400x64x1024xf32, #tpu.memory_space<hbm>> -> memref<1x64x128xf32, #tpu.memory_space<hbm>>
        %dma_wait3A_495 = tpu.memref_squeeze %dma_wait3A_494 : memref<1x64x128xf32, #tpu.memory_space<hbm>> -> memref<64x128xf32, #tpu.memory_space<hbm>>
        tpu.wait_dma2 semaphore(%arg16 : memref<!tpu.dma_semaphore, #tpu.memory_space<semaphore_mem>>) src(%arg10 : memref<64x128xf32, #tpu.memory_space<vmem>>) dst(%dma_wait3A_495 : memref<64x128xf32, #tpu.memory_space<hbm>>)
      } else {
      }
      %parallel_loop3A_308 = arith.constant 0 : i32
      %parallel_loop3A_309 = arith.constant 64 : i32
      %parallel_loop3A_310 = arith.constant 1 : i32
      scf.for %parallel_loop3A_445 = %parallel_loop3A_308 to %parallel_loop3A_309 step %parallel_loop3A_310  : i32 {
        %parallel_loop3A_446 = arith.constant 0 : i32
        %parallel_loop3A_447 = vector.broadcast %parallel_loop3A_446 : i32 to vector<16xi32>
        %parallel_loop3A_448 = arith.muli %iota3A, %parallel_loop3A_447 : vector<16xi32>
        %parallel_loop3A_449 = vector.broadcast %parallel_loop3A_445 : i32 to vector<16xi32>
        %parallel_loop3A_450 = arith.addi %parallel_loop3A_448, %parallel_loop3A_449 : vector<16xi32>
        %parallel_loop3A_451 = tpu.vector_load_idx %arg8[%add3A_5, %parallel_loop3A_450] : memref<128x64xf32, #tpu.memory_space<vmem>>[vector<16xi32>, vector<16xi32>], vector<16xf32>,
        %parallel_loop3A_452 = arith.index_cast %parallel_loop3A_445 : i32 to index
        %parallel_loop3A_453 = arith.constant 0 : index
        %parallel_loop3A_454 = tpu.vector_load %arg10[%parallel_loop3A_452, %parallel_loop3A_453] {strides = array<i32>} : memref<64x128xf32, #tpu.memory_space<vmem>>, vector<16xf32>,
        tpu.vector_store %arg10[%parallel_loop3A_452, %parallel_loop3A_453], %parallel_loop3A_451 {strides = array<i32>} : memref<64x128xf32, #tpu.memory_space<vmem>>, vector<16xf32>,
        %parallel_loop3A_455 = arith.constant 0 : i32
        %parallel_loop3A_456 = vector.broadcast %parallel_loop3A_455 : i32 to vector<16xi32>
        %parallel_loop3A_457 = arith.muli %iota3A, %parallel_loop3A_456 : vector<16xi32>
        %parallel_loop3A_458 = vector.broadcast %parallel_loop3A_445 : i32 to vector<16xi32>
        %parallel_loop3A_459 = arith.addi %parallel_loop3A_457, %parallel_loop3A_458 : vector<16xi32>
        %parallel_loop3A_460 = tpu.vector_load_idx %arg8[%add3A_8, %parallel_loop3A_459] : memref<128x64xf32, #tpu.memory_space<vmem>>[vector<16xi32>, vector<16xi32>], vector<16xf32>,
        %parallel_loop3A_461 = arith.index_cast %parallel_loop3A_445 : i32 to index
        %parallel_loop3A_462 = arith.constant 16 : index
        %parallel_loop3A_463 = tpu.vector_load %arg10[%parallel_loop3A_461, %parallel_loop3A_462] {strides = array<i32>} : memref<64x128xf32, #tpu.memory_space<vmem>>, vector<16xf32>,
        tpu.vector_store %arg10[%parallel_loop3A_461, %parallel_loop3A_462], %parallel_loop3A_460 {strides = array<i32>} : memref<64x128xf32, #tpu.memory_space<vmem>>, vector<16xf32>,
        %parallel_loop3A_464 = arith.constant 0 : i32
        %parallel_loop3A_465 = vector.broadcast %parallel_loop3A_464 : i32 to vector<16xi32>
        %parallel_loop3A_466 = arith.muli %iota3A, %parallel_loop3A_465 : vector<16xi32>
        %parallel_loop3A_467 = vector.broadcast %parallel_loop3A_445 : i32 to vector<16xi32>
        %parallel_loop3A_468 = arith.addi %parallel_loop3A_466, %parallel_loop3A_467 : vector<16xi32>
        %parallel_loop3A_469 = tpu.vector_load_idx %arg8[%add3A_11, %parallel_loop3A_468] : memref<128x64xf32, #tpu.memory_space<vmem>>[vector<16xi32>, vector<16xi32>], vector<16xf32>,
        %parallel_loop3A_470 = arith.index_cast %parallel_loop3A_445 : i32 to index
        %parallel_loop3A_471 = arith.constant 32 : index
        %parallel_loop3A_472 = tpu.vector_load %arg10[%parallel_loop3A_470, %parallel_loop3A_471] {strides = array<i32>} : memref<64x128xf32, #tpu.memory_space<vmem>>, vector<16xf32>,
        tpu.vector_store %arg10[%parallel_loop3A_470, %parallel_loop3A_471], %parallel_loop3A_469 {strides = array<i32>} : memref<64x128xf32, #tpu.memory_space<vmem>>, vector<16xf32>,
        %parallel_loop3A_473 = arith.constant 0 : i32
        %parallel_loop3A_474 = vector.broadcast %parallel_loop3A_473 : i32 to vector<16xi32>
        %parallel_loop3A_475 = arith.muli %iota3A, %parallel_loop3A_474 : vector<16xi32>
        %parallel_loop3A_476 = vector.broadcast %parallel_loop3A_445 : i32 to vector<16xi32>
        %parallel_loop3A_477 = arith.addi %parallel_loop3A_475, %parallel_loop3A_476 : vector<16xi32>
        %parallel_loop3A_478 = tpu.vector_load_idx %arg8[%add3A_14, %parallel_loop3A_477] : memref<128x64xf32, #tpu.memory_space<vmem>>[vector<16xi32>, vector<16xi32>], vector<16xf32>,
        %parallel_loop3A_479 = arith.index_cast %parallel_loop3A_445 : i32 to index
        %parallel_loop3A_480 = arith.constant 48 : index
        %parallel_loop3A_481 = tpu.vector_load %arg10[%parallel_loop3A_479, %parallel_loop3A_480] {strides = array<i32>} : memref<64x128xf32, #tpu.memory_space<vmem>>, vector<16xf32>,
        tpu.vector_store %arg10[%parallel_loop3A_479, %parallel_loop3A_480], %parallel_loop3A_478 {strides = array<i32>} : memref<64x128xf32, #tpu.memory_space<vmem>>, vector<16xf32>,
        %parallel_loop3A_482 = arith.constant 0 : i32
        %parallel_loop3A_483 = vector.broadcast %parallel_loop3A_482 : i32 to vector<16xi32>
        %parallel_loop3A_484 = arith.muli %iota3A, %parallel_loop3A_483 : vector<16xi32>
        %parallel_loop3A_485 = vector.broadcast %parallel_loop3A_445 : i32 to vector<16xi32>
        %parallel_loop3A_486 = arith.addi %parallel_loop3A_484, %parallel_loop3A_485 : vector<16xi32>
        %parallel_loop3A_487 = tpu.vector_load_idx %arg8[%add3A_17, %parallel_loop3A_486] : memref<128x64xf32, #tpu.memory_space<vmem>>[vector<16xi32>, vector<16xi32>], vector<16xf32>,
        %parallel_loop3A_488 = arith.index_cast %parallel_loop3A_445 : i32 to index
        %parallel_loop3A_489 = arith.constant 64 : index
        %parallel_loop3A_490 = tpu.vector_load %arg10[%parallel_loop3A_488, %parallel_loop3A_489] {strides = array<i32>} : memref<64x128xf32, #tpu.memory_space<vmem>>, vector<16xf32>,
        tpu.vector_store %arg10[%parallel_loop3A_488, %parallel_loop3A_489], %parallel_loop3A_487 {strides = array<i32>} : memref<64x128xf32, #tpu.memory_space<vmem>>, vector<16xf32>,
        %parallel_loop3A_491 = arith.constant 0 : i32
        %parallel_loop3A_492 = vector.broadcast %parallel_loop3A_491 : i32 to vector<16xi32>
        %parallel_loop3A_493 = arith.muli %iota3A, %parallel_loop3A_492 : vector<16xi32>
        %parallel_loop3A_494 = vector.broadcast %parallel_loop3A_445 : i32 to vector<16xi32>
        %parallel_loop3A_495 = arith.addi %parallel_loop3A_493, %parallel_loop3A_494 : vector<16xi32>
        %parallel_loop3A_496 = tpu.vector_load_idx %arg8[%add3A_20, %parallel_loop3A_495] : memref<128x64xf32, #tpu.memory_space<vmem>>[vector<16xi32>, vector<16xi32>], vector<16xf32>,
        %parallel_loop3A_497 = arith.index_cast %parallel_loop3A_445 : i32 to index
        %parallel_loop3A_498 = arith.constant 80 : index
        %parallel_loop3A_499 = tpu.vector_load %arg10[%parallel_loop3A_497, %parallel_loop3A_498] {strides = array<i32>} : memref<64x128xf32, #tpu.memory_space<vmem>>, vector<16xf32>,
        tpu.vector_store %arg10[%parallel_loop3A_497, %parallel_loop3A_498], %parallel_loop3A_496 {strides = array<i32>} : memref<64x128xf32, #tpu.memory_space<vmem>>, vector<16xf32>,
        %parallel_loop3A_500 = arith.constant 0 : i32
        %parallel_loop3A_501 = vector.broadcast %parallel_loop3A_500 : i32 to vector<16xi32>
        %parallel_loop3A_502 = arith.muli %iota3A, %parallel_loop3A_501 : vector<16xi32>
        %parallel_loop3A_503 = vector.broadcast %parallel_loop3A_445 : i32 to vector<16xi32>
        %parallel_loop3A_504 = arith.addi %parallel_loop3A_502, %parallel_loop3A_503 : vector<16xi32>
        %parallel_loop3A_505 = tpu.vector_load_idx %arg8[%add3A_23, %parallel_loop3A_504] : memref<128x64xf32, #tpu.memory_space<vmem>>[vector<16xi32>, vector<16xi32>], vector<16xf32>,
        %parallel_loop3A_506 = arith.index_cast %parallel_loop3A_445 : i32 to index
        %parallel_loop3A_507 = arith.constant 96 : index
        %parallel_loop3A_508 = tpu.vector_load %arg10[%parallel_loop3A_506, %parallel_loop3A_507] {strides = array<i32>} : memref<64x128xf32, #tpu.memory_space<vmem>>, vector<16xf32>,
        tpu.vector_store %arg10[%parallel_loop3A_506, %parallel_loop3A_507], %parallel_loop3A_505 {strides = array<i32>} : memref<64x128xf32, #tpu.memory_space<vmem>>, vector<16xf32>,
        %parallel_loop3A_509 = arith.constant 0 : i32
        %parallel_loop3A_510 = vector.broadcast %parallel_loop3A_509 : i32 to vector<16xi32>
        %parallel_loop3A_511 = arith.muli %iota3A, %parallel_loop3A_510 : vector<16xi32>
        %parallel_loop3A_512 = vector.broadcast %parallel_loop3A_445 : i32 to vector<16xi32>
        %parallel_loop3A_513 = arith.addi %parallel_loop3A_511, %parallel_loop3A_512 : vector<16xi32>
        %parallel_loop3A_514 = tpu.vector_load_idx %arg8[%add3A_26, %parallel_loop3A_513] : memref<128x64xf32, #tpu.memory_space<vmem>>[vector<16xi32>, vector<16xi32>], vector<16xf32>,
        %parallel_loop3A_515 = arith.index_cast %parallel_loop3A_445 : i32 to index
        %parallel_loop3A_516 = arith.constant 112 : index
        %parallel_loop3A_517 = tpu.vector_load %arg10[%parallel_loop3A_515, %parallel_loop3A_516] {strides = array<i32>} : memref<64x128xf32, #tpu.memory_space<vmem>>, vector<16xf32>,
        tpu.vector_store %arg10[%parallel_loop3A_515, %parallel_loop3A_516], %parallel_loop3A_514 {strides = array<i32>} : memref<64x128xf32, #tpu.memory_space<vmem>>, vector<16xf32>,
      } {sc.loop_unroll_factor = 16 : i64, sc.parallel_access}
      %mul3A_311 = arith.constant 100 : i32
      %mul3A_312 = arith.muli %add3A, %mul3A_311 : i32
      %add3A_313 = arith.addi %mul3A_312, %add3A_296 : i32
      %jit3A_314 = arith.constant 8 : i32
      %div3A_315 = arith.divsi %add3A_313, %jit3A_314 : i32
      %sign3A_316 = arith.constant 0 : i32
      %sign3A_317 = arith.cmpi sgt, %add3A_313, %sign3A_316 : i32
      %sign3A_318 = arith.extui %sign3A_317 : i1 to i32
      %sign3A_319 = arith.constant 0 : i32
      %sign3A_320 = arith.cmpi slt, %add3A_313, %sign3A_319 : i32
      %sign3A_321 = arith.extui %sign3A_320 : i1 to i32
      %sign3A_322 = arith.subi %sign3A_318, %sign3A_321 : i32
      %sign3A_323 = arith.constant 0 : i32
      %sign3A_324 = arith.cmpi sgt, %jit3A_314, %sign3A_323 : i32
      %sign3A_325 = arith.extui %sign3A_324 : i1 to i32
      %sign3A_326 = arith.constant 0 : i32
      %sign3A_327 = arith.cmpi slt, %jit3A_314, %sign3A_326 : i32
      %sign3A_328 = arith.extui %sign3A_327 : i1 to i32
      %sign3A_329 = arith.subi %sign3A_325, %sign3A_328 : i32
      %ne3A_330 = arith.cmpi ne, %sign3A_322, %sign3A_329 : i32
      %rem3A_331 = arith.remsi %add3A_313, %jit3A_314 : i32
      %ne3A_332 = arith.constant 0 : i32
      %ne3A_333 = arith.cmpi ne, %rem3A_331, %ne3A_332 : i32
      %and3A_334 = arith.andi %ne3A_330, %ne3A_333 : i1
      %sub3A_335 = arith.constant 1 : i32
      %sub3A_336 = arith.subi %div3A_315, %sub3A_335 : i32
      %select_n3A_337 = arith.select %and3A_334, %sub3A_336, %div3A_315 : i32
      %jit3A_338 = arith.constant 8 : i32
      %eq3A_339 = arith.constant 0 : i32
      %eq3A_340 = arith.cmpi eq, %jit3A_338, %eq3A_339 : i32
      %jit3A_341 = arith.constant 1 : i32
      %select_n3A_342 = arith.select %eq3A_340, %jit3A_341, %jit3A_338 : i32
      %rem3A_343 = arith.remsi %add3A_313, %select_n3A_342 : i32
      %ne3A_344 = arith.constant 0 : i32
      %ne3A_345 = arith.cmpi ne, %rem3A_343, %ne3A_344 : i32
      %lt3A_346 = arith.constant 0 : i32
      %lt3A_347 = arith.cmpi slt, %rem3A_343, %lt3A_346 : i32
      %lt3A_348 = arith.constant 0 : i32
      %lt3A_349 = arith.cmpi slt, %select_n3A_342, %lt3A_348 : i32
      %ne3A_350 = arith.xori %lt3A_347, %lt3A_349 : i1
      %and3A_351 = arith.andi %ne3A_350, %ne3A_345 : i1
      %add3A_352 = arith.addi %rem3A_343, %select_n3A_342 : i32
      %select_n3A_353 = arith.select %and3A_351, %add3A_352, %rem3A_343 : i32
      %mul3A_354 = arith.constant 128 : i32
      %mul3A_355 = arith.muli %select_n3A_353, %mul3A_354 : i32
      %dma_start3A_356 = arith.constant 0 : i32
      %dma_start3A_357 = tpu.memref_slice %arg4[%select_n3A_337, %dma_start3A_356, %mul3A_355] : memref<400x64x1024xf32, #tpu.memory_space<hbm>> -> memref<1x64x128xf32, #tpu.memory_space<hbm>>
      %dma_start3A_358 = tpu.memref_squeeze %dma_start3A_357 : memref<1x64x128xf32, #tpu.memory_space<hbm>> -> memref<64x128xf32, #tpu.memory_space<hbm>>
      %dma_start3A_359 = arith.constant 0 : i32
      %dma_start3A_360 = tpu.memref_slice %arg4[%select_n3A_337, %dma_start3A_359, %mul3A_355] : memref<400x64x1024xf32, #tpu.memory_space<hbm>> -> memref<1x64x128xf32, #tpu.memory_space<hbm>>
      %dma_start3A_361 = tpu.memref_squeeze %dma_start3A_360 : memref<1x64x128xf32, #tpu.memory_space<hbm>> -> memref<64x128xf32, #tpu.memory_space<hbm>>
      tpu.enqueue_dma source(%arg10 : memref<64x128xf32, #tpu.memory_space<vmem>>) target(%dma_start3A_361 : memref<64x128xf32, #tpu.memory_space<hbm>>) target_semaphore(%arg16 : memref<!tpu.dma_semaphore, #tpu.memory_space<semaphore_mem>>)
      %add3A_362 = arith.constant 4 : i32
      %add3A_363 = arith.addi %add3A_296, %add3A_362 : i32
      %lt3A_364 = arith.constant 100 : i32
      %lt3A_365 = arith.cmpi slt, %add3A_363, %lt3A_364 : i32
      %convert_element_type3A_366 = arith.extui %lt3A_365 : i1 to i32
      %cond3A_367 = arith.constant 0 : i32
      %cond3A_368 = arith.cmpi ne, %convert_element_type3A_366, %cond3A_367 : i32
      scf.if %cond3A_368 {
        %add3A_445 = arith.constant 4 : i32
        %add3A_446 = arith.addi %add3A_296, %add3A_445 : i32
        %mul3A_447 = arith.constant 128 : i32
        %mul3A_448 = arith.muli %add3A_446, %mul3A_447 : i32
        %dma_start3A_449 = tpu.memref_slice %arg5[%mul3A_448] : memref<12800xi32, #tpu.memory_space<vmem>> -> memref<128xi32, #tpu.memory_space<vmem>>
        %dma_start3A_450 = arith.constant 0 : i32
        %dma_start3A_451 = arith.constant 0 : i32
        %dma_start3A_452 = tpu.memref_slice %arg3[%dma_start3A_450, %dma_start3A_451] : memref<1000000x64xf32, #tpu.memory_space<hbm>> -> memref<1000000x64xf32, #tpu.memory_space<hbm>>
        tpu.enqueue_indirect_dma source(%dma_start3A_452 : memref<1000000x64xf32, #tpu.memory_space<hbm>>) target(%arg8 : memref<128x64xf32, #tpu.memory_space<vmem>>) offsets(%dma_start3A_449 : memref<128xi32, #tpu.memory_space<vmem>>) semaphore(%arg14 : memref<!tpu.dma_semaphore, #tpu.memory_space<semaphore_mem>>)
      } else {
      }
      %mul3A_369 = arith.constant 4 : i32
      %mul3A_370 = arith.muli %scan3A_144, %mul3A_369 : i32
      %add3A_371 = arith.constant 3 : i32
      %add3A_372 = arith.addi %mul3A_370, %add3A_371 : i32
      %mul3A_373 = arith.constant 128 : i32
      %mul3A_374 = arith.muli %add3A_372, %mul3A_373 : i32
      %dma_wait3A_375 = tpu.memref_slice %arg5[%mul3A_374] : memref<12800xi32, #tpu.memory_space<vmem>> -> memref<128xi32, #tpu.memory_space<vmem>>
      %dma_wait3A_376 = arith.constant 0 : i32
      %dma_wait3A_377 = arith.constant 0 : i32
      %dma_wait3A_378 = tpu.memref_slice %arg3[%dma_wait3A_376, %dma_wait3A_377] : memref<1000000x64xf32, #tpu.memory_space<hbm>> -> memref<1000000x64xf32, #tpu.memory_space<hbm>>
      tpu.wait_indirect_dma semaphore(%arg15 : memref<!tpu.dma_semaphore, #tpu.memory_space<semaphore_mem>>) src(%dma_wait3A_378 : memref<1000000x64xf32, #tpu.memory_space<hbm>>) dst(%arg9 : memref<128x64xf32, #tpu.memory_space<vmem>>)
      %ge3A_379 = arith.constant 2 : i32
      %ge3A_380 = arith.cmpi sge, %add3A_372, %ge3A_379 : i32
      %convert_element_type3A_381 = arith.extui %ge3A_380 : i1 to i32
      %cond3A_382 = arith.constant 0 : i32
      %cond3A_383 = arith.cmpi ne, %convert_element_type3A_381, %cond3A_382 : i32
      scf.if %cond3A_383 {
        %mul3A_445 = arith.constant 100 : i32
        %mul3A_446 = arith.muli %add3A, %mul3A_445 : i32
        %add3A_447 = arith.addi %mul3A_446, %add3A_372 : i32
        %jit3A_448 = arith.constant 8 : i32
        %div3A_449 = arith.divsi %add3A_447, %jit3A_448 : i32
        %sign3A_450 = arith.constant 0 : i32
        %sign3A_451 = arith.cmpi sgt, %add3A_447, %sign3A_450 : i32
        %sign3A_452 = arith.extui %sign3A_451 : i1 to i32
        %sign3A_453 = arith.constant 0 : i32
        %sign3A_454 = arith.cmpi slt, %add3A_447, %sign3A_453 : i32
        %sign3A_455 = arith.extui %sign3A_454 : i1 to i32
        %sign3A_456 = arith.subi %sign3A_452, %sign3A_455 : i32
        %sign3A_457 = arith.constant 0 : i32
        %sign3A_458 = arith.cmpi sgt, %jit3A_448, %sign3A_457 : i32
        %sign3A_459 = arith.extui %sign3A_458 : i1 to i32
        %sign3A_460 = arith.constant 0 : i32
        %sign3A_461 = arith.cmpi slt, %jit3A_448, %sign3A_460 : i32
        %sign3A_462 = arith.extui %sign3A_461 : i1 to i32
        %sign3A_463 = arith.subi %sign3A_459, %sign3A_462 : i32
        %ne3A_464 = arith.cmpi ne, %sign3A_456, %sign3A_463 : i32
        %rem3A_465 = arith.remsi %add3A_447, %jit3A_448 : i32
        %ne3A_466 = arith.constant 0 : i32
        %ne3A_467 = arith.cmpi ne, %rem3A_465, %ne3A_466 : i32
        %and3A_468 = arith.andi %ne3A_464, %ne3A_467 : i1
        %sub3A_469 = arith.constant 1 : i32
        %sub3A_470 = arith.subi %div3A_449, %sub3A_469 : i32
        %select_n3A_471 = arith.select %and3A_468, %sub3A_470, %div3A_449 : i32
        %jit3A_472 = arith.constant 8 : i32
        %eq3A_473 = arith.constant 0 : i32
        %eq3A_474 = arith.cmpi eq, %jit3A_472, %eq3A_473 : i32
        %jit3A_475 = arith.constant 1 : i32
        %select_n3A_476 = arith.select %eq3A_474, %jit3A_475, %jit3A_472 : i32
        %rem3A_477 = arith.remsi %add3A_447, %select_n3A_476 : i32
        %ne3A_478 = arith.constant 0 : i32
        %ne3A_479 = arith.cmpi ne, %rem3A_477, %ne3A_478 : i32
        %lt3A_480 = arith.constant 0 : i32
        %lt3A_481 = arith.cmpi slt, %rem3A_477, %lt3A_480 : i32
        %lt3A_482 = arith.constant 0 : i32
        %lt3A_483 = arith.cmpi slt, %select_n3A_476, %lt3A_482 : i32
        %ne3A_484 = arith.xori %lt3A_481, %lt3A_483 : i1
        %and3A_485 = arith.andi %ne3A_484, %ne3A_479 : i1
        %add3A_486 = arith.addi %rem3A_477, %select_n3A_476 : i32
        %select_n3A_487 = arith.select %and3A_485, %add3A_486, %rem3A_477 : i32
        %mul3A_488 = arith.constant 128 : i32
        %mul3A_489 = arith.muli %select_n3A_487, %mul3A_488 : i32
        %dma_wait3A_490 = arith.constant 0 : i32
        %dma_wait3A_491 = tpu.memref_slice %arg4[%select_n3A_471, %dma_wait3A_490, %mul3A_489] : memref<400x64x1024xf32, #tpu.memory_space<hbm>> -> memref<1x64x128xf32, #tpu.memory_space<hbm>>
        %dma_wait3A_492 = tpu.memref_squeeze %dma_wait3A_491 : memref<1x64x128xf32, #tpu.memory_space<hbm>> -> memref<64x128xf32, #tpu.memory_space<hbm>>
        %dma_wait3A_493 = arith.constant 0 : i32
        %dma_wait3A_494 = tpu.memref_slice %arg4[%select_n3A_471, %dma_wait3A_493, %mul3A_489] : memref<400x64x1024xf32, #tpu.memory_space<hbm>> -> memref<1x64x128xf32, #tpu.memory_space<hbm>>
        %dma_wait3A_495 = tpu.memref_squeeze %dma_wait3A_494 : memref<1x64x128xf32, #tpu.memory_space<hbm>> -> memref<64x128xf32, #tpu.memory_space<hbm>>
        tpu.wait_dma2 semaphore(%arg17 : memref<!tpu.dma_semaphore, #tpu.memory_space<semaphore_mem>>) src(%arg11 : memref<64x128xf32, #tpu.memory_space<vmem>>) dst(%dma_wait3A_495 : memref<64x128xf32, #tpu.memory_space<hbm>>)
      } else {
      }
      %parallel_loop3A_384 = arith.constant 0 : i32
      %parallel_loop3A_385 = arith.constant 64 : i32
      %parallel_loop3A_386 = arith.constant 1 : i32
      scf.for %parallel_loop3A_445 = %parallel_loop3A_384 to %parallel_loop3A_385 step %parallel_loop3A_386  : i32 {
        %parallel_loop3A_446 = arith.constant 0 : i32
        %parallel_loop3A_447 = vector.broadcast %parallel_loop3A_446 : i32 to vector<16xi32>
        %parallel_loop3A_448 = arith.muli %iota3A, %parallel_loop3A_447 : vector<16xi32>
        %parallel_loop3A_449 = vector.broadcast %parallel_loop3A_445 : i32 to vector<16xi32>
        %parallel_loop3A_450 = arith.addi %parallel_loop3A_448, %parallel_loop3A_449 : vector<16xi32>
        %parallel_loop3A_451 = tpu.vector_load_idx %arg9[%add3A_5, %parallel_loop3A_450] : memref<128x64xf32, #tpu.memory_space<vmem>>[vector<16xi32>, vector<16xi32>], vector<16xf32>,
        %parallel_loop3A_452 = arith.index_cast %parallel_loop3A_445 : i32 to index
        %parallel_loop3A_453 = arith.constant 0 : index
        %parallel_loop3A_454 = tpu.vector_load %arg11[%parallel_loop3A_452, %parallel_loop3A_453] {strides = array<i32>} : memref<64x128xf32, #tpu.memory_space<vmem>>, vector<16xf32>,
        tpu.vector_store %arg11[%parallel_loop3A_452, %parallel_loop3A_453], %parallel_loop3A_451 {strides = array<i32>} : memref<64x128xf32, #tpu.memory_space<vmem>>, vector<16xf32>,
        %parallel_loop3A_455 = arith.constant 0 : i32
        %parallel_loop3A_456 = vector.broadcast %parallel_loop3A_455 : i32 to vector<16xi32>
        %parallel_loop3A_457 = arith.muli %iota3A, %parallel_loop3A_456 : vector<16xi32>
        %parallel_loop3A_458 = vector.broadcast %parallel_loop3A_445 : i32 to vector<16xi32>
        %parallel_loop3A_459 = arith.addi %parallel_loop3A_457, %parallel_loop3A_458 : vector<16xi32>
        %parallel_loop3A_460 = tpu.vector_load_idx %arg9[%add3A_8, %parallel_loop3A_459] : memref<128x64xf32, #tpu.memory_space<vmem>>[vector<16xi32>, vector<16xi32>], vector<16xf32>,
        %parallel_loop3A_461 = arith.index_cast %parallel_loop3A_445 : i32 to index
        %parallel_loop3A_462 = arith.constant 16 : index
        %parallel_loop3A_463 = tpu.vector_load %arg11[%parallel_loop3A_461, %parallel_loop3A_462] {strides = array<i32>} : memref<64x128xf32, #tpu.memory_space<vmem>>, vector<16xf32>,
        tpu.vector_store %arg11[%parallel_loop3A_461, %parallel_loop3A_462], %parallel_loop3A_460 {strides = array<i32>} : memref<64x128xf32, #tpu.memory_space<vmem>>, vector<16xf32>,
        %parallel_loop3A_464 = arith.constant 0 : i32
        %parallel_loop3A_465 = vector.broadcast %parallel_loop3A_464 : i32 to vector<16xi32>
        %parallel_loop3A_466 = arith.muli %iota3A, %parallel_loop3A_465 : vector<16xi32>
        %parallel_loop3A_467 = vector.broadcast %parallel_loop3A_445 : i32 to vector<16xi32>
        %parallel_loop3A_468 = arith.addi %parallel_loop3A_466, %parallel_loop3A_467 : vector<16xi32>
        %parallel_loop3A_469 = tpu.vector_load_idx %arg9[%add3A_11, %parallel_loop3A_468] : memref<128x64xf32, #tpu.memory_space<vmem>>[vector<16xi32>, vector<16xi32>], vector<16xf32>,
        %parallel_loop3A_470 = arith.index_cast %parallel_loop3A_445 : i32 to index
        %parallel_loop3A_471 = arith.constant 32 : index
        %parallel_loop3A_472 = tpu.vector_load %arg11[%parallel_loop3A_470, %parallel_loop3A_471] {strides = array<i32>} : memref<64x128xf32, #tpu.memory_space<vmem>>, vector<16xf32>,
        tpu.vector_store %arg11[%parallel_loop3A_470, %parallel_loop3A_471], %parallel_loop3A_469 {strides = array<i32>} : memref<64x128xf32, #tpu.memory_space<vmem>>, vector<16xf32>,
        %parallel_loop3A_473 = arith.constant 0 : i32
        %parallel_loop3A_474 = vector.broadcast %parallel_loop3A_473 : i32 to vector<16xi32>
        %parallel_loop3A_475 = arith.muli %iota3A, %parallel_loop3A_474 : vector<16xi32>
        %parallel_loop3A_476 = vector.broadcast %parallel_loop3A_445 : i32 to vector<16xi32>
        %parallel_loop3A_477 = arith.addi %parallel_loop3A_475, %parallel_loop3A_476 : vector<16xi32>
        %parallel_loop3A_478 = tpu.vector_load_idx %arg9[%add3A_14, %parallel_loop3A_477] : memref<128x64xf32, #tpu.memory_space<vmem>>[vector<16xi32>, vector<16xi32>], vector<16xf32>,
        %parallel_loop3A_479 = arith.index_cast %parallel_loop3A_445 : i32 to index
        %parallel_loop3A_480 = arith.constant 48 : index
        %parallel_loop3A_481 = tpu.vector_load %arg11[%parallel_loop3A_479, %parallel_loop3A_480] {strides = array<i32>} : memref<64x128xf32, #tpu.memory_space<vmem>>, vector<16xf32>,
        tpu.vector_store %arg11[%parallel_loop3A_479, %parallel_loop3A_480], %parallel_loop3A_478 {strides = array<i32>} : memref<64x128xf32, #tpu.memory_space<vmem>>, vector<16xf32>,
        %parallel_loop3A_482 = arith.constant 0 : i32
        %parallel_loop3A_483 = vector.broadcast %parallel_loop3A_482 : i32 to vector<16xi32>
        %parallel_loop3A_484 = arith.muli %iota3A, %parallel_loop3A_483 : vector<16xi32>
        %parallel_loop3A_485 = vector.broadcast %parallel_loop3A_445 : i32 to vector<16xi32>
        %parallel_loop3A_486 = arith.addi %parallel_loop3A_484, %parallel_loop3A_485 : vector<16xi32>
        %parallel_loop3A_487 = tpu.vector_load_idx %arg9[%add3A_17, %parallel_loop3A_486] : memref<128x64xf32, #tpu.memory_space<vmem>>[vector<16xi32>, vector<16xi32>], vector<16xf32>,
        %parallel_loop3A_488 = arith.index_cast %parallel_loop3A_445 : i32 to index
        %parallel_loop3A_489 = arith.constant 64 : index
        %parallel_loop3A_490 = tpu.vector_load %arg11[%parallel_loop3A_488, %parallel_loop3A_489] {strides = array<i32>} : memref<64x128xf32, #tpu.memory_space<vmem>>, vector<16xf32>,
        tpu.vector_store %arg11[%parallel_loop3A_488, %parallel_loop3A_489], %parallel_loop3A_487 {strides = array<i32>} : memref<64x128xf32, #tpu.memory_space<vmem>>, vector<16xf32>,
        %parallel_loop3A_491 = arith.constant 0 : i32
        %parallel_loop3A_492 = vector.broadcast %parallel_loop3A_491 : i32 to vector<16xi32>
        %parallel_loop3A_493 = arith.muli %iota3A, %parallel_loop3A_492 : vector<16xi32>
        %parallel_loop3A_494 = vector.broadcast %parallel_loop3A_445 : i32 to vector<16xi32>
        %parallel_loop3A_495 = arith.addi %parallel_loop3A_493, %parallel_loop3A_494 : vector<16xi32>
        %parallel_loop3A_496 = tpu.vector_load_idx %arg9[%add3A_20, %parallel_loop3A_495] : memref<128x64xf32, #tpu.memory_space<vmem>>[vector<16xi32>, vector<16xi32>], vector<16xf32>,
        %parallel_loop3A_497 = arith.index_cast %parallel_loop3A_445 : i32 to index
        %parallel_loop3A_498 = arith.constant 80 : index
        %parallel_loop3A_499 = tpu.vector_load %arg11[%parallel_loop3A_497, %parallel_loop3A_498] {strides = array<i32>} : memref<64x128xf32, #tpu.memory_space<vmem>>, vector<16xf32>,
        tpu.vector_store %arg11[%parallel_loop3A_497, %parallel_loop3A_498], %parallel_loop3A_496 {strides = array<i32>} : memref<64x128xf32, #tpu.memory_space<vmem>>, vector<16xf32>,
        %parallel_loop3A_500 = arith.constant 0 : i32
        %parallel_loop3A_501 = vector.broadcast %parallel_loop3A_500 : i32 to vector<16xi32>
        %parallel_loop3A_502 = arith.muli %iota3A, %parallel_loop3A_501 : vector<16xi32>
        %parallel_loop3A_503 = vector.broadcast %parallel_loop3A_445 : i32 to vector<16xi32>
        %parallel_loop3A_504 = arith.addi %parallel_loop3A_502, %parallel_loop3A_503 : vector<16xi32>
        %parallel_loop3A_505 = tpu.vector_load_idx %arg9[%add3A_23, %parallel_loop3A_504] : memref<128x64xf32, #tpu.memory_space<vmem>>[vector<16xi32>, vector<16xi32>], vector<16xf32>,
        %parallel_loop3A_506 = arith.index_cast %parallel_loop3A_445 : i32 to index
        %parallel_loop3A_507 = arith.constant 96 : index
        %parallel_loop3A_508 = tpu.vector_load %arg11[%parallel_loop3A_506, %parallel_loop3A_507] {strides = array<i32>} : memref<64x128xf32, #tpu.memory_space<vmem>>, vector<16xf32>,
        tpu.vector_store %arg11[%parallel_loop3A_506, %parallel_loop3A_507], %parallel_loop3A_505 {strides = array<i32>} : memref<64x128xf32, #tpu.memory_space<vmem>>, vector<16xf32>,
        %parallel_loop3A_509 = arith.constant 0 : i32
        %parallel_loop3A_510 = vector.broadcast %parallel_loop3A_509 : i32 to vector<16xi32>
        %parallel_loop3A_511 = arith.muli %iota3A, %parallel_loop3A_510 : vector<16xi32>
        %parallel_loop3A_512 = vector.broadcast %parallel_loop3A_445 : i32 to vector<16xi32>
        %parallel_loop3A_513 = arith.addi %parallel_loop3A_511, %parallel_loop3A_512 : vector<16xi32>
        %parallel_loop3A_514 = tpu.vector_load_idx %arg9[%add3A_26, %parallel_loop3A_513] : memref<128x64xf32, #tpu.memory_space<vmem>>[vector<16xi32>, vector<16xi32>], vector<16xf32>,
        %parallel_loop3A_515 = arith.index_cast %parallel_loop3A_445 : i32 to index
        %parallel_loop3A_516 = arith.constant 112 : index
        %parallel_loop3A_517 = tpu.vector_load %arg11[%parallel_loop3A_515, %parallel_loop3A_516] {strides = array<i32>} : memref<64x128xf32, #tpu.memory_space<vmem>>, vector<16xf32>,
        tpu.vector_store %arg11[%parallel_loop3A_515, %parallel_loop3A_516], %parallel_loop3A_514 {strides = array<i32>} : memref<64x128xf32, #tpu.memory_space<vmem>>, vector<16xf32>,
      } {sc.loop_unroll_factor = 16 : i64, sc.parallel_access}
      %mul3A_387 = arith.constant 100 : i32
      %mul3A_388 = arith.muli %add3A, %mul3A_387 : i32
      %add3A_389 = arith.addi %mul3A_388, %add3A_372 : i32
      %jit3A_390 = arith.constant 8 : i32
      %div3A_391 = arith.divsi %add3A_389, %jit3A_390 : i32
      %sign3A_392 = arith.constant 0 : i32
      %sign3A_393 = arith.cmpi sgt, %add3A_389, %sign3A_392 : i32
      %sign3A_394 = arith.extui %sign3A_393 : i1 to i32
      %sign3A_395 = arith.constant 0 : i32
      %sign3A_396 = arith.cmpi slt, %add3A_389, %sign3A_395 : i32
      %sign3A_397 = arith.extui %sign3A_396 : i1 to i32
      %sign3A_398 = arith.subi %sign3A_394, %sign3A_397 : i32
      %sign3A_399 = arith.constant 0 : i32
      %sign3A_400 = arith.cmpi sgt, %jit3A_390, %sign3A_399 : i32
      %sign3A_401 = arith.extui %sign3A_400 : i1 to i32
      %sign3A_402 = arith.constant 0 : i32
      %sign3A_403 = arith.cmpi slt, %jit3A_390, %sign3A_402 : i32
      %sign3A_404 = arith.extui %sign3A_403 : i1 to i32
      %sign3A_405 = arith.subi %sign3A_401, %sign3A_404 : i32
      %ne3A_406 = arith.cmpi ne, %sign3A_398, %sign3A_405 : i32
      %rem3A_407 = arith.remsi %add3A_389, %jit3A_390 : i32
      %ne3A_408 = arith.constant 0 : i32
      %ne3A_409 = arith.cmpi ne, %rem3A_407, %ne3A_408 : i32
      %and3A_410 = arith.andi %ne3A_406, %ne3A_409 : i1
      %sub3A_411 = arith.constant 1 : i32
      %sub3A_412 = arith.subi %div3A_391, %sub3A_411 : i32
      %select_n3A_413 = arith.select %and3A_410, %sub3A_412, %div3A_391 : i32
      %jit3A_414 = arith.constant 8 : i32
      %eq3A_415 = arith.constant 0 : i32
      %eq3A_416 = arith.cmpi eq, %jit3A_414, %eq3A_415 : i32
      %jit3A_417 = arith.constant 1 : i32
      %select_n3A_418 = arith.select %eq3A_416, %jit3A_417, %jit3A_414 : i32
      %rem3A_419 = arith.remsi %add3A_389, %select_n3A_418 : i32
      %ne3A_420 = arith.constant 0 : i32
      %ne3A_421 = arith.cmpi ne, %rem3A_419, %ne3A_420 : i32
      %lt3A_422 = arith.constant 0 : i32
      %lt3A_423 = arith.cmpi slt, %rem3A_419, %lt3A_422 : i32
      %lt3A_424 = arith.constant 0 : i32
      %lt3A_425 = arith.cmpi slt, %select_n3A_418, %lt3A_424 : i32
      %ne3A_426 = arith.xori %lt3A_423, %lt3A_425 : i1
      %and3A_427 = arith.andi %ne3A_426, %ne3A_421 : i1
      %add3A_428 = arith.addi %rem3A_419, %select_n3A_418 : i32
      %select_n3A_429 = arith.select %and3A_427, %add3A_428, %rem3A_419 : i32
      %mul3A_430 = arith.constant 128 : i32
      %mul3A_431 = arith.muli %select_n3A_429, %mul3A_430 : i32
      %dma_start3A_432 = arith.constant 0 : i32
      %dma_start3A_433 = tpu.memref_slice %arg4[%select_n3A_413, %dma_start3A_432, %mul3A_431] : memref<400x64x1024xf32, #tpu.memory_space<hbm>> -> memref<1x64x128xf32, #tpu.memory_space<hbm>>
      %dma_start3A_434 = tpu.memref_squeeze %dma_start3A_433 : memref<1x64x128xf32, #tpu.memory_space<hbm>> -> memref<64x128xf32, #tpu.memory_space<hbm>>
      %dma_start3A_435 = arith.constant 0 : i32
      %dma_start3A_436 = tpu.memref_slice %arg4[%select_n3A_413, %dma_start3A_435, %mul3A_431] : memref<400x64x1024xf32, #tpu.memory_space<hbm>> -> memref<1x64x128xf32, #tpu.memory_space<hbm>>
      %dma_start3A_437 = tpu.memref_squeeze %dma_start3A_436 : memref<1x64x128xf32, #tpu.memory_space<hbm>> -> memref<64x128xf32, #tpu.memory_space<hbm>>
      tpu.enqueue_dma source(%arg11 : memref<64x128xf32, #tpu.memory_space<vmem>>) target(%dma_start3A_437 : memref<64x128xf32, #tpu.memory_space<hbm>>) target_semaphore(%arg17 : memref<!tpu.dma_semaphore, #tpu.memory_space<semaphore_mem>>)
      %add3A_438 = arith.constant 4 : i32
      %add3A_439 = arith.addi %add3A_372, %add3A_438 : i32
      %lt3A_440 = arith.constant 100 : i32
      %lt3A_441 = arith.cmpi slt, %add3A_439, %lt3A_440 : i32
      %convert_element_type3A_442 = arith.extui %lt3A_441 : i1 to i32
      %cond3A_443 = arith.constant 0 : i32
      %cond3A_444 = arith.cmpi ne, %convert_element_type3A_442, %cond3A_443 : i32
      scf.if %cond3A_444 {
        %add3A_445 = arith.constant 4 : i32
        %add3A_446 = arith.addi %add3A_372, %add3A_445 : i32
        %mul3A_447 = arith.constant 128 : i32
        %mul3A_448 = arith.muli %add3A_446, %mul3A_447 : i32
        %dma_start3A_449 = tpu.memref_slice %arg5[%mul3A_448] : memref<12800xi32, #tpu.memory_space<vmem>> -> memref<128xi32, #tpu.memory_space<vmem>>
        %dma_start3A_450 = arith.constant 0 : i32
        %dma_start3A_451 = arith.constant 0 : i32
        %dma_start3A_452 = tpu.memref_slice %arg3[%dma_start3A_450, %dma_start3A_451] : memref<1000000x64xf32, #tpu.memory_space<hbm>> -> memref<1000000x64xf32, #tpu.memory_space<hbm>>
        tpu.enqueue_indirect_dma source(%dma_start3A_452 : memref<1000000x64xf32, #tpu.memory_space<hbm>>) target(%arg9 : memref<128x64xf32, #tpu.memory_space<vmem>>) offsets(%dma_start3A_449 : memref<128xi32, #tpu.memory_space<vmem>>) semaphore(%arg15 : memref<!tpu.dma_semaphore, #tpu.memory_space<semaphore_mem>>)
      } else {
      }
    }
    %scan3A_50 = arith.constant 25 : i32
    %mul3A_51 = arith.constant 100 : i32
    %mul3A_52 = arith.muli %add3A, %mul3A_51 : i32
    %add3A_53 = arith.constant 98 : i32
    %add3A_54 = arith.addi %mul3A_52, %add3A_53 : i32
    %jit3A = arith.constant 8 : i32
    %div3A = arith.divsi %add3A_54, %jit3A : i32
    %sign3A = arith.constant 0 : i32
    %sign3A_55 = arith.cmpi sgt, %add3A_54, %sign3A : i32
    %sign3A_56 = arith.extui %sign3A_55 : i1 to i32
    %sign3A_57 = arith.constant 0 : i32
    %sign3A_58 = arith.cmpi slt, %add3A_54, %sign3A_57 : i32
    %sign3A_59 = arith.extui %sign3A_58 : i1 to i32
    %sign3A_60 = arith.subi %sign3A_56, %sign3A_59 : i32
    %sign3A_61 = arith.constant 0 : i32
    %sign3A_62 = arith.cmpi sgt, %jit3A, %sign3A_61 : i32
    %sign3A_63 = arith.extui %sign3A_62 : i1 to i32
    %sign3A_64 = arith.constant 0 : i32
    %sign3A_65 = arith.cmpi slt, %jit3A, %sign3A_64 : i32
    %sign3A_66 = arith.extui %sign3A_65 : i1 to i32
    %sign3A_67 = arith.subi %sign3A_63, %sign3A_66 : i32
    %ne3A = arith.cmpi ne, %sign3A_60, %sign3A_67 : i32
    %rem3A = arith.remsi %add3A_54, %jit3A : i32
    %ne3A_68 = arith.constant 0 : i32
    %ne3A_69 = arith.cmpi ne, %rem3A, %ne3A_68 : i32
    %and3A = arith.andi %ne3A, %ne3A_69 : i1
    %sub3A = arith.constant 1 : i32
    %sub3A_70 = arith.subi %div3A, %sub3A : i32
    %select_n3A = arith.select %and3A, %sub3A_70, %div3A : i32
    %jit3A_71 = arith.constant 8 : i32
    %eq3A = arith.constant 0 : i32
    %eq3A_72 = arith.cmpi eq, %jit3A_71, %eq3A : i32
    %jit3A_73 = arith.constant 1 : i32
    %select_n3A_74 = arith.select %eq3A_72, %jit3A_73, %jit3A_71 : i32
    %rem3A_75 = arith.remsi %add3A_54, %select_n3A_74 : i32
    %ne3A_76 = arith.constant 0 : i32
    %ne3A_77 = arith.cmpi ne, %rem3A_75, %ne3A_76 : i32
    %lt3A = arith.constant 0 : i32
    %lt3A_78 = arith.cmpi slt, %rem3A_75, %lt3A : i32
    %lt3A_79 = arith.constant 0 : i32
    %lt3A_80 = arith.cmpi slt, %select_n3A_74, %lt3A_79 : i32
    %ne3A_81 = arith.xori %lt3A_78, %lt3A_80 : i1
    %and3A_82 = arith.andi %ne3A_81, %ne3A_77 : i1
    %add3A_83 = arith.addi %rem3A_75, %select_n3A_74 : i32
    %select_n3A_84 = arith.select %and3A_82, %add3A_83, %rem3A_75 : i32
    %mul3A_85 = arith.constant 128 : i32
    %mul3A_86 = arith.muli %select_n3A_84, %mul3A_85 : i32
    %dma_wait3A = arith.constant 0 : i32
    %dma_wait3A_87 = tpu.memref_slice %arg4[%select_n3A, %dma_wait3A, %mul3A_86] : memref<400x64x1024xf32, #tpu.memory_space<hbm>> -> memref<1x64x128xf32, #tpu.memory_space<hbm>>
    %dma_wait3A_88 = tpu.memref_squeeze %dma_wait3A_87 : memref<1x64x128xf32, #tpu.memory_space<hbm>> -> memref<64x128xf32, #tpu.memory_space<hbm>>
    %dma_wait3A_89 = arith.constant 0 : i32
    %dma_wait3A_90 = tpu.memref_slice %arg4[%select_n3A, %dma_wait3A_89, %mul3A_86] : memref<400x64x1024xf32, #tpu.memory_space<hbm>> -> memref<1x64x128xf32, #tpu.memory_space<hbm>>
    %dma_wait3A_91 = tpu.memref_squeeze %dma_wait3A_90 : memref<1x64x128xf32, #tpu.memory_space<hbm>> -> memref<64x128xf32, #tpu.memory_space<hbm>>
    tpu.wait_dma2 semaphore(%arg16 : memref<!tpu.dma_semaphore, #tpu.memory_space<semaphore_mem>>) src(%arg10 : memref<64x128xf32, #tpu.memory_space<vmem>>) dst(%dma_wait3A_91 : memref<64x128xf32, #tpu.memory_space<hbm>>)
    %mul3A_92 = arith.constant 100 : i32
    %mul3A_93 = arith.muli %add3A, %mul3A_92 : i32
    %add3A_94 = arith.constant 99 : i32
    %add3A_95 = arith.addi %mul3A_93, %add3A_94 : i32
    %jit3A_96 = arith.constant 8 : i32
    %div3A_97 = arith.divsi %add3A_95, %jit3A_96 : i32
    %sign3A_98 = arith.constant 0 : i32
    %sign3A_99 = arith.cmpi sgt, %add3A_95, %sign3A_98 : i32
    %sign3A_100 = arith.extui %sign3A_99 : i1 to i32
    %sign3A_101 = arith.constant 0 : i32
    %sign3A_102 = arith.cmpi slt, %add3A_95, %sign3A_101 : i32
    %sign3A_103 = arith.extui %sign3A_102 : i1 to i32
    %sign3A_104 = arith.subi %sign3A_100, %sign3A_103 : i32
    %sign3A_105 = arith.constant 0 : i32
    %sign3A_106 = arith.cmpi sgt, %jit3A_96, %sign3A_105 : i32
    %sign3A_107 = arith.extui %sign3A_106 : i1 to i32
    %sign3A_108 = arith.constant 0 : i32
    %sign3A_109 = arith.cmpi slt, %jit3A_96, %sign3A_108 : i32
    %sign3A_110 = arith.extui %sign3A_109 : i1 to i32
    %sign3A_111 = arith.subi %sign3A_107, %sign3A_110 : i32
    %ne3A_112 = arith.cmpi ne, %sign3A_104, %sign3A_111 : i32
    %rem3A_113 = arith.remsi %add3A_95, %jit3A_96 : i32
    %ne3A_114 = arith.constant 0 : i32
    %ne3A_115 = arith.cmpi ne, %rem3A_113, %ne3A_114 : i32
    %and3A_116 = arith.andi %ne3A_112, %ne3A_115 : i1
    %sub3A_117 = arith.constant 1 : i32
    %sub3A_118 = arith.subi %div3A_97, %sub3A_117 : i32
    %select_n3A_119 = arith.select %and3A_116, %sub3A_118, %div3A_97 : i32
    %jit3A_120 = arith.constant 8 : i32
    %eq3A_121 = arith.constant 0 : i32
    %eq3A_122 = arith.cmpi eq, %jit3A_120, %eq3A_121 : i32
    %jit3A_123 = arith.constant 1 : i32
    %select_n3A_124 = arith.select %eq3A_122, %jit3A_123, %jit3A_120 : i32
    %rem3A_125 = arith.remsi %add3A_95, %select_n3A_124 : i32
    %ne3A_126 = arith.constant 0 : i32
    %ne3A_127 = arith.cmpi ne, %rem3A_125, %ne3A_126 : i32
    %lt3A_128 = arith.constant 0 : i32
    %lt3A_129 = arith.cmpi slt, %rem3A_125, %lt3A_128 : i32
    %lt3A_130 = arith.constant 0 : i32
    %lt3A_131 = arith.cmpi slt, %select_n3A_124, %lt3A_130 : i32
    %ne3A_132 = arith.xori %lt3A_129, %lt3A_131 : i1
    %and3A_133 = arith.andi %ne3A_132, %ne3A_127 : i1
    %add3A_134 = arith.addi %rem3A_125, %select_n3A_124 : i32
    %select_n3A_135 = arith.select %and3A_133, %add3A_134, %rem3A_125 : i32
    %mul3A_136 = arith.constant 128 : i32
    %mul3A_137 = arith.muli %select_n3A_135, %mul3A_136 : i32
    %dma_wait3A_138 = arith.constant 0 : i32
    %dma_wait3A_139 = tpu.memref_slice %arg4[%select_n3A_119, %dma_wait3A_138, %mul3A_137] : memref<400x64x1024xf32, #tpu.memory_space<hbm>> -> memref<1x64x128xf32, #tpu.memory_space<hbm>>
    %dma_wait3A_140 = tpu.memref_squeeze %dma_wait3A_139 : memref<1x64x128xf32, #tpu.memory_space<hbm>> -> memref<64x128xf32, #tpu.memory_space<hbm>>
    %dma_wait3A_141 = arith.constant 0 : i32
    %dma_wait3A_142 = tpu.memref_slice %arg4[%select_n3A_119, %dma_wait3A_141, %mul3A_137] : memref<400x64x1024xf32, #tpu.memory_space<hbm>> -> memref<1x64x128xf32, #tpu.memory_space<hbm>>
    %dma_wait3A_143 = tpu.memref_squeeze %dma_wait3A_142 : memref<1x64x128xf32, #tpu.memory_space<hbm>> -> memref<64x128xf32, #tpu.memory_space<hbm>>
    tpu.wait_dma2 semaphore(%arg17 : memref<!tpu.dma_semaphore, #tpu.memory_space<semaphore_mem>>) src(%arg11 : memref<64x128xf32, #tpu.memory_space<vmem>>) dst(%dma_wait3A_143 : memref<64x128xf32, #tpu.memory_space<hbm>>)
    return
  }
}

</mosaic_0001>

<sc_bundles>
// kernel: kernel.3.cloned.1.call-start
scs
__scs_entry_jumppad:
0x0: {  	(pc) =	sbr.rel $0x88, $3  }
0x1: {  	(tag) =	ssettag $0x0;
	lr =	simm.s32 $0x1  }
0x2: {  	[smem:$0x3F9F] =	sst lr;
	_ =	strace $0xD0000000  }
0x3: {  	_ = 	snop  }
0x4: {  	_ = 	snop  }
0x5: {  	_ = 	snop  }
0x6: {  	_ = 	snop  }
0x7: {  	_ = 	snop  }
__scs_overlays_trampoline_lowered:
0x8: {  	[smem:$0x3FAE] =	sst s0  }
0x9: {  	[smem:$0x3FAF] =	sst s1  }
0xa: {  	[smem:$0x3FB0] =	sst s2  }
0xb: {  	[smem:$0x3FB1] =	sst s3  }
0xc: {  	[smem:$0x3FB2] =	sst s4  }
0xd: {  	[smem:$0x3FB3] =	sst s5  }
0xe: {  	[smem:$0x3FB4] =	sst s6  }
0xf: {  	[smem:$0x3FB5] =	sst s7  }
0x10: {  	[smem:$0x3FB6] =	sst s8  }
0x11: {  	[smem:$0x3FB7] =	sst s9;
	s0 =	simm.s32 @!p0 $0x0  }
0x12: {  	s1 =	sld [smem:$0x3F9D];
	s0 =	simm.s32 @p0 $0x1  }
0x13: {  	[smem:$0x3FB8] =	sst s0;
	s0 =	simm.s32 @!p1 $0x0  }
0x14: {  	s2 =	sld [smem:$0x3F9C];
	s0 =	simm.s32 @p1 $0x1  }
0x15: {  	[smem:$0x3FB9] =	sst s0;
	s0 =	simm.s32 @!p2 $0x0  }
0x16: {  	s3 =	sld [smem:$0x3FDB];
	s0 =	simm.s32 @p2 $0x1  }
0x17: {  	s4 =	simm.s32 $0x1BF5;
	[smem:$0x3FBB] =	sst s0  }
0x18: {  	s0 =	sld [smem:$0x3F9E];
	_ =	swait.ge [sflag:s4], $0x0  }
0x19: {  	s7 =	sld [smem:$0x3F9F]  }
0x1a: {  	s8 =	sadd.s32 $0xFFFFE003, lr  }
0x1b: {  	s9 =	sadd.s32 $0xFFFFFEF7, lr;
	s5 =	simm.s32 $0xFFFFFFFF;
	p2 =	slt.u32 s8, $0xFFFFF086  }
0x1c: {  	p1 =	slt.u32 s9, $0xF7A;
	s5 =	simm.s32 @!p2 $0x0  }
0x1d: {  	s5 =	simm.s32 @p1 $0x1;
	p0 =	seq.s32 s7, s2  }
0x1e: {  	s7 =	smul.u32 @!p0 $0xF7A, s2;
	p2 =	seq.s32 @!p0 s5, $0x0  }
0x1f: {  	s9 =	smul.u32 $0xF7A, s1;
	s8 =	simm.s32 @!p0 $0x1BF5;
	p2 =	por !p2, p0  }
0x20: {  	[sflag:s8] =	ssyncset.s32 @!p0 $0xFFFFF086;
	s6 =	sadd.s32 @!p0 s3, s7;
	s7 =	simm.s32 @!p0 $0x108  }
0x21: {  	s3 =	sadd.s32 s3, s9;
	s6 =	sadd.s32 @!p0 $0x88, s6;
	s7 =	simm.s32 @p2 $0x1082  }
0x22: {  	[simem:s7], [sflag:s8] =	dma.local @!p0 [hbm:s6], $0xF7A  }
0x23: {  	s9 =	sor.u32 $0xD0000000, s2;
	s6 =	simm.s32 $0x108;
	_ =	swait.ge @!p0 [sflag:s8], $0x0  }
0x24: {  	s3 =	sadd.s32 $0x88, s3;
	s6 =	simm.s32 @!p1 $0x1082;
	[sflag:s4] =	ssyncset.s32 $0xFFFFF086  }
0x25: {  	[simem:s6], [sflag:s4] =	dma.local [hbm:s3], $0xF7A  }
0x26: {  	[smem:$0x3F9F] =	sst s1;
	(tag) =	ssettag s2;
	_ =	strace s9  }
0x27: {  	s1 =	sld [smem:$0x3FAF]  }
0x28: {  	s2 =	sld [smem:$0x3FB0]  }
0x29: {  	s4 =	sld [smem:$0x3FB2]  }
0x2a: {  	p0 =	seq.s32 s5, $0x0;
	s5 =	sld [smem:$0x3FB3]  }
0x2b: {  	s6 =	sld [smem:$0x3FB4]  }
0x2c: {  	s7 =	sld [smem:$0x3FB5]  }
0x2d: {  	s3 =	simm.s32 $0x108;
	s8 =	sld [smem:$0x3FB6]  }
0x2e: {  	s3 =	simm.s32 @!p0 $0x1082;
	s9 =	sld [smem:$0x3FB7]  }
0x2f: {  	lr =	sadd.s32 s0, s3;
	s0 =	sld [smem:$0x3FAE]  }
0x30: {  	s3 =	sld [smem:$0x3FB1]  }
0x31: {  	[smem:$0x3FBA] =	sst s10  }
0x32: {  	s10 =	sld [smem:$0x3FB8];
	_ =	sdelay $0x3  }
0x33: {  	p0 =	seq.s32 s10, $0x1;
	s10 =	sld [smem:$0x3FBA];
	_ =	sdelay $0x3  }
0x34: {  	[smem:$0x3FBA] =	sst s10  }
0x35: {  	s10 =	sld [smem:$0x3FB9];
	_ =	sdelay $0x3  }
0x36: {  	p1 =	seq.s32 s10, $0x1;
	s10 =	sld [smem:$0x3FBA];
	_ =	sdelay $0x3  }
0x37: {  	[smem:$0x3FBA] =	sst s10  }
0x38: {  	s10 =	sld [smem:$0x3FBB]  }
0x39: {  	_ = 	snop;
	(pc) =	sbr.ind lr, $3  }
0x3a: {  	_ = 	snop  }
0x3b: {  	_ = 	snop  }
0x3c: {  	p2 =	seq.s32 s10, $0x1;
	s10 =	sld [smem:$0x3FBA]  }
0x3d: {  	_ =	shalt  }
0x3e: {  	_ =	shalt  }
0x3f: {  	_ =	shalt  }
0x40: {  	_ =	shalt  }
0x41: {  	_ =	shalt  }
0x42: {  	_ =	shalt  }
0x43: {  	_ =	shalt  }
0x44: {  	_ =	shalt  }
0x45: {  	_ =	shalt  }
0x46: {  	_ =	shalt  }
0x47: {  	_ =	shalt  }
0x48: {  	_ =	shalt  }
0x49: {  	_ =	shalt  }
0x4a: {  	_ =	shalt  }
0x4b: {  	_ =	shalt  }
0x4c: {  	_ =	shalt  }
0x4d: {  	_ =	shalt  }
0x4e: {  	_ =	shalt  }
0x4f: {  	_ =	shalt  }
0x50: {  	_ =	shalt  }
0x51: {  	_ =	shalt  }
0x52: {  	_ =	shalt  }
0x53: {  	_ =	shalt  }
0x54: {  	_ =	shalt  }
0x55: {  	_ =	shalt  }
0x56: {  	_ =	shalt  }
0x57: {  	_ =	shalt  }
0x58: {  	_ =	shalt  }
0x59: {  	_ =	shalt  }
0x5a: {  	_ =	shalt  }
0x5b: {  	_ =	shalt  }
0x5c: {  	_ =	shalt  }
0x5d: {  	_ =	shalt  }
0x5e: {  	_ =	shalt  }
0x5f: {  	_ =	shalt  }
0x60: {  	_ =	shalt  }
0x61: {  	_ =	shalt  }
0x62: {  	_ =	shalt  }
0x63: {  	_ =	shalt  }
0x64: {  	_ =	shalt  }
0x65: {  	_ =	shalt  }
0x66: {  	_ =	shalt  }
0x67: {  	_ =	shalt  }
0x68: {  	_ =	shalt  }
0x69: {  	_ =	shalt  }
0x6a: {  	_ =	shalt  }
0x6b: {  	_ =	shalt  }
0x6c: {  	_ =	shalt  }
0x6d: {  	_ =	shalt  }
0x6e: {  	_ =	shalt  }
0x6f: {  	_ =	shalt  }
0x70: {  	_ =	shalt  }
0x71: {  	_ =	shalt  }
0x72: {  	_ =	shalt  }
0x73: {  	_ =	shalt  }
0x74: {  	_ =	shalt  }
0x75: {  	_ =	shalt  }
0x76: {  	_ =	shalt  }
0x77: {  	_ =	shalt  }
0x78: {  	_ =	shalt  }
0x79: {  	_ =	shalt  }
0x7a: {  	_ =	shalt  }
0x7b: {  	_ =	shalt  }
0x7c: {  	_ =	shalt  }
0x7d: {  	_ =	shalt  }
0x7e: {  	_ =	shalt  }
0x7f: {  	_ =	shalt  }
0x80: {  	_ =	shalt  }
0x81: {  	_ =	shalt  }
0x82: {  	_ =	shalt  }
0x83: {  	_ =	shalt  }
0x84: {  	_ =	shalt  }
0x85: {  	_ =	shalt  }
0x86: {  	_ =	shalt  }
0x87: {  	_ =	shalt  }
.Lfunc_end0:
.L_simem_size_0:
called_computation_lowered:
.L_overlay_start_0:
0x88: {  	s2 =	sld [smem:$0x3FD9]  }
0x89: {  	s3 =	sld [smem:$0x3FFE];
	_ =	sdelay $0x1  }
0x8a: {  	s1 =	srdreg.scid  }
0x8b: {  	s0 =	sand.u32 $0x1, s1  }
0x8c: {  	s17 =	sshll.u32 s0, $0xA;
	s2 =	sadd.s32 s3, s2  }
0x8d: {  	s2 =	sadd.s32 s2, s17  }
0x8e: {  	[smem:$0x3FC6] =	sst s2  }
0x8f: {  	_ = 	snop  }
0x90: {  	s2 =	sld [smem:$0x3FD0];
	(tm) =	ssettm $0x1  }
0x91: {  	s18 =	sld [smem:$0x3FFB];
	_ =	sdelay $0x3  }
0x92: {  	_ =	strace s18  }
0x93: {  	s3 =	sld [smem:$0x3FFC];
	_ =	sdelay $0x3  }
0x94: {  	_ =	strace s3  }
0x95: {  	s3 =	sld [smem:$0x3FFD];
	_ =	sdelay $0x3  }
0x96: {  	_ =	strace s3  }
0x97: {  	_ =	strace $0x8FFFFFFF  }
0x98: {  	s19 =	sld [smem:$0x3FDB];
	_ =	sdelay $0x1  }
0x99: {  	s4 =	simm.s32 $_scs_section_size  }
0x9a: {  	s5 =	simm.s32 $_size__tile_overlayer_lowered;
	s6 =	simm.s32 $_tile_overlayer_lowered  }
0x9b: {  	s22 =	simm.s32 $0x1BFF;
	s21 =	sshll.u32 s6, $0x1;
	s3 =	sadd.s32 s4, s19  }
0x9c: {  	s7 =	simm.s32 $0x0;
	s20 =	sshll.u32 s5, $0x1;
	s5 =	sadd.s32 s21, s3  }
0x9d: {  	[timem:s7], [sflag:s22] =	dma.local [hbm:s5], s20  }
0x9e: {  	_ =	swait.ge [sflag:s22], s20  }
0x9f: {  	s4 =	ssub.s32 $0x0, s20;
	[sflag:s22] =	ssyncset.done $0x0  }
0xa0: {  	[sflag:s22] =	ssyncadd.s32 s4;
	_ =	sdelay $0x1  }
0xa1: {  	s23 =	simm.s32 $0x1B8B  }
0xa2: {  	_ =	swait.ge [sflag:s23], $0x1  }
0xa3: {  	[sflag:s23] =	ssyncset.done $0x0  }
0xa4: {  	s25 =	simm.s32 $0x1B8E;
	s24 =	sld [smem:$0x3FFE];
	[sflag:s23] =	ssyncadd.s32 $0xFFFFFFFF  }
0xa5: {  	s26 =	simm.s32 $execute0_lowered;
	[smem:$0x3FD2] =	sst s25  }
0xa6: {  	s5 =	sshll.u32 s26, $0x1;
	_ =	strace $0x80000046;
	[dreg:$0x1] =	wrdreg $0xFFFFFFFF  }
0xa7: {  	s28 =	simm.s32 $_size_execute0_lowered;
	s3 =	sadd.s32 s3, s5;
	[dreg:$0x0] =	wrdreg $0x0  }
0xa8: {  	s5 =	sshll.u32 s28, $0x1;
	[dreg:$0x2] =	wrdreg s3  }
0xa9: {  	[dreg:$0x3] =	wrdreg s5  }
0xaa: {  	[dreg:$0x4] =	wrdreg $0xC0  }
0xab: {  	_ =	task [dreg:s7], $0x5FFFF  }
0xac: {  	[dreg:$0x1] =	wrdreg $0xFFFFFFFF  }
0xad: {  	[dreg:$0x0] =	wrdreg $0x60  }
0xae: {  	[dreg:$0x2] =	wrdreg s2  }
0xaf: {  	[dreg:$0x3] =	wrdreg s24  }
0xb0: {  	[dreg:$0x4] =	wrdreg $0x9  }
0xb1: {  	_ =	task.clear_ibuf [dreg:s7], $0x5FFFF;
	_ =	strace $0x90000046  }
0xb2: {  	s29 =	simm.s32 $0x9;
	_ =	strace $0x80000048  }
0xb3: {  	_ =	swait.ge [sflag:s29], $0x1  }
0xb4: {  	[sflag:s29] =	ssyncadd.s32 $0xFFFFFFFF  }
0xb5: {  	_ =	strace $0x90000048  }
0xb6: {  	_ =	sfence  }
0xb7: {  	s30 =	sld [smem:$0x0];
	_ =	sdelay $0x2  }
0xb8: {  	s31 =	sshll.u32 s1, $0xD;
	s1 =	sshrl.u32 s1, $0x2  }
0xb9: {  	s3 =	sand.u32 $0x4000, s31;
	s1 =	sadd.s32 s1, s30  }
0xba: {  	s0 =	sor.u32 s3, s0;
	s1 =	sshll.u32 s1, $0x11  }
0xbb: {  	s0 =	sor.u32 s1, s0  }
0xbc: {  	s0 =	sadd.s32 $0x8F2B, s0  }
0xbd: {  	[sflag:s0] =	ssyncadd.remote.s32 $0x1  }
0xbe: {  	_ =	sfence.sel $0xFFFF  }
0xbf: {  	[dreg:$0x0] =	wrdreg $0xFFFFFFFF;
	(pc) =	sbr.abs _section_cstart, $3  }
0xc0: {  	[dreg:$0x1] =	wrdreg $0xFFFFFFFF  }
0xc1: {  	_ =	task.clear_ibuf [dreg:s7], $0x2FFFF;
	_ =	strace $0x9FFFFFFF  }
0xc2: {  	(tm) =	ssettm $0x7FFFFFFF  }
0xc3: {  	_ =	shalt  }
tec
execute0_lowered:
.L_overlay_start_1:
0x0: {  	(tag) =	ssettag $0x1  }
0x1: {  	v0 =	vlaneseq.u32  }
0x2: {  	v22 =	vmul.u32 $0x40, v0  }
0x3: {  	vm0 =	vcmask $0x300;
	v0 =	vimm.s32 $0x0  }
0x4: {  	v1 =	vsel vm0, $0x3, v0;
	v0 =	vor.u32 $0x1000, v22  }
0x5: {  	[tilespmem:$0x1FC10] =	vst v0;
	v0 =	vor.u32 $0x1400, v22  }
0x6: {  	[tilespmem:$0x1FC20] =	vst v0;
	v0 =	vor.u32 $0x1801, v22  }
0x7: {  	[tilespmem:$0x1FC30] =	vst v0;
	v0 =	vor.u32 $0x1C01, v22  }
0x8: {  	[tilespmem:$0x1FC40] =	vst v0;
	v0 =	vor.u32 $0x2, v22  }
0x9: {  	[tilespmem:$0x1FC50] =	vst v0;
	v0 =	vor.u32 $0x402, v22  }
0xa: {  	[tilespmem:$0x1FC60] =	vst v0;
	v0 =	vor.u32 $0x802, v22  }
0xb: {  	[tilespmem:$0x1FC70] =	vst v0;
	v0 =	vor.u32 $0xC02, v22  }
0xc: {  	[tilespmem:$0x1FC80] =	vst v0;
	v0 =	vor.u32 $0x1002, v22  }
0xd: {  	[tilespmem:$0x1FC90] =	vst v0;
	v0 =	vor.u32 $0x1402, v22  }
0xe: {  	[tilespmem:$0x1FCA0] =	vst v0;
	v0 =	vor.u32 $0x1802, v22  }
0xf: {  	[tilespmem:$0x1FCB0] =	vst v0;
	v0 =	vor.u32 $0x1C02, v22  }
0x10: {  	[tilespmem:$0x1FCC0] =	vst v0;
	v0 =	vor.u32 $0x3, v22  }
0x11: {  	s0 =	rddreg [dreg:$0x0];
	s2 =	simm.s32 $0x0;
	[tilespmem:$0x1FCD0] =	vst v0;
	v0 =	vor.u32 $0x404, v22  }
0x12: {  	[smem:$0x7FF] =	sst s2;
	v44 =	vor.u32 $0x1, v22;
	[tilespmem:$0x1FCE0] =	vst v0  }
0x13: {  	s1 =	rddreg [dreg:$0x1];
	_ =	strace $0x80000047;
	[tilespmem:$0x1FCF0] =	vst v44  }
0x14: {  	v47 =	vor.u32 $0x400, v22;
	[tilespmem:$0x1FD00] =	vst v22  }
0x15: {  	v55 =	vor.u32 $0x800, v22;
	[tilespmem:$0x1FD10] =	vst v47  }
0x16: {  	v62 =	vor.u32 $0xC00, v22;
	[tilespmem:$0x1FD20] =	vst v55  }
0x17: {  	v13 =	vor.u32 $0x1804, v22;
	[tilespmem:$0x1FD30] =	vst v62  }
0x18: {  	v2 =	vor.u32 $0x1C04, v22;
	[tilespmem:$0x1FD40] =	vst v13  }
0x19: {  	v3 =	vor.u32 $0x405, v22;
	[tilespmem:$0x1FD50] =	vst v2  }
0x1a: {  	v39 =	vor.u32 $0x805, v22;
	[tilespmem:$0x1FD60] =	vst v3  }
0x1b: {  	v5 =	vor.u32 $0xC05, v22;
	[tilespmem:$0x1FD70] =	vst v39  }
0x1c: {  	v6 =	vor.u32 $0x1005, v22;
	[tilespmem:$0x1FD80] =	vst v5  }
0x1d: {  	v7 =	vor.u32 $0x1405, v22;
	[tilespmem:$0x1FD90] =	vst v6  }
0x1e: {  	v14 =	vor.u32 $0x1805, v22;
	[tilespmem:$0x1FDA0] =	vst v7  }
0x1f: {  	v9 =	vor.u32 $0x1C05, v22;
	[tilespmem:$0x1FDB0] =	vst v14  }
0x20: {  	v10 =	vor.u32 $0x406, v22;
	[tilespmem:$0x1FDC0] =	vst v9  }
0x21: {  	v11 =	vor.u32 $0x806, v22;
	[tilespmem:$0x1FDD0] =	vst v10  }
0x22: {  	v41 =	vor.u32 $0xC06, v22;
	[tilespmem:$0x1FDE0] =	vst v11  }
0x23: {  	v33 =	vor.u32 $0x1006, v22;
	[tilespmem:$0x1FDF0] =	vst v41  }
0x24: {  	v28 =	vor.u32 $0x1406, v22;
	[tilespmem:$0x1FE00] =	vst v33  }
0x25: {  	v15 =	vor.u32 $0x1806, v22;
	[tilespmem:$0x1FE10] =	vst v28  }
0x26: {  	v16 =	vor.u32 $0x1C06, v22;
	[tilespmem:$0x1FE20] =	vst v15  }
0x27: {  	v17 =	vor.u32 $0x807, v22;
	[tilespmem:$0x1FE30] =	vst v16  }
0x28: {  	v18 =	vor.u32 $0xC07, v22;
	[tilespmem:$0x1FE40] =	vst v17  }
0x29: {  	v19 =	vor.u32 $0x1007, v22;
	[tilespmem:$0x1FE50] =	vst v18  }
0x2a: {  	v20 =	vor.u32 $0x1407, v22;
	[tilespmem:$0x1FE60] =	vst v19  }
0x2b: {  	v40 =	vor.u32 $0x1807, v22;
	[tilespmem:$0x1FE70] =	vst v20  }
0x2c: {  	v27 =	vor.u32 $0x7, v22;
	[tilespmem:$0x1FE80] =	vst v40  }
0x2d: {  	v34 =	vor.u32 $0x407, v22;
	[tilespmem:$0x1FE90] =	vst v27  }
0x2e: {  	v31 =	vor.u32 $0x5, v22;
	[tilespmem:$0x1FEA0] =	vst v34  }
0x2f: {  	v32 =	vor.u32 $0x6, v22;
	[tilespmem:$0x1FEB0] =	vst v31  }
0x30: {  	v38 =	vor.u32 $0x804, v22;
	[tilespmem:$0x1FEC0] =	vst v32  }
0x31: {  	v45 =	vor.u32 $0x1C00, v22;
	[tilespmem:$0x1FED0] =	vst v38  }
0x32: {  	v35 =	vor.u32 $0x1004, v22;
	[tilespmem:$0x1FEE0] =	vst v45  }
0x33: {  	v61 =	vor.u32 $0xC04, v22;
	[tilespmem:$0x1FEF0] =	vst v35  }
0x34: {  	v26 =	vor.u32 $0x1C03, v22;
	[tilespmem:$0x1FF00] =	vst v61  }
0x35: {  	v53 =	vor.u32 $0x401, v22;
	[tilespmem:$0x1FF10] =	vst v26  }
0x36: {  	v60 =	vor.u32 $0x801, v22;
	[tilespmem:$0x1FF20] =	vst v53  }
0x37: {  	v42 =	vor.u32 $0xC01, v22;
	[tilespmem:$0x1FF30] =	vst v60  }
0x38: {  	v51 =	vor.u32 $0x1001, v22;
	[tilespmem:$0x1FF40] =	vst v42  }
0x39: {  	s3 =	srdreg.scid;
	s4 =	stileid.u32;
	v54 =	vor.u32 $0x1800, v22;
	[tilespmem:$0x1FF50] =	vst v51  }
0x3a: {  	s9 =	simm.s32 $0x80;
	s10 =	simm.s32 $0x3200;
	s11 =	simm.s32 $0x5200;
	v43 =	vor.u32 $0x1401, v22;
	[tilespmem:$0x1FF60] =	vst v54  }
0x3b: {  	s13 =	simm.s32 $0x7200;
	s14 =	simm.s32 $0x180;
	s15 =	simm.s32 $0x9200;
	v46 =	vor.u32 $0x403, v22;
	[tilespmem:$0x1FF70] =	vst v43  }
0x3c: {  	s16 =	simm.s32 $0x1;
	s17 =	simm.s32 $0x400;
	s18 =	simm.s32 $0xB200;
	v48 =	vor.u32 $0x803, v22;
	[tilespmem:$0x1FF80] =	vst v46  }
0x3d: {  	s19 =	simm.s32 $0x2;
	s20 =	simm.s32 $0xD200;
	s21 =	simm.s32 $0x3;
	v52 =	vor.u32 $0xC03, v22;
	[tilespmem:$0x1FF90] =	vst v48  }
0x3e: {  	s22 =	simm.s32 $0x5;
	s23 =	simm.s32 $0x4;
	s24 =	simm.s32 $0x6;
	v50 =	vor.u32 $0x1003, v22;
	[tilespmem:$0x1FFA0] =	vst v52  }
.Ltmp0:
0x3f: {  	s3 =	sand.u32 $0x1, s3;
	s4 =	sshll.u32 s4, $0x1;
	v57 =	vor.u32 $0x1403, v22;
	[tilespmem:$0x1FFB0] =	vst v50;
	(pc) =	sbr.rel .LBB2_1-.Ltmp0, $4  }
0x40: {  	s25 =	simm.s32 $0x0;
	s5 =	ssub.s32 $0x2, s3;
	s6 =	sor.u32 s3, s4;
	v63 =	vor.u32 $0x1404, v22;
	[tilespmem:$0x1FFC0] =	vst v57  }
0x41: {  	s3 =	sadd.s32 $0xF42A00, s1;
	v49 =	vor.u32 $0x1803, v22;
	s7 =	sshrl.u32 s5, $0x1;
	s8 =	smul.u32 $0x640, s6;
	[tilespmem:$0x1FFD0] =	vst v63  }
0x42: {  	s4 =	sadd.s32 $0x600, s1;
	v25 =	vor.u32 $0x4, v22;
	s6 =	smul.u32 $0x64, s6;
	s31 =	ssub.s32 s5, s7;
	[tilespmem:$0x1FFE0] =	vst v49  }
0x43: {  	s5 =	sadd.s32 s0, s8;
	s7 =	smax.u32 s31, $0x1;
	s8 =	simm.s32 $0x7;
	[tilespmem:$0x1FFF0] =	vst v25  }
.LBB2_12:
0x44: {  	s25 =	sadd.s32 $0x1, s25  }
0x45: {  	_ =	swait.ge [sflag:s22], $0x2000;
	p0 =	sne.s32 s25, s7  }
.Ltmp1:
0x46: {  	[sflag:s22] =	ssyncset.done $0x0;
	(pc) =	sbr.rel @!p0 .LBB2_13-.Ltmp1, $4  }
0x47: {  	[sflag:s22] =	ssyncadd.s32 $0xFFFFE000  }
0x48: {  	_ =	swait.ge [sflag:s24], $0x2000  }
0x49: {  	[sflag:s24] =	ssyncset.done $0x0  }
0x4a: {  	[sflag:s24] =	ssyncadd.s32 $0xFFFFE000  }
.LBB2_1:
0x4b: {  	[tilespmem:s2], [sflag:$0x7] =	stream.linear.gather [hbm4b:s5+s2], $0x3200, $0x38;
	[tilespmem:$0xF200] =	vst v63  }
0x4c: {  	_ =	swait.ge [sflag:s8], $0x3200  }
0x4d: {  	[sflag:s8] =	ssyncset.done $0x0  }
0x4e: {  	[sflag:s8] =	ssyncadd.s32 $0xFFFFCE00  }
0x4f: {  	[tilespmem:s10], [sflag:$0x1] =	stream.indirect.gather [hbm4b:s3+s9], $0x40, s2, s9, $0xb8;
	[tilespmem:$0xF200] =	vst v63  }
0x50: {  	_ = 	snop  }
0x51: {  	[tilespmem:s11], [sflag:$0x2] =	stream.indirect.gather [hbm4b:s3+s9], $0x40, s9, s9, $0xb8;
	[tilespmem:$0xF200] =	vst v63  }
0x52: {  	s0 =	simm.s32 $0x100  }
0x53: {  	[tilespmem:s13], [sflag:$0x3] =	stream.indirect.gather [hbm4b:s3+s9], $0x40, s0, s9, $0xb8;
	[tilespmem:$0xF200] =	vst v63  }
0x54: {  	s26 =	simm.s32 $0x0  }
0x55: {  	v58 =	vmov v52;
	[tilespmem:s15], [sflag:$0x4] =	stream.indirect.gather [hbm4b:s3+s9], $0x40, s14, s9, $0xb8;
	[tilespmem:$0xF200] =	vst v63  }
.LBB2_2:
0x56: {  	s0 =	simm.s32 $0x0;
	s31 =	simm.s32 $0x1;
	s1 =	simm.s32 $0x2  }
0x57: {  	s12 =	simm.s32 $0x3;
	s28 =	simm.s32 $0x5;
	v0 =	vmov s0;
	v2 =	vmov s31;
	v3 =	vmov s1  }
0x58: {  	s31 =	simm.s32 $0x4;
	v4 =	vmov s12;
	s12 =	simm.s32 $0x6;
	v7 =	vmov s28;
	s28 =	simm.s32 $0x8;
	v0 =	vshrl.u32 v0, $0x3  }
0x59: {  	s1 =	simm.s32 $0xC;
	v6 =	vmov s31;
	v8 =	vmov s12;
	v10 =	vmov s28  }
0x5a: {  	v14 =	vmov s1;
	v2 =	vshrl.u32 v2, $0x3;
	v3 =	vshrl.u32 v3, $0x3  }
0x5b: {  	s31 =	simm.s32 $0x7;
	s12 =	simm.s32 $0x9;
	s28 =	simm.s32 $0xB;
	v4 =	vshrl.u32 v4, $0x3;
	v7 =	vshrl.u32 v7, $0x3;
	v0 =	vshll.u32 v0, v1  }
0x5c: {  	_ =	swait.ge [sflag:s16], $0x2000;
	p1 =	seq.s32 s26, $0x0;
	v9 =	vmov s31;
	v11 =	vmov s12;
	v13 =	vmov s28  }
0x5d: {  	[sflag:s16] =	ssyncset.done $0x0;
	s0 =	simm.s32 @!p1 $0x5;
	v6 =	vshrl.u32 v6, $0x3;
	v8 =	vshrl.u32 v8, $0x3;
	v10 =	vshrl.u32 v10, $0x3  }
0x5e: {  	[sflag:s16] =	ssyncadd.s32 $0xFFFFE000;
	s31 =	simm.s32 $0xA;
	s12 =	simm.s32 $0xD;
	v2 =	vshll.u32 v2, v1;
	v3 =	vshll.u32 v3, v1;
	v4 =	vshll.u32 v4, v1  }
0x5f: {  	s28 =	simm.s32 $0xE;
	_ =	swait.ge @!p1 [sflag:s0], $0x2000;
	v43 =	vbroadcast v0, $0x0;
	v12 =	vmov s31;
	v15 =	vmov s12  }
0x60: {  	v16 =	vmov s28;
	v9 =	vshrl.u32 v9, $0x3;
	v19 =	vshrl.u32 v11, $0x3;
	v5 =	vld [tilespmem:$0x1FC50]  }
0x61: {  	v21 =	vshrl.u32 v13, $0x3;
	v17 =	vbroadcast v2, $0x0;
	v2 =	vshll.u32 v6, v1  }
0x62: {  	v20 =	vshrl.u32 v12, $0x3;
	v23 =	vshrl.u32 v15, $0x3;
	v24 =	vshrl.u32 v16, $0x3  }
0x63: {  	v30 =	vld [tilespmem:$0x1FCD0];
	v16 =	vbroadcast v3, $0x0;
	v3 =	vshll.u32 v7, v1;
	v15 =	vbroadcast v4, $0x0  }
0x64: {  	v57 =	vmovc v22;
	v4 =	vshll.u32 v8, v1;
	v0 =	vor.u32 v22, v43;
	v22 =	vshrl.u32 v14, $0x3  }
0x65: {  	v6 =	vor.u32 v44, v17;
	v14 =	vbroadcast v2, $0x0;
	v7 =	vor.u32 v5, v16  }
0x66: {  	s31 =	simm.s32 $0xF;
	v2 =	vshll.u32 v9, v1;
	v11 =	vbroadcast v3, $0x0;
	v3 =	vshll.u32 v10, v1  }
0x67: {  	[sflag:s0] =	ssyncset.done @!p1 $0x0;
	v39 =	vld [tilespmem:$0x1FC60];
	v12 =	vbroadcast v4, $0x0;
	v4 =	vmov s31;
	v9 =	vor.u32 v25, v14  }
0x68: {  	v40 =	vld [tilespmem:$0x1FCE0];
	[sflag:s0] =	ssyncadd.s32 @!p1 $0xFFFFE000;
	v18 =	vbroadcast v2, $0x0;
	v2 =	vshrl.u32 v4, $0x3;
	v8 =	vor.u32 v30, v15  }
0x69: {  	v54 =	vbroadcast v3, $0x0;
	v10 =	vor.u32 v31, v11;
	v2 =	vshll.u32 v2, v1;
	v0 =	vld.idx.msk [tilespmem:v0+s10+$0x0], $0xffff  }
0x6a: {  	v4 =	vor.u32 v32, v12;
	v2 =	vbroadcast v2, $0x0;
	v26 =	vld.idx.msk [tilespmem:v7+s10+$0x0], $0xffff;
	v7 =	vshll.u32 v19, v1  }
0x6b: {  	v3 =	vor.u32 v27, v18;
	v25 =	vld.idx.msk [tilespmem:v6+s10+$0x0], $0xffff;
	v13 =	vbroadcast v7, $0x0;
	v7 =	vshll.u32 v20, v1  }
0x6c: {  	v20 =	vld.idx.msk [tilespmem:v9+s10+$0x0], $0xffff;
	v9 =	vbroadcast v7, $0x0;
	v7 =	vshll.u32 v21, v1;
	v21 =	vor.u32 v27, v2  }
0x6d: {  	v8 =	vld.idx.msk [tilespmem:v8+s10+$0x0], $0xffff  }
0x6e: {  	v19 =	vor.u32 v57, v54;
	v27 =	vld.idx.msk [tilespmem:v10+s10+$0x0], $0xffff  }
0x6f: {  	v28 =	vor.u32 v44, v13;
	v59 =	vbroadcast v7, $0x0;
	v7 =	vshll.u32 v22, v1;
	v22 =	vld.idx.msk [tilespmem:v4+s10+$0x0], $0xffff  }
0x70: {  	v4 =	vshll.u32 v23, v1;
	v23 =	vld.idx.msk [tilespmem:v3+s10+$0x0], $0xffff;
	v29 =	vor.u32 v5, v9  }
0x71: {  	v30 =	vor.u32 v30, v59;
	v21 =	vld.idx.msk [tilespmem:v21+s10+$0x0], $0xffff  }
0x72: {  	v3 =	vld [tilespmem:$0x1FFF0]  }
0x73: {  	v52 =	vbroadcast v4, $0x0;
	v4 =	vshll.u32 v24, v1;
	v19 =	vld.idx.msk [tilespmem:v19+s10+$0x0], $0xffff  }
0x74: {  	s29 =	simm.s32 $0xB600;
	v41 =	vbroadcast v4, $0x0;
	v28 =	vld.idx.msk [tilespmem:v28+s10+$0x0], $0xffff  }
0x75: {  	[tilespmem:s29+$0xFFFFFC80] =	vst v25;
	v31 =	vor.u32 v31, v52;
	v29 =	vld.idx.msk [tilespmem:v29+s10+$0x0], $0xffff  }
0x76: {  	v7 =	vbroadcast v7, $0x0;
	v32 =	vor.u32 v32, v41;
	v30 =	vld.idx.msk [tilespmem:v30+s10+$0x0], $0xffff;
	[tilespmem:s29+$0x380] =	vst v21  }
0x77: {  	v33 =	vor.u32 v34, v2;
	v4 =	vld [tilespmem:$0x1FD60];
	[tilespmem:s29+$0xFFFFFD00] =	vst v26  }
0x78: {  	v24 =	vor.u32 v3, v7;
	v10 =	vld [tilespmem:$0x1FDD0];
	[tilespmem:s29+$0xFFFFFD80] =	vst v8  }
0x79: {  	v3 =	vmov v34;
	v34 =	vor.u32 v53, v17;
	v6 =	vld [tilespmem:$0x1FE40]  }
0x7a: {  	v56 =	vmov v53;
	v53 =	vmov v35;
	v35 =	vor.u32 v39, v16;
	v31 =	vld.idx.msk [tilespmem:v31+s10+$0x0], $0xffff  }
0x7b: {  	v36 =	vor.u32 v46, v15;
	v32 =	vld.idx.msk [tilespmem:v32+s10+$0x0], $0xffff;
	[tilespmem:s29+$0xFFFFFE00] =	vst v20  }
0x7c: {  	v37 =	vor.u32 v40, v14;
	v25 =	vld.idx.msk [tilespmem:v33+s10+$0x0], $0xffff;
	[tilespmem:s29+$0xFFFFFE80] =	vst v27  }
0x7d: {  	v24 =	vld.idx.msk [tilespmem:v24+s10+$0x0], $0xffff;
	[tilespmem:s29+$0xFFFFFF00] =	vst v22  }
0x7e: {  	v33 =	vld.idx.msk [tilespmem:v34+s10+$0x0], $0xffff;
	[tilespmem:s29+$0xFFFFFF80] =	vst v23;
	v8 =	vor.u32 v6, v2  }
0x7f: {  	v34 =	vld.idx.msk [tilespmem:v35+s10+$0x0], $0xffff;
	v20 =	vor.u32 v3, v18;
	[tilespmem:s29+$0x0] =	vst v19  }
0x80: {  	v35 =	vld.idx.msk [tilespmem:v36+s10+$0x0], $0xffff;
	v27 =	vor.u32 v47, v54;
	[tilespmem:s29+$0x80] =	vst v28  }
0x81: {  	v22 =	vor.u32 v56, v13;
	v36 =	vld.idx.msk [tilespmem:v37+s10+$0x0], $0xffff;
	[tilespmem:s29+$0x390] =	vst v25  }
0x82: {  	v56 =	vor.u32 v39, v9;
	v3 =	vld [tilespmem:$0x1FE50]  }
0x83: {  	v23 =	vor.u32 v46, v59;
	v8 =	vld.idx.msk [tilespmem:v8+s10+$0x0], $0xffff  }
0x84: {  	v20 =	vld.idx.msk [tilespmem:v20+s10+$0x0], $0xffff  }
0x85: {  	v21 =	vor.u32 v4, v11;
	[tilespmem:s29+$0x100] =	vst v29;
	v25 =	vld.idx.msk [tilespmem:v27+s10+$0x0], $0xffff  }
0x86: {  	v26 =	vor.u32 v10, v12;
	[tilespmem:s29+$0x180] =	vst v30;
	v22 =	vld.idx.msk [tilespmem:v22+s10+$0x0], $0xffff  }
0x87: {  	[tilespmem:s29+$0x200] =	vst v24;
	v29 =	vld.idx.msk [tilespmem:v56+s10+$0x0], $0xffff  }
0x88: {  	v23 =	vld.idx.msk [tilespmem:v23+s10+$0x0], $0xffff;
	v27 =	vor.u32 v3, v2;
	[tilespmem:s29+$0x3A0] =	vst v8  }
0x89: {  	v19 =	vor.u32 v40, v7;
	v40 =	vld [tilespmem:$0x1FC70];
	[tilespmem:s29+$0x280] =	vst v31  }
0x8a: {  	v21 =	vld.idx.msk [tilespmem:v21+s10+$0x0], $0xffff;
	[tilespmem:s29+$0x300] =	vst v32  }
0x8b: {  	v26 =	vld.idx.msk [tilespmem:v26+s10+$0x0], $0xffff;
	[tilespmem:s29+$0xFFFFFC00] =	vst v0  }
0x8c: {  	v28 =	vor.u32 v4, v52;
	v30 =	vor.u32 v10, v41;
	v4 =	vld [tilespmem:$0x1FE60];
	[tilespmem:s29+$0xFFFFFC90] =	vst v33  }
0x8d: {  	v56 =	vor.u32 v47, v43;
	v27 =	vld.idx.msk [tilespmem:v27+s10+$0x0], $0xffff;
	[tilespmem:s29+$0xFFFFFD10] =	vst v34  }
0x8e: {  	v10 =	vld [tilespmem:$0x1FD70];
	[tilespmem:s29+$0xFFFFFD90] =	vst v35  }
0x8f: {  	v39 =	vld [tilespmem:$0x1FDE0];
	[tilespmem:s29+$0xFFFFFE10] =	vst v36  }
0x90: {  	v24 =	vor.u32 v60, v17;
	v19 =	vld.idx.msk [tilespmem:v19+s10+$0x0], $0xffff;
	[tilespmem:s29+$0xFFFFFE90] =	vst v21  }
0x91: {  	v31 =	vor.u32 v48, v15;
	v0 =	vld.idx.msk [tilespmem:v30+s10+$0x0], $0xffff;
	[tilespmem:s29+$0xFFFFFF10] =	vst v26  }
0x92: {  	v32 =	vld.idx.msk [tilespmem:v56+s10+$0x0], $0xffff;
	[tilespmem:s29+$0x3B0] =	vst v27;
	v30 =	vor.u32 v4, v2  }
0x93: {  	v33 =	vor.u32 v38, v14;
	v56 =	vor.u32 v6, v18;
	v6 =	vld [tilespmem:$0x1FE70]  }
0x94: {  	v28 =	vld.idx.msk [tilespmem:v28+s10+$0x0], $0xffff  }
0x95: {  	v24 =	vld.idx.msk [tilespmem:v24+s10+$0x0], $0xffff;
	v21 =	vor.u32 v60, v13  }
0x96: {  	v8 =	vor.u32 v40, v16;
	v31 =	vld.idx.msk [tilespmem:v31+s10+$0x0], $0xffff  }
0x97: {  	[tilespmem:s29+$0xFFFFFF90] =	vst v20;
	v47 =	vor.u32 v39, v12;
	v30 =	vld.idx.msk [tilespmem:v30+s10+$0x0], $0xffff  }
0x98: {  	v33 =	vld.idx.msk [tilespmem:v33+s10+$0x0], $0xffff;
	[tilespmem:s29+$0x10] =	vst v25;
	v26 =	vor.u32 v6, v2  }
0x99: {  	[tilespmem:s29+$0x90] =	vst v22;
	v36 =	vld.idx.msk [tilespmem:v56+s10+$0x0], $0xffff  }
0x9a: {  	[tilespmem:s29+$0x110] =	vst v29;
	v21 =	vld.idx.msk [tilespmem:v21+s10+$0x0], $0xffff  }
0x9b: {  	v27 =	vor.u32 v55, v54;
	[tilespmem:s29+$0x190] =	vst v23;
	v8 =	vld.idx.msk [tilespmem:v8+s10+$0x0], $0xffff  }
0x9c: {  	v20 =	vor.u32 v40, v9;
	v35 =	vld.idx.msk [tilespmem:v47+s10+$0x0], $0xffff;
	[tilespmem:s29+$0x3C0] =	vst v30  }
0x9d: {  	v25 =	vor.u32 v48, v59;
	[tilespmem:s29+$0x210] =	vst v19;
	v26 =	vld.idx.msk [tilespmem:v26+s10+$0x0], $0xffff  }
0x9e: {  	v34 =	vor.u32 v10, v11;
	v47 =	vor.u32 v10, v52;
	v10 =	vld [tilespmem:$0x1FE80];
	[tilespmem:s29+$0x290] =	vst v28  }
0x9f: {  	v56 =	vld [tilespmem:$0x1FC80];
	[tilespmem:s29+$0x310] =	vst v0  }
0xa0: {  	v22 =	vor.u32 v38, v7;
	v27 =	vld.idx.msk [tilespmem:v27+s10+$0x0], $0xffff;
	[tilespmem:s29+$0xFFFFFC10] =	vst v32  }
0xa1: {  	v20 =	vld.idx.msk [tilespmem:v20+s10+$0x0], $0xffff;
	[tilespmem:s29+$0xFFFFFCA0] =	vst v24  }
0xa2: {  	v23 =	vld.idx.msk [tilespmem:v25+s10+$0x0], $0xffff;
	[tilespmem:s29+$0x3D0] =	vst v26  }
0xa3: {  	v29 =	vor.u32 v39, v41;
	v0 =	vmov v5;
	v5 =	vld [tilespmem:$0x1FD80];
	[tilespmem:s29+$0xFFFFFD20] =	vst v8  }
0xa4: {  	v28 =	vor.u32 v56, v16;
	v39 =	vld [tilespmem:$0x1FDF0]  }
0xa5: {  	v25 =	vor.u32 v42, v17;
	v22 =	vld.idx.msk [tilespmem:v22+s10+$0x0], $0xffff  }
0xa6: {  	v34 =	vld.idx.msk [tilespmem:v34+s10+$0x0], $0xffff;
	v32 =	vor.u32 v58, v15  }
0xa7: {  	v37 =	vld.idx.msk [tilespmem:v47+s10+$0x0], $0xffff;
	v19 =	vor.u32 v10, v2  }
0xa8: {  	s1 =	simm.s32 $0x10;
	v38 =	vor.u32 v61, v14;
	v40 =	vor.u32 $0x1C07, v57;
	v29 =	vld.idx.msk [tilespmem:v29+s10+$0x0], $0xffff  }
0xa9: {  	v26 =	vld.idx.msk [tilespmem:v28+s10+$0x0], $0xffff;
	v28 =	vor.u32 v40, v2;
	v2 =	vmov s1;
	v8 =	vor.u32 v39, v12  }
0xaa: {  	v30 =	vor.u32 v55, v43;
	v25 =	vld.idx.msk [tilespmem:v25+s10+$0x0], $0xffff;
	[tilespmem:s29+$0xFFFFFDA0] =	vst v31;
	v2 =	vshrl.u32 v2, $0x3  }
0xab: {  	v31 =	vld.idx.msk [tilespmem:v32+s10+$0x0], $0xffff;
	v32 =	vor.u32 v3, v18;
	v2 =	vshll.u32 v2, v1  }
0xac: {  	[tilespmem:s29+$0xFFFFFE20] =	vst v33;
	v19 =	vld.idx.msk [tilespmem:v19+s10+$0x0], $0xffff;
	v24 =	vor.u32 v5, v11;
	v2 =	vbroadcast v2, $0x0  }
0xad: {  	[tilespmem:s29+$0xFFFFFF20] =	vst v35;
	v33 =	vld.idx.msk [tilespmem:v38+s10+$0x0], $0xffff  }
0xae: {  	[tilespmem:s29+$0xFFFFFEA0] =	vst v34;
	v38 =	vld.idx.msk [tilespmem:v8+s10+$0x0], $0xffff;
	v8 =	vor.u32 v56, v9;
	v56 =	vor.u32 v57, v2  }
0xaf: {  	v30 =	vld.idx.msk [tilespmem:v30+s10+$0x0], $0xffff;
	v34 =	vor.u32 v62, v54;
	[tilespmem:s29+$0xFFFFFFA0] =	vst v36  }
0xb0: {  	v35 =	vor.u32 v42, v13;
	[tilespmem:s29+$0x20] =	vst v27;
	v32 =	vld.idx.msk [tilespmem:v32+s10+$0x0], $0xffff  }
0xb1: {  	v27 =	vor.u32 v61, v7;
	[tilespmem:s29+$0x3E0] =	vst v19;
	v24 =	vld.idx.msk [tilespmem:v24+s10+$0x0], $0xffff  }
0xb2: {  	v19 =	vor.u32 v58, v59;
	v28 =	vld.idx.msk [tilespmem:v28+s10+$0x0], $0xffff;
	[tilespmem:$0x1FB60] =	vst v2  }
0xb3: {  	[tilespmem:s29+$0xA0] =	vst v21;
	v2 =	vld.idx.msk [tilespmem:v56+s10+$0x0], $0xffff  }
0xb4: {  	v34 =	vld.idx.msk [tilespmem:v34+s10+$0x0], $0xffff;
	[tilespmem:s29+$0x120] =	vst v20  }
0xb5: {  	[tilespmem:s29+$0x220] =	vst v22;
	v21 =	vld.idx.msk [tilespmem:v35+s10+$0x0], $0xffff  }
0xb6: {  	[tilespmem:s29+$0x1A0] =	vst v23;
	v27 =	vld.idx.msk [tilespmem:v27+s10+$0x0], $0xffff  }
0xb7: {  	v19 =	vld.idx.msk [tilespmem:v19+s10+$0x0], $0xffff;
	[tilespmem:s29+$0x3F0] =	vst v28  }
0xb8: {  	v35 =	vld.idx.msk [tilespmem:v8+s10+$0x0], $0xffff;
	[tilespmem:$0x1FB70] =	vst v2  }
0xb9: {  	v8 =	vld [tilespmem:$0x1FC90];
	[tilespmem:s29+$0x2A0] =	vst v37  }
0xba: {  	v20 =	vor.u32 v5, v52;
	[tilespmem:s29+$0x320] =	vst v29  }
0xbb: {  	[tilespmem:s29+$0xFFFFFC20] =	vst v30  }
0xbc: {  	v23 =	vor.u32 v39, v41;
	[tilespmem:s29+$0xFFFFFCB0] =	vst v25  }
0xbd: {  	v3 =	vor.u32 v62, v43;
	v2 =	vld [tilespmem:$0x1FD90];
	[tilespmem:s29+$0xFFFFFD30] =	vst v26  }
0xbe: {  	v22 =	vor.u32 v51, v17;
	v5 =	vld [tilespmem:$0x1FE00];
	[tilespmem:s29+$0xFFFFFDB0] =	vst v31  }
0xbf: {  	v47 =	vmov v58;
	v58 =	vor.u32 v50, v15;
	v20 =	vld.idx.msk [tilespmem:v20+s10+$0x0], $0xffff;
	[tilespmem:s29+$0xFFFFFE30] =	vst v33  }
0xc0: {  	v28 =	vor.u32 v8, v16;
	v30 =	vor.u32 v4, v18;
	v4 =	vld [tilespmem:$0x1FC10];
	[tilespmem:s29+$0xFFFFFEB0] =	vst v24  }
0xc1: {  	v36 =	vor.u32 v8, v9;
	v23 =	vld.idx.msk [tilespmem:v23+s10+$0x0], $0xffff;
	[tilespmem:s29+$0xFFFFFF30] =	vst v38  }
0xc2: {  	v3 =	vld.idx.msk [tilespmem:v3+s10+$0x0], $0xffff;
	[tilespmem:s29+$0xFFFFFFB0] =	vst v32  }
0xc3: {  	v56 =	vor.u32 v50, v59;
	v22 =	vld.idx.msk [tilespmem:v22+s10+$0x0], $0xffff;
	[tilespmem:s29+$0x30] =	vst v34  }
0xc4: {  	v29 =	vor.u32 v53, v14;
	v31 =	vld.idx.msk [tilespmem:v58+s10+$0x0], $0xffff;
	[tilespmem:s29+$0xB0] =	vst v21  }
0xc5: {  	[tilespmem:s29+$0x130] =	vst v35;
	v28 =	vld.idx.msk [tilespmem:v28+s10+$0x0], $0xffff  }
0xc6: {  	v24 =	vor.u32 v51, v13;
	[tilespmem:s29+$0x1B0] =	vst v19;
	v36 =	vld.idx.msk [tilespmem:v36+s10+$0x0], $0xffff  }
0xc7: {  	v58 =	vor.u32 v53, v7;
	v38 =	vld [tilespmem:$0x1FF70]  }
0xc8: {  	v32 =	vld.idx.msk [tilespmem:v56+s10+$0x0], $0xffff;
	v25 =	vor.u32 v2, v11  }
0xc9: {  	v29 =	vld.idx.msk [tilespmem:v29+s10+$0x0], $0xffff;
	v61 =	vor.u32 v4, v54  }
0xca: {  	v30 =	vld.idx.msk [tilespmem:v30+s10+$0x0], $0xffff  }
0xcb: {  	[tilespmem:s29+$0x230] =	vst v27;
	v24 =	vld.idx.msk [tilespmem:v24+s10+$0x0], $0xffff  }
0xcc: {  	v26 =	vor.u32 v5, v12;
	v34 =	vld.idx.msk [tilespmem:v58+s10+$0x0], $0xffff  }
0xcd: {  	v21 =	vor.u32 v2, v52;
	v25 =	vld.idx.msk [tilespmem:v25+s10+$0x0], $0xffff  }
0xce: {  	v33 =	vld.idx.msk [tilespmem:v61+s10+$0x0], $0xffff  }
0xcf: {  	v61 =	vor.u32 v5, v41;
	v5 =	vld [tilespmem:$0x1FCA0];
	[tilespmem:s29+$0x2B0] =	vst v20  }
0xd0: {  	v53 =	vor.u32 v4, v43;
	v8 =	vld [tilespmem:$0x1FFC0];
	[tilespmem:s29+$0x330] =	vst v23  }
0xd1: {  	v26 =	vld.idx.msk [tilespmem:v26+s10+$0x0], $0xffff;
	[tilespmem:s29+$0xFFFFFC30] =	vst v3  }
0xd2: {  	v19 =	vor.u32 v38, v17;
	v21 =	vld.idx.msk [tilespmem:v21+s10+$0x0], $0xffff;
	[tilespmem:s29+$0xFFFFFCC0] =	vst v22  }
0xd3: {  	v2 =	vld [tilespmem:$0x1FDA0];
	[tilespmem:s29+$0xFFFFFD40] =	vst v28  }
0xd4: {  	v3 =	vor.u32 v63, v14;
	v4 =	vld [tilespmem:$0x1FE10];
	[tilespmem:s29+$0xFFFFFDC0] =	vst v31  }
0xd5: {  	v35 =	vld.idx.msk [tilespmem:v53+s10+$0x0], $0xffff;
	v31 =	vor.u32 v6, v18;
	[tilespmem:s29+$0xFFFFFE40] =	vst v29  }
0xd6: {  	v53 =	vld [tilespmem:$0x1FC20];
	[tilespmem:s29+$0xFFFFFEC0] =	vst v25;
	v25 =	vor.u32 v38, v13  }
0xd7: {  	v19 =	vld.idx.msk [tilespmem:v19+s10+$0x0], $0xffff;
	v27 =	vor.u32 v5, v16  }
0xd8: {  	v23 =	vld.idx.msk [tilespmem:v61+s10+$0x0], $0xffff;
	v20 =	vor.u32 v8, v15  }
0xd9: {  	[tilespmem:s29+$0xFFFFFFC0] =	vst v30;
	v3 =	vld.idx.msk [tilespmem:v3+s10+$0x0], $0xffff;
	v22 =	vor.u32 v2, v11  }
0xda: {  	[tilespmem:s29+$0xC0] =	vst v24;
	v28 =	vor.u32 v4, v12;
	v31 =	vld.idx.msk [tilespmem:v31+s10+$0x0], $0xffff  }
0xdb: {  	v29 =	vor.u32 v53, v54;
	v25 =	vld.idx.msk [tilespmem:v25+s10+$0x0], $0xffff  }
0xdc: {  	v27 =	vld.idx.msk [tilespmem:v27+s10+$0x0], $0xffff  }
0xdd: {  	[tilespmem:s29+$0xFFFFFF40] =	vst v26;
	v20 =	vld.idx.msk [tilespmem:v20+s10+$0x0], $0xffff  }
0xde: {  	[tilespmem:s29+$0x140] =	vst v36;
	v22 =	vld.idx.msk [tilespmem:v22+s10+$0x0], $0xffff  }
0xdf: {  	[tilespmem:s29+$0x40] =	vst v33;
	v28 =	vld.idx.msk [tilespmem:v28+s10+$0x0], $0xffff  }
0xe0: {  	v29 =	vld.idx.msk [tilespmem:v29+s10+$0x0], $0xffff;
	[tilespmem:$0x1FBE0] =	vst v43  }
0xe1: {  	[tilespmem:s29+$0x1C0] =	vst v32  }
0xe2: {  	v24 =	vor.u32 v2, v52;
	v2 =	vld [tilespmem:$0x1FC30];
	[tilespmem:s29+$0x240] =	vst v34  }
0xe3: {  	v30 =	vor.u32 v8, v59;
	v8 =	vld [tilespmem:$0x1FCB0];
	[tilespmem:s29+$0x2C0] =	vst v21  }
0xe4: {  	[tilespmem:s29+$0x340] =	vst v23  }
0xe5: {  	[tilespmem:s29+$0xFFFFFC40] =	vst v35  }
0xe6: {  	v26 =	vor.u32 v5, v9;
	v56 =	vor.u32 v4, v41;
	v4 =	vld [tilespmem:$0x1FD40];
	[tilespmem:s29+$0xFFFFFCD0] =	vst v19  }
0xe7: {  	v5 =	vld [tilespmem:$0x1FDB0];
	[tilespmem:s29+$0xFFFFFD50] =	vst v27  }
0xe8: {  	v33 =	vor.u32 v63, v7;
	v6 =	vld [tilespmem:$0x1FE20];
	_ =	sdelay $0x2  }
0xe9: {  	v58 =	vor.u32 v53, v43;
	v26 =	vld.idx.msk [tilespmem:v26+s10+$0x0], $0xffff  }
0xea: {  	v30 =	vld.idx.msk [tilespmem:v30+s10+$0x0], $0xffff  }
0xeb: {  	v33 =	vld.idx.msk [tilespmem:v33+s10+$0x0], $0xffff;
	v27 =	vor.u32 v6, v12  }
0xec: {  	v21 =	vor.u32 v49, v15;
	v24 =	vld.idx.msk [tilespmem:v24+s10+$0x0], $0xffff  }
0xed: {  	v56 =	vld.idx.msk [tilespmem:v56+s10+$0x0], $0xffff;
	[tilespmem:s29+$0xFFFFFDD0] =	vst v20;
	v32 =	vor.u32 v2, v17  }
0xee: {  	v58 =	vld.idx.msk [tilespmem:v58+s10+$0x0], $0xffff;
	[tilespmem:s29+$0xFFFFFE50] =	vst v3;
	v61 =	vor.u32 v8, v16  }
0xef: {  	v20 =	vor.u32 v10, v18;
	v10 =	vld [tilespmem:$0x1FF60];
	[tilespmem:s29+$0xFFFFFF50] =	vst v28;
	v23 =	vor.u32 v4, v14  }
0xf0: {  	[tilespmem:s29+$0xFFFFFED0] =	vst v22;
	v22 =	vor.u32 v2, v13;
	v19 =	vor.u32 v5, v11;
	v2 =	vld.idx.msk [tilespmem:v27+s10+$0x0], $0xffff  }
0xf1: {  	v21 =	vld.idx.msk [tilespmem:v21+s10+$0x0], $0xffff  }
0xf2: {  	v32 =	vld.idx.msk [tilespmem:v32+s10+$0x0], $0xffff  }
0xf3: {  	v34 =	vld.idx.msk [tilespmem:v61+s10+$0x0], $0xffff  }
0xf4: {  	v23 =	vld.idx.msk [tilespmem:v23+s10+$0x0], $0xffff  }
0xf5: {  	v19 =	vld.idx.msk [tilespmem:v19+s10+$0x0], $0xffff;
	[tilespmem:$0x1FB90] =	vst v2  }
0xf6: {  	[tilespmem:s29+$0xFFFFFFD0] =	vst v31  }
0xf7: {  	[tilespmem:s29+$0x50] =	vst v29  }
0xf8: {  	v2 =	vor.u32 v40, v18;
	v20 =	vld.idx.msk [tilespmem:v20+s10+$0x0], $0xffff;
	[tilespmem:$0x1FB80] =	vst v40  }
0xf9: {  	[tilespmem:$0x1FBA0] =	vst v2  }
0xfa: {  	[tilespmem:s29+$0xD0] =	vst v25  }
0xfb: {  	v3 =	vor.u32 v10, v54;
	v2 =	vld.idx.msk [tilespmem:v22+s10+$0x0], $0xffff;
	_ =	sdelay $0x1  }
0xfc: {  	v28 =	vor.u32 v8, v9;
	_ =	sdelay $0x2  }
0xfd: {  	v31 =	vld.idx.msk [tilespmem:v3+s10+$0x0], $0xffff;
	[tilespmem:$0x1FBB0] =	vst v2  }
0xfe: {  	[tilespmem:s29+$0x150] =	vst v26  }
0xff: {  	v2 =	vld.idx.msk [tilespmem:v28+s10+$0x0], $0xffff;
	_ =	sdelay $0x1  }
0x100: {  	v27 =	vor.u32 v49, v59;
	_ =	sdelay $0x2  }
0x101: {  	[tilespmem:$0x1FBC0] =	vst v2  }
0x102: {  	[tilespmem:s29+$0x1D0] =	vst v30  }
0x103: {  	v2 =	vld.idx.msk [tilespmem:v27+s10+$0x0], $0xffff;
	_ =	sdelay $0x1  }
0x104: {  	v29 =	vor.u32 v4, v7;
	_ =	sdelay $0x2  }
0x105: {  	[tilespmem:$0x1FBD0] =	vst v2  }
0x106: {  	v3 =	vor.u32 v10, v43;
	v10 =	vld [tilespmem:$0x1FC40];
	[tilespmem:s29+$0x250] =	vst v33  }
0x107: {  	v2 =	vld.idx.msk [tilespmem:v29+s10+$0x0], $0xffff;
	_ =	sdelay $0x2  }
0x108: {  	v22 =	vor.u32 v6, v41;
	_ =	sdelay $0x1  }
0x109: {  	[tilespmem:$0x1FBF0] =	vst v2  }
0x10a: {  	v40 =	vld [tilespmem:$0x1FCC0];
	[tilespmem:s29+$0x2D0] =	vst v24  }
0x10b: {  	v43 =	vmov v51;
	v51 =	vld [tilespmem:$0x1FF10];
	[tilespmem:s29+$0x350] =	vst v56  }
0x10c: {  	v18 =	vor.u32 v5, v52;
	v8 =	vld.idx.msk [tilespmem:v22+s10+$0x0], $0xffff;
	_ =	sdelay $0x3  }
0x10d: {  	[tilespmem:s29+$0xFFFFFC50] =	vst v58  }
0x10e: {  	v18 =	vld.idx.msk [tilespmem:v18+s10+$0x0], $0xffff;
	[tilespmem:$0x1FC00] =	vst v8  }
0x10f: {  	v2 =	vld [tilespmem:$0x1FD50];
	[tilespmem:s29+$0xFFFFFCE0] =	vst v32  }
0x110: {  	v17 =	vor.u32 v10, v17;
	v8 =	vld [tilespmem:$0x1FDC0];
	_ =	sdelay $0x1  }
0x111: {  	s31 =	simm.s32 $0x12  }
0x112: {  	s12 =	simm.s32 $0x11;
	v38 =	vmov s31;
	s31 =	simm.s32 $0x14;
	v22 =	vmovc v57;
	v57 =	vmov v55;
	v55 =	vmov v62;
	v62 =	vld.idx.msk [tilespmem:v3+s10+$0x0], $0xffff;
	[tilespmem:s29+$0xFFFFFD60] =	vst v34  }
0x113: {  	v25 =	vmov s12;
	s12 =	simm.s32 $0x13;
	v6 =	vmov s31;
	v39 =	vld [tilespmem:$0x1FE30]  }
0x114: {  	s31 =	simm.s32 $0x16;
	v26 =	vmov s12;
	[tilespmem:s29+$0xFFFFFDE0] =	vst v21;
	v3 =	vor.u32 v8, v11;
	v11 =	vshrl.u32 v25, $0x3;
	v25 =	vld.idx.msk [tilespmem:v17+s10+$0x0], $0xffff  }
0x115: {  	v30 =	vmov s31;
	s31 =	simm.s32 $0x18;
	v17 =	vshrl.u32 v26, $0x3;
	v26 =	vld [tilespmem:$0x1FFF0];
	[tilespmem:s29+$0xFFFFFE60] =	vst v23  }
0x116: {  	v5 =	vmov s31;
	[tilespmem:s29+$0xFFFFFEE0] =	vst v19  }
0x117: {  	v14 =	vor.u32 v2, v14;
	v23 =	vshrl.u32 v5, $0x3;
	v5 =	vor.u32 v10, v13;
	v10 =	vld [tilespmem:$0x1FB90];
	_ =	sdelay $0x2  }
0x118: {  	s12 =	simm.s32 $0x15;
	[tilespmem:s29+$0xFFFFFFE0] =	vst v20  }
0x119: {  	v28 =	vmov s12;
	[tilespmem:s29+$0x60] =	vst v31  }
0x11a: {  	v34 =	vshrl.u32 v38, $0x3;
	v38 =	vshrl.u32 v28, $0x3;
	v28 =	vld.idx.msk [tilespmem:v14+s10+$0x0], $0xffff;
	[tilespmem:s29+$0xFFFFFF60] =	vst v10  }
0x11b: {  	v14 =	vor.u32 v51, v59;
	v59 =	vor.u32 v2, v7;
	v2 =	vld [tilespmem:$0x1FBB0];
	_ =	sdelay $0x1  }
0x11c: {  	v10 =	vld [tilespmem:$0x1FBA0];
	_ =	sdelay $0x2  }
0x11d: {  	[tilespmem:s29+$0xE0] =	vst v2  }
0x11e: {  	v2 =	vld [tilespmem:$0x1FBC0];
	_ =	sdelay $0x3  }
0x11f: {  	v31 =	vld.idx.msk [tilespmem:v10+s10+$0x0], $0xffff  }
0x120: {  	v10 =	vor.u32 v8, v52;
	v8 =	vld [tilespmem:$0x1FD10];
	[tilespmem:s29+$0x160] =	vst v2  }
0x121: {  	v2 =	vld [tilespmem:$0x1FBD0];
	_ =	sdelay $0x3  }
0x122: {  	v15 =	vor.u32 v51, v15  }
0x123: {  	[tilespmem:s29+$0x1E0] =	vst v2  }
0x124: {  	v2 =	vld [tilespmem:$0x1FBE0];
	_ =	sdelay $0x1  }
0x125: {  	s31 =	simm.s32 $0x1A  }
0x126: {  	v29 =	vmov s31;
	v56 =	vld.idx.msk [tilespmem:v15+s10+$0x0], $0xffff  }
0x127: {  	v15 =	vor.u32 v45, v54;
	v54 =	vmov v63;
	v63 =	vshrl.u32 v29, $0x3;
	v29 =	vld.idx.msk [tilespmem:v3+s10+$0x0], $0xffff  }
0x128: {  	v3 =	vshll.u32 v11, v1;
	v11 =	vor.u32 v45, v2;
	v2 =	vld [tilespmem:$0x1FBF0];
	_ =	sdelay $0x2  }
0x129: {  	v16 =	vor.u32 v40, v16  }
0x12a: {  	v45 =	vld [tilespmem:$0x1FF20];
	[tilespmem:s29+$0x2E0] =	vst v18  }
0x12b: {  	v12 =	vor.u32 v39, v12;
	[tilespmem:s29+$0x260] =	vst v2  }
0x12c: {  	s31 =	simm.s32 $0x1C;
	v2 =	vld [tilespmem:$0x1FC00]  }
0x12d: {  	s12 =	simm.s32 $0x17;
	v4 =	vmov s31;
	s31 =	simm.s32 $0x1E  }
0x12e: {  	v33 =	vmov s12;
	s12 =	simm.s32 $0x19;
	v9 =	vor.u32 v40, v9;
	v32 =	vmov s31;
	v27 =	vld.idx.msk [tilespmem:v16+s10+$0x0], $0xffff  }
0x12f: {  	v6 =	vshrl.u32 v6, $0x3;
	v24 =	vmov s12;
	s12 =	simm.s32 $0x1B;
	v19 =	vshrl.u32 v32, $0x3;
	v32 =	vld.idx.msk [tilespmem:v15+s10+$0x0], $0xffff  }
0x130: {  	v6 =	vshll.u32 v6, v1;
	v35 =	vmov s12;
	s12 =	simm.s32 $0x1D;
	v16 =	vshrl.u32 v30, $0x3;
	v30 =	vld.idx.msk [tilespmem:v12+s10+$0x0], $0xffff  }
0x131: {  	v61 =	vmovc v46;
	v37 =	vshrl.u32 v33, $0x3;
	v46 =	vshrl.u32 v24, $0x3;
	v36 =	vmov s12;
	v33 =	vld.idx.msk [tilespmem:v5+s10+$0x0], $0xffff;
	[tilespmem:s29+$0x360] =	vst v2  }
0x132: {  	v58 =	vmovc v49;
	v49 =	vmovc v47;
	v47 =	vshrl.u32 v35, $0x3;
	v21 =	vshrl.u32 v36, $0x3;
	v38 =	vshll.u32 v38, v1;
	v2 =	vld [tilespmem:$0x1FCD0]  }
0x133: {  	v20 =	vshrl.u32 v4, $0x3;
	v4 =	vshll.u32 v34, v1;
	v3 =	vbroadcast v3, $0x0;
	v34 =	vld.idx.msk [tilespmem:v9+s10+$0x0], $0xffff  }
0x134: {  	v7 =	vshll.u32 v17, v1;
	v17 =	vshll.u32 v37, v1;
	v12 =	vor.u32 v39, v41;
	v35 =	vld.idx.msk [tilespmem:v14+s10+$0x0], $0xffff  }
0x135: {  	v4 =	vbroadcast v4, $0x0;
	v7 =	vbroadcast v7, $0x0;
	v13 =	vor.u32 v44, v3;
	v37 =	vld.idx.msk [tilespmem:v10+s10+$0x0], $0xffff  }
0x136: {  	v5 =	vbroadcast v6, $0x0;
	v6 =	vbroadcast v38, $0x0;
	v9 =	vshll.u32 v16, v1;
	v36 =	vld.idx.msk [tilespmem:v59+s10+$0x0], $0xffff  }
0x137: {  	s30 =	simm.s32 $0x20;
	s28 =	sshll.u32 s26, $0x2;
	s0 =	simm.s32 $0x1F;
	v16 =	vshll.u32 v23, v1;
	v14 =	vor.u32 v0, v4;
	v10 =	vld [tilespmem:$0x1FC10];
	v15 =	vor.u32 v2, v7  }
.LBB2_3:
0x138: {  	_ = 	snop  }
0x139: {  	[tilespmem:s29+$0xFFFFFC60] =	vst v62;
	v40 =	vld.idx.msk [tilespmem:v12+s10+$0x0], $0xffff  }
0x13a: {  	v2 =	vld [tilespmem:$0x1FB60];
	[tilespmem:s29+$0xFFFFFCF0] =	vst v25  }
0x13b: {  	[tilespmem:s29+$0xFFFFFD70] =	vst v27;
	v25 =	vld.idx.msk [tilespmem:v13+s10+$0x0], $0xffff  }
0x13c: {  	[tilespmem:s29+$0xFFFFFDF0] =	vst v56;
	v27 =	vld.idx.msk [tilespmem:v14+s10+$0x0], $0xffff  }
0x13d: {  	v12 =	vshll.u32 v46, v1;
	[tilespmem:s29+$0xFFFFFE70] =	vst v28;
	v38 =	vor.u32 v26, v5;
	v24 =	vld.idx.msk [tilespmem:v15+s10+$0x0], $0xffff  }
0x13e: {  	[tilespmem:s29+$0xFFFFFEF0] =	vst v29;
	v13 =	vbroadcast v12, $0x0;
	v12 =	vshll.u32 v63, v1;
	v52 =	vmovc v10;
	v10 =	vbroadcast v9, $0x0;
	v9 =	vld [tilespmem:$0x1FEB0]  }
0x13f: {  	[tilespmem:s29+$0xF0] =	vst v33;
	v12 =	vbroadcast v12, $0x0;
	v51 =	vmovc v58;
	v58 =	vmovc v42;
	v42 =	vmov v60;
	v60 =	vmov v45;
	v45 =	vld [tilespmem:$0x1FEC0]  }
0x140: {  	[tilespmem:s29+$0xFFFFFF70] =	vst v30;
	v29 =	vor.u32 v44, v13;
	v62 =	vmovc v55;
	v55 =	vmov v57;
	v57 =	vmov v8;
	v8 =	vld [tilespmem:$0x1FE90]  }
0x141: {  	v39 =	vmov s0;
	[tilespmem:s29+$0x70] =	vst v32;
	v30 =	vor.u32 v0, v12;
	v0 =	vld [tilespmem:$0x1FCD0]  }
0x142: {  	[tilespmem:s29+$0xFFFFFFF0] =	vst v31;
	v59 =	vmov v2;
	v2 =	vshrl.u32 v39, $0x3;
	v39 =	vld.idx.msk [tilespmem:v11+s10+$0x0], $0xffff  }
0x143: {  	[tilespmem:s29+$0x370] =	vst v40;
	v40 =	vld [tilespmem:$0x1FCE0]  }
0x144: {  	v18 =	vbroadcast v17, $0x0;
	v14 =	vshll.u32 v47, v1;
	[tilespmem:s29+$0x170] =	vst v34;
	v23 =	vld.idx.msk [tilespmem:v38+s10+$0x0], $0xffff  }
0x145: {  	v47 =	vor.u32 v61, v7;
	v14 =	vbroadcast v14, $0x0;
	[tilespmem:s29+$0x1F0] =	vst v35;
	v2 =	vshll.u32 v2, v1;
	v29 =	vld.idx.msk [tilespmem:v29+s10+$0x0], $0xffff  }
0x146: {  	[tilespmem:s29+$0x270] =	vst v36;
	v11 =	vbroadcast v16, $0x0;
	v2 =	vbroadcast v2, $0x0;
	v41 =	vor.u32 v9, v6;
	v30 =	vld.idx.msk [tilespmem:v30+s10+$0x0], $0xffff  }
0x147: {  	v46 =	vmovc v26;
	v56 =	vmov v22;
	[tilespmem:s29+$0x2F0] =	vst v37;
	v17 =	vor.u32 v45, v10;
	v31 =	vor.u32 v0, v14;
	v0 =	vld [tilespmem:$0x1FEA0]  }
0x148: {  	v26 =	vor.u32 v22, v11;
	v16 =	vor.u32 v8, v18;
	v22 =	vor.u32 v8, v2;
	v8 =	vld [tilespmem:$0x1FD60];
	[tilespmem:s29+$0xFFFFFC70] =	vst v39;
	s29 =	sadd.s32 $0x800, s29  }
0x149: {  	v39 =	vld [tilespmem:$0x1FD70];
	[tilespmem:s29+$0xFFFFFD80] =	vst v24  }
0x14a: {  	v36 =	vld.idx.msk [tilespmem:v47+s10+$0x0], $0xffff  }
0x14b: {  	v28 =	vld.idx.msk [tilespmem:v41+s10+$0x0], $0xffff  }
0x14c: {  	v15 =	vshll.u32 v20, v1;
	v20 =	vld.idx.msk [tilespmem:v17+s10+$0x0], $0xffff  }
0x14d: {  	v17 =	vshll.u32 v21, v1;
	v21 =	vld.idx.msk [tilespmem:v16+s10+$0x0], $0xffff  }
0x14e: {  	v22 =	vld.idx.msk [tilespmem:v22+s10+$0x0], $0xffff  }
0x14f: {  	v15 =	vbroadcast v15, $0x0;
	v31 =	vld.idx.msk [tilespmem:v31+s10+$0x0], $0xffff  }
0x150: {  	v41 =	vld [tilespmem:$0x1FC60]  }
0x151: {  	v16 =	vbroadcast v17, $0x0;
	v17 =	vshll.u32 v19, v1;
	v19 =	vld.idx.msk [tilespmem:v26+s10+$0x0], $0xffff;
	v26 =	vor.u32 v46, v15  }
0x152: {  	[tilespmem:s29+$0xFFFFFE00] =	vst v23;
	v34 =	vor.u32 v0, v2;
	v23 =	vor.u32 v0, v18;
	v0 =	vld [tilespmem:$0x1FE50]  }
0x153: {  	[tilespmem:s29+$0x80] =	vst v29;
	v44 =	vor.u32 v9, v16;
	v9 =	vld [tilespmem:$0x1FE40]  }
0x154: {  	v17 =	vbroadcast v17, $0x0;
	v29 =	vor.u32 v8, v16;
	[tilespmem:s29+$0x380] =	vst v22;
	v22 =	vor.u32 v8, v6;
	v8 =	vld [tilespmem:$0x1FB70]  }
0x155: {  	v63 =	vor.u32 v41, v4;
	v47 =	vor.u32 v41, v12;
	v41 =	vld [tilespmem:$0x1FE60]  }
0x156: {  	[tilespmem:s29+$0xFFFFFC80] =	vst v25;
	v33 =	vor.u32 v45, v17;
	v26 =	vld.idx.msk [tilespmem:v26+s10+$0x0], $0xffff  }
0x157: {  	v45 =	vor.u32 v60, v3;
	[tilespmem:s29+$0xFFFFFF80] =	vst v21;
	v25 =	vld.idx.msk [tilespmem:v34+s10+$0x0], $0xffff  }
0x158: {  	v23 =	vld.idx.msk [tilespmem:v23+s10+$0x0], $0xffff  }
0x159: {  	v32 =	vld.idx.msk [tilespmem:v44+s10+$0x0], $0xffff  }
0x15a: {  	[tilespmem:s29+$0x0] =	vst v19;
	v19 =	vor.u32 v40, v15;
	v44 =	vor.u32 v40, v5;
	v40 =	vld [tilespmem:$0x1FD80]  }
0x15b: {  	[tilespmem:s29+$0xFFFFFF00] =	vst v20;
	v20 =	vor.u32 v60, v13;
	v33 =	vld.idx.msk [tilespmem:v33+s10+$0x0], $0xffff  }
0x15c: {  	v34 =	vld.idx.msk [tilespmem:v45+s10+$0x0], $0xffff  }
0x15d: {  	[tilespmem:s29+$0xFFFFFD00] =	vst v27;
	v21 =	vor.u32 v61, v14;
	v45 =	vld [tilespmem:$0x1FDD0]  }
0x15e: {  	[tilespmem:s29+$0xFFFFFE80] =	vst v28;
	v63 =	vld.idx.msk [tilespmem:v63+s10+$0x0], $0xffff  }
0x15f: {  	v28 =	vor.u32 v57, v11;
	v22 =	vld.idx.msk [tilespmem:v22+s10+$0x0], $0xffff  }
0x160: {  	[tilespmem:s29+$0x100] =	vst v30;
	v20 =	vld.idx.msk [tilespmem:v20+s10+$0x0], $0xffff  }
0x161: {  	[tilespmem:s29+$0x180] =	vst v31;
	v30 =	vld.idx.msk [tilespmem:v47+s10+$0x0], $0xffff  }
0x162: {  	v24 =	vor.u32 v9, v2;
	v21 =	vld.idx.msk [tilespmem:v21+s10+$0x0], $0xffff  }
0x163: {  	v47 =	vld [tilespmem:$0x1FDE0];
	[tilespmem:s29+$0x390] =	vst v25  }
0x164: {  	v60 =	vor.u32 v48, v7;
	v25 =	vld.idx.msk [tilespmem:v28+s10+$0x0], $0xffff;
	[tilespmem:s29+$0x200] =	vst v26  }
0x165: {  	v19 =	vld.idx.msk [tilespmem:v19+s10+$0x0], $0xffff  }
0x166: {  	v37 =	vld.idx.msk [tilespmem:v44+s10+$0x0], $0xffff  }
0x167: {  	v24 =	vld.idx.msk [tilespmem:v24+s10+$0x0], $0xffff  }
0x168: {  	[tilespmem:s29+$0xFFFFFD90] =	vst v36;
	v57 =	vor.u32 v57, v59;
	v44 =	vld [tilespmem:$0x1FED0]  }
0x169: {  	[tilespmem:s29+$0x280] =	vst v32;
	v32 =	vld.idx.msk [tilespmem:v60+s10+$0x0], $0xffff  }
0x16a: {  	[tilespmem:s29+$0xFFFFFC00] =	vst v8;
	v26 =	vor.u32 v42, v3;
	v60 =	vor.u32 v9, v18;
	v9 =	vld [tilespmem:$0x1FE70]  }
0x16b: {  	[tilespmem:s29+$0xFFFFFF90] =	vst v23;
	v27 =	vor.u32 v45, v10;
	v31 =	vor.u32 v45, v17;
	v45 =	vld [tilespmem:$0x1FC70]  }
0x16c: {  	v29 =	vld.idx.msk [tilespmem:v29+s10+$0x0], $0xffff;
	[tilespmem:s29+$0x300] =	vst v33  }
0x16d: {  	v33 =	vld.idx.msk [tilespmem:v57+s10+$0x0], $0xffff;
	[tilespmem:s29+$0xFFFFFC90] =	vst v34  }
0x16e: {  	v57 =	vor.u32 v47, v10;
	[tilespmem:s29+$0x110] =	vst v30;
	v30 =	vor.u32 v47, v17;
	v47 =	vld [tilespmem:$0x1FC80]  }
0x16f: {  	v28 =	vor.u32 v0, v2;
	[tilespmem:s29+$0xFFFFFD10] =	vst v63;
	v26 =	vld.idx.msk [tilespmem:v26+s10+$0x0], $0xffff  }
0x170: {  	[tilespmem:s29+$0xFFFFFE10] =	vst v37;
	v37 =	vld.idx.msk [tilespmem:v60+s10+$0x0], $0xffff  }
0x171: {  	[tilespmem:s29+$0x90] =	vst v20;
	v34 =	vor.u32 v44, v5;
	v20 =	vor.u32 v44, v15;
	v44 =	vld [tilespmem:$0x1FE80]  }
0x172: {  	v63 =	vor.u32 v39, v6;
	[tilespmem:s29+$0xFFFFFE90] =	vst v22;
	v60 =	vld [tilespmem:$0x1FB80]  }
0x173: {  	v22 =	vor.u32 v42, v13;
	[tilespmem:s29+$0x3A0] =	vst v24;
	v27 =	vld.idx.msk [tilespmem:v27+s10+$0x0], $0xffff  }
0x174: {  	[tilespmem:s29+$0x10] =	vst v25;
	v25 =	vor.u32 v48, v14;
	v28 =	vld.idx.msk [tilespmem:v28+s10+$0x0], $0xffff  }
0x175: {  	v8 =	vld.idx.msk [tilespmem:v31+s10+$0x0], $0xffff  }
0x176: {  	v24 =	vor.u32 v45, v4;
	v23 =	vor.u32 v45, v12;
	v45 =	vld [tilespmem:$0x1FF00]  }
0x177: {  	v35 =	vld.idx.msk [tilespmem:v63+s10+$0x0], $0xffff  }
0x178: {  	[tilespmem:s29+$0x190] =	vst v21;
	v22 =	vld.idx.msk [tilespmem:v22+s10+$0x0], $0xffff  }
0x179: {  	v31 =	vor.u32 v41, v2;
	v21 =	vld.idx.msk [tilespmem:v25+s10+$0x0], $0xffff  }
0x17a: {  	[tilespmem:s29+$0x210] =	vst v19;
	v34 =	vld.idx.msk [tilespmem:v34+s10+$0x0], $0xffff  }
0x17b: {  	v63 =	vor.u32 v39, v16;
	v20 =	vld.idx.msk [tilespmem:v20+s10+$0x0], $0xffff  }
0x17c: {  	[tilespmem:s29+$0xFFFFFCA0] =	vst v26;
	v24 =	vld.idx.msk [tilespmem:v24+s10+$0x0], $0xffff  }
0x17d: {  	v25 =	vor.u32 v58, v3;
	[tilespmem:s29+$0x3B0] =	vst v28;
	v23 =	vld.idx.msk [tilespmem:v23+s10+$0x0], $0xffff  }
0x17e: {  	v26 =	vor.u32 v40, v6;
	[tilespmem:s29+$0xFFFFFF10] =	vst v27;
	v31 =	vld.idx.msk [tilespmem:v31+s10+$0x0], $0xffff  }
0x17f: {  	[tilespmem:s29+$0x290] =	vst v29;
	v28 =	vor.u32 v55, v11;
	v36 =	vld.idx.msk [tilespmem:v57+s10+$0x0], $0xffff  }
0x180: {  	[tilespmem:s29+$0x310] =	vst v8;
	v8 =	vor.u32 v49, v7;
	v38 =	vld.idx.msk [tilespmem:v63+s10+$0x0], $0xffff  }
0x181: {  	[tilespmem:s29+$0xFFFFFDA0] =	vst v32;
	v29 =	vor.u32 v47, v4;
	v30 =	vld.idx.msk [tilespmem:v30+s10+$0x0], $0xffff  }
0x182: {  	v19 =	vor.u32 v44, v2;
	v32 =	vor.u32 v60, v2;
	[tilespmem:s29+$0xFFFFFEA0] =	vst v35;
	v25 =	vld.idx.msk [tilespmem:v25+s10+$0x0], $0xffff  }
0x183: {  	[tilespmem:s29+$0xFFFFFC10] =	vst v33;
	v27 =	vor.u32 v9, v2;
	v2 =	vmov s30;
	v57 =	vor.u32 v45, v5;
	v26 =	vld.idx.msk [tilespmem:v26+s10+$0x0], $0xffff  }
0x184: {  	v2 =	vshrl.u32 v2, $0x3;
	[tilespmem:s29+$0xFFFFFE20] =	vst v34;
	v28 =	vld.idx.msk [tilespmem:v28+s10+$0x0], $0xffff  }
0x185: {  	v2 =	vshll.u32 v2, v1;
	[tilespmem:s29+$0x220] =	vst v20;
	v20 =	vor.u32 v43, v3;
	v39 =	vld.idx.msk [tilespmem:v8+s10+$0x0], $0xffff  }
0x186: {  	[tilespmem:s29+$0xFFFFFD20] =	vst v24;
	v8 =	vor.u32 v0, v18;
	v0 =	vbroadcast v2, $0x0;
	v2 =	vld [tilespmem:$0x1FE00]  }
0x187: {  	[tilespmem:s29+$0x120] =	vst v23;
	v23 =	vor.u32 v40, v16;
	v29 =	vld.idx.msk [tilespmem:v29+s10+$0x0], $0xffff  }
0x188: {  	[tilespmem:s29+$0x3C0] =	vst v31;
	v31 =	vor.u32 v55, v59;
	v33 =	vld.idx.msk [tilespmem:v57+s10+$0x0], $0xffff  }
0x189: {  	v42 =	vor.u32 v62, v11;
	v27 =	vld.idx.msk [tilespmem:v27+s10+$0x0], $0xffff;
	[tilespmem:s29+$0xFFFFFCB0] =	vst v25  }
0x18a: {  	[tilespmem:s29+$0xFFFFFFA0] =	vst v37;
	v55 =	vor.u32 v58, v13;
	v20 =	vld.idx.msk [tilespmem:v20+s10+$0x0], $0xffff  }
0x18b: {  	v57 =	vor.u32 v47, v12;
	[tilespmem:s29+$0x2A0] =	vst v38;
	v37 =	vld.idx.msk [tilespmem:v8+s10+$0x0], $0xffff  }
0x18c: {  	v23 =	vld.idx.msk [tilespmem:v23+s10+$0x0], $0xffff  }
0x18d: {  	[tilespmem:s29+$0x20] =	vst v28;
	v31 =	vld.idx.msk [tilespmem:v31+s10+$0x0], $0xffff  }
0x18e: {  	v63 =	vor.u32 v60, v18;
	[tilespmem:s29+$0xA0] =	vst v22;
	v34 =	vld.idx.msk [tilespmem:v42+s10+$0x0], $0xffff  }
0x18f: {  	[tilespmem:$0x1FB50] =	vst v63;
	v8 =	vor.u32 v45, v15;
	v22 =	vld.idx.msk [tilespmem:v55+s10+$0x0], $0xffff  }
0x190: {  	v28 =	vor.u32 v56, v0;
	v60 =	vld.idx.msk [tilespmem:v57+s10+$0x0], $0xffff;
	[tilespmem:s29+$0xFFFFFD30] =	vst v29  }
0x191: {  	v29 =	vor.u32 v2, v10;
	v57 =	vor.u32 v2, v17;
	v2 =	vld [tilespmem:$0x1FE10];
	[tilespmem:s29+$0x3D0] =	vst v27  }
0x192: {  	[tilespmem:s29+$0xFFFFFF20] =	vst v36;
	v45 =	vor.u32 v41, v18;
	v27 =	vld.idx.msk [tilespmem:v19+s10+$0x0], $0xffff  }
0x193: {  	[tilespmem:$0x1FB60] =	vst v0;
	v19 =	vld [tilespmem:$0x1FDF0]  }
0x194: {  	v62 =	vor.u32 v62, v59;
	[tilespmem:s29+$0xFFFFFEB0] =	vst v26;
	v63 =	vld.idx.msk [tilespmem:v8+s10+$0x0], $0xffff  }
0x195: {  	v47 =	vor.u32 v52, v11;
	[tilespmem:s29+$0xFFFFFE30] =	vst v33;
	v0 =	vld.idx.msk [tilespmem:v28+s10+$0x0], $0xffff  }
0x196: {  	v26 =	vor.u32 v43, v13;
	v8 =	vld [tilespmem:$0x1FEF0];
	[tilespmem:s29+$0xFFFFFFB0] =	vst v37  }
0x197: {  	[tilespmem:s29+$0xFFFFFC20] =	vst v31;
	v36 =	vld.idx.msk [tilespmem:v45+s10+$0x0], $0xffff  }
0x198: {  	[tilespmem:s29+$0x130] =	vst v60;
	v60 =	vor.u32 v52, v59;
	v52 =	vor.u32 v9, v18;
	v9 =	vld [tilespmem:$0x1FE20]  }
0x199: {  	[tilespmem:s29+$0x30] =	vst v34;
	v31 =	vld.idx.msk [tilespmem:v62+s10+$0x0], $0xffff  }
0x19a: {  	[tilespmem:s29+$0xB0] =	vst v22;
	v33 =	vld.idx.msk [tilespmem:v47+s10+$0x0], $0xffff  }
0x19b: {  	[tilespmem:s29+$0x1A0] =	vst v21;
	v26 =	vld.idx.msk [tilespmem:v26+s10+$0x0], $0xffff  }
0x19c: {  	v24 =	vor.u32 v19, v10;
	[tilespmem:s29+$0x3E0] =	vst v27;
	v21 =	vor.u32 v19, v17;
	v19 =	vld [tilespmem:$0x1FC90]  }
0x19d: {  	v27 =	vor.u32 v49, v14;
	v32 =	vld.idx.msk [tilespmem:v32+s10+$0x0], $0xffff  }
0x19e: {  	[tilespmem:$0x1FB70] =	vst v0;
	v0 =	vld [tilespmem:$0x1FD90]  }
0x19f: {  	[tilespmem:s29+$0x320] =	vst v30;
	v30 =	vor.u32 v8, v5;
	v56 =	vor.u32 v8, v15;
	v8 =	vld [tilespmem:$0x1FCA0]  }
0x1a0: {  	v42 =	vor.u32 v50, v7;
	[tilespmem:s29+$0x230] =	vst v63;
	v63 =	vld [tilespmem:$0x1FFC0]  }
0x1a1: {  	v24 =	vld.idx.msk [tilespmem:v24+s10+$0x0], $0xffff  }
0x1a2: {  	v27 =	vld.idx.msk [tilespmem:v27+s10+$0x0], $0xffff  }
0x1a3: {  	[tilespmem:s29+$0xFFFFFC30] =	vst v31;
	v21 =	vld.idx.msk [tilespmem:v21+s10+$0x0], $0xffff  }
0x1a4: {  	[tilespmem:s29+$0xFFFFFDB0] =	vst v39;
	v28 =	vor.u32 v19, v4;
	v45 =	vld.idx.msk [tilespmem:v60+s10+$0x0], $0xffff  }
0x1a5: {  	[tilespmem:s29+$0x3F0] =	vst v32;
	v32 =	vld.idx.msk [tilespmem:v42+s10+$0x0], $0xffff  }
0x1a6: {  	v30 =	vld.idx.msk [tilespmem:v30+s10+$0x0], $0xffff  }
0x1a7: {  	v55 =	vor.u32 v50, v14;
	v34 =	vld.idx.msk [tilespmem:v56+s10+$0x0], $0xffff  }
0x1a8: {  	v25 =	vor.u32 v0, v6;
	v22 =	vor.u32 v0, v16;
	v0 =	vld [tilespmem:$0x1FDA0]  }
0x1a9: {  	[tilespmem:s29+$0x2B0] =	vst v23;
	v28 =	vld.idx.msk [tilespmem:v28+s10+$0x0], $0xffff  }
0x1aa: {  	[tilespmem:s29+$0xFFFFFF30] =	vst v24;
	v24 =	vor.u32 v19, v12;
	v19 =	vld [tilespmem:$0x1FF70]  }
0x1ab: {  	[tilespmem:s29+$0x1B0] =	vst v27;
	v29 =	vld.idx.msk [tilespmem:v29+s10+$0x0], $0xffff  }
0x1ac: {  	v23 =	vor.u32 v63, v7;
	[tilespmem:s29+$0x330] =	vst v21;
	v37 =	vld.idx.msk [tilespmem:v55+s10+$0x0], $0xffff  }
0x1ad: {  	[tilespmem:s29+$0xFFFFFFC0] =	vst v36;
	v31 =	vld.idx.msk [tilespmem:v57+s10+$0x0], $0xffff  }
0x1ae: {  	v56 =	vor.u32 v54, v15;
	[tilespmem:s29+$0xFFFFFDC0] =	vst v32;
	v32 =	vld.idx.msk [tilespmem:v52+s10+$0x0], $0xffff  }
0x1af: {  	v25 =	vld.idx.msk [tilespmem:v25+s10+$0x0], $0xffff  }
0x1b0: {  	[tilespmem:s29+$0xFFFFFCC0] =	vst v20;
	v21 =	vor.u32 v54, v5;
	v22 =	vld.idx.msk [tilespmem:v22+s10+$0x0], $0xffff  }
0x1b1: {  	[tilespmem:s29+$0xC0] =	vst v26;
	v62 =	vor.u32 v8, v4;
	v23 =	vld.idx.msk [tilespmem:v23+s10+$0x0], $0xffff  }
0x1b2: {  	v57 =	vor.u32 v53, v59;
	v20 =	vor.u32 v0, v6;
	v26 =	vor.u32 v0, v16;
	v0 =	vld [tilespmem:$0x1FC30];
	[tilespmem:s29+$0x240] =	vst v34  }
0x1b3: {  	[tilespmem:s29+$0x40] =	vst v33;
	v33 =	vld.idx.msk [tilespmem:v56+s10+$0x0], $0xffff  }
0x1b4: {  	[tilespmem:s29+$0xFFFFFE40] =	vst v30;
	v24 =	vld.idx.msk [tilespmem:v24+s10+$0x0], $0xffff  }
0x1b5: {  	v30 =	vor.u32 v53, v11;
	[tilespmem:s29+$0xFFFFFD40] =	vst v28;
	v21 =	vld.idx.msk [tilespmem:v21+s10+$0x0], $0xffff  }
0x1b6: {  	[tilespmem:s29+$0xFFFFFC40] =	vst v45;
	v55 =	vor.u32 v63, v14;
	v47 =	vld.idx.msk [tilespmem:v62+s10+$0x0], $0xffff  }
0x1b7: {  	v35 =	vld.idx.msk [tilespmem:v57+s10+$0x0], $0xffff  }
0x1b8: {  	v18 =	vor.u32 v44, v18;
	[tilespmem:s29+$0xFFFFFF40] =	vst v29;
	v29 =	vor.u32 v8, v12;
	v8 =	vld [tilespmem:$0x1FDB0]  }
0x1b9: {  	v57 =	vld [tilespmem:$0x1FC40]  }
0x1ba: {  	[tilespmem:s29+$0x1C0] =	vst v37;
	v30 =	vld.idx.msk [tilespmem:v30+s10+$0x0], $0xffff  }
0x1bb: {  	[tilespmem:s29+$0xFFFFFFD0] =	vst v32;
	v36 =	vld.idx.msk [tilespmem:v55+s10+$0x0], $0xffff  }
0x1bc: {  	v27 =	vor.u32 v19, v3;
	[tilespmem:s29+$0xFFFFFEC0] =	vst v25;
	v25 =	vor.u32 v19, v13;
	v19 =	vld [tilespmem:$0x1FCB0]  }
0x1bd: {  	v28 =	vor.u32 v2, v10;
	v32 =	vld.idx.msk [tilespmem:v18+s10+$0x0], $0xffff  }
0x1be: {  	v55 =	vld [tilespmem:$0x1FCC0]  }
0x1bf: {  	[tilespmem:s29+$0x2C0] =	vst v22;
	v20 =	vld.idx.msk [tilespmem:v20+s10+$0x0], $0xffff  }
0x1c0: {  	v26 =	vld.idx.msk [tilespmem:v26+s10+$0x0], $0xffff  }
0x1c1: {  	v22 =	vor.u32 v51, v7;
	v27 =	vld.idx.msk [tilespmem:v27+s10+$0x0], $0xffff  }
0x1c2: {  	v28 =	vld.idx.msk [tilespmem:v28+s10+$0x0], $0xffff  }
0x1c3: {  	[tilespmem:s29+$0x140] =	vst v24;
	v24 =	vor.u32 v2, v17;
	v2 =	vld [tilespmem:$0x1FD40]  }
0x1c4: {  	v29 =	vld.idx.msk [tilespmem:v29+s10+$0x0], $0xffff  }
0x1c5: {  	[tilespmem:s29+$0xFFFFFDD0] =	vst v23;
	v25 =	vld.idx.msk [tilespmem:v25+s10+$0x0], $0xffff  }
0x1c6: {  	v60 =	vor.u32 v0, v3;
	v56 =	vld.idx.msk [tilespmem:v22+s10+$0x0], $0xffff  }
0x1c7: {  	v63 =	vor.u32 v9, v10;
	[tilespmem:s29+$0x340] =	vst v31;
	v22 =	vld [tilespmem:$0x1FF60]  }
0x1c8: {  	v62 =	vor.u32 v19, v4;
	[tilespmem:s29+$0x2D0] =	vst v26;
	v26 =	vld [tilespmem:$0x1FDC0]  }
0x1c9: {  	[tilespmem:s29+$0xFFFFFED0] =	vst v20;
	v24 =	vld.idx.msk [tilespmem:v24+s10+$0x0], $0xffff  }
0x1ca: {  	v20 =	vor.u32 v0, v13;
	v31 =	vor.u32 v2, v5;
	[tilespmem:s29+$0xFFFFFCD0] =	vst v27;
	v18 =	vor.u32 v2, v15;
	v2 =	vld [tilespmem:$0x1FCD0]  }
0x1cb: {  	[tilespmem:s29+$0xFFFFFF50] =	vst v28;
	v37 =	vld.idx.msk [tilespmem:v60+s10+$0x0], $0xffff  }
0x1cc: {  	[tilespmem:s29+$0xFFFFFD50] =	vst v47;
	v27 =	vor.u32 v8, v6;
	v38 =	vld.idx.msk [tilespmem:v63+s10+$0x0], $0xffff  }
0x1cd: {  	[tilespmem:s29+$0xFFFFFE50] =	vst v21;
	v28 =	vor.u32 v51, v14;
	v34 =	vld.idx.msk [tilespmem:v62+s10+$0x0], $0xffff  }
0x1ce: {  	v21 =	vor.u32 v22, v11;
	[tilespmem:s29+$0xD0] =	vst v25;
	v42 =	vor.u32 v22, v59;
	v22 =	vld [tilespmem:$0x1FE30]  }
0x1cf: {  	v53 =	vld.idx.msk [tilespmem:v20+s10+$0x0], $0xffff  }
0x1d0: {  	v23 =	vld.idx.msk [tilespmem:v31+s10+$0x0], $0xffff  }
0x1d1: {  	[tilespmem:s29+$0x1D0] =	vst v36;
	v31 =	vld.idx.msk [tilespmem:v27+s10+$0x0], $0xffff  }
0x1d2: {  	[tilespmem:s29+$0x250] =	vst v33;
	v44 =	vld.idx.msk [tilespmem:v28+s10+$0x0], $0xffff  }
0x1d3: {  	v45 =	vld.idx.msk [tilespmem:v18+s10+$0x0], $0xffff  }
0x1d4: {  	[tilespmem:s29+$0x50] =	vst v30;
	v20 =	vor.u32 v9, v17;
	v18 =	vld [tilespmem:$0x1FF10]  }
0x1d5: {  	v3 =	vor.u32 v57, v3;
	[tilespmem:s29+$0x350] =	vst v24;
	v24 =	vld [tilespmem:$0x1FD50]  }
0x1d6: {  	[tilespmem:s29+$0xFFFFFC50] =	vst v35;
	v27 =	vor.u32 v19, v12;
	v19 =	vld.idx.msk [tilespmem:v21+s10+$0x0], $0xffff  }
0x1d7: {  	v62 =	vld.idx.msk [tilespmem:v42+s10+$0x0], $0xffff  }
0x1d8: {  	s31 =	sadd.s32 $0x1, s30;
	v21 =	vor.u32 v8, v16;
	v8 =	vld [tilespmem:$0x1FD10]  }
0x1d9: {  	v25 =	vmov s31;
	[tilespmem:s29+$0xFFFFFCE0] =	vst v37;
	v39 =	vld.idx.msk [tilespmem:v20+s10+$0x0], $0xffff  }
0x1da: {  	[tilespmem:s29+$0x150] =	vst v29;
	v20 =	vshrl.u32 v25, $0x3;
	v25 =	vld.idx.msk [tilespmem:v3+s10+$0x0], $0xffff  }
0x1db: {  	v4 =	vor.u32 v55, v4;
	[tilespmem:s29+$0xE0] =	vst v53;
	v53 =	vld [tilespmem:$0x1FC20]  }
0x1dc: {  	v6 =	vor.u32 v26, v6;
	[tilespmem:s29+$0xFFFFFD60] =	vst v34;
	v9 =	vld.idx.msk [tilespmem:v27+s10+$0x0], $0xffff  }
0x1dd: {  	s12 =	sadd.s32 $0x3, s30;
	[tilespmem:s29+$0xFFFFFE60] =	vst v23;
	v23 =	vld [tilespmem:$0x1FEE0]  }
0x1de: {  	v29 =	vmov s12;
	s12 =	sadd.s32 $0x5, s30;
	s31 =	sadd.s32 $0x4, s30;
	[tilespmem:s29+$0x1E0] =	vst v44;
	v44 =	vld [tilespmem:$0x1FCF0]  }
0x1df: {  	v41 =	vmov s31;
	v27 =	vmov s12;
	[tilespmem:s29+$0x260] =	vst v45;
	v45 =	vld [tilespmem:$0x1FF20]  }
0x1e0: {  	v34 =	vshrl.u32 v41, $0x3;
	v3 =	vor.u32 v22, v10;
	[tilespmem:s29+$0xFFFFFEE0] =	vst v31;
	v41 =	vshrl.u32 v27, $0x3;
	v27 =	vld.idx.msk [tilespmem:v4+s10+$0x0], $0xffff  }
0x1e1: {  	s31 =	sadd.s32 $0x6, s30;
	v10 =	vshrl.u32 v29, $0x3;
	v7 =	vor.u32 v18, v7;
	v29 =	vld.idx.msk [tilespmem:v6+s10+$0x0], $0xffff  }
0x1e2: {  	v36 =	vmov s31;
	s31 =	sadd.s32 $0x8, s30;
	v5 =	vor.u32 v24, v5;
	v6 =	vor.u32 v55, v12;
	v55 =	vld [tilespmem:$0x1FD30]  }
0x1e3: {  	s1 =	sadd.s32 $0x2, s30;
	v33 =	vmov s31;
	s31 =	sadd.s32 $0xA, s30;
	v12 =	vor.u32 v22, v17;
	v22 =	vld [tilespmem:$0x1FD00]  }
0x1e4: {  	v40 =	vmovc v48;
	v30 =	vmov s1;
	v47 =	vmov s31;
	s31 =	sadd.s32 $0xC, s30;
	[tilespmem:s29+$0xFFFFFF60] =	vst v38;
	s12 =	sadd.s32 $0x7, s30;
	v14 =	vor.u32 v18, v14;
	v48 =	vld.idx.msk [tilespmem:v21+s10+$0x0], $0xffff  }
0x1e5: {  	v0 =	vmovc v49;
	[tilespmem:s29+$0xFFFFFDE0] =	vst v56;
	v37 =	vshrl.u32 v30, $0x3;
	v49 =	vmov s31;
	v28 =	vmov s12;
	s12 =	sadd.s32 $0x9, s30;
	v30 =	vld.idx.msk [tilespmem:v3+s10+$0x0], $0xffff  }
0x1e6: {  	v60 =	vmov v46;
	v46 =	vmov s12;
	s12 =	sadd.s32 $0xB, s30;
	v56 =	vld.idx.msk [tilespmem:v7+s10+$0x0], $0xffff  }
0x1e7: {  	v15 =	vor.u32 v24, v15;
	v42 =	vshrl.u32 v28, $0x3;
	v21 =	vmov s12;
	s12 =	sadd.s32 $0xD, s30;
	v28 =	vld.idx.msk [tilespmem:v5+s10+$0x0], $0xffff  }
0x1e8: {  	v35 =	vmov s12;
	v7 =	vshll.u32 v20, v1;
	v20 =	vshrl.u32 v49, $0x3;
	v49 =	vmovc v0;
	v0 =	vld [tilespmem:$0x1FB50]  }
0x1e9: {  	v63 =	vshrl.u32 v47, $0x3;
	v47 =	vshrl.u32 v21, $0x3;
	v21 =	vshrl.u32 v35, $0x3;
	v35 =	vld.idx.msk [tilespmem:v14+s10+$0x0], $0xffff  }
0x1ea: {  	v17 =	vshll.u32 v42, v1;
	v5 =	vor.u32 v57, v13;
	v42 =	vmov v58;
	v58 =	vld [tilespmem:$0x1FFE0]  }
0x1eb: {  	v4 =	vor.u32 v23, v11;
	v11 =	vshll.u32 v37, v1;
	v37 =	vor.u32 v26, v16;
	v26 =	vmovc v60;
	v60 =	vld [tilespmem:$0x1FF30]  }
0x1ec: {  	v36 =	vshrl.u32 v36, $0x3;
	v57 =	vld [tilespmem:$0x1FD20]  }
0x1ed: {  	[tilespmem:s29+$0x160] =	vst v9;
	v9 =	vshll.u32 v36, v1;
	v36 =	vld.idx.msk [tilespmem:v15+s10+$0x0], $0xffff  }
0x1ee: {  	v16 =	vshll.u32 v34, v1;
	v34 =	vld.idx.msk [tilespmem:v6+s10+$0x0], $0xffff  }
0x1ef: {  	v52 =	vshrl.u32 v33, $0x3;
	v33 =	vld.idx.msk [tilespmem:v5+s10+$0x0], $0xffff  }
0x1f0: {  	p0 =	slt.u32 s30, $0x30;
	[tilespmem:s29+$0xFFFFFFE0] =	vst v32;
	s31 =	sadd.s32 $0xE, s30;
	v10 =	vshll.u32 v10, v1;
	v5 =	vld [tilespmem:$0x1FC50]  }
.Ltmp2:
0x1f1: {  	v51 =	vmov s31;
	[tilespmem:s29+$0x60] =	vst v19;
	v3 =	vbroadcast v7, $0x0;
	v7 =	vbroadcast v10, $0x0;
	v10 =	vld [tilespmem:$0x1FC10];
	(pc) =	sbr.rel @p0 .LBB2_3-.Ltmp2, $4  }
0x1f2: {  	v19 =	vshrl.u32 v51, $0x3;
	v38 =	vshll.u32 v41, v1;
	[tilespmem:s29+$0x2E0] =	vst v48;
	v32 =	vld.idx.msk [tilespmem:v4+s10+$0x0], $0xffff  }
0x1f3: {  	v46 =	vshrl.u32 v46, $0x3;
	v6 =	vbroadcast v38, $0x0;
	v4 =	vbroadcast v11, $0x0;
	v37 =	vld.idx.msk [tilespmem:v37+s10+$0x0], $0xffff  }
0x1f4: {  	v13 =	vor.u32 v44, v3;
	v15 =	vor.u32 v2, v7;
	v11 =	vor.u32 v23, v59;
	v31 =	vld.idx.msk [tilespmem:v0+s10+$0x0], $0xffff  }
0x1f5: {  	s0 =	sadd.s32 $0xF, s30;
	s30 =	sadd.s32 $0x10, s30;
	[tilespmem:s29+$0x360] =	vst v39;
	v48 =	vmovc v40;
	v0 =	vld [tilespmem:$0x1FC50];
	v14 =	vor.u32 v5, v4;
	v5 =	vbroadcast v16, $0x0;
	v16 =	vshll.u32 v52, v1  }
0x1f6: {  	[tilespmem:s29+$0xFFFFFC60] =	vst v62  }
0x1f7: {  	v40 =	vld [tilespmem:$0x1FEB0]  }
0x1f8: {  	[tilespmem:s29+$0xFFFFFCF0] =	vst v25  }
0x1f9: {  	v41 =	vld [tilespmem:$0x1FEC0];
	[tilespmem:s29+$0xFFFFFD70] =	vst v27  }
0x1fa: {  	v2 =	vld [tilespmem:$0x1FE90];
	[tilespmem:s29+$0xFFFFFDF0] =	vst v56  }
0x1fb: {  	[tilespmem:s29+$0xFFFFFE70] =	vst v28  }
0x1fc: {  	v39 =	vld.idx.msk [tilespmem:v12+s10+$0x0], $0xffff;
	v18 =	vmov s0;
	[tilespmem:s29+$0xFFFFFEF0] =	vst v29;
	v12 =	vor.u32 v40, v6  }
0x1fd: {  	v52 =	vmovc v10;
	v10 =	vbroadcast v17, $0x0;
	v17 =	vld.idx.msk [tilespmem:v11+s10+$0x0], $0xffff;
	v11 =	vbroadcast v16, $0x0;
	v16 =	vshrl.u32 v18, $0x3;
	[tilespmem:s29+$0xFFFFFF70] =	vst v30  }
0x1fe: {  	v16 =	vshll.u32 v16, v1;
	[tilespmem:s29+$0xFFFFFFF0] =	vst v31  }
0x1ff: {  	v18 =	vbroadcast v16, $0x0;
	[tilespmem:s29+$0x70] =	vst v32  }
0x200: {  	v24 =	vmov v26;
	v38 =	vor.u32 v26, v5;
	v26 =	vld.idx.msk [tilespmem:v15+s10+$0x0], $0xffff;
	v15 =	vor.u32 v22, v11;
	[tilespmem:s29+$0xF0] =	vst v33  }
0x201: {  	[tilespmem:s29+$0x170] =	vst v34;
	v29 =	vld.idx.msk [tilespmem:v12+s10+$0x0], $0xffff;
	v12 =	vor.u32 v2, v18  }
0x202: {  	[tilespmem:s29+$0x1F0] =	vst v35  }
0x203: {  	v9 =	vbroadcast v9, $0x0;
	v25 =	vld.idx.msk [tilespmem:v13+s10+$0x0], $0xffff;
	[tilespmem:s29+$0x270] =	vst v36  }
0x204: {  	v35 =	vld [tilespmem:$0x1FEA0]  }
0x205: {  	v13 =	vor.u32 v41, v9;
	v59 =	vld.idx.msk [tilespmem:v15+s10+$0x0], $0xffff  }
0x206: {  	v15 =	vld.idx.msk [tilespmem:v12+s10+$0x0], $0xffff  }
0x207: {  	v27 =	vld.idx.msk [tilespmem:v14+s10+$0x0], $0xffff;
	[tilespmem:s29+$0x2F0] =	vst v37  }
0x208: {  	[tilespmem:s29+$0x370] =	vst v39;
	v14 =	vor.u32 v2, v10  }
0x209: {  	s12 =	sadd.s32 $0x800, s29;
	[tilespmem:s29+$0xFFFFFC70] =	vst v17  }
0x20a: {  	[tilespmem:s12+$0xFFFFFC80] =	vst v25;
	v16 =	vor.u32 v35, v18;
	v30 =	vld.idx.msk [tilespmem:v13+s10+$0x0], $0xffff;
	v13 =	vshll.u32 v63, v1  }
0x20b: {  	v28 =	vld.idx.msk [tilespmem:v38+s10+$0x0], $0xffff;
	v13 =	vbroadcast v13, $0x0;
	v12 =	vshll.u32 v46, v1;
	[tilespmem:s12+$0x380] =	vst v15  }
0x20c: {  	v17 =	vshll.u32 v20, v1;
	v12 =	vbroadcast v12, $0x0;
	v33 =	vld [tilespmem:$0x1FCD0];
	[tilespmem:s12+$0xFFFFFD00] =	vst v27  }
0x20d: {  	v31 =	vld.idx.msk [tilespmem:v14+s10+$0x0], $0xffff;
	v14 =	vshll.u32 v47, v1;
	v20 =	vor.u32 v0, v13;
	v15 =	vbroadcast v17, $0x0;
	[tilespmem:s12+$0xFFFFFD80] =	vst v26  }
0x20e: {  	v34 =	vmovc v22;
	v14 =	vbroadcast v14, $0x0;
	v22 =	vor.u32 v44, v12;
	v17 =	vshll.u32 v21, v1;
	v51 =	vld [tilespmem:$0x1FE40]  }
0x20f: {  	v23 =	vld.idx.msk [tilespmem:v16+s10+$0x0], $0xffff;
	v16 =	vbroadcast v17, $0x0;
	v17 =	vshll.u32 v19, v1;
	v19 =	vor.u32 v24, v15  }
0x210: {  	[tilespmem:s12+$0xFFFFFE00] =	vst v28  }
0x211: {  	[tilespmem:s12+$0xFFFFFE80] =	vst v29;
	v21 =	vor.u32 v33, v14  }
0x212: {  	v20 =	vld.idx.msk [tilespmem:v20+s10+$0x0], $0xffff;
	v17 =	vbroadcast v17, $0x0;
	[tilespmem:s12+$0xFFFFFF00] =	vst v30;
	v25 =	vor.u32 v40, v16  }
0x213: {  	v63 =	vmov v24;
	[tilespmem:s12+$0xFFFFFF80] =	vst v31;
	v22 =	vld.idx.msk [tilespmem:v22+s10+$0x0], $0xffff;
	v24 =	vor.u32 v51, v18  }
0x214: {  	v26 =	vor.u32 v41, v17;
	[tilespmem:s12+$0x390] =	vst v23;
	v19 =	vld.idx.msk [tilespmem:v19+s10+$0x0], $0xffff  }
0x215: {  	v36 =	vld [tilespmem:$0x1FC60]  }
0x216: {  	v21 =	vld.idx.msk [tilespmem:v21+s10+$0x0], $0xffff  }
0x217: {  	v25 =	vld.idx.msk [tilespmem:v25+s10+$0x0], $0xffff  }
0x218: {  	[tilespmem:s12+$0x0] =	vst v59;
	v24 =	vld.idx.msk [tilespmem:v24+s10+$0x0], $0xffff  }
0x219: {  	[tilespmem:s12+$0x80] =	vst v22;
	v22 =	vld.idx.msk [tilespmem:v26+s10+$0x0], $0xffff  }
0x21a: {  	v47 =	vld [tilespmem:$0x1FE50];
	[tilespmem:s12+$0x100] =	vst v20  }
0x21b: {  	v38 =	vld [tilespmem:$0x1FCE0];
	[tilespmem:s12+$0x180] =	vst v21  }
0x21c: {  	v62 =	vmov v53;
	v53 =	vld [tilespmem:$0x1FD60];
	[tilespmem:s12+$0x200] =	vst v19  }
0x21d: {  	v2 =	vmov v45;
	v23 =	vor.u32 v45, v3;
	v45 =	vld [tilespmem:$0x1FDD0];
	[tilespmem:s12+$0x3A0] =	vst v24  }
0x21e: {  	v27 =	vor.u32 v36, v4;
	[tilespmem:s12+$0x280] =	vst v25  }
0x21f: {  	v28 =	vor.u32 v61, v7;
	[tilespmem:s12+$0x300] =	vst v22  }
0x220: {  	v26 =	vor.u32 v47, v18;
	v22 =	vor.u32 v2, v12;
	v2 =	vld [tilespmem:$0x1FB70];
	_ =	sdelay $0x1  }
0x221: {  	v23 =	vld.idx.msk [tilespmem:v23+s10+$0x0], $0xffff;
	v20 =	vor.u32 v38, v5  }
0x222: {  	v27 =	vld.idx.msk [tilespmem:v27+s10+$0x0], $0xffff;
	v21 =	vor.u32 v53, v6  }
0x223: {  	v24 =	vld.idx.msk [tilespmem:v28+s10+$0x0], $0xffff;
	v19 =	vor.u32 v45, v9  }
0x224: {  	v28 =	vor.u32 v35, v10;
	v26 =	vld.idx.msk [tilespmem:v26+s10+$0x0], $0xffff;
	[tilespmem:s12+$0xFFFFFC00] =	vst v2  }
0x225: {  	v25 =	vor.u32 v8, v11;
	v32 =	vld [tilespmem:$0x1FE60]  }
0x226: {  	v20 =	vld.idx.msk [tilespmem:v20+s10+$0x0], $0xffff  }
0x227: {  	v29 =	vmov v8;
	[tilespmem:s12+$0xFFFFFC90] =	vst v23;
	v8 =	vld.idx.msk [tilespmem:v21+s10+$0x0], $0xffff  }
0x228: {  	[tilespmem:s12+$0xFFFFFD10] =	vst v27;
	v19 =	vld.idx.msk [tilespmem:v19+s10+$0x0], $0xffff  }
0x229: {  	v28 =	vld.idx.msk [tilespmem:v28+s10+$0x0], $0xffff;
	[tilespmem:s12+$0xFFFFFD90] =	vst v24  }
0x22a: {  	v25 =	vld.idx.msk [tilespmem:v25+s10+$0x0], $0xffff;
	[tilespmem:s12+$0x3B0] =	vst v26;
	v21 =	vor.u32 v32, v18  }
0x22b: {  	[tilespmem:s12+$0xFFFFFE10] =	vst v20  }
0x22c: {  	v22 =	vld.idx.msk [tilespmem:v22+s10+$0x0], $0xffff;
	v23 =	vor.u32 v36, v13;
	[tilespmem:s12+$0xFFFFFE90] =	vst v8  }
0x22d: {  	v27 =	vor.u32 v61, v14;
	v2 =	vld [tilespmem:$0x1FB60];
	[tilespmem:s12+$0xFFFFFF10] =	vst v19  }
0x22e: {  	v24 =	vor.u32 v38, v15;
	v31 =	vld [tilespmem:$0x1FE70];
	[tilespmem:s12+$0xFFFFFF90] =	vst v28  }
0x22f: {  	v26 =	vor.u32 v53, v16;
	[tilespmem:s12+$0x10] =	vst v25;
	v21 =	vld.idx.msk [tilespmem:v21+s10+$0x0], $0xffff  }
0x230: {  	v20 =	vor.u32 v45, v17;
	v30 =	vld [tilespmem:$0x1FC70]  }
0x231: {  	v8 =	vld.idx.msk [tilespmem:v23+s10+$0x0], $0xffff  }
0x232: {  	v19 =	vld.idx.msk [tilespmem:v27+s10+$0x0], $0xffff  }
0x233: {  	v24 =	vld.idx.msk [tilespmem:v24+s10+$0x0], $0xffff  }
0x234: {  	v26 =	vld.idx.msk [tilespmem:v26+s10+$0x0], $0xffff;
	[tilespmem:s12+$0x90] =	vst v22  }
0x235: {  	v20 =	vld.idx.msk [tilespmem:v20+s10+$0x0], $0xffff;
	v25 =	vor.u32 v30, v4;
	[tilespmem:s12+$0x3C0] =	vst v21  }
0x236: {  	v23 =	vor.u32 v29, v2;
	v41 =	vld [tilespmem:$0x1FED0];
	[tilespmem:s12+$0x110] =	vst v8  }
0x237: {  	v28 =	vor.u32 v60, v3;
	v56 =	vld [tilespmem:$0x1FD70];
	[tilespmem:s12+$0x190] =	vst v19  }
0x238: {  	v27 =	vor.u32 v31, v18;
	v40 =	vld [tilespmem:$0x1FDE0];
	[tilespmem:s12+$0x210] =	vst v24  }
0x239: {  	v22 =	vor.u32 v48, v7;
	v46 =	vld [tilespmem:$0x1FE80]  }
0x23a: {  	[tilespmem:s12+$0x290] =	vst v26;
	v26 =	vor.u32 v51, v10;
	v24 =	vld.idx.msk [tilespmem:v25+s10+$0x0], $0xffff  }
0x23b: {  	v21 =	vld.idx.msk [tilespmem:v23+s10+$0x0], $0xffff;
	v23 =	vor.u32 v41, v5  }
0x23c: {  	v19 =	vld.idx.msk [tilespmem:v28+s10+$0x0], $0xffff;
	v8 =	vor.u32 v56, v6  }
0x23d: {  	v27 =	vld.idx.msk [tilespmem:v27+s10+$0x0], $0xffff;
	v28 =	vor.u32 v40, v9  }
0x23e: {  	v22 =	vld.idx.msk [tilespmem:v22+s10+$0x0], $0xffff;
	[tilespmem:s12+$0x310] =	vst v20;
	v20 =	vor.u32 v57, v11  }
0x23f: {  	v25 =	vor.u32 v46, v18;
	[tilespmem:s12+$0xFFFFFD20] =	vst v24;
	v24 =	vld.idx.msk [tilespmem:v26+s10+$0x0], $0xffff  }
0x240: {  	v23 =	vld.idx.msk [tilespmem:v23+s10+$0x0], $0xffff  }
0x241: {  	[tilespmem:s12+$0xFFFFFC10] =	vst v21;
	v21 =	vor.u32 v60, v12;
	v8 =	vld.idx.msk [tilespmem:v8+s10+$0x0], $0xffff  }
0x242: {  	[tilespmem:s12+$0x3D0] =	vst v27;
	v27 =	vld.idx.msk [tilespmem:v28+s10+$0x0], $0xffff;
	v28 =	vor.u32 v30, v13  }
0x243: {  	[tilespmem:s12+$0xFFFFFCA0] =	vst v19;
	v19 =	vor.u32 v48, v14;
	v20 =	vld.idx.msk [tilespmem:v20+s10+$0x0], $0xffff  }
0x244: {  	[tilespmem:s12+$0xFFFFFDA0] =	vst v22;
	v26 =	vor.u32 v41, v15;
	v25 =	vld.idx.msk [tilespmem:v25+s10+$0x0], $0xffff  }
0x245: {  	v29 =	vld [tilespmem:$0x1FB80];
	[tilespmem:s12+$0xFFFFFFA0] =	vst v24  }
0x246: {  	v22 =	vor.u32 v56, v16;
	v21 =	vld.idx.msk [tilespmem:v21+s10+$0x0], $0xffff;
	[tilespmem:s12+$0xFFFFFE20] =	vst v23  }
0x247: {  	[tilespmem:s12+$0xFFFFFEA0] =	vst v8;
	v23 =	vld.idx.msk [tilespmem:v28+s10+$0x0], $0xffff  }
0x248: {  	v19 =	vld.idx.msk [tilespmem:v19+s10+$0x0], $0xffff;
	[tilespmem:s12+$0xFFFFFF20] =	vst v27  }
0x249: {  	v26 =	vld.idx.msk [tilespmem:v26+s10+$0x0], $0xffff;
	[tilespmem:s12+$0x3E0] =	vst v25  }
0x24a: {  	v18 =	vor.u32 v29, v18;
	v30 =	vld [tilespmem:$0x1FC80];
	[tilespmem:s12+$0x20] =	vst v20  }
0x24b: {  	v20 =	vld.idx.msk [tilespmem:v22+s10+$0x0], $0xffff;
	[tilespmem:s12+$0xA0] =	vst v21  }
0x24c: {  	v8 =	vor.u32 v40, v17;
	v59 =	vld [tilespmem:$0x1FF00];
	[tilespmem:s12+$0x120] =	vst v23  }
0x24d: {  	v27 =	vor.u32 v57, v2;
	v51 =	vld [tilespmem:$0x1FD80];
	[tilespmem:s12+$0x1A0] =	vst v19  }
0x24e: {  	v25 =	vor.u32 v42, v3;
	v28 =	vld [tilespmem:$0x1FDF0]  }
0x24f: {  	v22 =	vor.u32 v49, v7;
	v18 =	vld.idx.msk [tilespmem:v18+s10+$0x0], $0xffff  }
0x250: {  	v24 =	vor.u32 v30, v4  }
0x251: {  	v8 =	vld.idx.msk [tilespmem:v8+s10+$0x0], $0xffff;
	v21 =	vor.u32 v59, v5  }
0x252: {  	v23 =	vld.idx.msk [tilespmem:v27+s10+$0x0], $0xffff;
	v27 =	vor.u32 v51, v6  }
0x253: {  	v19 =	vld.idx.msk [tilespmem:v25+s10+$0x0], $0xffff;
	[tilespmem:s12+$0x220] =	vst v26;
	v25 =	vor.u32 v28, v9  }
0x254: {  	v26 =	vor.u32 v47, v10;
	[tilespmem:s12+$0x3F0] =	vst v18;
	v18 =	vld.idx.msk [tilespmem:v22+s10+$0x0], $0xffff  }
0x255: {  	[tilespmem:s12+$0x2A0] =	vst v20;
	v22 =	vor.u32 v55, v11;
	v24 =	vld.idx.msk [tilespmem:v24+s10+$0x0], $0xffff  }
0x256: {  	[tilespmem:s12+$0x320] =	vst v8;
	v20 =	vld.idx.msk [tilespmem:v21+s10+$0x0], $0xffff;
	v21 =	vor.u32 v42, v12  }
0x257: {  	[tilespmem:s12+$0xFFFFFC20] =	vst v23;
	v8 =	vld.idx.msk [tilespmem:v27+s10+$0x0], $0xffff;
	v27 =	vor.u32 v30, v13  }
0x258: {  	[tilespmem:s12+$0xFFFFFCB0] =	vst v19;
	v23 =	vld.idx.msk [tilespmem:v25+s10+$0x0], $0xffff;
	v25 =	vor.u32 v49, v14  }
0x259: {  	v19 =	vld.idx.msk [tilespmem:v26+s10+$0x0], $0xffff;
	[tilespmem:s12+$0xFFFFFDB0] =	vst v18  }
0x25a: {  	v26 =	vor.u32 v59, v15;
	v22 =	vld.idx.msk [tilespmem:v22+s10+$0x0], $0xffff;
	[tilespmem:s12+$0xFFFFFD30] =	vst v24  }
0x25b: {  	v18 =	vld.idx.msk [tilespmem:v21+s10+$0x0], $0xffff;
	[tilespmem:s12+$0xFFFFFE30] =	vst v20  }
0x25c: {  	v20 =	vld.idx.msk [tilespmem:v27+s10+$0x0], $0xffff;
	[tilespmem:s12+$0xFFFFFEB0] =	vst v8  }
0x25d: {  	v8 =	vld.idx.msk [tilespmem:v25+s10+$0x0], $0xffff;
	[tilespmem:s12+$0xFFFFFF30] =	vst v23  }
0x25e: {  	v24 =	vor.u32 v51, v16;
	v57 =	vld [tilespmem:$0x1FC90];
	[tilespmem:s12+$0xFFFFFFB0] =	vst v19  }
0x25f: {  	v21 =	vor.u32 v28, v17;
	v23 =	vld.idx.msk [tilespmem:v26+s10+$0x0], $0xffff;
	[tilespmem:s12+$0x30] =	vst v22  }
0x260: {  	v37 =	vmov v61;
	v27 =	vor.u32 v55, v2;
	v61 =	vld [tilespmem:$0x1FEF0];
	[tilespmem:s12+$0xB0] =	vst v18  }
0x261: {  	v25 =	vor.u32 v43, v3;
	v30 =	vld [tilespmem:$0x1FD90];
	[tilespmem:s12+$0x130] =	vst v20  }
0x262: {  	v19 =	vor.u32 v50, v7;
	v28 =	vld [tilespmem:$0x1FE00]  }
0x263: {  	v24 =	vld.idx.msk [tilespmem:v24+s10+$0x0], $0xffff;
	v26 =	vor.u32 v57, v4  }
0x264: {  	v21 =	vld.idx.msk [tilespmem:v21+s10+$0x0], $0xffff  }
0x265: {  	v18 =	vld.idx.msk [tilespmem:v27+s10+$0x0], $0xffff;
	v22 =	vor.u32 v61, v5  }
0x266: {  	v20 =	vld.idx.msk [tilespmem:v25+s10+$0x0], $0xffff;
	v27 =	vor.u32 v30, v6  }
0x267: {  	[tilespmem:s12+$0x1B0] =	vst v8;
	v19 =	vld.idx.msk [tilespmem:v19+s10+$0x0], $0xffff;
	v25 =	vor.u32 v28, v9  }
0x268: {  	[tilespmem:s12+$0x230] =	vst v23;
	v8 =	vld.idx.msk [tilespmem:v26+s10+$0x0], $0xffff;
	v26 =	vor.u32 v32, v10  }
0x269: {  	v55 =	vmov v43;
	v23 =	vor.u32 v52, v11;
	[tilespmem:s12+$0x2B0] =	vst v24  }
0x26a: {  	v24 =	vor.u32 v55, v12;
	[tilespmem:s12+$0x330] =	vst v21;
	v22 =	vld.idx.msk [tilespmem:v22+s10+$0x0], $0xffff  }
0x26b: {  	[tilespmem:s12+$0xFFFFFC30] =	vst v18;
	v21 =	vld.idx.msk [tilespmem:v27+s10+$0x0], $0xffff;
	v27 =	vor.u32 v57, v13  }
0x26c: {  	[tilespmem:s12+$0xFFFFFCC0] =	vst v20;
	v18 =	vld.idx.msk [tilespmem:v25+s10+$0x0], $0xffff  }
0x26d: {  	[tilespmem:s12+$0xFFFFFDC0] =	vst v19;
	v20 =	vld.idx.msk [tilespmem:v26+s10+$0x0], $0xffff  }
0x26e: {  	[tilespmem:s12+$0xFFFFFD40] =	vst v8;
	v8 =	vld.idx.msk [tilespmem:v23+s10+$0x0], $0xffff  }
0x26f: {  	v19 =	vld.idx.msk [tilespmem:v24+s10+$0x0], $0xffff;
	v24 =	vor.u32 v28, v17;
	[tilespmem:s12+$0xFFFFFE40] =	vst v22  }
0x270: {  	v27 =	vld.idx.msk [tilespmem:v27+s10+$0x0], $0xffff;
	[tilespmem:s12+$0xFFFFFEC0] =	vst v21  }
0x271: {  	v25 =	vor.u32 v50, v14;
	v47 =	vld [tilespmem:$0x1FF70];
	[tilespmem:s12+$0xFFFFFF40] =	vst v18  }
0x272: {  	v48 =	vld [tilespmem:$0x1FCA0];
	[tilespmem:s12+$0xFFFFFFC0] =	vst v20  }
0x273: {  	v26 =	vor.u32 v61, v15;
	v22 =	vor.u32 v52, v2;
	v52 =	vld [tilespmem:$0x1FFC0];
	[tilespmem:s12+$0x40] =	vst v8  }
0x274: {  	v23 =	vor.u32 v30, v16;
	v24 =	vld.idx.msk [tilespmem:v24+s10+$0x0], $0xffff;
	[tilespmem:s12+$0xC0] =	vst v19  }
0x275: {  	v30 =	vld [tilespmem:$0x1FDA0]  }
0x276: {  	v25 =	vld.idx.msk [tilespmem:v25+s10+$0x0], $0xffff;
	v8 =	vor.u32 v54, v5;
	[tilespmem:s12+$0x140] =	vst v27  }
0x277: {  	v21 =	vor.u32 v47, v3;
	v28 =	vld [tilespmem:$0x1FE10]  }
0x278: {  	v26 =	vld.idx.msk [tilespmem:v26+s10+$0x0], $0xffff;
	v18 =	vor.u32 v48, v4  }
0x279: {  	v23 =	vld.idx.msk [tilespmem:v23+s10+$0x0], $0xffff;
	v20 =	vor.u32 v52, v7  }
0x27a: {  	v19 =	vld.idx.msk [tilespmem:v22+s10+$0x0], $0xffff;
	v22 =	vor.u32 v30, v6  }
0x27b: {  	[tilespmem:s12+$0x340] =	vst v24;
	v24 =	vor.u32 v48, v13;
	v8 =	vld.idx.msk [tilespmem:v8+s10+$0x0], $0xffff  }
0x27c: {  	[tilespmem:s12+$0x1C0] =	vst v25;
	v21 =	vld.idx.msk [tilespmem:v21+s10+$0x0], $0xffff;
	v27 =	vor.u32 v28, v9  }
0x27d: {  	v25 =	vor.u32 v31, v10;
	[tilespmem:s12+$0x240] =	vst v26;
	v18 =	vld.idx.msk [tilespmem:v18+s10+$0x0], $0xffff  }
0x27e: {  	v26 =	vor.u32 v62, v11;
	[tilespmem:s12+$0x2C0] =	vst v23;
	v20 =	vld.idx.msk [tilespmem:v20+s10+$0x0], $0xffff  }
0x27f: {  	v23 =	vor.u32 v47, v12;
	[tilespmem:s12+$0xFFFFFC40] =	vst v19;
	v22 =	vld.idx.msk [tilespmem:v22+s10+$0x0], $0xffff  }
0x280: {  	v24 =	vld.idx.msk [tilespmem:v24+s10+$0x0], $0xffff;
	[tilespmem:s12+$0xFFFFFE50] =	vst v8  }
0x281: {  	v19 =	vld.idx.msk [tilespmem:v27+s10+$0x0], $0xffff;
	v27 =	vor.u32 v52, v14;
	[tilespmem:s12+$0xFFFFFCD0] =	vst v21  }
0x282: {  	v21 =	vld.idx.msk [tilespmem:v25+s10+$0x0], $0xffff;
	[tilespmem:s12+$0xFFFFFD50] =	vst v18  }
0x283: {  	v25 =	vor.u32 v54, v15;
	v18 =	vld.idx.msk [tilespmem:v26+s10+$0x0], $0xffff;
	[tilespmem:s12+$0xFFFFFDD0] =	vst v20  }
0x284: {  	v20 =	vld.idx.msk [tilespmem:v23+s10+$0x0], $0xffff;
	[tilespmem:s12+$0xFFFFFED0] =	vst v22  }
0x285: {  	v55 =	vld [tilespmem:$0x1FC30]  }
0x286: {  	v26 =	vor.u32 v30, v16;
	v27 =	vld.idx.msk [tilespmem:v27+s10+$0x0], $0xffff;
	[tilespmem:s12+$0xFFFFFF50] =	vst v19  }
0x287: {  	v57 =	vld [tilespmem:$0x1FCB0];
	[tilespmem:s12+$0xFFFFFFD0] =	vst v21  }
0x288: {  	v8 =	vor.u32 v62, v2;
	v25 =	vld.idx.msk [tilespmem:v25+s10+$0x0], $0xffff;
	[tilespmem:s12+$0x50] =	vst v18  }
0x289: {  	v23 =	vor.u32 v28, v17;
	v61 =	vld [tilespmem:$0x1FD40];
	[tilespmem:s12+$0xD0] =	vst v20  }
0x28a: {  	v31 =	vld [tilespmem:$0x1FDB0]  }
0x28b: {  	v21 =	vor.u32 v58, v7;
	v26 =	vld.idx.msk [tilespmem:v26+s10+$0x0], $0xffff;
	[tilespmem:s12+$0x150] =	vst v24  }
0x28c: {  	v22 =	vor.u32 v55, v3;
	v30 =	vld [tilespmem:$0x1FE20]  }
0x28d: {  	v8 =	vld.idx.msk [tilespmem:v8+s10+$0x0], $0xffff;
	[tilespmem:s12+$0x1D0] =	vst v27;
	v19 =	vor.u32 v57, v4  }
0x28e: {  	v23 =	vld.idx.msk [tilespmem:v23+s10+$0x0], $0xffff;
	[tilespmem:s12+$0x250] =	vst v25;
	v18 =	vor.u32 v61, v5  }
0x28f: {  	v28 =	vld [tilespmem:$0x1FF60];
	v20 =	vor.u32 v31, v6  }
0x290: {  	v21 =	vld.idx.msk [tilespmem:v21+s10+$0x0], $0xffff;
	[tilespmem:s12+$0x2D0] =	vst v26;
	v26 =	vor.u32 v55, v12  }
0x291: {  	v22 =	vld.idx.msk [tilespmem:v22+s10+$0x0], $0xffff;
	v24 =	vor.u32 v30, v9  }
0x292: {  	v27 =	vor.u32 v46, v10;
	v19 =	vld.idx.msk [tilespmem:v19+s10+$0x0], $0xffff  }
0x293: {  	[tilespmem:s12+$0x350] =	vst v23;
	v23 =	vor.u32 v57, v13;
	v18 =	vld.idx.msk [tilespmem:v18+s10+$0x0], $0xffff  }
0x294: {  	[tilespmem:s12+$0xFFFFFC50] =	vst v8;
	v25 =	vor.u32 v28, v11;
	v20 =	vld.idx.msk [tilespmem:v20+s10+$0x0], $0xffff  }
0x295: {  	[tilespmem:s12+$0xFFFFFDE0] =	vst v21;
	v21 =	vld.idx.msk [tilespmem:v26+s10+$0x0], $0xffff  }
0x296: {  	v8 =	vld.idx.msk [tilespmem:v24+s10+$0x0], $0xffff;
	v24 =	vor.u32 v58, v14;
	[tilespmem:s12+$0xFFFFFCE0] =	vst v22  }
0x297: {  	v22 =	vld.idx.msk [tilespmem:v27+s10+$0x0], $0xffff;
	v27 =	vor.u32 v61, v15;
	[tilespmem:s12+$0xFFFFFD60] =	vst v19  }
0x298: {  	v23 =	vld.idx.msk [tilespmem:v23+s10+$0x0], $0xffff;
	[tilespmem:s12+$0xFFFFFE60] =	vst v18  }
0x299: {  	v19 =	vld.idx.msk [tilespmem:v25+s10+$0x0], $0xffff;
	v25 =	vor.u32 v31, v16;
	[tilespmem:s12+$0xFFFFFEE0] =	vst v20  }
0x29a: {  	v18 =	vor.u32 v28, v2;
	v28 =	vld [tilespmem:$0x1FC40]  }
0x29b: {  	v20 =	vld.idx.msk [tilespmem:v24+s10+$0x0], $0xffff  }
0x29c: {  	[tilespmem:s12+$0xFFFFFF60] =	vst v8;
	v8 =	vld.idx.msk [tilespmem:v27+s10+$0x0], $0xffff  }
0x29d: {  	v24 =	vld [tilespmem:$0x1FCC0]  }
0x29e: {  	[tilespmem:s12+$0xFFFFFFE0] =	vst v22;
	v22 =	vld.idx.msk [tilespmem:v25+s10+$0x0], $0xffff  }
0x29f: {  	v26 =	vor.u32 v30, v17;
	v30 =	vld [tilespmem:$0x1FF10];
	[tilespmem:s12+$0x60] =	vst v19  }
0x2a0: {  	v27 =	vld [tilespmem:$0x1FD50];
	[tilespmem:s12+$0xE0] =	vst v21  }
0x2a1: {  	v25 =	vld [tilespmem:$0x1FDC0];
	[tilespmem:s12+$0x160] =	vst v23  }
0x2a2: {  	v3 =	vor.u32 v28, v3;
	v21 =	vld [tilespmem:$0x1FE30];
	[tilespmem:s12+$0x1E0] =	vst v20  }
0x2a3: {  	[tilespmem:s12+$0x260] =	vst v8;
	v4 =	vor.u32 v24, v4  }
0x2a4: {  	v20 =	vld [tilespmem:$0x1FEE0];
	v7 =	vor.u32 v30, v7  }
0x2a5: {  	v19 =	vld.idx.msk [tilespmem:v26+s10+$0x0], $0xffff;
	v5 =	vor.u32 v27, v5  }
0x2a6: {  	v18 =	vld.idx.msk [tilespmem:v18+s10+$0x0], $0xffff;
	v6 =	vor.u32 v25, v6  }
0x2a7: {  	v3 =	vld.idx.msk [tilespmem:v3+s10+$0x0], $0xffff;
	v9 =	vor.u32 v21, v9  }
0x2a8: {  	v10 =	vor.u32 v29, v10;
	v4 =	vld.idx.msk [tilespmem:v4+s10+$0x0], $0xffff  }
0x2a9: {  	[tilespmem:s12+$0x2E0] =	vst v22;
	v8 =	vor.u32 v20, v11;
	v7 =	vld.idx.msk [tilespmem:v7+s10+$0x0], $0xffff  }
0x2aa: {  	[tilespmem:s12+$0x360] =	vst v19;
	v2 =	vor.u32 v20, v2;
	v5 =	vld.idx.msk [tilespmem:v5+s10+$0x0], $0xffff  }
0x2ab: {  	[tilespmem:s12+$0xFFFFFC60] =	vst v18;
	v11 =	vor.u32 v28, v12;
	v6 =	vld.idx.msk [tilespmem:v6+s10+$0x0], $0xffff  }
0x2ac: {  	v12 =	vor.u32 v24, v13;
	v9 =	vld.idx.msk [tilespmem:v9+s10+$0x0], $0xffff;
	[tilespmem:s12+$0xFFFFFCF0] =	vst v3  }
0x2ad: {  	v13 =	vor.u32 v30, v14;
	v3 =	vld.idx.msk [tilespmem:v10+s10+$0x0], $0xffff;
	[tilespmem:s12+$0xFFFFFD70] =	vst v4  }
0x2ae: {  	v10 =	vor.u32 v27, v15;
	v4 =	vld.idx.msk [tilespmem:v8+s10+$0x0], $0xffff;
	[tilespmem:s12+$0xFFFFFDF0] =	vst v7  }
0x2af: {  	v8 =	vor.u32 v25, v16;
	v2 =	vld.idx.msk [tilespmem:v2+s10+$0x0], $0xffff;
	[tilespmem:s12+$0xFFFFFE70] =	vst v5  }
0x2b0: {  	v7 =	vld.idx.msk [tilespmem:v11+s10+$0x0], $0xffff;
	v11 =	vor.u32 v21, v17;
	[tilespmem:s12+$0xFFFFFEF0] =	vst v6  }
0x2b1: {  	v5 =	vld.idx.msk [tilespmem:v12+s10+$0x0], $0xffff;
	[tilespmem:s12+$0xFFFFFF70] =	vst v9  }
0x2b2: {  	v6 =	vld.idx.msk [tilespmem:v13+s10+$0x0], $0xffff;
	[tilespmem:s12+$0xFFFFFFF0] =	vst v3  }
0x2b3: {  	v9 =	vld.idx.msk [tilespmem:v10+s10+$0x0], $0xffff;
	[tilespmem:s12+$0x70] =	vst v4  }
0x2b4: {  	v3 =	vld.idx.msk [tilespmem:v8+s10+$0x0], $0xffff;
	[tilespmem:s12+$0xFFFFFC70] =	vst v2  }
0x2b5: {  	v4 =	vld.idx.msk [tilespmem:v11+s10+$0x0], $0xffff;
	[tilespmem:s12+$0xF0] =	vst v7  }
0x2b6: {  	s1 =	sadd.s32 s6, s28;
	[tilespmem:s12+$0x170] =	vst v5  }
0x2b7: {  	s30 =	simm.s32 $0x0;
	s29 =	sshll.u32 s1, $0x4;
	[tilespmem:s12+$0x1F0] =	vst v6  }
0x2b8: {  	s0 =	simm.s32 $0x3;
	s1 =	sshll.u32 s1, $0xA;
	s29 =	sand.u32 $0x40, s29;
	[tilespmem:s12+$0x270] =	vst v9  }
0x2b9: {  	s1 =	sand.u32 $0xFFFE000, s1;
	s29 =	sadd.s32 s4, s29;
	v6 =	vmov s0;
	[tilespmem:s12+$0x2F0] =	vst v3;
	v3 =	vmov s30  }
0x2ba: {  	v6 =	vshrl.u32 v6, $0x3;
	[tilespmem:s12+$0x370] =	vst v4;
	v3 =	vshrl.u32 v3, $0x3;
	s12 =	sadd.s32 s1, s29;
	s1 =	simm.s32 $0x1;
	s29 =	simm.s32 $0x5  }
0x2bb: {  	v6 =	vshll.u32 v6, v1;
	v2 =	vshll.u32 v3, v1;
	[hbm4b:s12+s9] =	stream.strided.scatter [tilespmem:s18], [sflag:$0x5], $0x2000, s17, s9, $0x38;
	[tilespmem:$0xF200] =	vst v63  }
0x2bc: {  	s12 =	simm.s32 $0x2;
	v3 =	vmov s1;
	v8 =	vmov s29;
	s1 =	simm.s32 $0x6;
	s29 =	simm.s32 $0x8;
	v61 =	vbroadcast v2, $0x0  }
0x2bd: {  	v4 =	vmov s12;
	s12 =	simm.s32 $0x4;
	v9 =	vmov s1;
	v11 =	vmov s29  }
0x2be: {  	p0 =	seq.s32 s26, $0x18;
	s1 =	simm.s32 $0x9;
	s29 =	simm.s32 $0xB;
	v3 =	vshrl.u32 v3, $0x3;
	v8 =	vshrl.u32 v8, $0x3;
	v7 =	vmov s12  }
0x2bf: {  	s0 =	sshll.u32 @!p0 s26, $0x9;
	v12 =	vmov s1;
	v14 =	vmov s29;
	s1 =	simm.s32 $0xC;
	v4 =	vshrl.u32 v4, $0x3  }
0x2c0: {  	s30 =	simm.s32 @!p0 $0x3200;
	v9 =	vshrl.u32 v9, $0x3;
	s29 =	sand.u32 @!p0 $0x3FFFFE00, s0;
	v11 =	vshrl.u32 v11, $0x3;
	v15 =	vmov s1;
	s1 =	simm.s32 $0xE  }
0x2c1: {  	s12 =	simm.s32 $0x7;
	v3 =	vshll.u32 v3, v1;
	v2 =	vor.u32 v34, v61;
	s0 =	sadd.s32 @!p0 $0x200, s29;
	v17 =	vmov s1;
	s1 =	simm.s32 @!p0 $0x80  }
0x2c2: {  	v10 =	vmov s12;
	v7 =	vshrl.u32 v7, $0x3;
	v19 =	vshrl.u32 v12, $0x3;
	[tilespmem:s30], [sflag:$0x1] =	stream.indirect.gather @!p0 [hbm4b:s3+s1], $0x40, s0, s1, $0xb8;
	[tilespmem:$0xF200] =	vst v63  }
0x2c3: {  	s12 =	simm.s32 $0xA;
	v21 =	vshrl.u32 v14, $0x3;
	v4 =	vshll.u32 v4, v1;
	v18 =	vbroadcast v3, $0x0;
	_ =	swait.ge [sflag:s19], $0x2000  }
0x2c4: {  	v13 =	vmov s12;
	s12 =	simm.s32 $0xD;
	v10 =	vshrl.u32 v10, $0x3;
	v22 =	vshrl.u32 v15, $0x3;
	[sflag:s19] =	ssyncset.done $0x0  }
0x2c5: {  	v3 =	vshll.u32 v7, v1;
	v16 =	vmov s12;
	v20 =	vshrl.u32 v13, $0x3;
	s0 =	simm.s32 @!p1 $0x6;
	[sflag:s19] =	ssyncadd.s32 $0xFFFFE000  }
0x2c6: {  	v24 =	vshrl.u32 v17, $0x3;
	v17 =	vbroadcast v4, $0x0;
	v4 =	vshll.u32 v8, v1;
	_ =	swait.ge @!p1 [sflag:s0], $0x2000  }
0x2c7: {  	v7 =	vor.u32 v44, v18;
	v15 =	vbroadcast v3, $0x0;
	v3 =	vshll.u32 v10, v1;
	v62 =	vld [tilespmem:$0x1FEB0]  }
0x2c8: {  	v23 =	vshrl.u32 v16, $0x3;
	v16 =	vbroadcast v6, $0x0;
	v6 =	vshll.u32 v9, v1;
	v39 =	vld [tilespmem:$0x1FEC0]  }
0x2c9: {  	v43 =	vmovc v29;
	s12 =	simm.s32 $0xF;
	v12 =	vbroadcast v4, $0x0;
	v4 =	vshll.u32 v11, v1;
	v8 =	vor.u32 v0, v17;
	[sflag:s0] =	ssyncset.done @!p1 $0x0;
	v29 =	vld [tilespmem:$0x1FE90]  }
0x2ca: {  	v13 =	vbroadcast v6, $0x0;
	v6 =	vmov s12;
	v10 =	vor.u32 v33, v16;
	[sflag:s0] =	ssyncadd.s32 @!p1 $0xFFFFE000  }
0x2cb: {  	v9 =	vbroadcast v3, $0x0;
	v11 =	vor.u32 v63, v15;
	v25 =	vld.idx.msk [tilespmem:v2+s11+$0x0], $0xffff;
	v2 =	vshrl.u32 v6, $0x3  }
0x2cc: {  	v6 =	vbroadcast v4, $0x0;
	v2 =	vshll.u32 v2, v1;
	v26 =	vor.u32 v62, v12  }
0x2cd: {  	v27 =	vld.idx.msk [tilespmem:v7+s11+$0x0], $0xffff;
	v7 =	vshll.u32 v19, v1;
	v5 =	vbroadcast v2, $0x0;
	v3 =	vor.u32 v39, v13  }
0x2ce: {  	v8 =	vld.idx.msk [tilespmem:v8+s11+$0x0], $0xffff;
	v14 =	vbroadcast v7, $0x0;
	v7 =	vshll.u32 v20, v1;
	v4 =	vor.u32 v29, v9  }
0x2cf: {  	v19 =	vld.idx.msk [tilespmem:v10+s11+$0x0], $0xffff;
	v10 =	vbroadcast v7, $0x0;
	v7 =	vshll.u32 v21, v1;
	v21 =	vor.u32 v29, v5  }
0x2d0: {  	v20 =	vld.idx.msk [tilespmem:v11+s11+$0x0], $0xffff;
	v28 =	vor.u32 v34, v6  }
0x2d1: {  	v29 =	vor.u32 v44, v14;
	v26 =	vld.idx.msk [tilespmem:v26+s11+$0x0], $0xffff  }
0x2d2: {  	v11 =	vbroadcast v7, $0x0;
	v7 =	vshll.u32 v22, v1;
	v22 =	vld.idx.msk [tilespmem:v3+s11+$0x0], $0xffff  }
0x2d3: {  	v30 =	vor.u32 v0, v10;
	v3 =	vshll.u32 v23, v1;
	v23 =	vld.idx.msk [tilespmem:v4+s11+$0x0], $0xffff  }
0x2d4: {  	v31 =	vor.u32 v33, v11;
	v4 =	vshll.u32 v24, v1;
	v21 =	vld.idx.msk [tilespmem:v21+s11+$0x0], $0xffff  }
0x2d5: {  	v7 =	vbroadcast v7, $0x0;
	v57 =	vor.u32 v35, v5;
	v24 =	vld.idx.msk [tilespmem:v28+s11+$0x0], $0xffff  }
0x2d6: {  	s30 =	simm.s32 $0xD600;
	v46 =	vbroadcast v3, $0x0;
	v29 =	vld.idx.msk [tilespmem:v29+s11+$0x0], $0xffff  }
0x2d7: {  	v28 =	vor.u32 v63, v7;
	v48 =	vbroadcast v4, $0x0;
	v4 =	vmov v35;
	v35 =	vld [tilespmem:$0x1FF20];
	[tilespmem:s30+$0xFFFFFC80] =	vst v27  }
0x2d8: {  	v30 =	vld.idx.msk [tilespmem:v30+s11+$0x0], $0xffff;
	v32 =	vor.u32 v62, v46;
	[tilespmem:s30+$0xFFFFFD00] =	vst v8  }
0x2d9: {  	v31 =	vld.idx.msk [tilespmem:v31+s11+$0x0], $0xffff;
	v33 =	vor.u32 v39, v48;
	[tilespmem:s30+$0x380] =	vst v21  }
0x2da: {  	[tilespmem:s30+$0xFFFFFD80] =	vst v19;
	v27 =	vld.idx.msk [tilespmem:v57+s11+$0x0], $0xffff  }
0x2db: {  	v8 =	vor.u32 v45, v13;
	v57 =	vld [tilespmem:$0x1FE40]  }
0x2dc: {  	v28 =	vld.idx.msk [tilespmem:v28+s11+$0x0], $0xffff;
	v21 =	vor.u32 v53, v12  }
0x2dd: {  	[tilespmem:s30+$0xFFFFFE00] =	vst v20;
	v20 =	vor.u32 v4, v9;
	v32 =	vld.idx.msk [tilespmem:v32+s11+$0x0], $0xffff  }
0x2de: {  	[tilespmem:s30+$0xFFFFFE80] =	vst v26;
	v2 =	vor.u32 v35, v18;
	v33 =	vld.idx.msk [tilespmem:v33+s11+$0x0], $0xffff  }
0x2df: {  	v62 =	vmov v36;
	v36 =	vor.u32 v36, v17;
	v4 =	vld [tilespmem:$0x1FD10];
	[tilespmem:s30+$0xFFFFFF00] =	vst v22  }
0x2e0: {  	v8 =	vld.idx.msk [tilespmem:v8+s11+$0x0], $0xffff;
	v19 =	vor.u32 v57, v5  }
0x2e1: {  	v3 =	vor.u32 v37, v16;
	[tilespmem:s30+$0xFFFFFF80] =	vst v23;
	v21 =	vld.idx.msk [tilespmem:v21+s11+$0x0], $0xffff  }
0x2e2: {  	v20 =	vld.idx.msk [tilespmem:v20+s11+$0x0], $0xffff  }
0x2e3: {  	v55 =	vmov v34;
	v63 =	vmov v38;
	v38 =	vor.u32 v38, v15;
	v34 =	vld.idx.msk [tilespmem:v2+s11+$0x0], $0xffff  }
0x2e4: {  	v22 =	vor.u32 v35, v14;
	[tilespmem:s30+$0x390] =	vst v27;
	v2 =	vld.idx.msk [tilespmem:v36+s11+$0x0], $0xffff  }
0x2e5: {  	v35 =	vor.u32 v62, v10;
	[tilespmem:s30+$0x0] =	vst v24;
	v19 =	vld.idx.msk [tilespmem:v19+s11+$0x0], $0xffff  }
0x2e6: {  	[tilespmem:s30+$0x80] =	vst v29;
	v36 =	vld.idx.msk [tilespmem:v3+s11+$0x0], $0xffff  }
0x2e7: {  	v54 =	vld [tilespmem:$0x1FE50];
	[tilespmem:s30+$0x100] =	vst v30  }
0x2e8: {  	v23 =	vor.u32 v37, v11;
	v3 =	vld.idx.msk [tilespmem:v38+s11+$0x0], $0xffff;
	[tilespmem:s30+$0x180] =	vst v31  }
0x2e9: {  	v24 =	vor.u32 v63, v7;
	v22 =	vld.idx.msk [tilespmem:v22+s11+$0x0], $0xffff;
	[tilespmem:s30+$0x200] =	vst v28  }
0x2ea: {  	v26 =	vor.u32 v4, v6;
	v30 =	vld.idx.msk [tilespmem:v35+s11+$0x0], $0xffff;
	[tilespmem:s30+$0x3A0] =	vst v19  }
0x2eb: {  	v29 =	vor.u32 v53, v46;
	v53 =	vor.u32 v4, v61;
	v4 =	vld [tilespmem:$0x1FC70];
	[tilespmem:s30+$0x280] =	vst v32  }
0x2ec: {  	v27 =	vor.u32 v54, v5;
	v62 =	vld [tilespmem:$0x1FF90]  }
0x2ed: {  	v23 =	vld.idx.msk [tilespmem:v23+s11+$0x0], $0xffff  }
0x2ee: {  	v31 =	vor.u32 v45, v48;
	v24 =	vld.idx.msk [tilespmem:v24+s11+$0x0], $0xffff;
	[tilespmem:s30+$0x300] =	vst v33  }
0x2ef: {  	v26 =	vld.idx.msk [tilespmem:v26+s11+$0x0], $0xffff;
	[tilespmem:s30+$0xFFFFFC00] =	vst v25  }
0x2f0: {  	v28 =	vor.u32 v60, v18;
	v44 =	vld [tilespmem:$0x1FE60]  }
0x2f1: {  	v27 =	vld.idx.msk [tilespmem:v27+s11+$0x0], $0xffff;
	v63 =	vor.u32 v62, v16  }
0x2f2: {  	v29 =	vld.idx.msk [tilespmem:v29+s11+$0x0], $0xffff;
	[tilespmem:s30+$0xFFFFFC90] =	vst v34  }
0x2f3: {  	v45 =	vor.u32 v56, v12;
	v25 =	vld.idx.msk [tilespmem:v31+s11+$0x0], $0xffff;
	[tilespmem:s30+$0xFFFFFD10] =	vst v2  }
0x2f4: {  	v33 =	vld.idx.msk [tilespmem:v53+s11+$0x0], $0xffff;
	[tilespmem:s30+$0xFFFFFD90] =	vst v36  }
0x2f5: {  	[tilespmem:s30+$0xFFFFFE10] =	vst v3;
	v28 =	vld.idx.msk [tilespmem:v28+s11+$0x0], $0xffff;
	v31 =	vor.u32 v44, v5  }
0x2f6: {  	v34 =	vor.u32 v41, v15;
	[tilespmem:s30+$0x3B0] =	vst v27;
	v32 =	vld.idx.msk [tilespmem:v63+s11+$0x0], $0xffff  }
0x2f7: {  	v19 =	vor.u32 v4, v17;
	v63 =	vld [tilespmem:$0x1FD20];
	[tilespmem:s30+$0xFFFFFE90] =	vst v21  }
0x2f8: {  	v36 =	vor.u32 v40, v13;
	[tilespmem:s30+$0xFFFFFF10] =	vst v8;
	v35 =	vld.idx.msk [tilespmem:v45+s11+$0x0], $0xffff  }
0x2f9: {  	v57 =	vor.u32 v57, v9;
	v45 =	vld [tilespmem:$0x1FE70];
	[tilespmem:s30+$0xFFFFFF90] =	vst v20  }
0x2fa: {  	v21 =	vor.u32 v60, v14;
	v31 =	vld.idx.msk [tilespmem:v31+s11+$0x0], $0xffff;
	[tilespmem:s30+$0x10] =	vst v26  }
0x2fb: {  	v34 =	vld.idx.msk [tilespmem:v34+s11+$0x0], $0xffff;
	[tilespmem:s30+$0x90] =	vst v22  }
0x2fc: {  	v19 =	vld.idx.msk [tilespmem:v19+s11+$0x0], $0xffff;
	[tilespmem:s30+$0x110] =	vst v30  }
0x2fd: {  	v36 =	vld.idx.msk [tilespmem:v36+s11+$0x0], $0xffff;
	v20 =	vor.u32 v4, v10;
	[tilespmem:s30+$0x190] =	vst v23  }
0x2fe: {  	[tilespmem:s30+$0x210] =	vst v24;
	v57 =	vld.idx.msk [tilespmem:v57+s11+$0x0], $0xffff;
	v8 =	vor.u32 v45, v5  }
0x2ff: {  	v26 =	vor.u32 v62, v11;
	v21 =	vld.idx.msk [tilespmem:v21+s11+$0x0], $0xffff;
	[tilespmem:s30+$0x3C0] =	vst v31  }
0x300: {  	v22 =	vor.u32 v41, v7;
	v30 =	vor.u32 v40, v48;
	v40 =	vld [tilespmem:$0x1FE80];
	[tilespmem:s30+$0x290] =	vst v29  }
0x301: {  	v60 =	vor.u32 v56, v46;
	v4 =	vld [tilespmem:$0x1FC80]  }
0x302: {  	v20 =	vld.idx.msk [tilespmem:v20+s11+$0x0], $0xffff  }
0x303: {  	v27 =	vor.u32 v63, v6;
	v8 =	vld.idx.msk [tilespmem:v8+s11+$0x0], $0xffff  }
0x304: {  	v23 =	vld.idx.msk [tilespmem:v26+s11+$0x0], $0xffff;
	[tilespmem:s30+$0x310] =	vst v25  }
0x305: {  	v22 =	vld.idx.msk [tilespmem:v22+s11+$0x0], $0xffff;
	[tilespmem:s30+$0xFFFFFC10] =	vst v33;
	v24 =	vor.u32 v40, v5  }
0x306: {  	v38 =	vld.idx.msk [tilespmem:v60+s11+$0x0], $0xffff;
	[tilespmem:s30+$0xFFFFFCA0] =	vst v28;
	v29 =	vor.u32 v4, v17  }
0x307: {  	[tilespmem:s30+$0xFFFFFD20] =	vst v19;
	v30 =	vld.idx.msk [tilespmem:v30+s11+$0x0], $0xffff  }
0x308: {  	v31 =	vor.u32 v63, v61;
	v27 =	vld.idx.msk [tilespmem:v27+s11+$0x0], $0xffff;
	[tilespmem:s30+$0x3D0] =	vst v8  }
0x309: {  	v26 =	vor.u32 v42, v18;
	v3 =	vld [tilespmem:$0x1FDF0];
	[tilespmem:s30+$0xFFFFFDA0] =	vst v32  }
0x30a: {  	v25 =	vor.u32 v49, v16;
	v24 =	vld.idx.msk [tilespmem:v24+s11+$0x0], $0xffff;
	[tilespmem:s30+$0xFFFFFE20] =	vst v34  }
0x30b: {  	v8 =	vor.u32 v51, v12;
	[tilespmem:s30+$0xFFFFFEA0] =	vst v35;
	v28 =	vld.idx.msk [tilespmem:v29+s11+$0x0], $0xffff  }
0x30c: {  	v29 =	vor.u32 v43, v5;
	v5 =	vld [tilespmem:$0x1FD30];
	[tilespmem:s30+$0xFFFFFF20] =	vst v36  }
0x30d: {  	v62 =	vor.u32 v59, v15;
	v31 =	vld.idx.msk [tilespmem:v31+s11+$0x0], $0xffff;
	[tilespmem:s30+$0xFFFFFFA0] =	vst v57  }
0x30e: {  	v63 =	vor.u32 v54, v9;
	v26 =	vld.idx.msk [tilespmem:v26+s11+$0x0], $0xffff;
	[tilespmem:s30+$0x20] =	vst v27  }
0x30f: {  	v25 =	vld.idx.msk [tilespmem:v25+s11+$0x0], $0xffff;
	[tilespmem:s30+$0xA0] =	vst v21  }
0x310: {  	v27 =	vor.u32 v59, v7;
	v35 =	vld.idx.msk [tilespmem:v8+s11+$0x0], $0xffff;
	[tilespmem:s30+$0x3E0] =	vst v24  }
0x311: {  	[tilespmem:s30+$0x120] =	vst v20;
	v8 =	vor.u32 v42, v14;
	v29 =	vld.idx.msk [tilespmem:v29+s11+$0x0], $0xffff  }
0x312: {  	v33 =	vld.idx.msk [tilespmem:v62+s11+$0x0], $0xffff;
	[tilespmem:s30+$0x1A0] =	vst v23  }
0x313: {  	[tilespmem:s30+$0x220] =	vst v22;
	v32 =	vld.idx.msk [tilespmem:v63+s11+$0x0], $0xffff;
	v19 =	vor.u32 v3, v13  }
0x314: {  	v41 =	vor.u32 v5, v6;
	v56 =	vld [tilespmem:$0x1FF50]  }
0x315: {  	s1 =	simm.s32 $0x10;
	v27 =	vld.idx.msk [tilespmem:v27+s11+$0x0], $0xffff  }
0x316: {  	v2 =	vmov s1;
	v21 =	vld.idx.msk [tilespmem:v8+s11+$0x0], $0xffff;
	[tilespmem:s30+$0x3F0] =	vst v29  }
0x317: {  	v2 =	vshrl.u32 v2, $0x3;
	v57 =	vld [tilespmem:$0x1FC90];
	[tilespmem:s30+$0x2A0] =	vst v38  }
0x318: {  	v2 =	vshll.u32 v2, v1;
	v42 =	vor.u32 v4, v10;
	v19 =	vld.idx.msk [tilespmem:v19+s11+$0x0], $0xffff;
	[tilespmem:s30+$0x320] =	vst v30  }
0x319: {  	v2 =	vbroadcast v2, $0x0;
	v34 =	vld.idx.msk [tilespmem:v41+s11+$0x0], $0xffff;
	[tilespmem:s30+$0xFFFFFC20] =	vst v31  }
0x31a: {  	v24 =	vor.u32 v49, v11;
	v60 =	vld [tilespmem:$0x1FEF0];
	[tilespmem:s30+$0xFFFFFCB0] =	vst v26  }
0x31b: {  	v43 =	vor.u32 v55, v2;
	v23 =	vor.u32 v3, v48;
	v3 =	vld [tilespmem:$0x1FD90];
	[tilespmem:s30+$0xFFFFFD30] =	vst v28  }
0x31c: {  	v20 =	vor.u32 v51, v46;
	v38 =	vld [tilespmem:$0x1FE00];
	[tilespmem:s30+$0xFFFFFDB0] =	vst v25  }
0x31d: {  	v36 =	vld.idx.msk [tilespmem:v42+s11+$0x0], $0xffff;
	[tilespmem:s30+$0xFFFFFE30] =	vst v33  }
0x31e: {  	v54 =	vor.u32 v5, v61;
	v62 =	vld [tilespmem:$0x1FC10];
	[tilespmem:s30+$0xFFFFFEB0] =	vst v35  }
0x31f: {  	v24 =	vld.idx.msk [tilespmem:v24+s11+$0x0], $0xffff;
	[tilespmem:s30+$0xFFFFFF30] =	vst v19  }
0x320: {  	v8 =	vld.idx.msk [tilespmem:v43+s11+$0x0], $0xffff;
	v22 =	vor.u32 v56, v18;
	[tilespmem:s30+$0xFFFFFFB0] =	vst v32  }
0x321: {  	v20 =	vld.idx.msk [tilespmem:v20+s11+$0x0], $0xffff;
	[tilespmem:s30+$0x30] =	vst v34  }
0x322: {  	v59 =	vor.u32 v50, v16;
	v23 =	vld.idx.msk [tilespmem:v23+s11+$0x0], $0xffff;
	[tilespmem:s30+$0xB0] =	vst v21  }
0x323: {  	v43 =	vor.u32 v56, v14;
	v31 =	vld.idx.msk [tilespmem:v54+s11+$0x0], $0xffff;
	[tilespmem:s30+$0x130] =	vst v36  }
0x324: {  	[tilespmem:s30+$0x1B0] =	vst v24  }
0x325: {  	v25 =	vor.u32 v44, v9;
	v22 =	vld.idx.msk [tilespmem:v22+s11+$0x0], $0xffff;
	[tilespmem:s30+$0x230] =	vst v27  }
0x326: {  	v44 =	vor.u32 v50, v11;
	v29 =	vor.u32 v57, v17;
	v19 =	vor.u32 v57, v10;
	v57 =	vld [tilespmem:$0x1FCA0];
	[tilespmem:s30+$0x2B0] =	vst v20  }
0x327: {  	v37 =	vld.idx.msk [tilespmem:v59+s11+$0x0], $0xffff;
	[tilespmem:s30+$0x330] =	vst v23  }
0x328: {  	v35 =	vld.idx.msk [tilespmem:v43+s11+$0x0], $0xffff;
	[tilespmem:s30+$0xFFFFFC30] =	vst v31  }
0x329: {  	v59 =	vld [tilespmem:$0x1FFD0]  }
0x32a: {  	v24 =	vor.u32 v47, v18;
	v25 =	vld.idx.msk [tilespmem:v25+s11+$0x0], $0xffff  }
0x32b: {  	v30 =	vor.u32 v60, v15;
	v32 =	vld.idx.msk [tilespmem:v44+s11+$0x0], $0xffff  }
0x32c: {  	v49 =	vor.u32 v60, v7;
	v29 =	vld.idx.msk [tilespmem:v29+s11+$0x0], $0xffff  }
0x32d: {  	v26 =	vor.u32 v3, v12;
	[tilespmem:s30+$0xFFFFFCC0] =	vst v22;
	v19 =	vld.idx.msk [tilespmem:v19+s11+$0x0], $0xffff  }
0x32e: {  	v21 =	vor.u32 v3, v46;
	v42 =	vor.u32 v62, v6;
	v51 =	vor.u32 v62, v61;
	v62 =	vld [tilespmem:$0x1FDA0]  }
0x32f: {  	v28 =	vor.u32 v38, v13;
	v24 =	vld.idx.msk [tilespmem:v24+s11+$0x0], $0xffff  }
0x330: {  	v50 =	vor.u32 v38, v48;
	v30 =	vld.idx.msk [tilespmem:v30+s11+$0x0], $0xffff  }
0x331: {  	v34 =	vld.idx.msk [tilespmem:v49+s11+$0x0], $0xffff  }
0x332: {  	v26 =	vld.idx.msk [tilespmem:v26+s11+$0x0], $0xffff  }
0x333: {  	v21 =	vld.idx.msk [tilespmem:v21+s11+$0x0], $0xffff  }
0x334: {  	v28 =	vld.idx.msk [tilespmem:v28+s11+$0x0], $0xffff  }
0x335: {  	v27 =	vor.u32 v57, v17;
	v31 =	vld.idx.msk [tilespmem:v50+s11+$0x0], $0xffff;
	[tilespmem:s30+$0xFFFFFD40] =	vst v29  }
0x336: {  	v20 =	vor.u32 v52, v16;
	v63 =	vld [tilespmem:$0x1FE10];
	[tilespmem:s30+$0xFFFFFDC0] =	vst v37  }
0x337: {  	v23 =	vor.u32 v59, v15;
	v33 =	vld.idx.msk [tilespmem:v42+s11+$0x0], $0xffff;
	[tilespmem:s30+$0xFFFFFE40] =	vst v30  }
0x338: {  	v43 =	vor.u32 v45, v9;
	v44 =	vld [tilespmem:$0x1FC20];
	[tilespmem:s30+$0xFFFFFEC0] =	vst v26  }
0x339: {  	v60 =	vld.idx.msk [tilespmem:v51+s11+$0x0], $0xffff;
	v22 =	vor.u32 v62, v12;
	[tilespmem:s30+$0xFFFFFFC0] =	vst v25  }
0x33a: {  	v27 =	vld.idx.msk [tilespmem:v27+s11+$0x0], $0xffff;
	[tilespmem:s30+$0xC0] =	vst v35  }
0x33b: {  	v20 =	vld.idx.msk [tilespmem:v20+s11+$0x0], $0xffff;
	[tilespmem:s30+$0x140] =	vst v19  }
0x33c: {  	v45 =	vor.u32 v59, v7;
	v23 =	vld.idx.msk [tilespmem:v23+s11+$0x0], $0xffff;
	[tilespmem:s30+$0x1C0] =	vst v32  }
0x33d: {  	v26 =	vor.u32 v47, v14;
	[tilespmem:s30+$0xFFFFFF40] =	vst v28;
	v37 =	vld.idx.msk [tilespmem:v43+s11+$0x0], $0xffff  }
0x33e: {  	v25 =	vor.u32 v52, v11;
	[tilespmem:s30+$0x40] =	vst v33;
	v22 =	vld.idx.msk [tilespmem:v22+s11+$0x0], $0xffff  }
0x33f: {  	v47 =	vor.u32 v62, v46;
	v50 =	vld [tilespmem:$0x1FC30];
	[tilespmem:s30+$0x240] =	vst v34  }
0x340: {  	v52 =	vld [tilespmem:$0x1FCB0]  }
0x341: {  	v33 =	vld.idx.msk [tilespmem:v45+s11+$0x0], $0xffff  }
0x342: {  	[tilespmem:s30+$0x2C0] =	vst v21;
	v26 =	vld.idx.msk [tilespmem:v26+s11+$0x0], $0xffff  }
0x343: {  	v28 =	vor.u32 v57, v10;
	[tilespmem:s30+$0x340] =	vst v31;
	v25 =	vld.idx.msk [tilespmem:v25+s11+$0x0], $0xffff  }
0x344: {  	[tilespmem:s30+$0xFFFFFC40] =	vst v60;
	v35 =	vld.idx.msk [tilespmem:v47+s11+$0x0], $0xffff  }
0x345: {  	v29 =	vor.u32 v63, v13;
	v54 =	vld [tilespmem:$0x1FD40];
	[tilespmem:s30+$0xFFFFFCD0] =	vst v24  }
0x346: {  	v19 =	vor.u32 v63, v48;
	v60 =	vld [tilespmem:$0x1FDB0];
	[tilespmem:s30+$0xFFFFFD50] =	vst v27  }
0x347: {  	v21 =	vor.u32 v58, v16;
	v3 =	vld [tilespmem:$0x1FE20];
	[tilespmem:s30+$0xFFFFFDD0] =	vst v20  }
0x348: {  	v30 =	vor.u32 v44, v6;
	v28 =	vld.idx.msk [tilespmem:v28+s11+$0x0], $0xffff;
	[tilespmem:s30+$0xFFFFFE50] =	vst v23  }
0x349: {  	v49 =	vor.u32 v44, v61;
	v62 =	vld [tilespmem:$0x1FF60]  }
0x34a: {  	v20 =	vor.u32 v40, v9;
	v29 =	vld.idx.msk [tilespmem:v29+s11+$0x0], $0xffff  }
0x34b: {  	v51 =	vor.u32 v50, v18;
	v19 =	vld.idx.msk [tilespmem:v19+s11+$0x0], $0xffff  }
0x34c: {  	[tilespmem:s30+$0xFFFFFED0] =	vst v22;
	v22 =	vor.u32 v50, v14;
	v21 =	vld.idx.msk [tilespmem:v21+s11+$0x0], $0xffff  }
0x34d: {  	v53 =	vor.u32 v52, v17;
	v30 =	vld.idx.msk [tilespmem:v30+s11+$0x0], $0xffff  }
0x34e: {  	[tilespmem:s30+$0xFFFFFFD0] =	vst v37;
	v31 =	vor.u32 v54, v15;
	v36 =	vld.idx.msk [tilespmem:v49+s11+$0x0], $0xffff  }
0x34f: {  	v24 =	vor.u32 v60, v12;
	v20 =	vld.idx.msk [tilespmem:v20+s11+$0x0], $0xffff  }
0x350: {  	[tilespmem:s30+$0xD0] =	vst v26;
	v32 =	vld.idx.msk [tilespmem:v51+s11+$0x0], $0xffff  }
0x351: {  	[tilespmem:s30+$0x1D0] =	vst v25;
	v22 =	vld.idx.msk [tilespmem:v22+s11+$0x0], $0xffff  }
0x352: {  	[tilespmem:s30+$0x150] =	vst v28;
	v27 =	vor.u32 v3, v13;
	v34 =	vld.idx.msk [tilespmem:v53+s11+$0x0], $0xffff  }
0x353: {  	v23 =	vor.u32 v62, v6;
	[tilespmem:s30+$0xFFFFFF50] =	vst v29;
	v31 =	vld.idx.msk [tilespmem:v31+s11+$0x0], $0xffff  }
0x354: {  	[tilespmem:s30+$0x50] =	vst v30;
	v24 =	vld.idx.msk [tilespmem:v24+s11+$0x0], $0xffff  }
0x355: {  	v29 =	vor.u32 v52, v10;
	v59 =	vld [tilespmem:$0x1FC40];
	[tilespmem:s30+$0x250] =	vst v33  }
0x356: {  	v28 =	vor.u32 v3, v48;
	v3 =	vld [tilespmem:$0x1FCC0]  }
0x357: {  	v38 =	vld.idx.msk [tilespmem:v27+s11+$0x0], $0xffff  }
0x358: {  	v43 =	vor.u32 v62, v61;
	[tilespmem:s30+$0x2D0] =	vst v35;
	v51 =	vld.idx.msk [tilespmem:v23+s11+$0x0], $0xffff  }
0x359: {  	v4 =	vld [tilespmem:$0x1FF10];
	[tilespmem:s30+$0x350] =	vst v19  }
0x35a: {  	[tilespmem:s30+$0xFFFFFC50] =	vst v36;
	v44 =	vld.idx.msk [tilespmem:v29+s11+$0x0], $0xffff  }
0x35b: {  	v62 =	vld [tilespmem:$0x1FD50];
	v17 =	vor.u32 v3, v17  }
0x35c: {  	v53 =	vld.idx.msk [tilespmem:v28+s11+$0x0], $0xffff  }
0x35d: {  	[tilespmem:s30+$0xFFFFFCE0] =	vst v32;
	v28 =	vld.idx.msk [tilespmem:v43+s11+$0x0], $0xffff  }
0x35e: {  	s1 =	simm.s32 $0x12;
	v27 =	vor.u32 v58, v11;
	v23 =	vor.u32 v60, v46;
	v60 =	vld [tilespmem:$0x1FDC0];
	[tilespmem:s30+$0xFFFFFD60] =	vst v34  }
0x35f: {  	v26 =	vmov s1;
	v30 =	vor.u32 v54, v7;
	v63 =	vld [tilespmem:$0x1FE30]  }
0x360: {  	s12 =	simm.s32 $0x11;
	v32 =	vshrl.u32 v26, $0x3;
	[tilespmem:s30+$0xFFFFFDE0] =	vst v21;
	v26 =	vld.idx.msk [tilespmem:v17+s11+$0x0], $0xffff  }
0x361: {  	v37 =	vmov s12;
	s12 =	simm.s32 $0x13;
	v18 =	vor.u32 v59, v18;
	v17 =	vld [tilespmem:$0x1FB80];
	[tilespmem:s30+$0xFFFFFE60] =	vst v31  }
0x362: {  	v40 =	vmov s12;
	s12 =	simm.s32 $0x15;
	v16 =	vor.u32 v4, v16;
	v58 =	vld [tilespmem:$0x1FEE0];
	[tilespmem:s30+$0xFFFFFEE0] =	vst v24  }
0x363: {  	v42 =	vmov s12;
	s12 =	simm.s32 $0x17;
	v39 =	vld.idx.msk [tilespmem:v27+s11+$0x0], $0xffff;
	[tilespmem:s30+$0xFFFFFF60] =	vst v38  }
0x364: {  	v37 =	vshrl.u32 v37, $0x3;
	s1 =	simm.s32 $0x14;
	v45 =	vmov s12;
	s12 =	simm.s32 $0x19;
	v5 =	vld.idx.msk [tilespmem:v30+s11+$0x0], $0xffff;
	v10 =	vor.u32 v3, v10;
	[tilespmem:s30+$0xFFFFFFE0] =	vst v20  }
0x365: {  	v41 =	vmov s1;
	v47 =	vmov s12;
	s12 =	simm.s32 $0x1B;
	v49 =	vld.idx.msk [tilespmem:v23+s11+$0x0], $0xffff;
	v12 =	vor.u32 v60, v12;
	[tilespmem:s30+$0x60] =	vst v51  }
0x366: {  	s1 =	simm.s32 $0x16;
	v56 =	vshrl.u32 v45, $0x3;
	v35 =	vmov s12;
	s12 =	simm.s32 $0x1D;
	v7 =	vor.u32 v62, v7;
	v25 =	vld.idx.msk [tilespmem:v18+s11+$0x0], $0xffff;
	[tilespmem:s30+$0xE0] =	vst v22  }
0x367: {  	v54 =	vshrl.u32 v42, $0x3;
	v36 =	vmov s12;
	v29 =	vmov s1;
	s1 =	simm.s32 $0x18;
	v27 =	vld.idx.msk [tilespmem:v16+s11+$0x0], $0xffff;
	[tilespmem:s30+$0x160] =	vst v44  }
0x368: {  	s12 =	simm.s32 $0x1E;
	v33 =	vmov s1;
	s1 =	simm.s32 $0x1A;
	v15 =	vor.u32 v62, v15;
	v62 =	vor.u32 v60, v46;
	v44 =	vld [tilespmem:$0x1FCF0];
	[tilespmem:s30+$0x1E0] =	vst v39  }
0x369: {  	v19 =	vshrl.u32 v35, $0x3;
	v52 =	vmov s12;
	v30 =	vmov s1;
	v35 =	vld.idx.msk [tilespmem:v10+s11+$0x0], $0xffff;
	[tilespmem:s30+$0x260] =	vst v5  }
0x36a: {  	v34 =	vshrl.u32 v40, $0x3;
	v14 =	vor.u32 v59, v14;
	v23 =	vshrl.u32 v30, $0x3;
	[tilespmem:s30+$0x2E0] =	vst v49;
	v30 =	vld.idx.msk [tilespmem:v12+s11+$0x0], $0xffff  }
0x36b: {  	s1 =	simm.s32 $0x1C;
	v21 =	vshrl.u32 v36, $0x3;
	v13 =	vor.u32 v63, v13;
	[tilespmem:s30+$0x360] =	vst v53;
	v12 =	vshll.u32 v37, v1;
	v37 =	vld.idx.msk [tilespmem:v7+s11+$0x0], $0xffff  }
0x36c: {  	v50 =	vmov s1;
	v18 =	vshrl.u32 v41, $0x3;
	v10 =	vld [tilespmem:$0x1FCD0];
	v9 =	vor.u32 v17, v9  }
0x36d: {  	v18 =	vshll.u32 v18, v1;
	v16 =	vshrl.u32 v33, $0x3;
	v38 =	vld.idx.msk [tilespmem:v62+s11+$0x0], $0xffff;
	v6 =	vor.u32 v58, v6  }
0x36e: {  	v24 =	vshrl.u32 v47, $0x3;
	v20 =	vshrl.u32 v50, $0x3;
	v22 =	vshrl.u32 v52, $0x3;
	v62 =	vld [tilespmem:$0x1FC60]  }
0x36f: {  	v5 =	vbroadcast v18, $0x0;
	v17 =	vshrl.u32 v29, $0x3;
	v29 =	vld.idx.msk [tilespmem:v15+s11+$0x0], $0xffff;
	v15 =	vor.u32 v4, v11  }
0x370: {  	v16 =	vshll.u32 v16, v1;
	v31 =	vld.idx.msk [tilespmem:v13+s11+$0x0], $0xffff;
	v13 =	vshll.u32 v32, v1;
	v3 =	vbroadcast v12, $0x0  }
0x371: {  	v11 =	vor.u32 v63, v48;
	v4 =	vbroadcast v13, $0x0;
	v32 =	vld.idx.msk [tilespmem:v9+s11+$0x0], $0xffff;
	v9 =	vshll.u32 v34, v1  }
0x372: {  	v63 =	vshll.u32 v54, v1;
	v12 =	vor.u32 v58, v61;
	v33 =	vld.idx.msk [tilespmem:v6+s11+$0x0], $0xffff;
	v6 =	vbroadcast v9, $0x0  }
0x373: {  	v54 =	vmovc v57;
	v7 =	vbroadcast v63, $0x0;
	v13 =	vor.u32 v44, v3;
	v34 =	vld.idx.msk [tilespmem:v14+s11+$0x0], $0xffff;
	v14 =	vor.u32 v0, v4  }
0x374: {  	s31 =	sor.u32 $0x1, s28;
	s0 =	simm.s32 $0x20;
	s1 =	simm.s32 $0x1F;
	v36 =	vld.idx.msk [tilespmem:v15+s11+$0x0], $0xffff;
	v9 =	vshll.u32 v17, v1;
	v17 =	vshll.u32 v56, v1;
	v15 =	vor.u32 v10, v6  }
.LBB2_5:
0x375: {  	v45 =	vld [tilespmem:$0x1FFF0]  }
0x376: {  	[tilespmem:s30+$0xFFFFFC60] =	vst v28;
	v28 =	vld.idx.msk [tilespmem:v11+s11+$0x0], $0xffff  }
0x377: {  	v42 =	vld [tilespmem:$0x1FEB0]  }
0x378: {  	v43 =	vld [tilespmem:$0x1FEC0]  }
0x379: {  	v63 =	vld [tilespmem:$0x1FCD0]  }
0x37a: {  	v57 =	vld [tilespmem:$0x1FEA0]  }
0x37b: {  	v59 =	vld [tilespmem:$0x1FF20]  }
0x37c: {  	[tilespmem:s30+$0xFFFFFCF0] =	vst v25;
	v48 =	vld [tilespmem:$0x1FF80]  }
0x37d: {  	[tilespmem:s30+$0xFFFFFD70] =	vst v26;
	v46 =	vld [tilespmem:$0x1FCE0]  }
0x37e: {  	[tilespmem:s30+$0xFFFFFDF0] =	vst v27;
	v25 =	vld.idx.msk [tilespmem:v13+s11+$0x0], $0xffff;
	v13 =	vshll.u32 v24, v1  }
0x37f: {  	[tilespmem:s30+$0xFFFFFE70] =	vst v29;
	v26 =	vld.idx.msk [tilespmem:v14+s11+$0x0], $0xffff;
	v14 =	vbroadcast v13, $0x0  }
0x380: {  	[tilespmem:s30+$0xFFFFFEF0] =	vst v30;
	v51 =	vld.idx.msk [tilespmem:v12+s11+$0x0], $0xffff  }
0x381: {  	v10 =	vbroadcast v9, $0x0;
	v50 =	vld [tilespmem:$0x1FD60];
	[tilespmem:s30+$0xFFFFFF70] =	vst v31;
	v30 =	vor.u32 v44, v14  }
0x382: {  	v39 =	vmov s1;
	v11 =	vbroadcast v17, $0x0;
	v47 =	vld [tilespmem:$0x1FF90];
	[tilespmem:s30+$0xFFFFFFF0] =	vst v32;
	v18 =	vor.u32 v45, v5  }
0x383: {  	v12 =	vbroadcast v16, $0x0;
	v16 =	vld [tilespmem:$0x1FE90];
	v13 =	vshll.u32 v23, v1;
	[tilespmem:s30+$0x70] =	vst v33;
	v40 =	vor.u32 v42, v7  }
0x384: {  	v24 =	vld.idx.msk [tilespmem:v15+s11+$0x0], $0xffff;
	v15 =	vshll.u32 v19, v1;
	v13 =	vbroadcast v13, $0x0;
	[tilespmem:s30+$0xF0] =	vst v34;
	v17 =	vor.u32 v43, v10  }
0x385: {  	v9 =	vmovc v2;
	v2 =	vshrl.u32 v39, $0x3;
	v15 =	vbroadcast v15, $0x0;
	v27 =	vor.u32 v55, v12;
	[tilespmem:s30+$0xFFFFFC70] =	vst v51;
	v51 =	vld [tilespmem:$0x1FDD0]  }
0x386: {  	v2 =	vshll.u32 v2, v1;
	[tilespmem:s30+$0x170] =	vst v35;
	v31 =	vor.u32 v0, v13;
	v30 =	vld.idx.msk [tilespmem:v30+s11+$0x0], $0xffff  }
0x387: {  	v2 =	vbroadcast v2, $0x0;
	[tilespmem:s30+$0x1F0] =	vst v36;
	v52 =	vor.u32 v63, v15;
	v23 =	vld.idx.msk [tilespmem:v18+s11+$0x0], $0xffff  }
0x388: {  	v61 =	vor.u32 v62, v4;
	[tilespmem:s30+$0x270] =	vst v37;
	v60 =	vor.u32 v59, v3;
	v29 =	vld.idx.msk [tilespmem:v40+s11+$0x0], $0xffff  }
0x389: {  	v41 =	vor.u32 v16, v11;
	v19 =	vor.u32 v16, v2;
	v16 =	vshll.u32 v20, v1;
	v20 =	vld.idx.msk [tilespmem:v17+s11+$0x0], $0xffff  }
0x38a: {  	[tilespmem:s30+$0x370] =	vst v28;
	v28 =	vor.u32 v48, v6;
	v18 =	vshll.u32 v22, v1;
	v22 =	vld.idx.msk [tilespmem:v27+s11+$0x0], $0xffff  }
0x38b: {  	[tilespmem:s30+$0x2F0] =	vst v38;
	s30 =	sadd.s32 $0x800, s30;
	v31 =	vld.idx.msk [tilespmem:v31+s11+$0x0], $0xffff  }
0x38c: {  	[tilespmem:s30+$0xFFFFFC80] =	vst v25;
	v32 =	vld.idx.msk [tilespmem:v52+s11+$0x0], $0xffff  }
0x38d: {  	[tilespmem:s30+$0xFFFFFD00] =	vst v26;
	v35 =	vld.idx.msk [tilespmem:v60+s11+$0x0], $0xffff  }
0x38e: {  	[tilespmem:s30+$0xFFFFFD80] =	vst v24;
	v52 =	vld.idx.msk [tilespmem:v61+s11+$0x0], $0xffff  }
0x38f: {  	v16 =	vbroadcast v16, $0x0;
	v28 =	vld.idx.msk [tilespmem:v28+s11+$0x0], $0xffff  }
0x390: {  	v40 =	vld [tilespmem:$0x1FE50]  }
0x391: {  	v17 =	vshll.u32 v21, v1;
	v27 =	vor.u32 v45, v16;
	v21 =	vld.idx.msk [tilespmem:v41+s11+$0x0], $0xffff  }
0x392: {  	v17 =	vbroadcast v17, $0x0;
	v19 =	vld.idx.msk [tilespmem:v19+s11+$0x0], $0xffff  }
0x393: {  	v18 =	vbroadcast v18, $0x0;
	v41 =	vld [tilespmem:$0x1FE40]  }
0x394: {  	v49 =	vor.u32 v46, v5;
	v53 =	vor.u32 v42, v17;
	v42 =	vld [tilespmem:$0x1FE60]  }
0x395: {  	v26 =	vor.u32 v51, v10;
	v56 =	vor.u32 v43, v18;
	v43 =	vld [tilespmem:$0x1FE80]  }
0x396: {  	v27 =	vld.idx.msk [tilespmem:v27+s11+$0x0], $0xffff  }
0x397: {  	[tilespmem:s30+$0xFFFFFF00] =	vst v20;
	v20 =	vor.u32 v59, v14;
	v59 =	vld [tilespmem:$0x1FF30]  }
0x398: {  	v58 =	vor.u32 v57, v2;
	[tilespmem:s30+$0xFFFFFE00] =	vst v23;
	v23 =	vor.u32 v57, v11;
	v57 =	vor.u32 v51, v18;
	v51 =	vld [tilespmem:$0x1FD70]  }
0x399: {  	v37 =	vld.idx.msk [tilespmem:v49+s11+$0x0], $0xffff  }
0x39a: {  	v26 =	vld.idx.msk [tilespmem:v26+s11+$0x0], $0xffff  }
0x39b: {  	[tilespmem:s30+$0xFFFFFF80] =	vst v21;
	v21 =	vor.u32 v48, v15;
	v48 =	vld [tilespmem:$0x1FC70]  }
0x39c: {  	[tilespmem:s30+$0x380] =	vst v19;
	v49 =	vld [tilespmem:$0x1FED0]  }
0x39d: {  	v25 =	vld.idx.msk [tilespmem:v58+s11+$0x0], $0xffff  }
0x39e: {  	v19 =	vor.u32 v50, v7;
	v33 =	vld.idx.msk [tilespmem:v53+s11+$0x0], $0xffff  }
0x39f: {  	v34 =	vld.idx.msk [tilespmem:v56+s11+$0x0], $0xffff  }
0x3a0: {  	[tilespmem:s30+$0x0] =	vst v22;
	v22 =	vor.u32 v46, v16;
	v53 =	vld [tilespmem:$0x1FD10]  }
0x3a1: {  	[tilespmem:s30+$0x80] =	vst v30;
	v24 =	vor.u32 v41, v2;
	v23 =	vld.idx.msk [tilespmem:v23+s11+$0x0], $0xffff  }
0x3a2: {  	[tilespmem:s30+$0xFFFFFE80] =	vst v29;
	v56 =	vor.u32 v62, v13;
	v20 =	vld.idx.msk [tilespmem:v20+s11+$0x0], $0xffff  }
0x3a3: {  	[tilespmem:s30+$0x180] =	vst v32;
	v19 =	vld.idx.msk [tilespmem:v19+s11+$0x0], $0xffff  }
0x3a4: {  	v60 =	vor.u32 v47, v6;
	[tilespmem:s30+$0x200] =	vst v27;
	v21 =	vld.idx.msk [tilespmem:v21+s11+$0x0], $0xffff  }
0x3a5: {  	v22 =	vld.idx.msk [tilespmem:v22+s11+$0x0], $0xffff;
	[tilespmem:s30+$0x390] =	vst v25  }
0x3a6: {  	[tilespmem:s30+$0x100] =	vst v31;
	v24 =	vld.idx.msk [tilespmem:v24+s11+$0x0], $0xffff  }
0x3a7: {  	v30 =	vor.u32 v50, v17;
	v31 =	vld.idx.msk [tilespmem:v56+s11+$0x0], $0xffff  }
0x3a8: {  	[tilespmem:s30+$0xFFFFFD90] =	vst v28;
	v29 =	vor.u32 v53, v12;
	v58 =	vor.u32 v53, v9;
	v53 =	vld [tilespmem:$0x1FDE0]  }
0x3a9: {  	[tilespmem:s30+$0x280] =	vst v33;
	v33 =	vld.idx.msk [tilespmem:v60+s11+$0x0], $0xffff  }
0x3aa: {  	v27 =	vor.u32 v59, v3;
	v56 =	vor.u32 v41, v11;
	v41 =	vld [tilespmem:$0x1FE70]  }
0x3ab: {  	[tilespmem:s30+$0xFFFFFC00] =	vst v8;
	v60 =	vld [tilespmem:$0x1FF40]  }
0x3ac: {  	v50 =	vor.u32 v49, v5;
	[tilespmem:s30+$0x300] =	vst v34;
	v30 =	vld.idx.msk [tilespmem:v30+s11+$0x0], $0xffff  }
0x3ad: {  	[tilespmem:s30+$0xFFFFFC90] =	vst v35;
	v8 =	vld.idx.msk [tilespmem:v57+s11+$0x0], $0xffff  }
0x3ae: {  	[tilespmem:s30+$0xFFFFFD10] =	vst v52;
	v52 =	vor.u32 v51, v7;
	v57 =	vld [tilespmem:$0x1FD20]  }
0x3af: {  	[tilespmem:s30+$0xFFFFFE10] =	vst v37;
	v27 =	vld.idx.msk [tilespmem:v27+s11+$0x0], $0xffff  }
0x3b0: {  	[tilespmem:s30+$0x90] =	vst v20;
	v20 =	vor.u32 v49, v16;
	v49 =	vld [tilespmem:$0x1FFA0]  }
0x3b1: {  	v35 =	vld.idx.msk [tilespmem:v50+s11+$0x0], $0xffff  }
0x3b2: {  	[tilespmem:s30+$0xFFFFFE90] =	vst v19;
	v50 =	vld [tilespmem:$0x1FF00]  }
0x3b3: {  	v36 =	vld.idx.msk [tilespmem:v52+s11+$0x0], $0xffff  }
0x3b4: {  	v52 =	vld [tilespmem:$0x1FD80]  }
0x3b5: {  	v25 =	vld.idx.msk [tilespmem:v29+s11+$0x0], $0xffff  }
0x3b6: {  	[tilespmem:s30+$0xFFFFFF90] =	vst v23;
	v23 =	vor.u32 v48, v13;
	v34 =	vld.idx.msk [tilespmem:v58+s11+$0x0], $0xffff  }
0x3b7: {  	v37 =	vld.idx.msk [tilespmem:v56+s11+$0x0], $0xffff  }
0x3b8: {  	v19 =	vor.u32 v59, v14;
	v28 =	vor.u32 v53, v10;
	[tilespmem:s30+$0x110] =	vst v31;
	v31 =	vor.u32 v53, v18;
	v53 =	vld [tilespmem:$0x1FDF0]  }
0x3b9: {  	v29 =	vor.u32 v40, v2;
	v56 =	vld [tilespmem:$0x1FD30]  }
0x3ba: {  	[tilespmem:s30+$0x3A0] =	vst v24;
	v24 =	vor.u32 v48, v4;
	v48 =	vld [tilespmem:$0x1FC90]  }
0x3bb: {  	[tilespmem:s30+$0x210] =	vst v22;
	v23 =	vld.idx.msk [tilespmem:v23+s11+$0x0], $0xffff  }
0x3bc: {  	v58 =	vor.u32 v51, v17;
	v20 =	vld.idx.msk [tilespmem:v20+s11+$0x0], $0xffff  }
0x3bd: {  	[tilespmem:s30+$0xFFFFFF10] =	vst v26;
	v19 =	vld.idx.msk [tilespmem:v19+s11+$0x0], $0xffff  }
0x3be: {  	[tilespmem:s30+$0x310] =	vst v8;
	v8 =	vor.u32 v49, v6;
	v29 =	vld.idx.msk [tilespmem:v29+s11+$0x0], $0xffff  }
0x3bf: {  	[tilespmem:s30+$0x190] =	vst v21;
	v51 =	vor.u32 v50, v5;
	v24 =	vld.idx.msk [tilespmem:v24+s11+$0x0], $0xffff  }
0x3c0: {  	[tilespmem:s30+$0x290] =	vst v30;
	v28 =	vld.idx.msk [tilespmem:v28+s11+$0x0], $0xffff  }
0x3c1: {  	[tilespmem:s30+$0x10] =	vst v25;
	v25 =	vor.u32 v47, v15;
	v38 =	vld.idx.msk [tilespmem:v58+s11+$0x0], $0xffff  }
0x3c2: {  	[tilespmem:s30+$0xFFFFFDA0] =	vst v33;
	v31 =	vld.idx.msk [tilespmem:v31+s11+$0x0], $0xffff  }
0x3c3: {  	v61 =	vor.u32 v42, v2;
	[tilespmem:s30+$0xFFFFFE20] =	vst v35;
	v33 =	vld.idx.msk [tilespmem:v8+s11+$0x0], $0xffff  }
0x3c4: {  	[tilespmem:s30+$0xFFFFFC10] =	vst v34;
	v34 =	vld.idx.msk [tilespmem:v51+s11+$0x0], $0xffff  }
0x3c5: {  	v59 =	vor.u32 v57, v9;
	v8 =	vor.u32 v40, v11;
	[tilespmem:s30+$0x120] =	vst v23;
	v23 =	vor.u32 v52, v17;
	v51 =	vld [tilespmem:$0x1FD90]  }
0x3c6: {  	[tilespmem:s30+$0x3B0] =	vst v29;
	v29 =	vor.u32 v57, v12;
	v21 =	vld.idx.msk [tilespmem:v25+s11+$0x0], $0xffff;
	v25 =	vor.u32 v60, v3  }
0x3c7: {  	v57 =	vor.u32 v56, v12;
	[tilespmem:s30+$0xFFFFFF20] =	vst v28;
	v28 =	vor.u32 v60, v14;
	v60 =	vor.u32 v56, v9;
	v56 =	vld [tilespmem:$0x1FC10]  }
0x3c8: {  	[tilespmem:s30+$0xFFFFFFA0] =	vst v37;
	v32 =	vld.idx.msk [tilespmem:v61+s11+$0x0], $0xffff  }
0x3c9: {  	[tilespmem:s30+$0xFFFFFD20] =	vst v24;
	v61 =	vld [tilespmem:$0x1FC80]  }
0x3ca: {  	v24 =	vor.u32 v53, v10;
	[tilespmem:s30+$0x2A0] =	vst v38;
	v37 =	vld.idx.msk [tilespmem:v8+s11+$0x0], $0xffff  }
0x3cb: {  	v23 =	vld.idx.msk [tilespmem:v23+s11+$0x0], $0xffff  }
0x3cc: {  	v8 =	vor.u32 v50, v16;
	v50 =	vld [tilespmem:$0x1FEF0]  }
0x3cd: {  	[tilespmem:s30+$0xFFFFFCA0] =	vst v27;
	v29 =	vld.idx.msk [tilespmem:v29+s11+$0x0], $0xffff  }
0x3ce: {  	v25 =	vld.idx.msk [tilespmem:v25+s11+$0x0], $0xffff  }
0x3cf: {  	v26 =	vor.u32 v41, v2;
	[tilespmem:s30+$0xA0] =	vst v19;
	v24 =	vld.idx.msk [tilespmem:v24+s11+$0x0], $0xffff  }
0x3d0: {  	v19 =	vld.idx.msk [tilespmem:v28+s11+$0x0], $0xffff;
	[tilespmem:s30+$0x1A0] =	vst v21  }
0x3d1: {  	v21 =	vor.u32 v53, v18;
	[tilespmem:s30+$0x3C0] =	vst v32;
	v32 =	vld.idx.msk [tilespmem:v59+s11+$0x0], $0xffff  }
0x3d2: {  	v53 =	vor.u32 v42, v11;
	v59 =	vld [tilespmem:$0x1FB80]  }
0x3d3: {  	[tilespmem:s30+$0x220] =	vst v20;
	v30 =	vor.u32 v61, v4;
	v58 =	vor.u32 v61, v13;
	v61 =	vld [tilespmem:$0x1FF50]  }
0x3d4: {  	[tilespmem:s30+$0x320] =	vst v31;
	v26 =	vld.idx.msk [tilespmem:v26+s11+$0x0], $0xffff  }
0x3d5: {  	[tilespmem:s30+$0xFFFFFDB0] =	vst v33;
	v39 =	vld.idx.msk [tilespmem:v8+s11+$0x0], $0xffff  }
0x3d6: {  	[tilespmem:s30+$0xFFFFFFB0] =	vst v37;
	v21 =	vld.idx.msk [tilespmem:v21+s11+$0x0], $0xffff  }
0x3d7: {  	[tilespmem:s30+$0xFFFFFCB0] =	vst v25;
	v33 =	vld.idx.msk [tilespmem:v53+s11+$0x0], $0xffff  }
0x3d8: {  	v25 =	vor.u32 v51, v7;
	[tilespmem:s30+$0xB0] =	vst v19;
	v19 =	vor.u32 v51, v17;
	v51 =	vld [tilespmem:$0x1FFD0]  }
0x3d9: {  	v31 =	vor.u32 v50, v5;
	v53 =	vld [tilespmem:$0x1FE10]  }
0x3da: {  	v22 =	vor.u32 v43, v2;
	[tilespmem:s30+$0x20] =	vst v29;
	v27 =	vld.idx.msk [tilespmem:v30+s11+$0x0], $0xffff  }
0x3db: {  	v35 =	vld.idx.msk [tilespmem:v57+s11+$0x0], $0xffff  }
0x3dc: {  	[tilespmem:s30+$0xFFFFFE30] =	vst v34;
	v28 =	vld.idx.msk [tilespmem:v58+s11+$0x0], $0xffff;
	v20 =	vor.u32 v61, v3  }
0x3dd: {  	[tilespmem:s30+$0x3D0] =	vst v26;
	v26 =	vor.u32 v52, v7;
	v52 =	vld [tilespmem:$0x1FE00]  }
0x3de: {  	[tilespmem:s30+$0x2B0] =	vst v23;
	v57 =	vor.u32 v56, v12;
	v31 =	vld.idx.msk [tilespmem:v31+s11+$0x0], $0xffff  }
0x3df: {  	[tilespmem:s30+$0xFFFFFF30] =	vst v24;
	v24 =	vor.u32 v48, v13;
	v22 =	vld.idx.msk [tilespmem:v22+s11+$0x0], $0xffff  }
0x3e0: {  	v30 =	vor.u32 v59, v2;
	v2 =	vmov s0;
	v19 =	vld.idx.msk [tilespmem:v19+s11+$0x0], $0xffff  }
0x3e1: {  	[tilespmem:s30+$0xFFFFFEA0] =	vst v36;
	v2 =	vshrl.u32 v2, $0x3;
	v20 =	vld.idx.msk [tilespmem:v20+s11+$0x0], $0xffff  }
0x3e2: {  	v2 =	vshll.u32 v2, v1;
	[tilespmem:s30+$0x30] =	vst v35;
	v26 =	vld.idx.msk [tilespmem:v26+s11+$0x0], $0xffff  }
0x3e3: {  	v2 =	vbroadcast v2, $0x0;
	[tilespmem:s30+$0x130] =	vst v28;
	v34 =	vld.idx.msk [tilespmem:v57+s11+$0x0], $0xffff  }
0x3e4: {  	[tilespmem:s30+$0x330] =	vst v21;
	v21 =	vor.u32 v51, v5;
	v24 =	vld.idx.msk [tilespmem:v24+s11+$0x0], $0xffff  }
0x3e5: {  	v29 =	vor.u32 v55, v2;
	[tilespmem:s30+$0xFFFFFD30] =	vst v27;
	v27 =	vor.u32 v52, v10;
	v28 =	vor.u32 v52, v18;
	v52 =	vld [tilespmem:$0x1FDA0]  }
0x3e6: {  	v57 =	vld [tilespmem:$0x1FC20]  }
0x3e7: {  	[tilespmem:s30+$0x3E0] =	vst v22;
	v22 =	vor.u32 v49, v15;
	v49 =	vld [tilespmem:$0x1FFB0]  }
0x3e8: {  	[tilespmem:s30+$0xFFFFFE40] =	vst v31;
	v30 =	vld.idx.msk [tilespmem:v30+s11+$0x0], $0xffff  }
0x3e9: {  	v21 =	vld.idx.msk [tilespmem:v21+s11+$0x0], $0xffff  }
0x3ea: {  	v8 =	vld.idx.msk [tilespmem:v29+s11+$0x0], $0xffff  }
0x3eb: {  	v29 =	vor.u32 v48, v4;
	[tilespmem:s30+$0xFFFFFC20] =	vst v32;
	v48 =	vld [tilespmem:$0x1FF70]  }
0x3ec: {  	v32 =	vld.idx.msk [tilespmem:v60+s11+$0x0], $0xffff  }
0x3ed: {  	v27 =	vld.idx.msk [tilespmem:v27+s11+$0x0], $0xffff  }
0x3ee: {  	[tilespmem:s30+$0xFFFFFEB0] =	vst v26;
	v26 =	vor.u32 v61, v14;
	v60 =	vor.u32 v50, v16;
	v50 =	vld [tilespmem:$0x1FFC0]  }
0x3ef: {  	v28 =	vld.idx.msk [tilespmem:v28+s11+$0x0], $0xffff  }
0x3f0: {  	v31 =	vor.u32 v57, v12;
	v22 =	vld.idx.msk [tilespmem:v22+s11+$0x0], $0xffff  }
0x3f1: {  	v25 =	vld.idx.msk [tilespmem:v25+s11+$0x0], $0xffff  }
0x3f2: {  	[tilespmem:s30+$0x230] =	vst v39;
	v61 =	vor.u32 v56, v9;
	v29 =	vld.idx.msk [tilespmem:v29+s11+$0x0], $0xffff  }
0x3f3: {  	[tilespmem:s30+$0x40] =	vst v34;
	v26 =	vld.idx.msk [tilespmem:v26+s11+$0x0], $0xffff  }
0x3f4: {  	[tilespmem:s30+$0x140] =	vst v24;
	v24 =	vor.u32 v53, v18;
	v35 =	vld.idx.msk [tilespmem:v60+s11+$0x0], $0xffff  }
0x3f5: {  	[tilespmem:s30+$0x3F0] =	vst v30;
	v30 =	vor.u32 v49, v6;
	v31 =	vld.idx.msk [tilespmem:v31+s11+$0x0], $0xffff  }
0x3f6: {  	v58 =	vor.u32 v49, v15;
	[tilespmem:s30+$0xFFFFFC30] =	vst v32;
	v60 =	vor.u32 v51, v16;
	v51 =	vld [tilespmem:$0x1FFE0]  }
0x3f7: {  	[tilespmem:s30+$0xFFFFFCC0] =	vst v20;
	v20 =	vor.u32 v52, v7;
	v32 =	vld.idx.msk [tilespmem:v61+s11+$0x0], $0xffff  }
0x3f8: {  	[tilespmem:s30+$0x340] =	vst v28;
	v61 =	vld [tilespmem:$0x1FC30]  }
0x3f9: {  	v49 =	vor.u32 v54, v4;
	[tilespmem:s30+$0xFFFFFF40] =	vst v27;
	v24 =	vld.idx.msk [tilespmem:v24+s11+$0x0], $0xffff  }
0x3fa: {  	v27 =	vor.u32 v54, v13;
	[tilespmem:s30+$0x1B0] =	vst v22;
	v30 =	vld.idx.msk [tilespmem:v30+s11+$0x0], $0xffff  }
0x3fb: {  	[tilespmem:s30+$0xFFFFFEC0] =	vst v25;
	v36 =	vld.idx.msk [tilespmem:v58+s11+$0x0], $0xffff  }
0x3fc: {  	v20 =	vld.idx.msk [tilespmem:v20+s11+$0x0], $0xffff  }
0x3fd: {  	v22 =	vor.u32 v48, v3;
	[tilespmem:s30+$0xFFFFFD40] =	vst v29;
	v29 =	vor.u32 v53, v10;
	v53 =	vld [tilespmem:$0x1FDB0]  }
0x3fe: {  	v25 =	vor.u32 v48, v14;
	v56 =	vld.idx.msk [tilespmem:v49+s11+$0x0], $0xffff  }
0x3ff: {  	v27 =	vld.idx.msk [tilespmem:v27+s11+$0x0], $0xffff  }
0x400: {  	v49 =	vld [tilespmem:$0x1FCB0]  }
0x401: {  	v38 =	vor.u32 v57, v9;
	[tilespmem:s30+$0xC0] =	vst v26;
	v26 =	vor.u32 v52, v17;
	v52 =	vld [tilespmem:$0x1FD40]  }
0x402: {  	v22 =	vld.idx.msk [tilespmem:v22+s11+$0x0], $0xffff  }
0x403: {  	v23 =	vor.u32 v50, v6;
	[tilespmem:s30+$0x240] =	vst v35;
	v25 =	vld.idx.msk [tilespmem:v25+s11+$0x0], $0xffff  }
0x404: {  	v58 =	vor.u32 v50, v15;
	v34 =	vld.idx.msk [tilespmem:v60+s11+$0x0], $0xffff  }
0x405: {  	[tilespmem:s30+$0xFFFFFC40] =	vst v32;
	v60 =	vld [tilespmem:$0x1FDC0]  }
0x406: {  	[tilespmem:s30+$0xFFFFFDC0] =	vst v30;
	v32 =	vld.idx.msk [tilespmem:v38+s11+$0x0], $0xffff  }
0x407: {  	v48 =	vor.u32 v61, v3;
	[tilespmem:s30+$0xFFFFFED0] =	vst v20;
	v20 =	vor.u32 v61, v14;
	v61 =	vld [tilespmem:$0x1FD50]  }
0x408: {  	[tilespmem:s30+$0x1C0] =	vst v36;
	v23 =	vld.idx.msk [tilespmem:v23+s11+$0x0], $0xffff  }
0x409: {  	[tilespmem:s30+$0xFFFFFFC0] =	vst v33;
	v30 =	vor.u32 v41, v11;
	v33 =	vld.idx.msk [tilespmem:v58+s11+$0x0], $0xffff  }
0x40a: {  	v58 =	vld [tilespmem:$0x1FF60]  }
0x40b: {  	[tilespmem:s30+$0x2C0] =	vst v19;
	v29 =	vld.idx.msk [tilespmem:v29+s11+$0x0], $0xffff  }
0x40c: {  	v26 =	vld.idx.msk [tilespmem:v26+s11+$0x0], $0xffff  }
0x40d: {  	v19 =	vor.u32 v51, v6;
	[tilespmem:s30+$0xFFFFFD50] =	vst v56;
	v56 =	vld [tilespmem:$0x1FE20]  }
0x40e: {  	v50 =	vor.u32 v49, v4;
	[tilespmem:s30+$0xFFFFFCD0] =	vst v22;
	v30 =	vld.idx.msk [tilespmem:v30+s11+$0x0], $0xffff  }
0x40f: {  	v28 =	vor.u32 v52, v5;
	[tilespmem:s30+$0xD0] =	vst v25;
	v36 =	vld.idx.msk [tilespmem:v48+s11+$0x0], $0xffff  }
0x410: {  	[tilespmem:s30+$0xFFFFFE50] =	vst v21;
	v22 =	vor.u32 v53, v7;
	v41 =	vld.idx.msk [tilespmem:v20+s11+$0x0], $0xffff  }
0x411: {  	[tilespmem:s30+$0xFFFFFDD0] =	vst v23;
	v23 =	vor.u32 v43, v11;
	v21 =	vor.u32 v58, v12;
	v43 =	vor.u32 v58, v9;
	v58 =	vld [tilespmem:$0x1FE30]  }
0x412: {  	v19 =	vld.idx.msk [tilespmem:v19+s11+$0x0], $0xffff  }
0x413: {  	v35 =	vld.idx.msk [tilespmem:v50+s11+$0x0], $0xffff  }
0x414: {  	v38 =	vld.idx.msk [tilespmem:v28+s11+$0x0], $0xffff  }
0x415: {  	[tilespmem:s30+$0xFFFFFF50] =	vst v29;
	v29 =	vor.u32 v51, v15;
	v57 =	vor.u32 v56, v10;
	v20 =	vor.u32 v56, v18;
	v56 =	vld [tilespmem:$0x1FC40]  }
0x416: {  	v22 =	vld.idx.msk [tilespmem:v22+s11+$0x0], $0xffff;
	[tilespmem:s30+$0xFFFFFFD0] =	vst v30  }
0x417: {  	[tilespmem:s30+$0x50] =	vst v31;
	v28 =	vor.u32 v49, v13;
	v39 =	vld.idx.msk [tilespmem:v23+s11+$0x0], $0xffff  }
0x418: {  	v40 =	vld.idx.msk [tilespmem:v21+s11+$0x0], $0xffff  }
0x419: {  	[tilespmem:s30+$0x1D0] =	vst v33;
	v21 =	vor.u32 v53, v17;
	v53 =	vld [tilespmem:$0x1FF10]  }
0x41a: {  	v46 =	vld.idx.msk [tilespmem:v29+s11+$0x0], $0xffff  }
0x41b: {  	s12 =	sadd.s32 $0x1, s0;
	[tilespmem:s30+$0x150] =	vst v27;
	v37 =	vld.idx.msk [tilespmem:v57+s11+$0x0], $0xffff  }
0x41c: {  	v7 =	vor.u32 v60, v7;
	v30 =	vmov s12;
	s12 =	sadd.s32 $0x3, s0;
	v44 =	vld.idx.msk [tilespmem:v28+s11+$0x0], $0xffff  }
0x41d: {  	s1 =	sadd.s32 $0x2, s0;
	[tilespmem:s30+$0x350] =	vst v24;
	v23 =	vor.u32 v52, v16;
	v31 =	vmov s12;
	s12 =	sadd.s32 $0x5, s0;
	v57 =	vld [tilespmem:$0x1FCC0]  }
0x41e: {  	v25 =	vmov s1;
	s1 =	sadd.s32 $0x4, s0;
	[tilespmem:s30+$0xFFFFFC50] =	vst v32;
	v42 =	vmov s12;
	s12 =	sadd.s32 $0x7, s0;
	v51 =	vld.idx.msk [tilespmem:v20+s11+$0x0], $0xffff  }
0x41f: {  	[tilespmem:s30+$0x250] =	vst v34;
	v27 =	vmov s1;
	v45 =	vmov s12;
	v3 =	vor.u32 v56, v3;
	v28 =	vld.idx.msk [tilespmem:v43+s11+$0x0], $0xffff  }
0x420: {  	s1 =	sadd.s32 $0x6, s0;
	v5 =	vor.u32 v61, v5;
	v32 =	vshrl.u32 v25, $0x3;
	v43 =	vshrl.u32 v45, $0x3;
	v45 =	vld [tilespmem:$0x1FEE0];
	[tilespmem:s30+$0xFFFFFEE0] =	vst v22  }
0x421: {  	v33 =	vmov s1;
	s1 =	sadd.s32 $0x8, s0;
	[tilespmem:s30+$0x2D0] =	vst v26;
	v20 =	vshrl.u32 v30, $0x3;
	v30 =	vld.idx.msk [tilespmem:v7+s11+$0x0], $0xffff;
	v6 =	vor.u32 v53, v6  }
0x422: {  	[tilespmem:s30+$0xFFFFFCE0] =	vst v36;
	v29 =	vmov s1;
	v36 =	vshrl.u32 v31, $0x3;
	s12 =	sadd.s32 $0x9, s0;
	v47 =	vld.idx.msk [tilespmem:v23+s11+$0x0], $0xffff;
	v4 =	vor.u32 v57, v4  }
0x423: {  	[tilespmem:s30+$0xFFFFFD60] =	vst v35;
	v35 =	vshrl.u32 v42, $0x3;
	v42 =	vshrl.u32 v33, $0x3;
	v34 =	vmov s12;
	s12 =	sadd.s32 $0xB, s0;
	v49 =	vld.idx.msk [tilespmem:v21+s11+$0x0], $0xffff  }
0x424: {  	s1 =	sadd.s32 $0xA, s0;
	[tilespmem:s30+$0xFFFFFDE0] =	vst v19;
	v48 =	vmov s12;
	s12 =	sadd.s32 $0xD, s0;
	v24 =	vshrl.u32 v34, $0x3;
	v25 =	vld.idx.msk [tilespmem:v3+s11+$0x0], $0xffff;
	v3 =	vor.u32 v58, v10  }
0x425: {  	v23 =	vmov s1;
	v50 =	vmov s12;
	v7 =	vor.u32 v57, v13;
	[tilespmem:s30+$0x160] =	vst v44;
	v44 =	vld [tilespmem:$0x1FCF0]  }
0x426: {  	[tilespmem:s30+$0xE0] =	vst v41;
	s1 =	sadd.s32 $0xC, s0;
	s12 =	sadd.s32 $0xE, s0;
	v19 =	vshrl.u32 v48, $0x3;
	v10 =	vshrl.u32 v27, $0x3;
	v27 =	vld.idx.msk [tilespmem:v6+s11+$0x0], $0xffff;
	v6 =	vor.u32 v45, v12  }
0x427: {  	[tilespmem:s30+$0xFFFFFE60] =	vst v38;
	v21 =	vmov s1;
	v52 =	vmov s12;
	v26 =	vld.idx.msk [tilespmem:v4+s11+$0x0], $0xffff;
	v4 =	vor.u32 v59, v11  }
0x428: {  	v23 =	vshrl.u32 v23, $0x3;
	[tilespmem:s30+$0xFFFFFF60] =	vst v37;
	v59 =	vshrl.u32 v29, $0x3;
	v29 =	vld.idx.msk [tilespmem:v5+s11+$0x0], $0xffff;
	v5 =	vor.u32 v56, v14  }
0x429: {  	v11 =	vshll.u32 v20, v1;
	v31 =	vld.idx.msk [tilespmem:v3+s11+$0x0], $0xffff;
	v14 =	vor.u32 v53, v15;
	v15 =	vor.u32 v61, v16  }
0x42a: {  	[tilespmem:s30+$0x60] =	vst v40;
	v3 =	vbroadcast v11, $0x0;
	v11 =	vor.u32 v58, v18;
	v18 =	vshll.u32 v35, v1;
	v35 =	vld.idx.msk [tilespmem:v7+s11+$0x0], $0xffff  }
0x42b: {  	p1 =	slt.u32 s0, $0x30;
	[tilespmem:s30+$0xFFFFFFE0] =	vst v39;
	v22 =	vshrl.u32 v52, $0x3;
	v10 =	vshll.u32 v10, v1;
	v61 =	vor.u32 v60, v17;
	v33 =	vld.idx.msk [tilespmem:v6+s11+$0x0], $0xffff  }
.Ltmp3:
0x42c: {  	[tilespmem:s30+$0x1E0] =	vst v46;
	v12 =	vshll.u32 v32, v1;
	v20 =	vshrl.u32 v21, $0x3;
	v21 =	vshrl.u32 v50, $0x3;
	v32 =	vld.idx.msk [tilespmem:v4+s11+$0x0], $0xffff;
	(pc) =	sbr.rel @p1 .LBB2_5-.Ltmp3, $4  }
0x42d: {  	[tilespmem:s30+$0x260] =	vst v47;
	v16 =	vshll.u32 v36, v1;
	v17 =	vshll.u32 v43, v1;
	v7 =	vbroadcast v18, $0x0;
	v34 =	vld.idx.msk [tilespmem:v5+s11+$0x0], $0xffff  }
0x42e: {  	[tilespmem:s30+$0x2E0] =	vst v49;
	v13 =	vor.u32 v44, v3;
	v6 =	vbroadcast v16, $0x0;
	v4 =	vbroadcast v12, $0x0;
	v36 =	vld.idx.msk [tilespmem:v14+s11+$0x0], $0xffff  }
0x42f: {  	v16 =	vshll.u32 v59, v1;
	v12 =	vor.u32 v45, v9;
	v9 =	vshll.u32 v42, v1;
	v37 =	vld.idx.msk [tilespmem:v15+s11+$0x0], $0xffff  }
0x430: {  	s1 =	sadd.s32 $0xF, s0;
	s0 =	sadd.s32 $0x10, s0;
	[tilespmem:s30+$0x360] =	vst v51;
	v5 =	vbroadcast v10, $0x0;
	v15 =	vor.u32 v63, v6;
	v38 =	vld.idx.msk [tilespmem:v61+s11+$0x0], $0xffff;
	v14 =	vor.u32 v0, v4  }
0x431: {  	_ =	sdelay $0x2  }
0x432: {  	v41 =	vld [tilespmem:$0x1FFF0]  }
0x433: {  	[tilespmem:s30+$0xFFFFFC60] =	vst v28;
	v28 =	vld.idx.msk [tilespmem:v11+s11+$0x0], $0xffff  }
0x434: {  	v42 =	vld [tilespmem:$0x1FEB0];
	[tilespmem:s30+$0xFFFFFCF0] =	vst v25  }
0x435: {  	v43 =	vld [tilespmem:$0x1FEC0];
	[tilespmem:s30+$0xFFFFFD70] =	vst v26  }
0x436: {  	v11 =	vbroadcast v16, $0x0;
	v16 =	vld [tilespmem:$0x1FE90];
	[tilespmem:s30+$0xFFFFFDF0] =	vst v27  }
0x437: {  	[tilespmem:s30+$0xFFFFFE70] =	vst v29  }
0x438: {  	v10 =	vbroadcast v17, $0x0;
	v17 =	vld.idx.msk [tilespmem:v12+s11+$0x0], $0xffff;
	v12 =	vmov s1;
	[tilespmem:s30+$0xFFFFFEF0] =	vst v30  }
0x439: {  	v12 =	vshrl.u32 v12, $0x3;
	[tilespmem:s30+$0xFFFFFF70] =	vst v31  }
0x43a: {  	v12 =	vshll.u32 v12, v1;
	[tilespmem:s30+$0xFFFFFFF0] =	vst v32  }
0x43b: {  	[tilespmem:s30+$0x70] =	vst v33;
	v18 =	vbroadcast v12, $0x0  }
0x43c: {  	[tilespmem:s30+$0xF0] =	vst v34  }
0x43d: {  	v9 =	vbroadcast v9, $0x0;
	[tilespmem:s30+$0x170] =	vst v35;
	v12 =	vor.u32 v16, v18  }
0x43e: {  	v25 =	vld.idx.msk [tilespmem:v13+s11+$0x0], $0xffff;
	[tilespmem:s30+$0x1F0] =	vst v36  }
0x43f: {  	v27 =	vld.idx.msk [tilespmem:v15+s11+$0x0], $0xffff;
	[tilespmem:s30+$0x270] =	vst v37;
	v13 =	vor.u32 v43, v9  }
0x440: {  	v15 =	vor.u32 v55, v11;
	v36 =	vld [tilespmem:$0x1FEA0]  }
0x441: {  	v26 =	vld.idx.msk [tilespmem:v14+s11+$0x0], $0xffff;
	v39 =	vor.u32 v41, v5  }
0x442: {  	v40 =	vor.u32 v42, v7;
	v14 =	vor.u32 v16, v10;
	v16 =	vld.idx.msk [tilespmem:v12+s11+$0x0], $0xffff;
	_ =	sdelay $0x1  }
0x443: {  	[tilespmem:s30+$0x2F0] =	vst v38;
	v31 =	vld.idx.msk [tilespmem:v13+s11+$0x0], $0xffff;
	v13 =	vshll.u32 v23, v1  }
0x444: {  	[tilespmem:s30+$0x370] =	vst v28;
	v49 =	vld.idx.msk [tilespmem:v15+s11+$0x0], $0xffff;
	v23 =	vor.u32 v36, v18;
	v13 =	vbroadcast v13, $0x0  }
0x445: {  	s0 =	sadd.s32 $0x800, s30;
	[tilespmem:s30+$0xFFFFFC70] =	vst v17;
	v15 =	vshll.u32 v20, v1;
	v29 =	vld.idx.msk [tilespmem:v39+s11+$0x0], $0xffff  }
0x446: {  	v30 =	vld.idx.msk [tilespmem:v40+s11+$0x0], $0xffff;
	v12 =	vshll.u32 v24, v1;
	v20 =	vor.u32 v0, v13;
	[tilespmem:s0+$0x380] =	vst v16  }
0x447: {  	v28 =	vor.u32 v62, v4;
	v12 =	vbroadcast v12, $0x0;
	v16 =	vld [tilespmem:$0x1FCD0];
	[tilespmem:s0+$0xFFFFFC80] =	vst v25  }
0x448: {  	v48 =	vld.idx.msk [tilespmem:v14+s11+$0x0], $0xffff;
	[tilespmem:s0+$0xFFFFFD00] =	vst v26  }
0x449: {  	v14 =	vshll.u32 v19, v1;
	v19 =	vor.u32 v44, v12;
	v23 =	vld.idx.msk [tilespmem:v23+s11+$0x0], $0xffff;
	[tilespmem:s0+$0xFFFFFD80] =	vst v27  }
0x44a: {  	v34 =	vld [tilespmem:$0x1FE40]  }
0x44b: {  	v14 =	vbroadcast v14, $0x0;
	[tilespmem:s0+$0xFFFFFE00] =	vst v29;
	v20 =	vld.idx.msk [tilespmem:v20+s11+$0x0], $0xffff  }
0x44c: {  	v17 =	vshll.u32 v21, v1;
	v15 =	vbroadcast v15, $0x0;
	[tilespmem:s0+$0xFFFFFE80] =	vst v30;
	v28 =	vld.idx.msk [tilespmem:v28+s11+$0x0], $0xffff  }
0x44d: {  	v53 =	vld [tilespmem:$0x1FF20];
	[tilespmem:s0+$0xFFFFFF00] =	vst v31;
	v21 =	vor.u32 v16, v14;
	v16 =	vbroadcast v17, $0x0  }
0x44e: {  	v19 =	vld.idx.msk [tilespmem:v19+s11+$0x0], $0xffff;
	v17 =	vshll.u32 v22, v1;
	v22 =	vor.u32 v41, v15;
	[tilespmem:s0+$0x390] =	vst v23  }
0x44f: {  	v24 =	vor.u32 v42, v16;
	v42 =	vld [tilespmem:$0x1FF80];
	[tilespmem:s0+$0xFFFFFF80] =	vst v48  }
0x450: {  	v25 =	vor.u32 v34, v18;
	v47 =	vld [tilespmem:$0x1FCE0];
	[tilespmem:s0+$0x0] =	vst v49  }
0x451: {  	v17 =	vbroadcast v17, $0x0;
	v58 =	vld [tilespmem:$0x1FD60]  }
0x452: {  	v21 =	vld.idx.msk [tilespmem:v21+s11+$0x0], $0xffff  }
0x453: {  	v26 =	vor.u32 v43, v17;
	[tilespmem:s0+$0x80] =	vst v19;
	v22 =	vld.idx.msk [tilespmem:v22+s11+$0x0], $0xffff  }
0x454: {  	v27 =	vor.u32 v53, v3;
	v35 =	vld [tilespmem:$0x1FE50]  }
0x455: {  	[tilespmem:s0+$0x100] =	vst v20;
	v25 =	vld.idx.msk [tilespmem:v25+s11+$0x0], $0xffff  }
0x456: {  	v48 =	vld [tilespmem:$0x1FDD0];
	v23 =	vor.u32 v42, v6  }
0x457: {  	v24 =	vld.idx.msk [tilespmem:v24+s11+$0x0], $0xffff;
	v29 =	vor.u32 v47, v5  }
0x458: {  	v26 =	vld.idx.msk [tilespmem:v26+s11+$0x0], $0xffff;
	v30 =	vor.u32 v58, v7;
	[tilespmem:s0+$0x180] =	vst v21  }
0x459: {  	v19 =	vld.idx.msk [tilespmem:v27+s11+$0x0], $0xffff;
	[tilespmem:s0+$0x200] =	vst v22  }
0x45a: {  	v27 =	vor.u32 v35, v18;
	v40 =	vld [tilespmem:$0x1FD10];
	[tilespmem:s0+$0x3A0] =	vst v25  }
0x45b: {  	v20 =	vor.u32 v48, v9;
	[tilespmem:s0+$0xFFFFFC00] =	vst v8;
	v21 =	vld.idx.msk [tilespmem:v23+s11+$0x0], $0xffff  }
0x45c: {  	v23 =	vor.u32 v36, v10;
	[tilespmem:s0+$0x280] =	vst v24;
	v22 =	vld.idx.msk [tilespmem:v29+s11+$0x0], $0xffff  }
0x45d: {  	v24 =	vor.u32 v62, v13;
	[tilespmem:s0+$0x300] =	vst v26;
	v25 =	vld.idx.msk [tilespmem:v30+s11+$0x0], $0xffff  }
0x45e: {  	v26 =	vor.u32 v42, v14;
	v38 =	vld [tilespmem:$0x1FE60]  }
0x45f: {  	v30 =	vor.u32 v53, v12;
	v27 =	vld.idx.msk [tilespmem:v27+s11+$0x0], $0xffff  }
0x460: {  	[tilespmem:s0+$0xFFFFFC90] =	vst v19;
	v19 =	vor.u32 v47, v15;
	v20 =	vld.idx.msk [tilespmem:v20+s11+$0x0], $0xffff  }
0x461: {  	v29 =	vor.u32 v40, v11;
	v8 =	vld.idx.msk [tilespmem:v23+s11+$0x0], $0xffff  }
0x462: {  	[tilespmem:s0+$0xFFFFFD90] =	vst v21;
	v21 =	vld.idx.msk [tilespmem:v24+s11+$0x0], $0xffff  }
0x463: {  	v26 =	vld.idx.msk [tilespmem:v26+s11+$0x0], $0xffff  }
0x464: {  	[tilespmem:s0+$0xFFFFFD10] =	vst v28;
	v24 =	vor.u32 v48, v17;
	v28 =	vld.idx.msk [tilespmem:v30+s11+$0x0], $0xffff  }
0x465: {  	[tilespmem:s0+$0xFFFFFE10] =	vst v22;
	v23 =	vor.u32 v38, v18;
	v19 =	vld.idx.msk [tilespmem:v19+s11+$0x0], $0xffff  }
0x466: {  	[tilespmem:s0+$0x3B0] =	vst v27;
	v29 =	vld.idx.msk [tilespmem:v29+s11+$0x0], $0xffff  }
0x467: {  	v30 =	vor.u32 v58, v16;
	v43 =	vld [tilespmem:$0x1FF30];
	[tilespmem:s0+$0xFFFFFE90] =	vst v25  }
0x468: {  	v63 =	vld [tilespmem:$0x1FC70]  }
0x469: {  	v24 =	vld.idx.msk [tilespmem:v24+s11+$0x0], $0xffff  }
0x46a: {  	[tilespmem:s0+$0xFFFFFF10] =	vst v20;
	v23 =	vld.idx.msk [tilespmem:v23+s11+$0x0], $0xffff  }
0x46b: {  	v37 =	vld [tilespmem:$0x1FE70]  }
0x46c: {  	v27 =	vor.u32 v40, v2;
	[tilespmem:s0+$0xFFFFFF90] =	vst v8;
	v20 =	vld.idx.msk [tilespmem:v30+s11+$0x0], $0xffff  }
0x46d: {  	v46 =	vld [tilespmem:$0x1FF90];
	v22 =	vor.u32 v43, v3;
	[tilespmem:s0+$0x10] =	vst v29  }
0x46e: {  	v41 =	vld [tilespmem:$0x1FED0];
	[tilespmem:s0+$0x90] =	vst v28  }
0x46f: {  	v25 =	vor.u32 v63, v4;
	v51 =	vld [tilespmem:$0x1FD70];
	[tilespmem:s0+$0x3C0] =	vst v23  }
0x470: {  	v52 =	vld [tilespmem:$0x1FDE0]  }
0x471: {  	v27 =	vld.idx.msk [tilespmem:v27+s11+$0x0], $0xffff;
	v30 =	vor.u32 v37, v18;
	[tilespmem:s0+$0x110] =	vst v21  }
0x472: {  	v8 =	vor.u32 v46, v6;
	[tilespmem:s0+$0x190] =	vst v26;
	v22 =	vld.idx.msk [tilespmem:v22+s11+$0x0], $0xffff  }
0x473: {  	v39 =	vld [tilespmem:$0x1FD20];
	v29 =	vor.u32 v41, v5  }
0x474: {  	[tilespmem:s0+$0x210] =	vst v19;
	v23 =	vld.idx.msk [tilespmem:v25+s11+$0x0], $0xffff;
	v28 =	vor.u32 v51, v7  }
0x475: {  	v31 =	vld [tilespmem:$0x1FE80];
	v25 =	vor.u32 v52, v9  }
0x476: {  	v21 =	vor.u32 v34, v10;
	v30 =	vld.idx.msk [tilespmem:v30+s11+$0x0], $0xffff  }
0x477: {  	v8 =	vld.idx.msk [tilespmem:v8+s11+$0x0], $0xffff  }
0x478: {  	[tilespmem:s0+$0x290] =	vst v20;
	v20 =	vor.u32 v43, v12;
	v19 =	vld.idx.msk [tilespmem:v29+s11+$0x0], $0xffff  }
0x479: {  	[tilespmem:s0+$0x310] =	vst v24;
	v26 =	vor.u32 v39, v11;
	v28 =	vld.idx.msk [tilespmem:v28+s11+$0x0], $0xffff  }
0x47a: {  	[tilespmem:s0+$0xFFFFFC10] =	vst v27;
	v24 =	vld.idx.msk [tilespmem:v25+s11+$0x0], $0xffff  }
0x47b: {  	v29 =	vor.u32 v31, v18;
	v21 =	vld.idx.msk [tilespmem:v21+s11+$0x0], $0xffff;
	[tilespmem:s0+$0x3D0] =	vst v30  }
0x47c: {  	[tilespmem:s0+$0xFFFFFCA0] =	vst v22  }
0x47d: {  	v25 =	vor.u32 v63, v13;
	[tilespmem:s0+$0xFFFFFD20] =	vst v23;
	v20 =	vld.idx.msk [tilespmem:v20+s11+$0x0], $0xffff  }
0x47e: {  	v27 =	vor.u32 v46, v14;
	[tilespmem:s0+$0xFFFFFDA0] =	vst v8;
	v26 =	vld.idx.msk [tilespmem:v26+s11+$0x0], $0xffff  }
0x47f: {  	v30 =	vor.u32 v41, v15;
	v34 =	vld [tilespmem:$0x1FB80];
	[tilespmem:s0+$0xFFFFFE20] =	vst v19  }
0x480: {  	v22 =	vor.u32 v51, v16;
	v29 =	vld.idx.msk [tilespmem:v29+s11+$0x0], $0xffff;
	[tilespmem:s0+$0xFFFFFEA0] =	vst v28  }
0x481: {  	v56 =	vld [tilespmem:$0x1FF40]  }
0x482: {  	v8 =	vld.idx.msk [tilespmem:v25+s11+$0x0], $0xffff  }
0x483: {  	v25 =	vld.idx.msk [tilespmem:v27+s11+$0x0], $0xffff  }
0x484: {  	v23 =	vor.u32 v52, v17;
	v28 =	vld.idx.msk [tilespmem:v30+s11+$0x0], $0xffff  }
0x485: {  	[tilespmem:s0+$0xFFFFFF20] =	vst v24;
	v22 =	vld.idx.msk [tilespmem:v22+s11+$0x0], $0xffff  }
0x486: {  	v55 =	vld [tilespmem:$0x1FC80];
	[tilespmem:s0+$0x3E0] =	vst v29  }
0x487: {  	v19 =	vor.u32 v39, v2;
	v57 =	vld [tilespmem:$0x1FFA0];
	[tilespmem:s0+$0xFFFFFFA0] =	vst v21  }
0x488: {  	v50 =	vld [tilespmem:$0x1FF00]  }
0x489: {  	v23 =	vld.idx.msk [tilespmem:v23+s11+$0x0], $0xffff;
	v27 =	vor.u32 v56, v3;
	[tilespmem:s0+$0x20] =	vst v26  }
0x48a: {  	v18 =	vor.u32 v34, v18;
	v60 =	vld [tilespmem:$0x1FD80];
	[tilespmem:s0+$0xA0] =	vst v20  }
0x48b: {  	v24 =	vor.u32 v55, v4;
	v30 =	vld [tilespmem:$0x1FDF0];
	[tilespmem:s0+$0x120] =	vst v8  }
0x48c: {  	v19 =	vld.idx.msk [tilespmem:v19+s11+$0x0], $0xffff;
	[tilespmem:s0+$0x1A0] =	vst v25;
	v29 =	vor.u32 v57, v6  }
0x48d: {  	v59 =	vld [tilespmem:$0x1FD30];
	v21 =	vor.u32 v50, v5  }
0x48e: {  	[tilespmem:s0+$0x220] =	vst v28;
	v28 =	vor.u32 v56, v12;
	v20 =	vld.idx.msk [tilespmem:v27+s11+$0x0], $0xffff  }
0x48f: {  	v18 =	vld.idx.msk [tilespmem:v18+s11+$0x0], $0xffff;
	v26 =	vor.u32 v60, v7  }
0x490: {  	v27 =	vor.u32 v30, v9;
	v8 =	vld.idx.msk [tilespmem:v24+s11+$0x0], $0xffff  }
0x491: {  	[tilespmem:s0+$0x2A0] =	vst v22;
	v24 =	vor.u32 v35, v10;
	v25 =	vld.idx.msk [tilespmem:v29+s11+$0x0], $0xffff  }
0x492: {  	[tilespmem:s0+$0x320] =	vst v23;
	v29 =	vor.u32 v59, v11;
	v21 =	vld.idx.msk [tilespmem:v21+s11+$0x0], $0xffff  }
0x493: {  	[tilespmem:s0+$0xFFFFFCB0] =	vst v20;
	v20 =	vld.idx.msk [tilespmem:v28+s11+$0x0], $0xffff  }
0x494: {  	[tilespmem:s0+$0x3F0] =	vst v18;
	v28 =	vor.u32 v30, v17;
	v18 =	vld.idx.msk [tilespmem:v26+s11+$0x0], $0xffff  }
0x495: {  	[tilespmem:s0+$0xFFFFFC20] =	vst v19;
	v26 =	vor.u32 v55, v13;
	v22 =	vld.idx.msk [tilespmem:v27+s11+$0x0], $0xffff  }
0x496: {  	v23 =	vld.idx.msk [tilespmem:v24+s11+$0x0], $0xffff;
	[tilespmem:s0+$0xFFFFFD30] =	vst v8  }
0x497: {  	v27 =	vor.u32 v57, v14;
	v19 =	vld.idx.msk [tilespmem:v29+s11+$0x0], $0xffff;
	[tilespmem:s0+$0xFFFFFDB0] =	vst v25  }
0x498: {  	v33 =	vld [tilespmem:$0x1FF50]  }
0x499: {  	v28 =	vld.idx.msk [tilespmem:v28+s11+$0x0], $0xffff  }
0x49a: {  	v24 =	vor.u32 v50, v15;
	[tilespmem:s0+$0xFFFFFE30] =	vst v21;
	v8 =	vld.idx.msk [tilespmem:v26+s11+$0x0], $0xffff  }
0x49b: {  	v29 =	vor.u32 v60, v16;
	v60 =	vld [tilespmem:$0x1FC90]  }
0x49c: {  	[tilespmem:s0+$0xFFFFFEB0] =	vst v18;
	v25 =	vld.idx.msk [tilespmem:v27+s11+$0x0], $0xffff  }
0x49d: {  	v32 =	vld [tilespmem:$0x1FFB0];
	[tilespmem:s0+$0xFFFFFF30] =	vst v22  }
0x49e: {  	v26 =	vor.u32 v59, v2;
	v61 =	vld [tilespmem:$0x1FEF0]  }
0x49f: {  	v21 =	vld.idx.msk [tilespmem:v24+s11+$0x0], $0xffff;
	[tilespmem:s0+$0xFFFFFFB0] =	vst v23  }
0x4a0: {  	v49 =	vld [tilespmem:$0x1FD90];
	[tilespmem:s0+$0x30] =	vst v19;
	v27 =	vor.u32 v33, v3  }
0x4a1: {  	v30 =	vld [tilespmem:$0x1FE00];
	v24 =	vor.u32 v60, v4  }
0x4a2: {  	v29 =	vld.idx.msk [tilespmem:v29+s11+$0x0], $0xffff;
	[tilespmem:s0+$0xB0] =	vst v20;
	v18 =	vor.u32 v32, v6  }
0x4a3: {  	v23 =	vld.idx.msk [tilespmem:v26+s11+$0x0], $0xffff;
	[tilespmem:s0+$0x130] =	vst v8;
	v22 =	vor.u32 v61, v5  }
0x4a4: {  	v50 =	vld [tilespmem:$0x1FC10];
	[tilespmem:s0+$0x330] =	vst v28;
	v28 =	vor.u32 v61, v15  }
0x4a5: {  	v26 =	vor.u32 v49, v7;
	v19 =	vld.idx.msk [tilespmem:v27+s11+$0x0], $0xffff  }
0x4a6: {  	v27 =	vor.u32 v30, v9;
	v20 =	vld.idx.msk [tilespmem:v24+s11+$0x0], $0xffff  }
0x4a7: {  	[tilespmem:s0+$0x1B0] =	vst v25;
	v25 =	vor.u32 v33, v12;
	v8 =	vld.idx.msk [tilespmem:v18+s11+$0x0], $0xffff  }
0x4a8: {  	[tilespmem:s0+$0x230] =	vst v21;
	v24 =	vor.u32 v38, v10;
	v22 =	vld.idx.msk [tilespmem:v22+s11+$0x0], $0xffff  }
0x4a9: {  	[tilespmem:s0+$0xFFFFFC30] =	vst v23;
	v23 =	vor.u32 v49, v16;
	v28 =	vld.idx.msk [tilespmem:v28+s11+$0x0], $0xffff  }
0x4aa: {  	v18 =	vor.u32 v50, v11;
	v21 =	vld.idx.msk [tilespmem:v26+s11+$0x0], $0xffff  }
0x4ab: {  	v27 =	vld.idx.msk [tilespmem:v27+s11+$0x0], $0xffff  }
0x4ac: {  	v26 =	vor.u32 v60, v13;
	[tilespmem:s0+$0xFFFFFCC0] =	vst v19;
	v19 =	vld.idx.msk [tilespmem:v25+s11+$0x0], $0xffff  }
0x4ad: {  	[tilespmem:s0+$0x2B0] =	vst v29;
	v24 =	vld.idx.msk [tilespmem:v24+s11+$0x0], $0xffff  }
0x4ae: {  	v25 =	vor.u32 v30, v17;
	[tilespmem:s0+$0xFFFFFD40] =	vst v20;
	v23 =	vld.idx.msk [tilespmem:v23+s11+$0x0], $0xffff  }
0x4af: {  	v18 =	vld.idx.msk [tilespmem:v18+s11+$0x0], $0xffff;
	[tilespmem:s0+$0xFFFFFDC0] =	vst v8  }
0x4b0: {  	v29 =	vor.u32 v32, v14;
	v32 =	vld [tilespmem:$0x1FF70];
	[tilespmem:s0+$0xFFFFFE40] =	vst v22  }
0x4b1: {  	v26 =	vld.idx.msk [tilespmem:v26+s11+$0x0], $0xffff;
	[tilespmem:s0+$0xFFFFFEC0] =	vst v21  }
0x4b2: {  	v22 =	vor.u32 v54, v4;
	v33 =	vld [tilespmem:$0x1FFC0]  }
0x4b3: {  	[tilespmem:s0+$0xFFFFFF40] =	vst v27;
	v25 =	vld.idx.msk [tilespmem:v25+s11+$0x0], $0xffff  }
0x4b4: {  	v61 =	vld [tilespmem:$0x1FFD0];
	[tilespmem:s0+$0xFFFFFFC0] =	vst v24  }
0x4b5: {  	v20 =	vor.u32 v50, v2;
	v60 =	vld [tilespmem:$0x1FDA0];
	[tilespmem:s0+$0x40] =	vst v18  }
0x4b6: {  	v8 =	vor.u32 v32, v3;
	v30 =	vld [tilespmem:$0x1FE10]  }
0x4b7: {  	[tilespmem:s0+$0xC0] =	vst v19;
	v19 =	vld.idx.msk [tilespmem:v22+s11+$0x0], $0xffff;
	v22 =	vor.u32 v37, v10  }
0x4b8: {  	v29 =	vld.idx.msk [tilespmem:v29+s11+$0x0], $0xffff;
	[tilespmem:s0+$0x140] =	vst v26;
	v21 =	vor.u32 v33, v6  }
0x4b9: {  	v49 =	vld [tilespmem:$0x1FC20];
	[tilespmem:s0+$0x240] =	vst v28;
	v28 =	vor.u32 v54, v13  }
0x4ba: {  	v20 =	vld.idx.msk [tilespmem:v20+s11+$0x0], $0xffff;
	[tilespmem:s0+$0x2C0] =	vst v23;
	v23 =	vor.u32 v33, v14  }
0x4bb: {  	v27 =	vor.u32 v61, v5;
	v8 =	vld.idx.msk [tilespmem:v8+s11+$0x0], $0xffff  }
0x4bc: {  	[tilespmem:s0+$0x340] =	vst v25;
	v25 =	vor.u32 v61, v15;
	v22 =	vld.idx.msk [tilespmem:v22+s11+$0x0], $0xffff  }
0x4bd: {  	v24 =	vor.u32 v60, v7;
	v21 =	vld.idx.msk [tilespmem:v21+s11+$0x0], $0xffff  }
0x4be: {  	[tilespmem:s0+$0x1C0] =	vst v29;
	v18 =	vor.u32 v30, v9;
	v28 =	vld.idx.msk [tilespmem:v28+s11+$0x0], $0xffff  }
0x4bf: {  	v29 =	vor.u32 v32, v12;
	v23 =	vld.idx.msk [tilespmem:v23+s11+$0x0], $0xffff  }
0x4c0: {  	v26 =	vor.u32 v49, v11;
	v27 =	vld.idx.msk [tilespmem:v27+s11+$0x0], $0xffff  }
0x4c1: {  	v25 =	vld.idx.msk [tilespmem:v25+s11+$0x0], $0xffff  }
0x4c2: {  	[tilespmem:s0+$0xFFFFFC40] =	vst v20;
	v24 =	vld.idx.msk [tilespmem:v24+s11+$0x0], $0xffff  }
0x4c3: {  	[tilespmem:s0+$0xFFFFFD50] =	vst v19;
	v18 =	vld.idx.msk [tilespmem:v18+s11+$0x0], $0xffff  }
0x4c4: {  	[tilespmem:s0+$0xFFFFFCD0] =	vst v8;
	v8 =	vld.idx.msk [tilespmem:v29+s11+$0x0], $0xffff  }
0x4c5: {  	v20 =	vld.idx.msk [tilespmem:v26+s11+$0x0], $0xffff;
	[tilespmem:s0+$0xFFFFFDD0] =	vst v21  }
0x4c6: {  	v37 =	vld [tilespmem:$0x1FC30];
	[tilespmem:s0+$0xFFFFFE50] =	vst v27  }
0x4c7: {  	v19 =	vor.u32 v49, v2;
	v26 =	vor.u32 v60, v16;
	v60 =	vld [tilespmem:$0x1FCB0];
	[tilespmem:s0+$0xFFFFFED0] =	vst v24  }
0x4c8: {  	v38 =	vld [tilespmem:$0x1FFE0];
	[tilespmem:s0+$0xFFFFFF50] =	vst v18  }
0x4c9: {  	v29 =	vor.u32 v30, v17;
	v35 =	vld [tilespmem:$0x1FD40];
	[tilespmem:s0+$0xFFFFFFD0] =	vst v22  }
0x4ca: {  	v33 =	vld [tilespmem:$0x1FDB0];
	[tilespmem:s0+$0x50] =	vst v20  }
0x4cb: {  	v21 =	vor.u32 v37, v3;
	v61 =	vld [tilespmem:$0x1FE20];
	[tilespmem:s0+$0xD0] =	vst v8  }
0x4cc: {  	v19 =	vld.idx.msk [tilespmem:v19+s11+$0x0], $0xffff;
	[tilespmem:s0+$0x150] =	vst v28;
	v27 =	vor.u32 v60, v4  }
0x4cd: {  	v30 =	vld [tilespmem:$0x1FF60];
	[tilespmem:s0+$0x250] =	vst v25;
	v25 =	vor.u32 v60, v13  }
0x4ce: {  	v29 =	vld.idx.msk [tilespmem:v29+s11+$0x0], $0xffff;
	v24 =	vor.u32 v38, v6  }
0x4cf: {  	v26 =	vld.idx.msk [tilespmem:v26+s11+$0x0], $0xffff;
	v18 =	vor.u32 v35, v5  }
0x4d0: {  	v22 =	vor.u32 v33, v7;
	v20 =	vld.idx.msk [tilespmem:v21+s11+$0x0], $0xffff  }
0x4d1: {  	v21 =	vor.u32 v61, v9;
	v8 =	vld.idx.msk [tilespmem:v27+s11+$0x0], $0xffff  }
0x4d2: {  	[tilespmem:s0+$0x1D0] =	vst v23;
	v23 =	vor.u32 v37, v12;
	v25 =	vld.idx.msk [tilespmem:v25+s11+$0x0], $0xffff  }
0x4d3: {  	v27 =	vor.u32 v31, v10;
	v24 =	vld.idx.msk [tilespmem:v24+s11+$0x0], $0xffff  }
0x4d4: {  	v28 =	vor.u32 v30, v11;
	v18 =	vld.idx.msk [tilespmem:v18+s11+$0x0], $0xffff  }
0x4d5: {  	[tilespmem:s0+$0x2D0] =	vst v26;
	v26 =	vor.u32 v38, v14;
	v22 =	vld.idx.msk [tilespmem:v22+s11+$0x0], $0xffff  }
0x4d6: {  	[tilespmem:s0+$0x350] =	vst v29;
	v21 =	vld.idx.msk [tilespmem:v21+s11+$0x0], $0xffff  }
0x4d7: {  	v29 =	vor.u32 v35, v15;
	[tilespmem:s0+$0xFFFFFCE0] =	vst v20;
	v20 =	vld.idx.msk [tilespmem:v23+s11+$0x0], $0xffff  }
0x4d8: {  	[tilespmem:s0+$0xFFFFFC50] =	vst v19;
	v27 =	vld.idx.msk [tilespmem:v27+s11+$0x0], $0xffff  }
0x4d9: {  	v19 =	vld.idx.msk [tilespmem:v28+s11+$0x0], $0xffff;
	[tilespmem:s0+$0xFFFFFD60] =	vst v8  }
0x4da: {  	v23 =	vor.u32 v61, v17;
	[tilespmem:s0+$0xFFFFFDE0] =	vst v24;
	v24 =	vld.idx.msk [tilespmem:v26+s11+$0x0], $0xffff  }
0x4db: {  	v31 =	vld [tilespmem:$0x1FC40]  }
0x4dc: {  	v8 =	vor.u32 v30, v2;
	[tilespmem:s0+$0xFFFFFE60] =	vst v18;
	v18 =	vld.idx.msk [tilespmem:v29+s11+$0x0], $0xffff  }
0x4dd: {  	v30 =	vld [tilespmem:$0x1FCC0];
	[tilespmem:s0+$0xFFFFFEE0] =	vst v22  }
0x4de: {  	v29 =	vld [tilespmem:$0x1FF10]  }
0x4df: {  	[tilespmem:s0+$0xFFFFFF60] =	vst v21;
	v21 =	vld.idx.msk [tilespmem:v23+s11+$0x0], $0xffff  }
0x4e0: {  	v28 =	vor.u32 v33, v16;
	v26 =	vld [tilespmem:$0x1FD50]  }
0x4e1: {  	v10 =	vor.u32 v34, v10;
	[tilespmem:s0+$0xFFFFFFE0] =	vst v27;
	v8 =	vld.idx.msk [tilespmem:v8+s11+$0x0], $0xffff  }
0x4e2: {  	v11 =	vor.u32 v45, v11;
	v23 =	vld [tilespmem:$0x1FDC0];
	[tilespmem:s0+$0x60] =	vst v19  }
0x4e3: {  	v3 =	vor.u32 v31, v3;
	v19 =	vld [tilespmem:$0x1FE30]  }
0x4e4: {  	[tilespmem:s0+$0xE0] =	vst v20;
	v4 =	vor.u32 v30, v4  }
0x4e5: {  	v22 =	vld.idx.msk [tilespmem:v28+s11+$0x0], $0xffff;
	[tilespmem:s0+$0x160] =	vst v25;
	v6 =	vor.u32 v29, v6  }
0x4e6: {  	v10 =	vld.idx.msk [tilespmem:v10+s11+$0x0], $0xffff;
	[tilespmem:s0+$0x1E0] =	vst v24;
	v5 =	vor.u32 v26, v5  }
0x4e7: {  	[tilespmem:s0+$0xFFFFFC60] =	vst v8;
	v8 =	vld.idx.msk [tilespmem:v11+s11+$0x0], $0xffff;
	v7 =	vor.u32 v23, v7  }
0x4e8: {  	[tilespmem:s0+$0x260] =	vst v18;
	v3 =	vld.idx.msk [tilespmem:v3+s11+$0x0], $0xffff;
	v9 =	vor.u32 v19, v9  }
0x4e9: {  	v12 =	vor.u32 v31, v12;
	[tilespmem:s0+$0x360] =	vst v21;
	v4 =	vld.idx.msk [tilespmem:v4+s11+$0x0], $0xffff  }
0x4ea: {  	v13 =	vor.u32 v30, v13;
	[tilespmem:s0+$0x2E0] =	vst v22;
	v6 =	vld.idx.msk [tilespmem:v6+s11+$0x0], $0xffff  }
0x4eb: {  	v14 =	vor.u32 v29, v14;
	[tilespmem:s0+$0xFFFFFFF0] =	vst v10;
	v5 =	vld.idx.msk [tilespmem:v5+s11+$0x0], $0xffff  }
0x4ec: {  	v15 =	vor.u32 v26, v15;
	[tilespmem:s0+$0x70] =	vst v8;
	v7 =	vld.idx.msk [tilespmem:v7+s11+$0x0], $0xffff  }
0x4ed: {  	v11 =	vor.u32 v23, v16;
	v9 =	vld.idx.msk [tilespmem:v9+s11+$0x0], $0xffff;
	[tilespmem:s0+$0xFFFFFCF0] =	vst v3  }
0x4ee: {  	v3 =	vld.idx.msk [tilespmem:v12+s11+$0x0], $0xffff;
	v12 =	vor.u32 v19, v17;
	[tilespmem:s0+$0xFFFFFD70] =	vst v4  }
0x4ef: {  	v2 =	vor.u32 v45, v2;
	v4 =	vld.idx.msk [tilespmem:v13+s11+$0x0], $0xffff;
	[tilespmem:s0+$0xFFFFFDF0] =	vst v6  }
0x4f0: {  	v6 =	vld.idx.msk [tilespmem:v14+s11+$0x0], $0xffff;
	[tilespmem:s0+$0xFFFFFE70] =	vst v5  }
0x4f1: {  	s12 =	simm.s32 $0x0;
	v13 =	vld.idx.msk [tilespmem:v15+s11+$0x0], $0xffff;
	[tilespmem:s0+$0xFFFFFEF0] =	vst v7  }
0x4f2: {  	v5 =	vmov s12;
	s12 =	simm.s32 $0x1;
	v7 =	vld.idx.msk [tilespmem:v11+s11+$0x0], $0xffff;
	[tilespmem:s0+$0xFFFFFF70] =	vst v9  }
0x4f3: {  	v9 =	vld.idx.msk [tilespmem:v12+s11+$0x0], $0xffff;
	[tilespmem:s0+$0xF0] =	vst v3;
	v3 =	vmov s12;
	s12 =	simm.s32 $0x4  }
0x4f4: {  	s1 =	sadd.s32 s6, s31;
	s30 =	simm.s32 $0x2;
	v2 =	vld.idx.msk [tilespmem:v2+s11+$0x0], $0xffff;
	[tilespmem:s0+$0x170] =	vst v4;
	v4 =	vmov s12;
	s12 =	simm.s32 $0x7  }
0x4f5: {  	s31 =	simm.s32 $0x3;
	v8 =	vmov s30;
	s30 =	simm.s32 $0x5;
	[tilespmem:s0+$0x1F0] =	vst v6;
	v6 =	vmov s12;
	s12 =	simm.s32 $0xA  }
0x4f6: {  	v10 =	vmov s31;
	s31 =	simm.s32 $0x6;
	v11 =	vmov s30;
	s30 =	simm.s32 $0x8;
	[tilespmem:s0+$0x270] =	vst v13;
	v13 =	vmov s12;
	s12 =	sshll.u32 s1, $0x4  }
0x4f7: {  	v12 =	vmov s31;
	s31 =	simm.s32 $0x9;
	s1 =	sshll.u32 s1, $0xA;
	[tilespmem:s0+$0x2F0] =	vst v7;
	s12 =	sand.u32 $0x50, s12  }
0x4f8: {  	v14 =	vmov s30;
	s30 =	simm.s32 $0xB;
	s1 =	sand.u32 $0xFFFE000, s1;
	v61 =	vld [tilespmem:$0x1FD00];
	[tilespmem:s0+$0x370] =	vst v9;
	s12 =	sadd.s32 s4, s12  }
0x4f9: {  	v15 =	vmov s31;
	s31 =	simm.s32 $0xC;
	v16 =	vmov s30;
	s30 =	simm.s32 $0xD;
	[tilespmem:s0+$0xFFFFFC70] =	vst v2;
	s1 =	sadd.s32 s1, s12  }
0x4fa: {  	v8 =	vshrl.u32 v8, $0x3;
	v5 =	vshrl.u32 v5, $0x3;
	[hbm4b:s1+s9] =	stream.strided.scatter [tilespmem:s20], [sflag:$0x6], $0x2000, s17, s9, $0x38;
	[tilespmem:$0xF200] =	vst v63  }
0x4fb: {  	v8 =	vshll.u32 v8, v1;
	v5 =	vshll.u32 v5, v1;
	s0 =	sadd.s32 @!p0 $0x280, s29;
	s12 =	simm.s32 @!p0 $0x5200;
	s1 =	simm.s32 @!p0 $0x80  }
0x4fc: {  	v60 =	vbroadcast v5, $0x0;
	v3 =	vshrl.u32 v3, $0x3;
	v17 =	vmov s31;
	[tilespmem:s12], [sflag:$0x2] =	stream.indirect.gather @!p0 [hbm4b:s3+s1], $0x40, s0, s1, $0xb8;
	[tilespmem:$0xF200] =	vst v63  }
0x4fd: {  	v18 =	vmov s30;
	v21 =	vshrl.u32 v16, $0x3;
	v3 =	vshll.u32 v3, v1;
	_ =	swait.ge [sflag:s21], $0x2000  }
0x4fe: {  	v6 =	vshrl.u32 v6, $0x3;
	v22 =	vshrl.u32 v17, $0x3;
	v23 =	vshrl.u32 v18, $0x3;
	[sflag:s21] =	ssyncset.done $0x0  }
0x4ff: {  	v18 =	vbroadcast v3, $0x0;
	v17 =	vbroadcast v8, $0x0;
	v20 =	vshrl.u32 v13, $0x3;
	[sflag:s21] =	ssyncadd.s32 $0xFFFFE000  }
0x500: {  	v9 =	vshrl.u32 v10, $0x3;
	v2 =	vshrl.u32 v4, $0x3;
	v4 =	vshrl.u32 v11, $0x3;
	_ =	swait.ge [sflag:s22], $0x2000  }
0x501: {  	v10 =	vshrl.u32 v12, $0x3;
	v11 =	vshrl.u32 v14, $0x3;
	v14 =	vshrl.u32 v15, $0x3;
	v5 =	vld [tilespmem:$0x1FCD0]  }
0x502: {  	v9 =	vshll.u32 v9, v1;
	v2 =	vshll.u32 v2, v1;
	v7 =	vor.u32 v61, v60;
	v45 =	vld [tilespmem:$0x1FFF0]  }
0x503: {  	v3 =	vshll.u32 v4, v1;
	v8 =	vshll.u32 v10, v1;
	v10 =	vor.u32 v0, v17;
	v37 =	vld [tilespmem:$0x1FEB0]  }
0x504: {  	v4 =	vor.u32 v44, v18;
	v16 =	vbroadcast v9, $0x0;
	v15 =	vbroadcast v2, $0x0;
	v38 =	vld [tilespmem:$0x1FEC0]  }
0x505: {  	v2 =	vshll.u32 v6, v1;
	v12 =	vbroadcast v3, $0x0;
	v3 =	vshll.u32 v11, v1;
	s12 =	simm.s32 $0xF;
	[sflag:s22] =	ssyncset.done $0x0;
	v29 =	vld [tilespmem:$0x1FE90]  }
0x506: {  	v13 =	vbroadcast v8, $0x0;
	v6 =	vmov s12;
	[sflag:s22] =	ssyncadd.s32 $0xFFFFE000;
	v24 =	vor.u32 v5, v16  }
0x507: {  	v9 =	vbroadcast v2, $0x0;
	v2 =	vshrl.u32 v6, $0x3;
	v8 =	vld.idx.msk [tilespmem:v7+s13+$0x0], $0xffff;
	v11 =	vor.u32 v45, v15  }
0x508: {  	v6 =	vbroadcast v3, $0x0;
	v26 =	vld.idx.msk [tilespmem:v10+s13+$0x0], $0xffff;
	v10 =	vshll.u32 v14, v1;
	v7 =	vor.u32 v37, v12  }
0x509: {  	v25 =	vld.idx.msk [tilespmem:v4+s13+$0x0], $0xffff;
	v14 =	vbroadcast v10, $0x0;
	v10 =	vshll.u32 v20, v1;
	v4 =	vor.u32 v38, v13  }
0x50a: {  	s31 =	simm.s32 $0xE;
	v2 =	vshll.u32 v2, v1;
	v10 =	vbroadcast v10, $0x0;
	v3 =	vor.u32 v29, v9  }
0x50b: {  	v19 =	vmov s31;
	v2 =	vbroadcast v2, $0x0;
	v27 =	vor.u32 v61, v6;
	v24 =	vld.idx.msk [tilespmem:v24+s13+$0x0], $0xffff  }
0x50c: {  	v19 =	vshrl.u32 v19, $0x3;
	v30 =	vor.u32 v0, v10;
	v20 =	vld.idx.msk [tilespmem:v11+s13+$0x0], $0xffff;
	v11 =	vshll.u32 v21, v1  }
0x50d: {  	v21 =	vor.u32 v29, v2;
	v28 =	vld.idx.msk [tilespmem:v7+s13+$0x0], $0xffff;
	v7 =	vshll.u32 v22, v1;
	v11 =	vbroadcast v11, $0x0  }
0x50e: {  	v29 =	vor.u32 v44, v14;
	v22 =	vld.idx.msk [tilespmem:v4+s13+$0x0], $0xffff;
	v4 =	vshll.u32 v23, v1;
	v7 =	vbroadcast v7, $0x0  }
0x50f: {  	v23 =	vld.idx.msk [tilespmem:v3+s13+$0x0], $0xffff;
	v31 =	vor.u32 v5, v11;
	v5 =	vbroadcast v4, $0x0;
	v4 =	vshll.u32 v19, v1  }
0x510: {  	v19 =	vld.idx.msk [tilespmem:v27+s13+$0x0], $0xffff;
	v27 =	vor.u32 v45, v7;
	v4 =	vbroadcast v4, $0x0  }
0x511: {  	v30 =	vld.idx.msk [tilespmem:v30+s13+$0x0], $0xffff;
	v32 =	vor.u32 v37, v5  }
0x512: {  	v21 =	vld.idx.msk [tilespmem:v21+s13+$0x0], $0xffff;
	v33 =	vor.u32 v38, v4  }
0x513: {  	s30 =	simm.s32 $0xB600;
	v29 =	vld.idx.msk [tilespmem:v29+s13+$0x0], $0xffff  }
0x514: {  	v34 =	vor.u32 v36, v2;
	[tilespmem:s30+$0xFFFFFC80] =	vst v25;
	v31 =	vld.idx.msk [tilespmem:v31+s13+$0x0], $0xffff  }
0x515: {  	v35 =	vor.u32 v53, v18;
	[tilespmem:s30+$0xFFFFFD00] =	vst v26;
	v27 =	vld.idx.msk [tilespmem:v27+s13+$0x0], $0xffff  }
0x516: {  	v44 =	vmov v36;
	v36 =	vor.u32 v62, v17;
	[tilespmem:s30+$0xFFFFFD80] =	vst v24;
	v32 =	vld.idx.msk [tilespmem:v32+s13+$0x0], $0xffff  }
0x517: {  	v37 =	vor.u32 v42, v16;
	[tilespmem:s30+$0x380] =	vst v21;
	v33 =	vld.idx.msk [tilespmem:v33+s13+$0x0], $0xffff  }
0x518: {  	v45 =	vor.u32 v47, v15;
	v3 =	vld [tilespmem:$0x1FE40];
	[tilespmem:s30+$0xFFFFFE00] =	vst v20  }
0x519: {  	v26 =	vor.u32 v48, v13;
	v25 =	vld.idx.msk [tilespmem:v34+s13+$0x0], $0xffff;
	[tilespmem:s30+$0xFFFFFE80] =	vst v28  }
0x51a: {  	v34 =	vld.idx.msk [tilespmem:v35+s13+$0x0], $0xffff;
	[tilespmem:s30+$0xFFFFFF00] =	vst v22  }
0x51b: {  	v21 =	vor.u32 v58, v12;
	v35 =	vld.idx.msk [tilespmem:v36+s13+$0x0], $0xffff;
	[tilespmem:s30+$0xFFFFFF80] =	vst v23  }
0x51c: {  	v36 =	vld.idx.msk [tilespmem:v37+s13+$0x0], $0xffff;
	v20 =	vor.u32 v44, v9;
	[tilespmem:s30+$0x0] =	vst v19  }
0x51d: {  	[tilespmem:s30+$0x80] =	vst v29;
	v37 =	vld.idx.msk [tilespmem:v45+s13+$0x0], $0xffff;
	v24 =	vor.u32 v3, v2  }
0x51e: {  	v28 =	vor.u32 v40, v6;
	v26 =	vld.idx.msk [tilespmem:v26+s13+$0x0], $0xffff;
	[tilespmem:s30+$0x390] =	vst v25  }
0x51f: {  	v22 =	vor.u32 v53, v14;
	v45 =	vld [tilespmem:$0x1FE50]  }
0x520: {  	v53 =	vor.u32 v62, v10;
	v21 =	vld.idx.msk [tilespmem:v21+s13+$0x0], $0xffff  }
0x521: {  	v23 =	vor.u32 v42, v11;
	v20 =	vld.idx.msk [tilespmem:v20+s13+$0x0], $0xffff;
	[tilespmem:s30+$0x100] =	vst v30  }
0x522: {  	v19 =	vor.u32 v47, v7;
	[tilespmem:s30+$0x180] =	vst v31;
	v24 =	vld.idx.msk [tilespmem:v24+s13+$0x0], $0xffff  }
0x523: {  	v25 =	vld.idx.msk [tilespmem:v28+s13+$0x0], $0xffff;
	[tilespmem:s30+$0x200] =	vst v27  }
0x524: {  	v22 =	vld.idx.msk [tilespmem:v22+s13+$0x0], $0xffff;
	[tilespmem:s30+$0x280] =	vst v32;
	v28 =	vor.u32 v45, v2  }
0x525: {  	v29 =	vor.u32 v58, v5;
	[tilespmem:s30+$0x300] =	vst v33;
	v30 =	vld.idx.msk [tilespmem:v53+s13+$0x0], $0xffff  }
0x526: {  	v58 =	vor.u32 v40, v60;
	[tilespmem:s30+$0xFFFFFC00] =	vst v8;
	v23 =	vld.idx.msk [tilespmem:v23+s13+$0x0], $0xffff  }
0x527: {  	v31 =	vor.u32 v48, v4;
	v19 =	vld.idx.msk [tilespmem:v19+s13+$0x0], $0xffff;
	[tilespmem:s30+$0x3A0] =	vst v24  }
0x528: {  	v27 =	vor.u32 v43, v18;
	v44 =	vld [tilespmem:$0x1FE60];
	[tilespmem:s30+$0xFFFFFC90] =	vst v34  }
0x529: {  	v42 =	vor.u32 v41, v15;
	v28 =	vld.idx.msk [tilespmem:v28+s13+$0x0], $0xffff;
	[tilespmem:s30+$0xFFFFFD10] =	vst v35  }
0x52a: {  	v29 =	vld.idx.msk [tilespmem:v29+s13+$0x0], $0xffff;
	[tilespmem:s30+$0xFFFFFD90] =	vst v36  }
0x52b: {  	v40 =	vor.u32 v46, v16;
	v33 =	vld.idx.msk [tilespmem:v58+s13+$0x0], $0xffff;
	[tilespmem:s30+$0xFFFFFE10] =	vst v37  }
0x52c: {  	v47 =	vor.u32 v51, v12;
	v8 =	vld.idx.msk [tilespmem:v31+s13+$0x0], $0xffff;
	[tilespmem:s30+$0xFFFFFE90] =	vst v21  }
0x52d: {  	v48 =	vor.u32 v52, v13;
	[tilespmem:s30+$0xFFFFFF10] =	vst v26;
	v27 =	vld.idx.msk [tilespmem:v27+s13+$0x0], $0xffff  }
0x52e: {  	v34 =	vld.idx.msk [tilespmem:v42+s13+$0x0], $0xffff;
	v31 =	vor.u32 v44, v2;
	[tilespmem:s30+$0x3B0] =	vst v28  }
0x52f: {  	v24 =	vor.u32 v63, v17;
	v42 =	vld [tilespmem:$0x1FE70]  }
0x530: {  	v53 =	vor.u32 v3, v9;
	v32 =	vld.idx.msk [tilespmem:v40+s13+$0x0], $0xffff  }
0x531: {  	v21 =	vor.u32 v43, v14;
	v35 =	vld.idx.msk [tilespmem:v47+s13+$0x0], $0xffff  }
0x532: {  	v36 =	vld.idx.msk [tilespmem:v48+s13+$0x0], $0xffff;
	v28 =	vor.u32 v39, v6  }
0x533: {  	[tilespmem:s30+$0xFFFFFF90] =	vst v20;
	v20 =	vor.u32 v63, v10;
	v31 =	vld.idx.msk [tilespmem:v31+s13+$0x0], $0xffff  }
0x534: {  	v24 =	vld.idx.msk [tilespmem:v24+s13+$0x0], $0xffff;
	[tilespmem:s30+$0x10] =	vst v25;
	v26 =	vor.u32 v42, v2  }
0x535: {  	[tilespmem:s30+$0x90] =	vst v22;
	v58 =	vld.idx.msk [tilespmem:v53+s13+$0x0], $0xffff  }
0x536: {  	v25 =	vor.u32 v46, v11;
	[tilespmem:s30+$0x110] =	vst v30;
	v21 =	vld.idx.msk [tilespmem:v21+s13+$0x0], $0xffff  }
0x537: {  	v22 =	vor.u32 v41, v7;
	[tilespmem:s30+$0x190] =	vst v23;
	v28 =	vld.idx.msk [tilespmem:v28+s13+$0x0], $0xffff  }
0x538: {  	v20 =	vld.idx.msk [tilespmem:v20+s13+$0x0], $0xffff;
	[tilespmem:s30+$0x3C0] =	vst v31  }
0x539: {  	v63 =	vor.u32 v51, v5;
	[tilespmem:s30+$0x210] =	vst v19;
	v26 =	vld.idx.msk [tilespmem:v26+s13+$0x0], $0xffff  }
0x53a: {  	v40 =	vld [tilespmem:$0x1FE80];
	[tilespmem:s30+$0x290] =	vst v29  }
0x53b: {  	v23 =	vld.idx.msk [tilespmem:v25+s13+$0x0], $0xffff;
	[tilespmem:s30+$0x310] =	vst v8  }
0x53c: {  	v22 =	vld.idx.msk [tilespmem:v22+s13+$0x0], $0xffff;
	[tilespmem:s30+$0xFFFFFC10] =	vst v33  }
0x53d: {  	v30 =	vor.u32 v52, v4;
	v46 =	vld [tilespmem:$0x1FF00];
	[tilespmem:s30+$0xFFFFFCA0] =	vst v27  }
0x53e: {  	v25 =	vor.u32 v56, v18;
	v38 =	vld.idx.msk [tilespmem:v63+s13+$0x0], $0xffff;
	[tilespmem:s30+$0x3D0] =	vst v26  }
0x53f: {  	v31 =	vor.u32 v39, v60;
	v48 =	vld [tilespmem:$0x1FD80];
	[tilespmem:s30+$0xFFFFFD20] =	vst v24  }
0x540: {  	v19 =	vor.u32 v40, v2;
	v51 =	vld [tilespmem:$0x1FDF0];
	[tilespmem:s30+$0xFFFFFDA0] =	vst v32  }
0x541: {  	v29 =	vor.u32 v55, v17;
	v63 =	vld [tilespmem:$0x1FB80]  }
0x542: {  	v8 =	vor.u32 v57, v16;
	v30 =	vld.idx.msk [tilespmem:v30+s13+$0x0], $0xffff  }
0x543: {  	v52 =	vor.u32 v59, v6;
	v25 =	vld.idx.msk [tilespmem:v25+s13+$0x0], $0xffff  }
0x544: {  	v53 =	vor.u32 v56, v14;
	v31 =	vld.idx.msk [tilespmem:v31+s13+$0x0], $0xffff  }
0x545: {  	v56 =	vor.u32 v55, v10;
	[tilespmem:s30+$0xFFFFFE20] =	vst v34;
	v19 =	vld.idx.msk [tilespmem:v19+s13+$0x0], $0xffff  }
0x546: {  	v27 =	vld.idx.msk [tilespmem:v29+s13+$0x0], $0xffff;
	[tilespmem:s30+$0xFFFFFEA0] =	vst v35;
	v29 =	vor.u32 v63, v2  }
0x547: {  	v47 =	vor.u32 v46, v15;
	v32 =	vld.idx.msk [tilespmem:v8+s13+$0x0], $0xffff;
	[tilespmem:s30+$0x20] =	vst v28  }
0x548: {  	v8 =	vor.u32 v45, v9;
	[tilespmem:s30+$0xA0] =	vst v21;
	v34 =	vld.idx.msk [tilespmem:v52+s13+$0x0], $0xffff  }
0x549: {  	[tilespmem:s30+$0x120] =	vst v20;
	v21 =	vld.idx.msk [tilespmem:v53+s13+$0x0], $0xffff;
	v26 =	vor.u32 v48, v12  }
0x54a: {  	v35 =	vld.idx.msk [tilespmem:v56+s13+$0x0], $0xffff;
	[tilespmem:s30+$0x3E0] =	vst v19  }
0x54b: {  	[tilespmem:s30+$0xFFFFFF20] =	vst v36;
	v24 =	vor.u32 v51, v13;
	v29 =	vld.idx.msk [tilespmem:v29+s13+$0x0], $0xffff  }
0x54c: {  	[tilespmem:s30+$0xFFFFFFA0] =	vst v58;
	v33 =	vld.idx.msk [tilespmem:v47+s13+$0x0], $0xffff  }
0x54d: {  	s31 =	simm.s32 $0x10;
	[tilespmem:s30+$0x1A0] =	vst v23;
	v37 =	vld.idx.msk [tilespmem:v8+s13+$0x0], $0xffff  }
0x54e: {  	[tilespmem:s30+$0x220] =	vst v22;
	v2 =	vmov s31;
	v8 =	vor.u32 v46, v7;
	v26 =	vld.idx.msk [tilespmem:v26+s13+$0x0], $0xffff  }
0x54f: {  	v2 =	vshrl.u32 v2, $0x3;
	v58 =	vld [tilespmem:$0x1FF50]  }
0x550: {  	v2 =	vshll.u32 v2, v1;
	v24 =	vld.idx.msk [tilespmem:v24+s13+$0x0], $0xffff;
	[tilespmem:s30+$0x3F0] =	vst v29  }
0x551: {  	v2 =	vbroadcast v2, $0x0;
	v3 =	vld [tilespmem:$0x1FC90];
	[tilespmem:s30+$0x2A0] =	vst v38  }
0x552: {  	v19 =	vor.u32 v57, v11;
	v57 =	vor.u32 v59, v60;
	v59 =	vld [tilespmem:$0x1FFB0];
	[tilespmem:s30+$0x320] =	vst v30  }
0x553: {  	v28 =	vor.u32 v61, v2;
	v39 =	vld.idx.msk [tilespmem:v8+s13+$0x0], $0xffff;
	[tilespmem:s30+$0xFFFFFC20] =	vst v31  }
0x554: {  	v20 =	vor.u32 v48, v5;
	v38 =	vld [tilespmem:$0x1FEF0];
	[tilespmem:s30+$0xFFFFFCB0] =	vst v25  }
0x555: {  	v23 =	vor.u32 v51, v4;
	v48 =	vld [tilespmem:$0x1FD90];
	[tilespmem:s30+$0xFFFFFD30] =	vst v27  }
0x556: {  	v51 =	vld [tilespmem:$0x1FE00];
	[tilespmem:s30+$0xFFFFFDB0] =	vst v32  }
0x557: {  	v19 =	vld.idx.msk [tilespmem:v19+s13+$0x0], $0xffff;
	v22 =	vor.u32 v58, v18;
	[tilespmem:s30+$0xFFFFFE30] =	vst v33  }
0x558: {  	v52 =	vor.u32 v44, v9;
	v8 =	vld.idx.msk [tilespmem:v28+s13+$0x0], $0xffff;
	[tilespmem:s30+$0xFFFFFEB0] =	vst v26  }
0x559: {  	v53 =	vor.u32 v50, v6;
	v20 =	vld.idx.msk [tilespmem:v20+s13+$0x0], $0xffff;
	[tilespmem:s30+$0xFFFFFF30] =	vst v24  }
0x55a: {  	v23 =	vld.idx.msk [tilespmem:v23+s13+$0x0], $0xffff;
	[tilespmem:s30+$0xFFFFFFB0] =	vst v37  }
0x55b: {  	v31 =	vld.idx.msk [tilespmem:v57+s13+$0x0], $0xffff;
	v26 =	vor.u32 v58, v14;
	[tilespmem:s30+$0x30] =	vst v34  }
0x55c: {  	v22 =	vld.idx.msk [tilespmem:v22+s13+$0x0], $0xffff;
	[tilespmem:s30+$0xB0] =	vst v21  }
0x55d: {  	[tilespmem:s30+$0x130] =	vst v35;
	v28 =	vor.u32 v3, v17;
	v32 =	vld.idx.msk [tilespmem:v52+s13+$0x0], $0xffff  }
0x55e: {  	[tilespmem:s30+$0x1B0] =	vst v19;
	v24 =	vor.u32 v3, v10;
	v33 =	vld.idx.msk [tilespmem:v53+s13+$0x0], $0xffff  }
0x55f: {  	v25 =	vor.u32 v48, v12;
	v21 =	vor.u32 v48, v5;
	v48 =	vld [tilespmem:$0x1FF70];
	[tilespmem:s30+$0x230] =	vst v39  }
0x560: {  	v29 =	vor.u32 v59, v16;
	[tilespmem:s30+$0x2B0] =	vst v20;
	v26 =	vld.idx.msk [tilespmem:v26+s13+$0x0], $0xffff  }
0x561: {  	v56 =	vor.u32 v59, v11;
	v27 =	vor.u32 v51, v13;
	v58 =	vor.u32 v51, v4;
	v51 =	vld [tilespmem:$0x1FFC0]  }
0x562: {  	v59 =	vor.u32 v50, v60;
	[tilespmem:s30+$0x330] =	vst v23;
	v28 =	vld.idx.msk [tilespmem:v28+s13+$0x0], $0xffff  }
0x563: {  	[tilespmem:s30+$0xFFFFFC30] =	vst v31;
	v24 =	vld.idx.msk [tilespmem:v24+s13+$0x0], $0xffff  }
0x564: {  	v30 =	vor.u32 v38, v15;
	v39 =	vld [tilespmem:$0x1FFD0]  }
0x565: {  	v57 =	vor.u32 v38, v7;
	v29 =	vld.idx.msk [tilespmem:v29+s13+$0x0], $0xffff  }
0x566: {  	v36 =	vld.idx.msk [tilespmem:v56+s13+$0x0], $0xffff  }
0x567: {  	[tilespmem:s30+$0xFFFFFCC0] =	vst v22;
	v35 =	vld.idx.msk [tilespmem:v59+s13+$0x0], $0xffff  }
0x568: {  	v52 =	vld [tilespmem:$0x1FDA0]  }
0x569: {  	v30 =	vld.idx.msk [tilespmem:v30+s13+$0x0], $0xffff  }
0x56a: {  	v34 =	vld.idx.msk [tilespmem:v57+s13+$0x0], $0xffff  }
0x56b: {  	v50 =	vor.u32 v54, v17;
	v25 =	vld.idx.msk [tilespmem:v25+s13+$0x0], $0xffff;
	[tilespmem:s30+$0xFFFFFD40] =	vst v28  }
0x56c: {  	v19 =	vor.u32 v48, v18;
	v53 =	vld [tilespmem:$0x1FE10];
	[tilespmem:s30+$0xFFFFFDC0] =	vst v29  }
0x56d: {  	v21 =	vld.idx.msk [tilespmem:v21+s13+$0x0], $0xffff;
	v20 =	vor.u32 v51, v16;
	[tilespmem:s30+$0xFFFFFFC0] =	vst v32  }
0x56e: {  	v27 =	vld.idx.msk [tilespmem:v27+s13+$0x0], $0xffff;
	v57 =	vor.u32 v51, v11;
	[tilespmem:s30+$0x40] =	vst v33  }
0x56f: {  	v31 =	vld.idx.msk [tilespmem:v58+s13+$0x0], $0xffff;
	v23 =	vor.u32 v39, v15;
	[tilespmem:s30+$0xC0] =	vst v26  }
0x570: {  	v56 =	vld.idx.msk [tilespmem:v50+s13+$0x0], $0xffff;
	[tilespmem:s30+$0x140] =	vst v24  }
0x571: {  	v22 =	vor.u32 v52, v12;
	[tilespmem:s30+$0x1C0] =	vst v36;
	v19 =	vld.idx.msk [tilespmem:v19+s13+$0x0], $0xffff  }
0x572: {  	v29 =	vor.u32 v42, v9;
	[tilespmem:s30+$0xFFFFFE40] =	vst v30;
	v20 =	vld.idx.msk [tilespmem:v20+s13+$0x0], $0xffff  }
0x573: {  	[tilespmem:s30+$0xFFFFFEC0] =	vst v25;
	v32 =	vld.idx.msk [tilespmem:v57+s13+$0x0], $0xffff  }
0x574: {  	v58 =	vor.u32 v39, v7;
	[tilespmem:s30+$0xFFFFFF40] =	vst v27;
	v23 =	vld.idx.msk [tilespmem:v23+s13+$0x0], $0xffff  }
0x575: {  	v30 =	vor.u32 v49, v6;
	v25 =	vor.u32 v48, v14;
	v48 =	vld [tilespmem:$0x1FC30]  }
0x576: {  	v22 =	vld.idx.msk [tilespmem:v22+s13+$0x0], $0xffff  }
0x577: {  	v26 =	vor.u32 v52, v5;
	[tilespmem:s30+$0x240] =	vst v34;
	v29 =	vld.idx.msk [tilespmem:v29+s13+$0x0], $0xffff  }
0x578: {  	v3 =	vld [tilespmem:$0x1FCB0]  }
0x579: {  	v33 =	vld.idx.msk [tilespmem:v58+s13+$0x0], $0xffff  }
0x57a: {  	v59 =	vor.u32 v49, v60;
	[tilespmem:s30+$0x2C0] =	vst v21;
	v30 =	vld.idx.msk [tilespmem:v30+s13+$0x0], $0xffff  }
0x57b: {  	v27 =	vor.u32 v54, v10;
	v51 =	vld [tilespmem:$0x1FFE0]  }
0x57c: {  	v26 =	vld.idx.msk [tilespmem:v26+s13+$0x0], $0xffff;
	[tilespmem:s30+$0x340] =	vst v31  }
0x57d: {  	[tilespmem:s30+$0xFFFFFC40] =	vst v35;
	v25 =	vld.idx.msk [tilespmem:v25+s13+$0x0], $0xffff  }
0x57e: {  	v28 =	vor.u32 v53, v13;
	v52 =	vld [tilespmem:$0x1FD40]  }
0x57f: {  	v35 =	vld.idx.msk [tilespmem:v59+s13+$0x0], $0xffff  }
0x580: {  	v24 =	vor.u32 v53, v4;
	[tilespmem:s30+$0xFFFFFCD0] =	vst v19;
	v27 =	vld.idx.msk [tilespmem:v27+s13+$0x0], $0xffff  }
0x581: {  	v53 =	vld [tilespmem:$0x1FDB0];
	[tilespmem:s30+$0xFFFFFD50] =	vst v56;
	v49 =	vor.u32 v48, v18  }
0x582: {  	v56 =	vld [tilespmem:$0x1FE20];
	[tilespmem:s30+$0xFFFFFDD0] =	vst v20;
	v20 =	vor.u32 v40, v9  }
0x583: {  	[tilespmem:s30+$0xFFFFFE50] =	vst v23;
	v28 =	vld.idx.msk [tilespmem:v28+s13+$0x0], $0xffff;
	v50 =	vor.u32 v3, v17  }
0x584: {  	v58 =	vld [tilespmem:$0x1FF60];
	[tilespmem:s30+$0xFFFFFED0] =	vst v22;
	v22 =	vor.u32 v48, v14  }
0x585: {  	v24 =	vld.idx.msk [tilespmem:v24+s13+$0x0], $0xffff;
	[tilespmem:s30+$0xFFFFFFD0] =	vst v29;
	v21 =	vor.u32 v51, v16  }
0x586: {  	[tilespmem:s30+$0x1D0] =	vst v32;
	v36 =	vld.idx.msk [tilespmem:v49+s13+$0x0], $0xffff  }
0x587: {  	[tilespmem:s30+$0x50] =	vst v30;
	v31 =	vor.u32 v52, v15;
	v20 =	vld.idx.msk [tilespmem:v20+s13+$0x0], $0xffff  }
0x588: {  	[tilespmem:s30+$0xD0] =	vst v25;
	v34 =	vld.idx.msk [tilespmem:v50+s13+$0x0], $0xffff  }
0x589: {  	v19 =	vor.u32 v53, v12;
	[tilespmem:s30+$0x150] =	vst v27;
	v22 =	vld.idx.msk [tilespmem:v22+s13+$0x0], $0xffff  }
0x58a: {  	v57 =	vor.u32 v56, v13;
	[tilespmem:s30+$0xFFFFFF50] =	vst v28;
	v21 =	vld.idx.msk [tilespmem:v21+s13+$0x0], $0xffff  }
0x58b: {  	v59 =	vld [tilespmem:$0x1FC40]  }
0x58c: {  	v23 =	vor.u32 v58, v6;
	[tilespmem:s30+$0x250] =	vst v33;
	v31 =	vld.idx.msk [tilespmem:v31+s13+$0x0], $0xffff  }
0x58d: {  	v28 =	vor.u32 v3, v10;
	v43 =	vor.u32 v58, v60;
	v58 =	vld [tilespmem:$0x1FCC0]  }
0x58e: {  	v19 =	vld.idx.msk [tilespmem:v19+s13+$0x0], $0xffff  }
0x58f: {  	[tilespmem:s30+$0x2D0] =	vst v26;
	v37 =	vld.idx.msk [tilespmem:v57+s13+$0x0], $0xffff  }
0x590: {  	v57 =	vld [tilespmem:$0x1FF10]  }
0x591: {  	[tilespmem:s30+$0x350] =	vst v24;
	v39 =	vld.idx.msk [tilespmem:v23+s13+$0x0], $0xffff  }
0x592: {  	[tilespmem:s30+$0xFFFFFC50] =	vst v35;
	v44 =	vld.idx.msk [tilespmem:v28+s13+$0x0], $0xffff  }
0x593: {  	v29 =	vor.u32 v51, v11;
	v27 =	vor.u32 v56, v4;
	v56 =	vld [tilespmem:$0x1FD50];
	[tilespmem:s30+$0xFFFFFCE0] =	vst v36  }
0x594: {  	v30 =	vor.u32 v52, v7;
	v23 =	vor.u32 v53, v5;
	v53 =	vld [tilespmem:$0x1FDC0];
	[tilespmem:s30+$0xFFFFFD60] =	vst v34  }
0x595: {  	v52 =	vld [tilespmem:$0x1FE30];
	[tilespmem:s30+$0xFFFFFDE0] =	vst v21  }
0x596: {  	s1 =	simm.s32 $0x11;
	v28 =	vld.idx.msk [tilespmem:v43+s13+$0x0], $0xffff;
	[tilespmem:s30+$0xFFFFFE60] =	vst v31  }
0x597: {  	s31 =	simm.s32 $0x13;
	v38 =	vmov s1;
	v18 =	vor.u32 v59, v18;
	v43 =	vld [tilespmem:$0x1FEE0];
	[tilespmem:s30+$0xFFFFFEE0] =	vst v19  }
0x598: {  	s12 =	simm.s32 $0x12;
	v38 =	vshrl.u32 v38, $0x3;
	v40 =	vmov s31;
	s31 =	simm.s32 $0x15;
	v9 =	vor.u32 v63, v9;
	v46 =	vld.idx.msk [tilespmem:v29+s13+$0x0], $0xffff;
	[tilespmem:s30+$0xFFFFFFE0] =	vst v20  }
0x599: {  	v42 =	vmov s31;
	s31 =	simm.s32 $0x17;
	v25 =	vmov s12;
	s12 =	simm.s32 $0x14;
	v47 =	vld.idx.msk [tilespmem:v30+s13+$0x0], $0xffff;
	v17 =	vor.u32 v58, v17;
	[tilespmem:s30+$0xE0] =	vst v22  }
0x59a: {  	s1 =	simm.s32 $0x1C;
	v40 =	vshrl.u32 v40, $0x3;
	v45 =	vmov s31;
	v41 =	vmov s12;
	s12 =	simm.s32 $0x16;
	v51 =	vld.idx.msk [tilespmem:v27+s13+$0x0], $0xffff;
	[tilespmem:s30+$0xFFFFFF60] =	vst v37  }
0x59b: {  	v32 =	vmov s12;
	s12 =	simm.s32 $0x18;
	v50 =	vmov s1;
	v10 =	vor.u32 v58, v10;
	v49 =	vld.idx.msk [tilespmem:v23+s13+$0x0], $0xffff;
	[tilespmem:s30+$0x60] =	vst v39  }
0x59c: {  	s31 =	simm.s32 $0x19;
	v29 =	vmov s12;
	s12 =	simm.s32 $0x1A;
	v34 =	vshrl.u32 v25, $0x3;
	v16 =	vor.u32 v57, v16;
	[tilespmem:s30+$0x160] =	vst v44;
	v25 =	vld.idx.msk [tilespmem:v18+s13+$0x0], $0xffff  }
0x59d: {  	v33 =	vmov s31;
	s31 =	simm.s32 $0x1B;
	v30 =	vmov s12;
	v15 =	vor.u32 v56, v15;
	v44 =	vld [tilespmem:$0x1FCF0]  }
0x59e: {  	v48 =	vmov s31;
	s12 =	simm.s32 $0x1D;
	v14 =	vor.u32 v59, v14;
	v59 =	vor.u32 v56, v7;
	v26 =	vld.idx.msk [tilespmem:v17+s13+$0x0], $0xffff  }
0x59f: {  	s31 =	simm.s32 $0x1E;
	v35 =	vmov s12;
	v17 =	vshrl.u32 v32, $0x3;
	v32 =	vld.idx.msk [tilespmem:v9+s13+$0x0], $0xffff;
	v6 =	vor.u32 v43, v6  }
0x5a0: {  	v24 =	vshrl.u32 v33, $0x3;
	v36 =	vmov s31;
	v21 =	vshrl.u32 v35, $0x3;
	v35 =	vld.idx.msk [tilespmem:v10+s13+$0x0], $0xffff  }
0x5a1: {  	v19 =	vshrl.u32 v48, $0x3;
	v20 =	vshrl.u32 v50, $0x3;
	v12 =	vor.u32 v53, v12;
	[tilespmem:s30+$0x1E0] =	vst v46;
	v27 =	vld.idx.msk [tilespmem:v16+s13+$0x0], $0xffff  }
0x5a2: {  	v22 =	vshrl.u32 v36, $0x3;
	[tilespmem:s30+$0x260] =	vst v47;
	v13 =	vor.u32 v52, v13;
	v16 =	vshrl.u32 v29, $0x3;
	v29 =	vld.idx.msk [tilespmem:v15+s13+$0x0], $0xffff  }
0x5a3: {  	v23 =	vshrl.u32 v30, $0x3;
	v18 =	vshrl.u32 v41, $0x3;
	v63 =	vor.u32 v53, v5;
	[tilespmem:s30+$0x360] =	vst v51;
	v37 =	vld.idx.msk [tilespmem:v59+s13+$0x0], $0xffff  }
0x5a4: {  	v7 =	vshll.u32 v40, v1;
	v41 =	vshrl.u32 v42, $0x3;
	[tilespmem:s30+$0x2E0] =	vst v49;
	v33 =	vld.idx.msk [tilespmem:v6+s13+$0x0], $0xffff;
	v6 =	vshll.u32 v18, v1  }
0x5a5: {  	v42 =	vshrl.u32 v45, $0x3;
	v15 =	vor.u32 v57, v11;
	v5 =	vbroadcast v6, $0x0;
	v6 =	vld [tilespmem:$0x1FCD0]  }
0x5a6: {  	v7 =	vbroadcast v7, $0x0;
	v9 =	vshll.u32 v17, v1;
	v30 =	vld.idx.msk [tilespmem:v12+s13+$0x0], $0xffff;
	v12 =	vshll.u32 v38, v1  }
0x5a7: {  	v17 =	vshll.u32 v42, v1;
	v31 =	vld.idx.msk [tilespmem:v13+s13+$0x0], $0xffff;
	v13 =	vshll.u32 v34, v1;
	v3 =	vbroadcast v12, $0x0  }
0x5a8: {  	v11 =	vor.u32 v52, v4;
	v16 =	vshll.u32 v16, v1;
	v38 =	vld.idx.msk [tilespmem:v63+s13+$0x0], $0xffff;
	v4 =	vbroadcast v13, $0x0  }
0x5a9: {  	v34 =	vld.idx.msk [tilespmem:v14+s13+$0x0], $0xffff;
	v12 =	vor.u32 v43, v60;
	v18 =	vshll.u32 v41, v1;
	v13 =	vor.u32 v44, v3  }
0x5aa: {  	s0 =	simm.s32 $0x20;
	s1 =	simm.s32 $0x1F;
	v52 =	vmovc v61;
	v36 =	vld.idx.msk [tilespmem:v15+s13+$0x0], $0xffff;
	v14 =	vor.u32 v0, v4;
	v15 =	vor.u32 v6, v7;
	v6 =	vbroadcast v18, $0x0  }
.LBB2_7:
0x5ab: {  	[tilespmem:s30+$0xFFFFFC60] =	vst v28  }
0x5ac: {  	v45 =	vld [tilespmem:$0x1FFF0];
	[tilespmem:s30+$0xFFFFFCF0] =	vst v25  }
0x5ad: {  	v28 =	vld.idx.msk [tilespmem:v11+s13+$0x0], $0xffff;
	[tilespmem:s30+$0xFFFFFD70] =	vst v26  }
0x5ae: {  	v42 =	vld [tilespmem:$0x1FEB0];
	[tilespmem:s30+$0xFFFFFDF0] =	vst v27  }
0x5af: {  	v43 =	vld [tilespmem:$0x1FEC0];
	[tilespmem:s30+$0xFFFFFE70] =	vst v29  }
0x5b0: {  	[tilespmem:s30+$0xFFFFFEF0] =	vst v30;
	v63 =	vld [tilespmem:$0x1FCD0]  }
0x5b1: {  	v57 =	vld [tilespmem:$0x1FEA0];
	[tilespmem:s30+$0xFFFFFF70] =	vst v31  }
0x5b2: {  	v59 =	vld [tilespmem:$0x1FF20];
	[tilespmem:s30+$0xFFFFFFF0] =	vst v32  }
0x5b3: {  	v48 =	vld [tilespmem:$0x1FF80];
	[tilespmem:s30+$0x70] =	vst v33  }
0x5b4: {  	v50 =	vld.idx.msk [tilespmem:v12+s13+$0x0], $0xffff;
	[tilespmem:s30+$0xF0] =	vst v34  }
0x5b5: {  	v25 =	vld.idx.msk [tilespmem:v13+s13+$0x0], $0xffff;
	v13 =	vshll.u32 v24, v1;
	[tilespmem:s30+$0x170] =	vst v35  }
0x5b6: {  	v26 =	vld.idx.msk [tilespmem:v14+s13+$0x0], $0xffff;
	v14 =	vbroadcast v13, $0x0;
	[tilespmem:s30+$0x1F0] =	vst v36  }
0x5b7: {  	v61 =	vor.u32 v62, v4;
	v46 =	vld [tilespmem:$0x1FCE0];
	[tilespmem:s30+$0x270] =	vst v37  }
0x5b8: {  	v10 =	vbroadcast v9, $0x0;
	v47 =	vld [tilespmem:$0x1FF90];
	v30 =	vor.u32 v44, v14;
	[tilespmem:s30+$0x2F0] =	vst v38  }
0x5b9: {  	v39 =	vmov s1;
	v12 =	vbroadcast v16, $0x0;
	v16 =	vld [tilespmem:$0x1FE90];
	v18 =	vor.u32 v45, v5;
	[tilespmem:s30+$0x370] =	vst v28  }
0x5ba: {  	v11 =	vbroadcast v17, $0x0;
	v24 =	vld.idx.msk [tilespmem:v15+s13+$0x0], $0xffff;
	v13 =	vshll.u32 v23, v1;
	v40 =	vor.u32 v42, v6;
	[tilespmem:s30+$0xFFFFFC70] =	vst v50;
	s30 =	sadd.s32 $0x800, s30  }
0x5bb: {  	v15 =	vshll.u32 v19, v1;
	v13 =	vbroadcast v13, $0x0;
	v17 =	vor.u32 v43, v10;
	v50 =	vld [tilespmem:$0x1FD60];
	[tilespmem:s30+$0xFFFFFD00] =	vst v26  }
0x5bc: {  	v9 =	vmovc v2;
	v2 =	vshrl.u32 v39, $0x3;
	v15 =	vbroadcast v15, $0x0;
	v27 =	vor.u32 v52, v12;
	v36 =	vld.idx.msk [tilespmem:v61+s13+$0x0], $0xffff  }
0x5bd: {  	v2 =	vshll.u32 v2, v1;
	v31 =	vor.u32 v0, v13;
	v30 =	vld.idx.msk [tilespmem:v30+s13+$0x0], $0xffff  }
0x5be: {  	v2 =	vbroadcast v2, $0x0;
	v51 =	vor.u32 v63, v15;
	v23 =	vld.idx.msk [tilespmem:v18+s13+$0x0], $0xffff  }
0x5bf: {  	v60 =	vor.u32 v59, v3;
	v29 =	vld.idx.msk [tilespmem:v40+s13+$0x0], $0xffff  }
0x5c0: {  	v41 =	vor.u32 v16, v11;
	v19 =	vor.u32 v16, v2;
	v16 =	vshll.u32 v20, v1;
	v20 =	vld.idx.msk [tilespmem:v17+s13+$0x0], $0xffff  }
0x5c1: {  	v28 =	vor.u32 v48, v7;
	v18 =	vshll.u32 v22, v1;
	v22 =	vld.idx.msk [tilespmem:v27+s13+$0x0], $0xffff  }
0x5c2: {  	v31 =	vld.idx.msk [tilespmem:v31+s13+$0x0], $0xffff  }
0x5c3: {  	[tilespmem:s30+$0xFFFFFC80] =	vst v25;
	v32 =	vld.idx.msk [tilespmem:v51+s13+$0x0], $0xffff  }
0x5c4: {  	v35 =	vld.idx.msk [tilespmem:v60+s13+$0x0], $0xffff  }
0x5c5: {  	[tilespmem:s30+$0xFFFFFD80] =	vst v24;
	v51 =	vld [tilespmem:$0x1FDD0]  }
0x5c6: {  	v16 =	vbroadcast v16, $0x0;
	v28 =	vld.idx.msk [tilespmem:v28+s13+$0x0], $0xffff  }
0x5c7: {  	v40 =	vld [tilespmem:$0x1FE50]  }
0x5c8: {  	v17 =	vshll.u32 v21, v1;
	v27 =	vor.u32 v45, v16;
	v21 =	vld.idx.msk [tilespmem:v41+s13+$0x0], $0xffff  }
0x5c9: {  	v17 =	vbroadcast v17, $0x0;
	v19 =	vld.idx.msk [tilespmem:v19+s13+$0x0], $0xffff  }
0x5ca: {  	v18 =	vbroadcast v18, $0x0;
	v41 =	vld [tilespmem:$0x1FE40]  }
0x5cb: {  	v49 =	vor.u32 v46, v5;
	v53 =	vor.u32 v42, v17;
	v42 =	vld [tilespmem:$0x1FE60]  }
0x5cc: {  	v56 =	vor.u32 v43, v18;
	v43 =	vld [tilespmem:$0x1FE80]  }
0x5cd: {  	v27 =	vld.idx.msk [tilespmem:v27+s13+$0x0], $0xffff  }
0x5ce: {  	v58 =	vor.u32 v57, v2;
	[tilespmem:s30+$0xFFFFFF00] =	vst v20;
	v20 =	vor.u32 v59, v14;
	v59 =	vld [tilespmem:$0x1FF30]  }
0x5cf: {  	v26 =	vor.u32 v51, v10;
	[tilespmem:s30+$0xFFFFFE00] =	vst v23;
	v23 =	vor.u32 v57, v11;
	v57 =	vor.u32 v51, v18;
	v51 =	vld [tilespmem:$0x1FD70]  }
0x5d0: {  	v37 =	vld.idx.msk [tilespmem:v49+s13+$0x0], $0xffff  }
0x5d1: {  	[tilespmem:s30+$0xFFFFFF80] =	vst v21;
	v21 =	vor.u32 v48, v15;
	v48 =	vld [tilespmem:$0x1FC70]  }
0x5d2: {  	[tilespmem:s30+$0x380] =	vst v19;
	v49 =	vld [tilespmem:$0x1FED0]  }
0x5d3: {  	v25 =	vld.idx.msk [tilespmem:v58+s13+$0x0], $0xffff  }
0x5d4: {  	v33 =	vld.idx.msk [tilespmem:v53+s13+$0x0], $0xffff  }
0x5d5: {  	v19 =	vor.u32 v50, v6;
	v34 =	vld.idx.msk [tilespmem:v56+s13+$0x0], $0xffff  }
0x5d6: {  	v53 =	vld [tilespmem:$0x1FD10]  }
0x5d7: {  	[tilespmem:s30+$0x0] =	vst v22;
	v22 =	vor.u32 v46, v16;
	v26 =	vld.idx.msk [tilespmem:v26+s13+$0x0], $0xffff  }
0x5d8: {  	[tilespmem:s30+$0x80] =	vst v30;
	v24 =	vor.u32 v41, v2;
	v23 =	vld.idx.msk [tilespmem:v23+s13+$0x0], $0xffff  }
0x5d9: {  	[tilespmem:s30+$0xFFFFFE80] =	vst v29;
	v56 =	vor.u32 v62, v13;
	v20 =	vld.idx.msk [tilespmem:v20+s13+$0x0], $0xffff  }
0x5da: {  	[tilespmem:s30+$0x180] =	vst v32;
	v19 =	vld.idx.msk [tilespmem:v19+s13+$0x0], $0xffff  }
0x5db: {  	v60 =	vor.u32 v47, v7;
	[tilespmem:s30+$0x200] =	vst v27;
	v21 =	vld.idx.msk [tilespmem:v21+s13+$0x0], $0xffff  }
0x5dc: {  	v30 =	vor.u32 v50, v17;
	v22 =	vld.idx.msk [tilespmem:v22+s13+$0x0], $0xffff;
	[tilespmem:s30+$0x390] =	vst v25  }
0x5dd: {  	[tilespmem:s30+$0x100] =	vst v31;
	v24 =	vld.idx.msk [tilespmem:v24+s13+$0x0], $0xffff  }
0x5de: {  	v31 =	vld.idx.msk [tilespmem:v56+s13+$0x0], $0xffff  }
0x5df: {  	[tilespmem:s30+$0xFFFFFD90] =	vst v28;
	v27 =	vor.u32 v59, v3;
	v56 =	vld [tilespmem:$0x1FDE0]  }
0x5e0: {  	[tilespmem:s30+$0x280] =	vst v33;
	v33 =	vld.idx.msk [tilespmem:v60+s13+$0x0], $0xffff  }
0x5e1: {  	v50 =	vor.u32 v49, v5;
	[tilespmem:s30+$0x300] =	vst v34;
	v30 =	vld.idx.msk [tilespmem:v30+s13+$0x0], $0xffff  }
0x5e2: {  	[tilespmem:s30+$0xFFFFFC00] =	vst v8;
	v8 =	vld.idx.msk [tilespmem:v57+s13+$0x0], $0xffff  }
0x5e3: {  	[tilespmem:s30+$0xFFFFFC90] =	vst v35;
	v29 =	vor.u32 v53, v12;
	v57 =	vor.u32 v41, v11;
	v41 =	vld [tilespmem:$0x1FE70]  }
0x5e4: {  	[tilespmem:s30+$0xFFFFFE10] =	vst v37;
	v58 =	vor.u32 v53, v9;
	v27 =	vld.idx.msk [tilespmem:v27+s13+$0x0], $0xffff  }
0x5e5: {  	[tilespmem:s30+$0x90] =	vst v20;
	v20 =	vor.u32 v49, v16;
	v49 =	vld [tilespmem:$0x1FF00]  }
0x5e6: {  	v53 =	vor.u32 v51, v6;
	v35 =	vld.idx.msk [tilespmem:v50+s13+$0x0], $0xffff  }
0x5e7: {  	[tilespmem:s30+$0xFFFFFE90] =	vst v19;
	v19 =	vor.u32 v59, v14;
	v59 =	vor.u32 v51, v17;
	v51 =	vld [tilespmem:$0x1FD80]  }
0x5e8: {  	v25 =	vld.idx.msk [tilespmem:v29+s13+$0x0], $0xffff  }
0x5e9: {  	v34 =	vld.idx.msk [tilespmem:v58+s13+$0x0], $0xffff  }
0x5ea: {  	[tilespmem:s30+$0xFFFFFD10] =	vst v36;
	v58 =	vld [tilespmem:$0x1FD20]  }
0x5eb: {  	[tilespmem:s30+$0xFFFFFF90] =	vst v23;
	v23 =	vor.u32 v48, v13;
	v36 =	vld.idx.msk [tilespmem:v53+s13+$0x0], $0xffff  }
0x5ec: {  	[tilespmem:s30+$0x3A0] =	vst v24;
	v24 =	vor.u32 v48, v4;
	v48 =	vld [tilespmem:$0x1FFA0]  }
0x5ed: {  	v53 =	vld [tilespmem:$0x1FDF0]  }
0x5ee: {  	v28 =	vor.u32 v56, v10;
	[tilespmem:s30+$0x110] =	vst v31;
	v31 =	vor.u32 v56, v18;
	v56 =	vld [tilespmem:$0x1FD30]  }
0x5ef: {  	v37 =	vld.idx.msk [tilespmem:v57+s13+$0x0], $0xffff  }
0x5f0: {  	[tilespmem:s30+$0x210] =	vst v22;
	v29 =	vor.u32 v40, v2;
	v23 =	vld.idx.msk [tilespmem:v23+s13+$0x0], $0xffff  }
0x5f1: {  	v20 =	vld.idx.msk [tilespmem:v20+s13+$0x0], $0xffff  }
0x5f2: {  	[tilespmem:s30+$0x290] =	vst v30;
	v19 =	vld.idx.msk [tilespmem:v19+s13+$0x0], $0xffff  }
0x5f3: {  	v38 =	vld.idx.msk [tilespmem:v59+s13+$0x0], $0xffff  }
0x5f4: {  	[tilespmem:s30+$0xFFFFFF10] =	vst v26;
	v50 =	vor.u32 v49, v5;
	v59 =	vld [tilespmem:$0x1FB80]  }
0x5f5: {  	[tilespmem:s30+$0x190] =	vst v21;
	v29 =	vld.idx.msk [tilespmem:v29+s13+$0x0], $0xffff  }
0x5f6: {  	v24 =	vld.idx.msk [tilespmem:v24+s13+$0x0], $0xffff;
	[tilespmem:s30+$0x10] =	vst v25;
	v25 =	vor.u32 v47, v15  }
0x5f7: {  	[tilespmem:s30+$0x310] =	vst v8;
	v28 =	vld.idx.msk [tilespmem:v28+s13+$0x0], $0xffff;
	v8 =	vor.u32 v48, v7  }
0x5f8: {  	v61 =	vor.u32 v42, v2;
	[tilespmem:s30+$0xFFFFFE20] =	vst v35;
	v31 =	vld.idx.msk [tilespmem:v31+s13+$0x0], $0xffff  }
0x5f9: {  	[tilespmem:s30+$0xFFFFFC10] =	vst v34;
	v34 =	vld.idx.msk [tilespmem:v50+s13+$0x0], $0xffff  }
0x5fa: {  	[tilespmem:s30+$0xFFFFFDA0] =	vst v33;
	v30 =	vor.u32 v55, v4;
	v50 =	vld [tilespmem:$0x1FEF0]  }
0x5fb: {  	[tilespmem:s30+$0x120] =	vst v23;
	v23 =	vor.u32 v51, v17;
	v21 =	vld.idx.msk [tilespmem:v25+s13+$0x0], $0xffff  }
0x5fc: {  	[tilespmem:s30+$0x3B0] =	vst v29;
	v29 =	vor.u32 v58, v12;
	v33 =	vld.idx.msk [tilespmem:v8+s13+$0x0], $0xffff  }
0x5fd: {  	[tilespmem:s30+$0xFFFFFD20] =	vst v24;
	v24 =	vor.u32 v53, v10;
	v32 =	vld.idx.msk [tilespmem:v61+s13+$0x0], $0xffff  }
0x5fe: {  	[tilespmem:s30+$0xFFFFFCA0] =	vst v27;
	v8 =	vor.u32 v40, v11;
	v61 =	vld [tilespmem:$0x1FF40]  }
0x5ff: {  	[tilespmem:s30+$0x2A0] =	vst v38;
	v27 =	vld.idx.msk [tilespmem:v30+s13+$0x0], $0xffff  }
0x600: {  	v60 =	vor.u32 v58, v9;
	v23 =	vld.idx.msk [tilespmem:v23+s13+$0x0], $0xffff  }
0x601: {  	[tilespmem:s30+$0xFFFFFF20] =	vst v28;
	v29 =	vld.idx.msk [tilespmem:v29+s13+$0x0], $0xffff  }
0x602: {  	[tilespmem:s30+$0xFFFFFFA0] =	vst v37;
	v24 =	vld.idx.msk [tilespmem:v24+s13+$0x0], $0xffff  }
0x603: {  	v26 =	vor.u32 v41, v2;
	v37 =	vld.idx.msk [tilespmem:v8+s13+$0x0], $0xffff  }
0x604: {  	[tilespmem:s30+$0x320] =	vst v31;
	v31 =	vor.u32 v50, v5;
	v8 =	vor.u32 v49, v16;
	v49 =	vld [tilespmem:$0x1FFB0]  }
0x605: {  	v22 =	vor.u32 v43, v2;
	v57 =	vor.u32 v56, v12;
	[tilespmem:s30+$0x3C0] =	vst v32;
	v32 =	vld.idx.msk [tilespmem:v60+s13+$0x0], $0xffff  }
0x606: {  	[tilespmem:s30+$0x1A0] =	vst v21;
	v21 =	vor.u32 v53, v18;
	v25 =	vor.u32 v61, v3;
	v28 =	vor.u32 v61, v14;
	v61 =	vld [tilespmem:$0x1FF50]  }
0x607: {  	v30 =	vor.u32 v59, v2;
	v2 =	vmov s0;
	v60 =	vor.u32 v56, v9;
	v56 =	vld [tilespmem:$0x1FC10]  }
0x608: {  	v2 =	vshrl.u32 v2, $0x3;
	[tilespmem:s30+$0xFFFFFE30] =	vst v34;
	v26 =	vld.idx.msk [tilespmem:v26+s13+$0x0], $0xffff  }
0x609: {  	[tilespmem:s30+$0x220] =	vst v20;
	v2 =	vshll.u32 v2, v1;
	v31 =	vld.idx.msk [tilespmem:v31+s13+$0x0], $0xffff  }
0x60a: {  	v2 =	vbroadcast v2, $0x0;
	v39 =	vld.idx.msk [tilespmem:v8+s13+$0x0], $0xffff  }
0x60b: {  	v58 =	vor.u32 v55, v13;
	v21 =	vld.idx.msk [tilespmem:v21+s13+$0x0], $0xffff  }
0x60c: {  	v53 =	vor.u32 v42, v11;
	[tilespmem:s30+$0x20] =	vst v29;
	v29 =	vor.u32 v52, v2;
	v52 =	vld [tilespmem:$0x1FE00]  }
0x60d: {  	v25 =	vld.idx.msk [tilespmem:v25+s13+$0x0], $0xffff  }
0x60e: {  	[tilespmem:s30+$0xA0] =	vst v19;
	v35 =	vld.idx.msk [tilespmem:v57+s13+$0x0], $0xffff  }
0x60f: {  	v19 =	vld.idx.msk [tilespmem:v28+s13+$0x0], $0xffff  }
0x610: {  	[tilespmem:s30+$0xFFFFFFB0] =	vst v37;
	v28 =	vld.idx.msk [tilespmem:v58+s13+$0x0], $0xffff  }
0x611: {  	[tilespmem:s30+$0xFFFFFDB0] =	vst v33;
	v33 =	vld.idx.msk [tilespmem:v53+s13+$0x0], $0xffff  }
0x612: {  	v53 =	vld [tilespmem:$0x1FE10]  }
0x613: {  	[tilespmem:s30+$0x3D0] =	vst v26;
	v26 =	vor.u32 v51, v6;
	v51 =	vld [tilespmem:$0x1FD90]  }
0x614: {  	v22 =	vld.idx.msk [tilespmem:v22+s13+$0x0], $0xffff  }
0x615: {  	v20 =	vor.u32 v61, v3;
	v8 =	vld.idx.msk [tilespmem:v29+s13+$0x0], $0xffff;
	[tilespmem:s30+$0xFFFFFC20] =	vst v32  }
0x616: {  	[tilespmem:s30+$0xFFFFFEA0] =	vst v36;
	v57 =	vor.u32 v56, v12;
	v32 =	vld.idx.msk [tilespmem:v60+s13+$0x0], $0xffff  }
0x617: {  	[tilespmem:s30+$0xFFFFFD30] =	vst v27;
	v60 =	vor.u32 v50, v16;
	v50 =	vld [tilespmem:$0x1FFC0]  }
0x618: {  	v27 =	vor.u32 v52, v10;
	[tilespmem:s30+$0x130] =	vst v28;
	v28 =	vor.u32 v52, v18;
	v52 =	vld [tilespmem:$0x1FDA0]  }
0x619: {  	[tilespmem:s30+$0xFFFFFCB0] =	vst v25;
	v26 =	vld.idx.msk [tilespmem:v26+s13+$0x0], $0xffff  }
0x61a: {  	[tilespmem:s30+$0x30] =	vst v35;
	v20 =	vld.idx.msk [tilespmem:v20+s13+$0x0], $0xffff  }
0x61b: {  	v34 =	vld.idx.msk [tilespmem:v57+s13+$0x0], $0xffff  }
0x61c: {  	[tilespmem:s30+$0xB0] =	vst v19;
	v25 =	vor.u32 v51, v6;
	v19 =	vor.u32 v51, v17;
	v51 =	vld [tilespmem:$0x1FFD0]  }
0x61d: {  	v57 =	vld [tilespmem:$0x1FC20]  }
0x61e: {  	[tilespmem:s30+$0x3E0] =	vst v22;
	v22 =	vor.u32 v48, v15;
	v48 =	vld [tilespmem:$0x1FC90]  }
0x61f: {  	[tilespmem:s30+$0xFFFFFF30] =	vst v24;
	v30 =	vld.idx.msk [tilespmem:v30+s13+$0x0], $0xffff  }
0x620: {  	[tilespmem:s30+$0x230] =	vst v39;
	v27 =	vld.idx.msk [tilespmem:v27+s13+$0x0], $0xffff  }
0x621: {  	[tilespmem:s30+$0x330] =	vst v21;
	v35 =	vld.idx.msk [tilespmem:v60+s13+$0x0], $0xffff  }
0x622: {  	[tilespmem:s30+$0x2B0] =	vst v23;
	v28 =	vld.idx.msk [tilespmem:v28+s13+$0x0], $0xffff  }
0x623: {  	[tilespmem:s30+$0xFFFFFEB0] =	vst v26;
	v26 =	vor.u32 v61, v14;
	v19 =	vld.idx.msk [tilespmem:v19+s13+$0x0], $0xffff  }
0x624: {  	v61 =	vor.u32 v56, v9;
	v21 =	vor.u32 v51, v5;
	v60 =	vor.u32 v51, v16;
	v51 =	vld [tilespmem:$0x1FFE0]  }
0x625: {  	v22 =	vld.idx.msk [tilespmem:v22+s13+$0x0], $0xffff  }
0x626: {  	[tilespmem:s30+$0xFFFFFE40] =	vst v31;
	v31 =	vor.u32 v57, v12;
	v25 =	vld.idx.msk [tilespmem:v25+s13+$0x0], $0xffff  }
0x627: {  	v29 =	vor.u32 v48, v4;
	v24 =	vor.u32 v48, v13;
	v48 =	vld [tilespmem:$0x1FF70]  }
0x628: {  	[tilespmem:s30+$0xFFFFFC30] =	vst v32;
	v26 =	vld.idx.msk [tilespmem:v26+s13+$0x0], $0xffff  }
0x629: {  	v32 =	vld.idx.msk [tilespmem:v61+s13+$0x0], $0xffff  }
0x62a: {  	[tilespmem:s30+$0x40] =	vst v34;
	v21 =	vld.idx.msk [tilespmem:v21+s13+$0x0], $0xffff  }
0x62b: {  	[tilespmem:s30+$0x3F0] =	vst v30;
	v31 =	vld.idx.msk [tilespmem:v31+s13+$0x0], $0xffff  }
0x62c: {  	v30 =	vor.u32 v49, v7;
	[tilespmem:s30+$0x240] =	vst v35;
	v61 =	vld [tilespmem:$0x1FC30]  }
0x62d: {  	v58 =	vor.u32 v49, v15;
	v34 =	vld.idx.msk [tilespmem:v60+s13+$0x0], $0xffff  }
0x62e: {  	[tilespmem:s30+$0xFFFFFCC0] =	vst v20;
	v20 =	vor.u32 v52, v6;
	v60 =	vld [tilespmem:$0x1FDC0]  }
0x62f: {  	v29 =	vld.idx.msk [tilespmem:v29+s13+$0x0], $0xffff  }
0x630: {  	v24 =	vld.idx.msk [tilespmem:v24+s13+$0x0], $0xffff;
	[tilespmem:s30+$0x1B0] =	vst v22;
	v22 =	vor.u32 v48, v3  }
0x631: {  	[tilespmem:s30+$0xFFFFFEC0] =	vst v25;
	v25 =	vor.u32 v48, v14;
	v30 =	vld.idx.msk [tilespmem:v30+s13+$0x0], $0xffff  }
0x632: {  	v38 =	vor.u32 v57, v9;
	v36 =	vld.idx.msk [tilespmem:v58+s13+$0x0], $0xffff  }
0x633: {  	v20 =	vld.idx.msk [tilespmem:v20+s13+$0x0], $0xffff  }
0x634: {  	v49 =	vor.u32 v54, v4;
	[tilespmem:s30+$0xC0] =	vst v26;
	v26 =	vor.u32 v52, v17;
	v52 =	vld [tilespmem:$0x1FD40]  }
0x635: {  	[tilespmem:s30+$0xFFFFFF40] =	vst v27;
	v27 =	vor.u32 v54, v13;
	v22 =	vld.idx.msk [tilespmem:v22+s13+$0x0], $0xffff  }
0x636: {  	[tilespmem:s30+$0xFFFFFC40] =	vst v32;
	v25 =	vld.idx.msk [tilespmem:v25+s13+$0x0], $0xffff  }
0x637: {  	[tilespmem:s30+$0xFFFFFD40] =	vst v29;
	v32 =	vld.idx.msk [tilespmem:v38+s13+$0x0], $0xffff  }
0x638: {  	v23 =	vor.u32 v50, v7;
	v29 =	vor.u32 v53, v10;
	[tilespmem:s30+$0x140] =	vst v24;
	v24 =	vor.u32 v53, v18;
	v53 =	vld [tilespmem:$0x1FDB0]  }
0x639: {  	v58 =	vor.u32 v50, v15;
	v56 =	vld.idx.msk [tilespmem:v49+s13+$0x0], $0xffff  }
0x63a: {  	v27 =	vld.idx.msk [tilespmem:v27+s13+$0x0], $0xffff  }
0x63b: {  	[tilespmem:s30+$0xFFFFFDC0] =	vst v30;
	v49 =	vld [tilespmem:$0x1FCB0]  }
0x63c: {  	v48 =	vor.u32 v61, v3;
	[tilespmem:s30+$0xFFFFFED0] =	vst v20;
	v20 =	vor.u32 v61, v14;
	v61 =	vld [tilespmem:$0x1FD50]  }
0x63d: {  	[tilespmem:s30+$0x1C0] =	vst v36;
	v23 =	vld.idx.msk [tilespmem:v23+s13+$0x0], $0xffff  }
0x63e: {  	[tilespmem:s30+$0xFFFFFFC0] =	vst v33;
	v30 =	vor.u32 v41, v11;
	v33 =	vld.idx.msk [tilespmem:v58+s13+$0x0], $0xffff  }
0x63f: {  	[tilespmem:s30+$0x2C0] =	vst v19;
	v58 =	vld [tilespmem:$0x1FF60]  }
0x640: {  	v26 =	vld.idx.msk [tilespmem:v26+s13+$0x0], $0xffff  }
0x641: {  	[tilespmem:s30+$0x340] =	vst v28;
	v29 =	vld.idx.msk [tilespmem:v29+s13+$0x0], $0xffff  }
0x642: {  	v24 =	vld.idx.msk [tilespmem:v24+s13+$0x0], $0xffff  }
0x643: {  	v19 =	vor.u32 v51, v7;
	[tilespmem:s30+$0xFFFFFCD0] =	vst v22;
	v30 =	vld.idx.msk [tilespmem:v30+s13+$0x0], $0xffff  }
0x644: {  	v28 =	vor.u32 v52, v5;
	[tilespmem:s30+$0xD0] =	vst v25;
	v36 =	vld.idx.msk [tilespmem:v48+s13+$0x0], $0xffff  }
0x645: {  	v22 =	vor.u32 v53, v6;
	[tilespmem:s30+$0xFFFFFD50] =	vst v56;
	v56 =	vld [tilespmem:$0x1FE20]  }
0x646: {  	[tilespmem:s30+$0xFFFFFE50] =	vst v21;
	v50 =	vor.u32 v49, v4;
	v41 =	vld.idx.msk [tilespmem:v20+s13+$0x0], $0xffff  }
0x647: {  	[tilespmem:s30+$0xFFFFFDD0] =	vst v23;
	v23 =	vor.u32 v43, v11;
	v21 =	vor.u32 v58, v12;
	v43 =	vor.u32 v58, v9;
	v58 =	vld [tilespmem:$0x1FE30]  }
0x648: {  	v19 =	vld.idx.msk [tilespmem:v19+s13+$0x0], $0xffff  }
0x649: {  	v38 =	vld.idx.msk [tilespmem:v28+s13+$0x0], $0xffff  }
0x64a: {  	v22 =	vld.idx.msk [tilespmem:v22+s13+$0x0], $0xffff  }
0x64b: {  	v28 =	vor.u32 v49, v13;
	v35 =	vld.idx.msk [tilespmem:v50+s13+$0x0], $0xffff  }
0x64c: {  	v57 =	vor.u32 v56, v10;
	[tilespmem:s30+$0xFFFFFFD0] =	vst v30;
	v20 =	vor.u32 v56, v18;
	v56 =	vld [tilespmem:$0x1FC40]  }
0x64d: {  	[tilespmem:s30+$0x50] =	vst v31;
	v39 =	vld.idx.msk [tilespmem:v23+s13+$0x0], $0xffff  }
0x64e: {  	s31 =	sadd.s32 $0x2, s0;
	[tilespmem:s30+$0xFFFFFC50] =	vst v32;
	v40 =	vld.idx.msk [tilespmem:v21+s13+$0x0], $0xffff  }
0x64f: {  	v25 =	vmov s31;
	s31 =	sadd.s32 $0x5, s0;
	[tilespmem:s30+$0x150] =	vst v27;
	v21 =	vor.u32 v53, v17;
	v53 =	vld [tilespmem:$0x1FF10]  }
0x650: {  	v42 =	vmov s31;
	s31 =	sadd.s32 $0x7, s0;
	[tilespmem:s30+$0xFFFFFF50] =	vst v29;
	v29 =	vor.u32 v51, v15;
	v44 =	vld.idx.msk [tilespmem:v28+s13+$0x0], $0xffff  }
0x651: {  	v45 =	vmov s31;
	s31 =	sadd.s32 $0x9, s0;
	v28 =	vld.idx.msk [tilespmem:v43+s13+$0x0], $0xffff  }
0x652: {  	[tilespmem:s30+$0x250] =	vst v34;
	v34 =	vmov s31;
	s31 =	sadd.s32 $0xB, s0;
	v43 =	vshrl.u32 v45, $0x3;
	v45 =	vld [tilespmem:$0x1FEE0]  }
0x653: {  	v6 =	vor.u32 v60, v6;
	v48 =	vmov s31;
	s31 =	sadd.s32 $0xD, s0;
	v37 =	vld.idx.msk [tilespmem:v57+s13+$0x0], $0xffff  }
0x654: {  	[tilespmem:s30+$0x1D0] =	vst v33;
	v50 =	vmov s31;
	s31 =	sadd.s32 $0xE, s0;
	v23 =	vor.u32 v52, v16;
	v57 =	vld [tilespmem:$0x1FCC0]  }
0x655: {  	[tilespmem:s30+$0x350] =	vst v24;
	v52 =	vmov s31;
	v46 =	vld.idx.msk [tilespmem:v29+s13+$0x0], $0xffff  }
0x656: {  	s12 =	sadd.s32 $0x1, s0;
	[tilespmem:s30+$0xFFFFFEE0] =	vst v22;
	v22 =	vshrl.u32 v52, $0x3;
	v52 =	vld [tilespmem:$0x1FD00];
	v3 =	vor.u32 v56, v3  }
0x657: {  	v30 =	vmov s12;
	v51 =	vld.idx.msk [tilespmem:v20+s13+$0x0], $0xffff;
	v7 =	vor.u32 v53, v7  }
0x658: {  	[tilespmem:s30+$0x2D0] =	vst v26;
	s12 =	sadd.s32 $0x3, s0;
	v20 =	vshrl.u32 v30, $0x3;
	v30 =	vld.idx.msk [tilespmem:v6+s13+$0x0], $0xffff  }
0x659: {  	v5 =	vor.u32 v61, v5;
	[tilespmem:s30+$0xFFFFFCE0] =	vst v36;
	v31 =	vmov s12;
	s12 =	sadd.s32 $0x4, s0;
	v47 =	vld.idx.msk [tilespmem:v23+s13+$0x0], $0xffff;
	v4 =	vor.u32 v57, v4  }
0x65a: {  	v32 =	vshrl.u32 v25, $0x3;
	v24 =	vshrl.u32 v34, $0x3;
	[tilespmem:s30+$0xE0] =	vst v41;
	v27 =	vmov s12;
	v49 =	vld.idx.msk [tilespmem:v21+s13+$0x0], $0xffff  }
0x65b: {  	s12 =	sadd.s32 $0x6, s0;
	v36 =	vshrl.u32 v31, $0x3;
	[tilespmem:s30+$0xFFFFFDE0] =	vst v19;
	v19 =	vshrl.u32 v48, $0x3;
	v25 =	vld.idx.msk [tilespmem:v3+s13+$0x0], $0xffff;
	v3 =	vor.u32 v58, v10  }
0x65c: {  	v33 =	vmov s12;
	s12 =	sadd.s32 $0x8, s0;
	[tilespmem:s30+$0xFFFFFD60] =	vst v35;
	v10 =	vshrl.u32 v27, $0x3;
	v27 =	vld.idx.msk [tilespmem:v7+s13+$0x0], $0xffff;
	v7 =	vor.u32 v45, v12  }
0x65d: {  	v29 =	vmov s12;
	s12 =	sadd.s32 $0xA, s0;
	v35 =	vshrl.u32 v42, $0x3;
	[tilespmem:s30+$0x160] =	vst v44;
	v44 =	vld [tilespmem:$0x1FCF0];
	v6 =	vor.u32 v57, v13  }
0x65e: {  	[tilespmem:s30+$0xFFFFFE60] =	vst v38;
	v42 =	vshrl.u32 v33, $0x3;
	v23 =	vmov s12;
	s12 =	sadd.s32 $0xC, s0;
	v26 =	vld.idx.msk [tilespmem:v4+s13+$0x0], $0xffff;
	v4 =	vor.u32 v59, v11  }
0x65f: {  	v21 =	vmov s12;
	[tilespmem:s30+$0xFFFFFF60] =	vst v37;
	v59 =	vshrl.u32 v29, $0x3;
	v29 =	vld.idx.msk [tilespmem:v5+s13+$0x0], $0xffff;
	v5 =	vor.u32 v56, v14  }
0x660: {  	[tilespmem:s30+$0x60] =	vst v40;
	v23 =	vshrl.u32 v23, $0x3;
	v12 =	vshll.u32 v32, v1;
	v31 =	vld.idx.msk [tilespmem:v3+s13+$0x0], $0xffff;
	v14 =	vor.u32 v53, v15  }
0x661: {  	v11 =	vshll.u32 v20, v1;
	v15 =	vor.u32 v61, v16;
	v61 =	vor.u32 v60, v17;
	v33 =	vld.idx.msk [tilespmem:v7+s13+$0x0], $0xffff  }
0x662: {  	p1 =	slt.u32 s0, $0x30;
	[tilespmem:s30+$0xFFFFFFE0] =	vst v39;
	v3 =	vbroadcast v11, $0x0;
	v11 =	vor.u32 v58, v18;
	v18 =	vshll.u32 v35, v1;
	v35 =	vld.idx.msk [tilespmem:v6+s13+$0x0], $0xffff  }
.Ltmp4:
0x663: {  	[tilespmem:s30+$0x1E0] =	vst v46;
	v10 =	vshll.u32 v10, v1;
	v20 =	vshrl.u32 v21, $0x3;
	v16 =	vshll.u32 v36, v1;
	v32 =	vld.idx.msk [tilespmem:v4+s13+$0x0], $0xffff;
	(pc) =	sbr.rel @p1 .LBB2_7-.Ltmp4, $4  }
0x664: {  	[tilespmem:s30+$0x260] =	vst v47;
	v21 =	vshrl.u32 v50, $0x3;
	v17 =	vshll.u32 v43, v1;
	v7 =	vbroadcast v16, $0x0;
	v34 =	vld.idx.msk [tilespmem:v5+s13+$0x0], $0xffff  }
0x665: {  	[tilespmem:s30+$0x2E0] =	vst v49;
	v16 =	vshll.u32 v59, v1;
	v6 =	vbroadcast v18, $0x0;
	v4 =	vbroadcast v12, $0x0;
	v36 =	vld.idx.msk [tilespmem:v14+s13+$0x0], $0xffff  }
0x666: {  	v13 =	vor.u32 v44, v3;
	v12 =	vor.u32 v45, v9;
	v9 =	vshll.u32 v42, v1;
	v37 =	vld.idx.msk [tilespmem:v15+s13+$0x0], $0xffff  }
0x667: {  	s1 =	sadd.s32 $0xF, s0;
	s0 =	sadd.s32 $0x10, s0;
	[tilespmem:s30+$0x360] =	vst v51;
	v5 =	vbroadcast v10, $0x0;
	v15 =	vor.u32 v63, v7;
	v38 =	vld.idx.msk [tilespmem:v61+s13+$0x0], $0xffff;
	v14 =	vor.u32 v0, v4  }
0x668: {  	v41 =	vld [tilespmem:$0x1FFF0];
	[tilespmem:s30+$0xFFFFFC60] =	vst v28  }
0x669: {  	v42 =	vld [tilespmem:$0x1FEB0];
	[tilespmem:s30+$0xFFFFFCF0] =	vst v25  }
0x66a: {  	v43 =	vld [tilespmem:$0x1FEC0];
	[tilespmem:s30+$0xFFFFFD70] =	vst v26  }
0x66b: {  	v59 =	vld [tilespmem:$0x1FE90];
	[tilespmem:s30+$0xFFFFFDF0] =	vst v27  }
0x66c: {  	[tilespmem:s30+$0xFFFFFE70] =	vst v29  }
0x66d: {  	v10 =	vbroadcast v17, $0x0;
	v17 =	vld.idx.msk [tilespmem:v12+s13+$0x0], $0xffff;
	v12 =	vmov s1;
	[tilespmem:s30+$0xFFFFFEF0] =	vst v30  }
0x66e: {  	v12 =	vshrl.u32 v12, $0x3;
	[tilespmem:s30+$0xFFFFFF70] =	vst v31  }
0x66f: {  	v12 =	vshll.u32 v12, v1;
	[tilespmem:s30+$0xFFFFFFF0] =	vst v32  }
0x670: {  	[tilespmem:s30+$0x70] =	vst v33;
	v18 =	vbroadcast v12, $0x0  }
0x671: {  	[tilespmem:s30+$0xF0] =	vst v34  }
0x672: {  	v28 =	vld.idx.msk [tilespmem:v11+s13+$0x0], $0xffff;
	v11 =	vbroadcast v16, $0x0;
	[tilespmem:s30+$0x170] =	vst v35;
	v12 =	vor.u32 v59, v18  }
0x673: {  	v9 =	vbroadcast v9, $0x0;
	v25 =	vld.idx.msk [tilespmem:v13+s13+$0x0], $0xffff;
	[tilespmem:s30+$0x1F0] =	vst v36  }
0x674: {  	v27 =	vld.idx.msk [tilespmem:v15+s13+$0x0], $0xffff;
	v15 =	vor.u32 v52, v11;
	[tilespmem:s30+$0x270] =	vst v37  }
0x675: {  	v36 =	vld [tilespmem:$0x1FEA0];
	v13 =	vor.u32 v43, v9  }
0x676: {  	v39 =	vor.u32 v41, v5  }
0x677: {  	v40 =	vor.u32 v42, v6;
	v16 =	vld.idx.msk [tilespmem:v12+s13+$0x0], $0xffff  }
0x678: {  	v26 =	vld.idx.msk [tilespmem:v14+s13+$0x0], $0xffff  }
0x679: {  	[tilespmem:s30+$0x2F0] =	vst v38;
	v14 =	vor.u32 v59, v10;
	v47 =	vld.idx.msk [tilespmem:v15+s13+$0x0], $0xffff  }
0x67a: {  	[tilespmem:s30+$0x370] =	vst v28;
	v31 =	vld.idx.msk [tilespmem:v13+s13+$0x0], $0xffff;
	v13 =	vshll.u32 v23, v1;
	v23 =	vor.u32 v36, v18  }
0x67b: {  	s0 =	sadd.s32 $0x800, s30;
	[tilespmem:s30+$0xFFFFFC70] =	vst v17;
	v29 =	vld.idx.msk [tilespmem:v39+s13+$0x0], $0xffff;
	v13 =	vbroadcast v13, $0x0  }
0x67c: {  	v30 =	vld.idx.msk [tilespmem:v40+s13+$0x0], $0xffff;
	v12 =	vshll.u32 v24, v1;
	[tilespmem:s0+$0x380] =	vst v16  }
0x67d: {  	v15 =	vshll.u32 v20, v1;
	v12 =	vbroadcast v12, $0x0;
	v20 =	vor.u32 v0, v13;
	v16 =	vld [tilespmem:$0x1FCD0];
	[tilespmem:s0+$0xFFFFFC80] =	vst v25  }
0x67e: {  	v46 =	vld.idx.msk [tilespmem:v14+s13+$0x0], $0xffff;
	[tilespmem:s0+$0xFFFFFD00] =	vst v26  }
0x67f: {  	v14 =	vshll.u32 v19, v1;
	v19 =	vor.u32 v44, v12;
	v23 =	vld.idx.msk [tilespmem:v23+s13+$0x0], $0xffff;
	[tilespmem:s0+$0xFFFFFD80] =	vst v27  }
0x680: {  	v14 =	vbroadcast v14, $0x0;
	v34 =	vld [tilespmem:$0x1FE40]  }
0x681: {  	v17 =	vshll.u32 v21, v1;
	v15 =	vbroadcast v15, $0x0;
	[tilespmem:s0+$0xFFFFFE00] =	vst v29  }
0x682: {  	v20 =	vld.idx.msk [tilespmem:v20+s13+$0x0], $0xffff;
	[tilespmem:s0+$0xFFFFFE80] =	vst v30;
	v21 =	vor.u32 v16, v14;
	v16 =	vbroadcast v17, $0x0;
	v17 =	vshll.u32 v22, v1  }
0x683: {  	v53 =	vld [tilespmem:$0x1FF20];
	[tilespmem:s0+$0xFFFFFF00] =	vst v31;
	v22 =	vor.u32 v41, v15;
	v17 =	vbroadcast v17, $0x0  }
0x684: {  	v19 =	vld.idx.msk [tilespmem:v19+s13+$0x0], $0xffff;
	[tilespmem:s0+$0x390] =	vst v23  }
0x685: {  	v25 =	vor.u32 v34, v18;
	v26 =	vor.u32 v43, v17;
	v43 =	vld [tilespmem:$0x1FF80];
	[tilespmem:s0+$0xFFFFFF80] =	vst v46  }
0x686: {  	v49 =	vld [tilespmem:$0x1FCE0]  }
0x687: {  	v24 =	vor.u32 v42, v16;
	v21 =	vld.idx.msk [tilespmem:v21+s13+$0x0], $0xffff  }
0x688: {  	[tilespmem:s0+$0x0] =	vst v47;
	v22 =	vld.idx.msk [tilespmem:v22+s13+$0x0], $0xffff  }
0x689: {  	v58 =	vld [tilespmem:$0x1FD60]  }
0x68a: {  	v28 =	vor.u32 v62, v4;
	[tilespmem:s0+$0x80] =	vst v19;
	v25 =	vld.idx.msk [tilespmem:v25+s13+$0x0], $0xffff  }
0x68b: {  	v50 =	vld [tilespmem:$0x1FE50]  }
0x68c: {  	v27 =	vor.u32 v53, v3;
	[tilespmem:s0+$0x100] =	vst v20;
	v24 =	vld.idx.msk [tilespmem:v24+s13+$0x0], $0xffff  }
0x68d: {  	v48 =	vld [tilespmem:$0x1FDD0];
	v23 =	vor.u32 v43, v7  }
0x68e: {  	v26 =	vld.idx.msk [tilespmem:v26+s13+$0x0], $0xffff;
	v29 =	vor.u32 v49, v5;
	[tilespmem:s0+$0x180] =	vst v21  }
0x68f: {  	v28 =	vld.idx.msk [tilespmem:v28+s13+$0x0], $0xffff;
	[tilespmem:s0+$0x200] =	vst v22  }
0x690: {  	v30 =	vor.u32 v58, v6;
	v40 =	vld [tilespmem:$0x1FD10];
	[tilespmem:s0+$0x3A0] =	vst v25  }
0x691: {  	v19 =	vld.idx.msk [tilespmem:v27+s13+$0x0], $0xffff;
	v27 =	vor.u32 v50, v18;
	[tilespmem:s0+$0xFFFFFC00] =	vst v8  }
0x692: {  	v20 =	vor.u32 v48, v9;
	[tilespmem:s0+$0x280] =	vst v24;
	v21 =	vld.idx.msk [tilespmem:v23+s13+$0x0], $0xffff  }
0x693: {  	v23 =	vor.u32 v36, v10;
	[tilespmem:s0+$0x300] =	vst v26;
	v22 =	vld.idx.msk [tilespmem:v29+s13+$0x0], $0xffff  }
0x694: {  	v24 =	vor.u32 v62, v13;
	v38 =	vld [tilespmem:$0x1FE60]  }
0x695: {  	v26 =	vor.u32 v43, v14;
	v25 =	vld.idx.msk [tilespmem:v30+s13+$0x0], $0xffff  }
0x696: {  	[tilespmem:s0+$0xFFFFFC90] =	vst v19;
	v19 =	vor.u32 v49, v15;
	v27 =	vld.idx.msk [tilespmem:v27+s13+$0x0], $0xffff  }
0x697: {  	v30 =	vor.u32 v53, v12;
	v20 =	vld.idx.msk [tilespmem:v20+s13+$0x0], $0xffff  }
0x698: {  	v29 =	vor.u32 v40, v11;
	v8 =	vld.idx.msk [tilespmem:v23+s13+$0x0], $0xffff  }
0x699: {  	[tilespmem:s0+$0xFFFFFD90] =	vst v21;
	v21 =	vld.idx.msk [tilespmem:v24+s13+$0x0], $0xffff  }
0x69a: {  	v26 =	vld.idx.msk [tilespmem:v26+s13+$0x0], $0xffff  }
0x69b: {  	[tilespmem:s0+$0xFFFFFD10] =	vst v28;
	v24 =	vor.u32 v48, v17;
	v19 =	vld.idx.msk [tilespmem:v19+s13+$0x0], $0xffff  }
0x69c: {  	v23 =	vor.u32 v38, v18;
	[tilespmem:s0+$0xFFFFFE10] =	vst v22;
	v28 =	vld.idx.msk [tilespmem:v30+s13+$0x0], $0xffff  }
0x69d: {  	v29 =	vld.idx.msk [tilespmem:v29+s13+$0x0], $0xffff;
	[tilespmem:s0+$0x3B0] =	vst v27  }
0x69e: {  	v30 =	vor.u32 v58, v16;
	v46 =	vld [tilespmem:$0x1FF30];
	[tilespmem:s0+$0xFFFFFE90] =	vst v25  }
0x69f: {  	v32 =	vld [tilespmem:$0x1FC70]  }
0x6a0: {  	v24 =	vld.idx.msk [tilespmem:v24+s13+$0x0], $0xffff  }
0x6a1: {  	[tilespmem:s0+$0xFFFFFF10] =	vst v20;
	v23 =	vld.idx.msk [tilespmem:v23+s13+$0x0], $0xffff  }
0x6a2: {  	v37 =	vld [tilespmem:$0x1FE70]  }
0x6a3: {  	v27 =	vor.u32 v40, v2;
	[tilespmem:s0+$0xFFFFFF90] =	vst v8;
	v20 =	vld.idx.msk [tilespmem:v30+s13+$0x0], $0xffff  }
0x6a4: {  	v47 =	vld [tilespmem:$0x1FF90];
	[tilespmem:s0+$0x10] =	vst v29  }
0x6a5: {  	v22 =	vor.u32 v46, v3;
	v42 =	vld [tilespmem:$0x1FED0];
	[tilespmem:s0+$0x90] =	vst v28  }
0x6a6: {  	v51 =	vld [tilespmem:$0x1FD70];
	[tilespmem:s0+$0x3C0] =	vst v23  }
0x6a7: {  	v25 =	vor.u32 v32, v4;
	v41 =	vld [tilespmem:$0x1FDE0];
	[tilespmem:s0+$0x110] =	vst v21  }
0x6a8: {  	v27 =	vld.idx.msk [tilespmem:v27+s13+$0x0], $0xffff;
	v30 =	vor.u32 v37, v18;
	[tilespmem:s0+$0x190] =	vst v26  }
0x6a9: {  	v8 =	vor.u32 v47, v7;
	v39 =	vld [tilespmem:$0x1FD20]  }
0x6aa: {  	[tilespmem:s0+$0x210] =	vst v19;
	v29 =	vor.u32 v42, v5;
	v22 =	vld.idx.msk [tilespmem:v22+s13+$0x0], $0xffff  }
0x6ab: {  	v31 =	vld [tilespmem:$0x1FE80];
	v28 =	vor.u32 v51, v6  }
0x6ac: {  	v23 =	vld.idx.msk [tilespmem:v25+s13+$0x0], $0xffff;
	v25 =	vor.u32 v41, v9  }
0x6ad: {  	v21 =	vor.u32 v34, v10;
	v30 =	vld.idx.msk [tilespmem:v30+s13+$0x0], $0xffff  }
0x6ae: {  	v8 =	vld.idx.msk [tilespmem:v8+s13+$0x0], $0xffff  }
0x6af: {  	[tilespmem:s0+$0x290] =	vst v20;
	v20 =	vor.u32 v46, v12;
	v19 =	vld.idx.msk [tilespmem:v29+s13+$0x0], $0xffff  }
0x6b0: {  	[tilespmem:s0+$0x310] =	vst v24;
	v26 =	vor.u32 v39, v11;
	v28 =	vld.idx.msk [tilespmem:v28+s13+$0x0], $0xffff  }
0x6b1: {  	[tilespmem:s0+$0xFFFFFC10] =	vst v27;
	v24 =	vld.idx.msk [tilespmem:v25+s13+$0x0], $0xffff  }
0x6b2: {  	v29 =	vor.u32 v31, v18;
	v21 =	vld.idx.msk [tilespmem:v21+s13+$0x0], $0xffff;
	[tilespmem:s0+$0x3D0] =	vst v30  }
0x6b3: {  	[tilespmem:s0+$0xFFFFFCA0] =	vst v22  }
0x6b4: {  	v25 =	vor.u32 v32, v13;
	[tilespmem:s0+$0xFFFFFD20] =	vst v23;
	v20 =	vld.idx.msk [tilespmem:v20+s13+$0x0], $0xffff  }
0x6b5: {  	v27 =	vor.u32 v47, v14;
	[tilespmem:s0+$0xFFFFFDA0] =	vst v8;
	v26 =	vld.idx.msk [tilespmem:v26+s13+$0x0], $0xffff  }
0x6b6: {  	v30 =	vor.u32 v42, v15;
	v34 =	vld [tilespmem:$0x1FB80];
	[tilespmem:s0+$0xFFFFFE20] =	vst v19  }
0x6b7: {  	v22 =	vor.u32 v51, v16;
	v29 =	vld.idx.msk [tilespmem:v29+s13+$0x0], $0xffff;
	[tilespmem:s0+$0xFFFFFEA0] =	vst v28  }
0x6b8: {  	v23 =	vor.u32 v41, v17;
	v63 =	vld [tilespmem:$0x1FF40]  }
0x6b9: {  	v8 =	vld.idx.msk [tilespmem:v25+s13+$0x0], $0xffff  }
0x6ba: {  	v25 =	vld.idx.msk [tilespmem:v27+s13+$0x0], $0xffff  }
0x6bb: {  	v28 =	vld.idx.msk [tilespmem:v30+s13+$0x0], $0xffff  }
0x6bc: {  	[tilespmem:s0+$0xFFFFFF20] =	vst v24;
	v22 =	vld.idx.msk [tilespmem:v22+s13+$0x0], $0xffff  }
0x6bd: {  	v24 =	vor.u32 v55, v4;
	v23 =	vld.idx.msk [tilespmem:v23+s13+$0x0], $0xffff;
	[tilespmem:s0+$0x3E0] =	vst v29  }
0x6be: {  	v35 =	vld [tilespmem:$0x1FFA0];
	[tilespmem:s0+$0xFFFFFFA0] =	vst v21  }
0x6bf: {  	v19 =	vor.u32 v39, v2;
	v56 =	vld [tilespmem:$0x1FF00];
	[tilespmem:s0+$0x20] =	vst v26  }
0x6c0: {  	v27 =	vor.u32 v63, v3;
	v57 =	vld [tilespmem:$0x1FD80];
	[tilespmem:s0+$0xA0] =	vst v20  }
0x6c1: {  	v18 =	vor.u32 v34, v18;
	v30 =	vld [tilespmem:$0x1FDF0];
	[tilespmem:s0+$0x120] =	vst v8  }
0x6c2: {  	v8 =	vld.idx.msk [tilespmem:v24+s13+$0x0], $0xffff;
	v24 =	vor.u32 v50, v10;
	[tilespmem:s0+$0x1A0] =	vst v25  }
0x6c3: {  	v61 =	vld [tilespmem:$0x1FD30];
	v29 =	vor.u32 v35, v7  }
0x6c4: {  	v19 =	vld.idx.msk [tilespmem:v19+s13+$0x0], $0xffff;
	v21 =	vor.u32 v56, v5  }
0x6c5: {  	[tilespmem:s0+$0x220] =	vst v28;
	v28 =	vor.u32 v63, v12;
	v20 =	vld.idx.msk [tilespmem:v27+s13+$0x0], $0xffff  }
0x6c6: {  	v18 =	vld.idx.msk [tilespmem:v18+s13+$0x0], $0xffff;
	v26 =	vor.u32 v57, v6  }
0x6c7: {  	[tilespmem:s0+$0x320] =	vst v23;
	v27 =	vor.u32 v30, v9;
	v23 =	vld.idx.msk [tilespmem:v24+s13+$0x0], $0xffff  }
0x6c8: {  	[tilespmem:s0+$0x2A0] =	vst v22;
	v25 =	vld.idx.msk [tilespmem:v29+s13+$0x0], $0xffff;
	v29 =	vor.u32 v61, v11  }
0x6c9: {  	[tilespmem:s0+$0xFFFFFC20] =	vst v19;
	v21 =	vld.idx.msk [tilespmem:v21+s13+$0x0], $0xffff  }
0x6ca: {  	v24 =	vor.u32 v56, v15;
	[tilespmem:s0+$0xFFFFFCB0] =	vst v20;
	v20 =	vld.idx.msk [tilespmem:v28+s13+$0x0], $0xffff  }
0x6cb: {  	[tilespmem:s0+$0x3F0] =	vst v18;
	v28 =	vor.u32 v30, v17;
	v18 =	vld.idx.msk [tilespmem:v26+s13+$0x0], $0xffff  }
0x6cc: {  	[tilespmem:s0+$0xFFFFFD30] =	vst v8;
	v26 =	vor.u32 v55, v13;
	v22 =	vld.idx.msk [tilespmem:v27+s13+$0x0], $0xffff  }
0x6cd: {  	v19 =	vld.idx.msk [tilespmem:v29+s13+$0x0], $0xffff;
	[tilespmem:s0+$0xFFFFFDB0] =	vst v25  }
0x6ce: {  	v33 =	vld [tilespmem:$0x1FF50]  }
0x6cf: {  	[tilespmem:s0+$0xFFFFFE30] =	vst v21;
	v21 =	vld.idx.msk [tilespmem:v24+s13+$0x0], $0xffff  }
0x6d0: {  	v27 =	vor.u32 v35, v14;
	v28 =	vld.idx.msk [tilespmem:v28+s13+$0x0], $0xffff  }
0x6d1: {  	v8 =	vld.idx.msk [tilespmem:v26+s13+$0x0], $0xffff  }
0x6d2: {  	v56 =	vld [tilespmem:$0x1FC90];
	[tilespmem:s0+$0xFFFFFEB0] =	vst v18  }
0x6d3: {  	v29 =	vor.u32 v57, v16;
	v32 =	vld [tilespmem:$0x1FFB0];
	[tilespmem:s0+$0xFFFFFF30] =	vst v22  }
0x6d4: {  	v26 =	vor.u32 v61, v2;
	v35 =	vld [tilespmem:$0x1FEF0]  }
0x6d5: {  	v25 =	vld.idx.msk [tilespmem:v27+s13+$0x0], $0xffff;
	[tilespmem:s0+$0xFFFFFFB0] =	vst v23  }
0x6d6: {  	v60 =	vld [tilespmem:$0x1FD90];
	[tilespmem:s0+$0x30] =	vst v19;
	v27 =	vor.u32 v33, v3  }
0x6d7: {  	v30 =	vld [tilespmem:$0x1FE00];
	v24 =	vor.u32 v56, v4  }
0x6d8: {  	v29 =	vld.idx.msk [tilespmem:v29+s13+$0x0], $0xffff;
	[tilespmem:s0+$0xB0] =	vst v20;
	v18 =	vor.u32 v32, v7  }
0x6d9: {  	v23 =	vld.idx.msk [tilespmem:v26+s13+$0x0], $0xffff;
	[tilespmem:s0+$0x130] =	vst v8;
	v22 =	vor.u32 v35, v5  }
0x6da: {  	v57 =	vld [tilespmem:$0x1FC10];
	[tilespmem:s0+$0x330] =	vst v28;
	v28 =	vor.u32 v35, v15  }
0x6db: {  	v26 =	vor.u32 v60, v6;
	v19 =	vld.idx.msk [tilespmem:v27+s13+$0x0], $0xffff  }
0x6dc: {  	v27 =	vor.u32 v30, v9;
	v20 =	vld.idx.msk [tilespmem:v24+s13+$0x0], $0xffff  }
0x6dd: {  	[tilespmem:s0+$0x1B0] =	vst v25;
	v25 =	vor.u32 v33, v12;
	v8 =	vld.idx.msk [tilespmem:v18+s13+$0x0], $0xffff  }
0x6de: {  	[tilespmem:s0+$0x230] =	vst v21;
	v24 =	vor.u32 v38, v10;
	v22 =	vld.idx.msk [tilespmem:v22+s13+$0x0], $0xffff  }
0x6df: {  	[tilespmem:s0+$0xFFFFFC30] =	vst v23;
	v23 =	vor.u32 v60, v16;
	v28 =	vld.idx.msk [tilespmem:v28+s13+$0x0], $0xffff  }
0x6e0: {  	v18 =	vor.u32 v57, v11;
	v21 =	vld.idx.msk [tilespmem:v26+s13+$0x0], $0xffff  }
0x6e1: {  	v27 =	vld.idx.msk [tilespmem:v27+s13+$0x0], $0xffff  }
0x6e2: {  	v26 =	vor.u32 v56, v13;
	[tilespmem:s0+$0xFFFFFCC0] =	vst v19;
	v19 =	vld.idx.msk [tilespmem:v25+s13+$0x0], $0xffff  }
0x6e3: {  	[tilespmem:s0+$0x2B0] =	vst v29;
	v24 =	vld.idx.msk [tilespmem:v24+s13+$0x0], $0xffff  }
0x6e4: {  	v25 =	vor.u32 v30, v17;
	[tilespmem:s0+$0xFFFFFD40] =	vst v20;
	v23 =	vld.idx.msk [tilespmem:v23+s13+$0x0], $0xffff  }
0x6e5: {  	v18 =	vld.idx.msk [tilespmem:v18+s13+$0x0], $0xffff;
	[tilespmem:s0+$0xFFFFFDC0] =	vst v8  }
0x6e6: {  	v29 =	vor.u32 v32, v14;
	v32 =	vld [tilespmem:$0x1FF70];
	[tilespmem:s0+$0xFFFFFE40] =	vst v22  }
0x6e7: {  	v26 =	vld.idx.msk [tilespmem:v26+s13+$0x0], $0xffff;
	[tilespmem:s0+$0xFFFFFEC0] =	vst v21  }
0x6e8: {  	v22 =	vor.u32 v54, v4;
	v33 =	vld [tilespmem:$0x1FFC0]  }
0x6e9: {  	[tilespmem:s0+$0xFFFFFF40] =	vst v27;
	v25 =	vld.idx.msk [tilespmem:v25+s13+$0x0], $0xffff  }
0x6ea: {  	v60 =	vld [tilespmem:$0x1FFD0];
	[tilespmem:s0+$0xFFFFFFC0] =	vst v24  }
0x6eb: {  	v20 =	vor.u32 v57, v2;
	v56 =	vld [tilespmem:$0x1FDA0];
	[tilespmem:s0+$0x40] =	vst v18  }
0x6ec: {  	v8 =	vor.u32 v32, v3;
	v30 =	vld [tilespmem:$0x1FE10]  }
0x6ed: {  	[tilespmem:s0+$0xC0] =	vst v19;
	v19 =	vld.idx.msk [tilespmem:v22+s13+$0x0], $0xffff;
	v22 =	vor.u32 v37, v10  }
0x6ee: {  	v29 =	vld.idx.msk [tilespmem:v29+s13+$0x0], $0xffff;
	[tilespmem:s0+$0x140] =	vst v26;
	v21 =	vor.u32 v33, v7  }
0x6ef: {  	v50 =	vld [tilespmem:$0x1FC20];
	[tilespmem:s0+$0x240] =	vst v28;
	v28 =	vor.u32 v54, v13  }
0x6f0: {  	v20 =	vld.idx.msk [tilespmem:v20+s13+$0x0], $0xffff;
	[tilespmem:s0+$0x2C0] =	vst v23;
	v23 =	vor.u32 v33, v14  }
0x6f1: {  	v27 =	vor.u32 v60, v5;
	v8 =	vld.idx.msk [tilespmem:v8+s13+$0x0], $0xffff  }
0x6f2: {  	[tilespmem:s0+$0x340] =	vst v25;
	v25 =	vor.u32 v60, v15;
	v22 =	vld.idx.msk [tilespmem:v22+s13+$0x0], $0xffff  }
0x6f3: {  	v24 =	vor.u32 v56, v6;
	v21 =	vld.idx.msk [tilespmem:v21+s13+$0x0], $0xffff  }
0x6f4: {  	[tilespmem:s0+$0x1C0] =	vst v29;
	v18 =	vor.u32 v30, v9;
	v28 =	vld.idx.msk [tilespmem:v28+s13+$0x0], $0xffff  }
0x6f5: {  	v29 =	vor.u32 v32, v12;
	v23 =	vld.idx.msk [tilespmem:v23+s13+$0x0], $0xffff  }
0x6f6: {  	v26 =	vor.u32 v50, v11;
	v27 =	vld.idx.msk [tilespmem:v27+s13+$0x0], $0xffff  }
0x6f7: {  	v25 =	vld.idx.msk [tilespmem:v25+s13+$0x0], $0xffff  }
0x6f8: {  	[tilespmem:s0+$0xFFFFFC40] =	vst v20;
	v24 =	vld.idx.msk [tilespmem:v24+s13+$0x0], $0xffff  }
0x6f9: {  	[tilespmem:s0+$0xFFFFFD50] =	vst v19;
	v18 =	vld.idx.msk [tilespmem:v18+s13+$0x0], $0xffff  }
0x6fa: {  	[tilespmem:s0+$0xFFFFFCD0] =	vst v8;
	v8 =	vld.idx.msk [tilespmem:v29+s13+$0x0], $0xffff  }
0x6fb: {  	v20 =	vld.idx.msk [tilespmem:v26+s13+$0x0], $0xffff;
	[tilespmem:s0+$0xFFFFFDD0] =	vst v21  }
0x6fc: {  	v37 =	vld [tilespmem:$0x1FC30];
	[tilespmem:s0+$0xFFFFFE50] =	vst v27  }
0x6fd: {  	v19 =	vor.u32 v50, v2;
	v26 =	vor.u32 v56, v16;
	v56 =	vld [tilespmem:$0x1FCB0];
	[tilespmem:s0+$0xFFFFFED0] =	vst v24  }
0x6fe: {  	v38 =	vld [tilespmem:$0x1FFE0];
	[tilespmem:s0+$0xFFFFFF50] =	vst v18  }
0x6ff: {  	v29 =	vor.u32 v30, v17;
	v35 =	vld [tilespmem:$0x1FD40];
	[tilespmem:s0+$0xFFFFFFD0] =	vst v22  }
0x700: {  	v33 =	vld [tilespmem:$0x1FDB0];
	[tilespmem:s0+$0x50] =	vst v20  }
0x701: {  	v21 =	vor.u32 v37, v3;
	v60 =	vld [tilespmem:$0x1FE20];
	[tilespmem:s0+$0xD0] =	vst v8  }
0x702: {  	v19 =	vld.idx.msk [tilespmem:v19+s13+$0x0], $0xffff;
	[tilespmem:s0+$0x150] =	vst v28;
	v27 =	vor.u32 v56, v4  }
0x703: {  	v30 =	vld [tilespmem:$0x1FF60];
	[tilespmem:s0+$0x250] =	vst v25;
	v25 =	vor.u32 v56, v13  }
0x704: {  	v29 =	vld.idx.msk [tilespmem:v29+s13+$0x0], $0xffff;
	v24 =	vor.u32 v38, v7  }
0x705: {  	v26 =	vld.idx.msk [tilespmem:v26+s13+$0x0], $0xffff;
	v18 =	vor.u32 v35, v5  }
0x706: {  	v22 =	vor.u32 v33, v6;
	v20 =	vld.idx.msk [tilespmem:v21+s13+$0x0], $0xffff  }
0x707: {  	v21 =	vor.u32 v60, v9;
	v8 =	vld.idx.msk [tilespmem:v27+s13+$0x0], $0xffff  }
0x708: {  	[tilespmem:s0+$0x1D0] =	vst v23;
	v23 =	vor.u32 v37, v12;
	v25 =	vld.idx.msk [tilespmem:v25+s13+$0x0], $0xffff  }
0x709: {  	v27 =	vor.u32 v31, v10;
	v24 =	vld.idx.msk [tilespmem:v24+s13+$0x0], $0xffff  }
0x70a: {  	v28 =	vor.u32 v30, v11;
	v18 =	vld.idx.msk [tilespmem:v18+s13+$0x0], $0xffff  }
0x70b: {  	[tilespmem:s0+$0x2D0] =	vst v26;
	v26 =	vor.u32 v38, v14;
	v22 =	vld.idx.msk [tilespmem:v22+s13+$0x0], $0xffff  }
0x70c: {  	[tilespmem:s0+$0x350] =	vst v29;
	v21 =	vld.idx.msk [tilespmem:v21+s13+$0x0], $0xffff  }
0x70d: {  	v29 =	vor.u32 v35, v15;
	[tilespmem:s0+$0xFFFFFCE0] =	vst v20;
	v20 =	vld.idx.msk [tilespmem:v23+s13+$0x0], $0xffff  }
0x70e: {  	[tilespmem:s0+$0xFFFFFC50] =	vst v19;
	v27 =	vld.idx.msk [tilespmem:v27+s13+$0x0], $0xffff  }
0x70f: {  	v19 =	vld.idx.msk [tilespmem:v28+s13+$0x0], $0xffff;
	[tilespmem:s0+$0xFFFFFD60] =	vst v8  }
0x710: {  	v23 =	vor.u32 v60, v17;
	[tilespmem:s0+$0xFFFFFDE0] =	vst v24;
	v24 =	vld.idx.msk [tilespmem:v26+s13+$0x0], $0xffff  }
0x711: {  	v31 =	vld [tilespmem:$0x1FC40]  }
0x712: {  	v8 =	vor.u32 v30, v2;
	[tilespmem:s0+$0xFFFFFE60] =	vst v18;
	v18 =	vld.idx.msk [tilespmem:v29+s13+$0x0], $0xffff  }
0x713: {  	v30 =	vld [tilespmem:$0x1FCC0];
	[tilespmem:s0+$0xFFFFFEE0] =	vst v22  }
0x714: {  	v29 =	vld [tilespmem:$0x1FF10]  }
0x715: {  	[tilespmem:s0+$0xFFFFFF60] =	vst v21;
	v21 =	vld.idx.msk [tilespmem:v23+s13+$0x0], $0xffff  }
0x716: {  	v28 =	vor.u32 v33, v16;
	v26 =	vld [tilespmem:$0x1FD50]  }
0x717: {  	v10 =	vor.u32 v34, v10;
	[tilespmem:s0+$0xFFFFFFE0] =	vst v27;
	v8 =	vld.idx.msk [tilespmem:v8+s13+$0x0], $0xffff  }
0x718: {  	v11 =	vor.u32 v45, v11;
	v23 =	vld [tilespmem:$0x1FDC0];
	[tilespmem:s0+$0x60] =	vst v19  }
0x719: {  	v3 =	vor.u32 v31, v3;
	v19 =	vld [tilespmem:$0x1FE30]  }
0x71a: {  	[tilespmem:s0+$0xE0] =	vst v20;
	v4 =	vor.u32 v30, v4  }
0x71b: {  	v22 =	vld.idx.msk [tilespmem:v28+s13+$0x0], $0xffff;
	[tilespmem:s0+$0x160] =	vst v25;
	v7 =	vor.u32 v29, v7  }
0x71c: {  	v10 =	vld.idx.msk [tilespmem:v10+s13+$0x0], $0xffff;
	[tilespmem:s0+$0x1E0] =	vst v24;
	v5 =	vor.u32 v26, v5  }
0x71d: {  	[tilespmem:s0+$0xFFFFFC60] =	vst v8;
	v8 =	vld.idx.msk [tilespmem:v11+s13+$0x0], $0xffff;
	v6 =	vor.u32 v23, v6  }
0x71e: {  	[tilespmem:s0+$0x260] =	vst v18;
	v3 =	vld.idx.msk [tilespmem:v3+s13+$0x0], $0xffff;
	v9 =	vor.u32 v19, v9  }
0x71f: {  	v12 =	vor.u32 v31, v12;
	[tilespmem:s0+$0x360] =	vst v21;
	v4 =	vld.idx.msk [tilespmem:v4+s13+$0x0], $0xffff  }
0x720: {  	v13 =	vor.u32 v30, v13;
	[tilespmem:s0+$0x2E0] =	vst v22;
	v7 =	vld.idx.msk [tilespmem:v7+s13+$0x0], $0xffff  }
0x721: {  	v14 =	vor.u32 v29, v14;
	[tilespmem:s0+$0xFFFFFFF0] =	vst v10;
	v5 =	vld.idx.msk [tilespmem:v5+s13+$0x0], $0xffff  }
0x722: {  	v15 =	vor.u32 v26, v15;
	[tilespmem:s0+$0x70] =	vst v8;
	v6 =	vld.idx.msk [tilespmem:v6+s13+$0x0], $0xffff  }
0x723: {  	v2 =	vor.u32 v45, v2;
	v9 =	vld.idx.msk [tilespmem:v9+s13+$0x0], $0xffff;
	[tilespmem:s0+$0xFFFFFCF0] =	vst v3  }
0x724: {  	v11 =	vor.u32 v23, v16;
	v3 =	vld.idx.msk [tilespmem:v12+s13+$0x0], $0xffff;
	[tilespmem:s0+$0xFFFFFD70] =	vst v4  }
0x725: {  	v12 =	vor.u32 v19, v17;
	v4 =	vld.idx.msk [tilespmem:v13+s13+$0x0], $0xffff;
	[tilespmem:s0+$0xFFFFFDF0] =	vst v7  }
0x726: {  	v7 =	vld.idx.msk [tilespmem:v14+s13+$0x0], $0xffff;
	[tilespmem:s0+$0xFFFFFE70] =	vst v5  }
0x727: {  	s12 =	simm.s32 $0x0;
	v13 =	vld.idx.msk [tilespmem:v15+s13+$0x0], $0xffff;
	[tilespmem:s0+$0xFFFFFEF0] =	vst v6  }
0x728: {  	v2 =	vld.idx.msk [tilespmem:v2+s13+$0x0], $0xffff;
	v5 =	vmov s12;
	s12 =	simm.s32 $0x1;
	[tilespmem:s0+$0xFFFFFF70] =	vst v9  }
0x729: {  	s28 =	sadd.s32 s28, s6;
	s31 =	simm.s32 $0x3;
	v6 =	vld.idx.msk [tilespmem:v11+s13+$0x0], $0xffff;
	[tilespmem:s0+$0xF0] =	vst v3;
	v3 =	vmov s12;
	s12 =	simm.s32 $0x4  }
0x72a: {  	s1 =	sadd.s32 $0x2, s28;
	s30 =	simm.s32 $0x2;
	v9 =	vld.idx.msk [tilespmem:v12+s13+$0x0], $0xffff;
	[tilespmem:s0+$0x170] =	vst v4;
	v4 =	vmov s12;
	s12 =	simm.s32 $0x7  }
0x72b: {  	v10 =	vmov s31;
	s31 =	simm.s32 $0x6;
	v8 =	vmov s30;
	s30 =	simm.s32 $0x5;
	[tilespmem:s0+$0x1F0] =	vst v7;
	v7 =	vmov s12;
	s12 =	simm.s32 $0xA  }
0x72c: {  	v11 =	vmov s30;
	s30 =	simm.s32 $0x8;
	v12 =	vmov s31;
	s31 =	simm.s32 $0x9;
	[tilespmem:s0+$0x270] =	vst v13;
	v13 =	vmov s12;
	s12 =	sshll.u32 s1, $0x4  }
0x72d: {  	[tilespmem:s0+$0xFFFFFC70] =	vst v2;
	v14 =	vmov s30;
	s30 =	simm.s32 $0xB;
	s1 =	sshll.u32 s1, $0xA;
	s12 =	sand.u32 $0x60, s12  }
0x72e: {  	v16 =	vmov s30;
	s30 =	simm.s32 $0xD;
	[tilespmem:s0+$0x2F0] =	vst v6;
	s1 =	sand.u32 $0xFFFE000, s1;
	s12 =	sadd.s32 s4, s12  }
0x72f: {  	v15 =	vmov s31;
	s31 =	simm.s32 $0xC;
	v18 =	vmov s30;
	[tilespmem:s0+$0x370] =	vst v9;
	s30 =	sadd.s32 s1, s12  }
0x730: {  	v5 =	vshrl.u32 v5, $0x3;
	[hbm4b:s30+s9] =	stream.strided.scatter [tilespmem:s18], [sflag:$0x5], $0x2000, s17, s9, $0x38;
	[tilespmem:$0xF200] =	vst v63  }
0x731: {  	v8 =	vshrl.u32 v8, $0x3;
	v5 =	vshll.u32 v5, v1;
	s0 =	sadd.s32 @!p0 $0x300, s29;
	s1 =	simm.s32 @!p0 $0x80;
	s12 =	simm.s32 @!p0 $0x7200  }
0x732: {  	v8 =	vshll.u32 v8, v1;
	v60 =	vbroadcast v5, $0x0;
	[tilespmem:s12], [sflag:$0x3] =	stream.indirect.gather @!p0 [hbm4b:s3+s1], $0x40, s0, s1, $0xb8;
	[tilespmem:$0xF200] =	vst v63  }
0x733: {  	v3 =	vshrl.u32 v3, $0x3;
	v17 =	vmov s31;
	v2 =	vshrl.u32 v4, $0x3;
	_ =	swait.ge [sflag:s23], $0x2000  }
0x734: {  	s31 =	simm.s32 $0xE;
	v4 =	vshrl.u32 v11, $0x3;
	v11 =	vshrl.u32 v14, $0x3;
	v14 =	vshrl.u32 v15, $0x3;
	[sflag:s23] =	ssyncset.done $0x0  }
0x735: {  	v21 =	vshrl.u32 v16, $0x3;
	v3 =	vshll.u32 v3, v1;
	v19 =	vmov s31;
	[sflag:s23] =	ssyncadd.s32 $0xFFFFE000  }
0x736: {  	v7 =	vshrl.u32 v7, $0x3;
	v22 =	vshrl.u32 v17, $0x3;
	v23 =	vshrl.u32 v18, $0x3;
	_ =	swait.ge [sflag:s24], $0x2000  }
0x737: {  	v18 =	vbroadcast v3, $0x0;
	v2 =	vshll.u32 v2, v1;
	v17 =	vbroadcast v8, $0x0;
	v5 =	vld [tilespmem:$0x1FCD0]  }
0x738: {  	v3 =	vshll.u32 v4, v1;
	v6 =	vor.u32 v52, v60;
	v9 =	vshrl.u32 v10, $0x3  }
0x739: {  	v20 =	vshrl.u32 v13, $0x3;
	v15 =	vbroadcast v2, $0x0;
	v9 =	vshll.u32 v9, v1  }
0x73a: {  	v10 =	vshrl.u32 v12, $0x3;
	v4 =	vor.u32 v44, v18;
	v16 =	vbroadcast v9, $0x0;
	v37 =	vld [tilespmem:$0x1FFF0]  }
0x73b: {  	s31 =	simm.s32 $0xF;
	v2 =	vshll.u32 v7, v1;
	v8 =	vshll.u32 v10, v1;
	v10 =	vor.u32 v0, v17;
	v38 =	vld [tilespmem:$0x1FEB0]  }
0x73c: {  	v13 =	vbroadcast v8, $0x0;
	v8 =	vmov s31;
	[sflag:s24] =	ssyncset.done $0x0;
	v45 =	vld [tilespmem:$0x1FEC0];
	v7 =	vor.u32 v5, v16  }
0x73d: {  	v9 =	vbroadcast v2, $0x0;
	v2 =	vshrl.u32 v8, $0x3;
	[sflag:s24] =	ssyncadd.s32 $0xFFFFE000  }
0x73e: {  	v12 =	vbroadcast v3, $0x0;
	v2 =	vshll.u32 v2, v1;
	v24 =	vld.idx.msk [tilespmem:v6+s15+$0x0], $0xffff  }
0x73f: {  	v3 =	vshll.u32 v11, v1;
	v2 =	vbroadcast v2, $0x0;
	v8 =	vld.idx.msk [tilespmem:v4+s15+$0x0], $0xffff;
	v11 =	vor.u32 v37, v15  }
0x740: {  	v6 =	vbroadcast v3, $0x0;
	v26 =	vld.idx.msk [tilespmem:v10+s15+$0x0], $0xffff;
	v10 =	vshll.u32 v14, v1;
	v25 =	vor.u32 v38, v12  }
0x741: {  	v14 =	vbroadcast v10, $0x0;
	v4 =	vor.u32 v45, v13;
	v27 =	vld.idx.msk [tilespmem:v7+s15+$0x0], $0xffff;
	v7 =	vshll.u32 v20, v1  }
0x742: {  	v10 =	vbroadcast v7, $0x0;
	v7 =	vshll.u32 v21, v1;
	v21 =	vor.u32 v59, v2  }
0x743: {  	v29 =	vor.u32 v44, v14  }
0x744: {  	v28 =	vor.u32 v52, v6;
	v20 =	vld.idx.msk [tilespmem:v11+s15+$0x0], $0xffff  }
0x745: {  	v3 =	vor.u32 v59, v9;
	v25 =	vld.idx.msk [tilespmem:v25+s15+$0x0], $0xffff;
	v11 =	vbroadcast v7, $0x0  }
0x746: {  	v7 =	vshll.u32 v22, v1;
	v22 =	vld.idx.msk [tilespmem:v4+s15+$0x0], $0xffff;
	v30 =	vor.u32 v0, v10  }
0x747: {  	v4 =	vshll.u32 v23, v1;
	v7 =	vbroadcast v7, $0x0;
	v31 =	vor.u32 v5, v11;
	v21 =	vld.idx.msk [tilespmem:v21+s15+$0x0], $0xffff  }
0x748: {  	v19 =	vshrl.u32 v19, $0x3;
	s29 =	simm.s32 $0xD600;
	v29 =	vld.idx.msk [tilespmem:v29+s15+$0x0], $0xffff;
	v5 =	vbroadcast v4, $0x0  }
0x749: {  	[tilespmem:s29+$0xFFFFFC80] =	vst v8;
	v4 =	vshll.u32 v19, v1;
	v19 =	vld.idx.msk [tilespmem:v28+s15+$0x0], $0xffff;
	v28 =	vor.u32 v37, v7  }
0x74a: {  	[tilespmem:s29+$0xFFFFFD00] =	vst v26;
	v23 =	vld.idx.msk [tilespmem:v3+s15+$0x0], $0xffff;
	v4 =	vbroadcast v4, $0x0;
	v32 =	vor.u32 v38, v5  }
0x74b: {  	v34 =	vor.u32 v36, v2;
	[tilespmem:s29+$0xFFFFFD80] =	vst v27;
	v30 =	vld.idx.msk [tilespmem:v30+s15+$0x0], $0xffff  }
0x74c: {  	v33 =	vor.u32 v45, v4;
	v31 =	vld.idx.msk [tilespmem:v31+s15+$0x0], $0xffff;
	[tilespmem:s29+$0x380] =	vst v21  }
0x74d: {  	v35 =	vor.u32 v53, v18;
	v3 =	vld [tilespmem:$0x1FE40]  }
0x74e: {  	v44 =	vmov v36;
	v36 =	vor.u32 v62, v17;
	v28 =	vld.idx.msk [tilespmem:v28+s15+$0x0], $0xffff  }
0x74f: {  	v59 =	vor.u32 v43, v16;
	v32 =	vld.idx.msk [tilespmem:v32+s15+$0x0], $0xffff;
	[tilespmem:s29+$0xFFFFFE00] =	vst v20  }
0x750: {  	v45 =	vor.u32 v49, v15;
	v21 =	vld.idx.msk [tilespmem:v34+s15+$0x0], $0xffff;
	[tilespmem:s29+$0xFFFFFE80] =	vst v25  }
0x751: {  	v33 =	vld.idx.msk [tilespmem:v33+s15+$0x0], $0xffff;
	[tilespmem:s29+$0xFFFFFF00] =	vst v22  }
0x752: {  	v34 =	vld.idx.msk [tilespmem:v35+s15+$0x0], $0xffff;
	[tilespmem:s29+$0xFFFFFF80] =	vst v23;
	v27 =	vor.u32 v3, v2  }
0x753: {  	v8 =	vor.u32 v58, v12;
	v35 =	vld.idx.msk [tilespmem:v36+s15+$0x0], $0xffff;
	[tilespmem:s29+$0x0] =	vst v19  }
0x754: {  	v26 =	vor.u32 v48, v13;
	v36 =	vld.idx.msk [tilespmem:v59+s15+$0x0], $0xffff;
	[tilespmem:s29+$0x80] =	vst v29  }
0x755: {  	v20 =	vor.u32 v44, v9;
	v37 =	vld.idx.msk [tilespmem:v45+s15+$0x0], $0xffff;
	[tilespmem:s29+$0x390] =	vst v21  }
0x756: {  	v25 =	vor.u32 v40, v6;
	v45 =	vld [tilespmem:$0x1FE50]  }
0x757: {  	v22 =	vor.u32 v53, v14;
	v23 =	vld.idx.msk [tilespmem:v27+s15+$0x0], $0xffff  }
0x758: {  	v8 =	vld.idx.msk [tilespmem:v8+s15+$0x0], $0xffff  }
0x759: {  	v59 =	vor.u32 v62, v10;
	v26 =	vld.idx.msk [tilespmem:v26+s15+$0x0], $0xffff;
	[tilespmem:s29+$0x100] =	vst v30  }
0x75a: {  	v19 =	vor.u32 v49, v7;
	v20 =	vld.idx.msk [tilespmem:v20+s15+$0x0], $0xffff;
	[tilespmem:s29+$0x180] =	vst v31  }
0x75b: {  	v25 =	vld.idx.msk [tilespmem:v25+s15+$0x0], $0xffff;
	[tilespmem:s29+$0x200] =	vst v28  }
0x75c: {  	v22 =	vld.idx.msk [tilespmem:v22+s15+$0x0], $0xffff;
	v27 =	vor.u32 v45, v2;
	[tilespmem:s29+$0x3A0] =	vst v23  }
0x75d: {  	v49 =	vor.u32 v40, v60;
	v21 =	vor.u32 v43, v11;
	v40 =	vld [tilespmem:$0x1FC70];
	[tilespmem:s29+$0x280] =	vst v32  }
0x75e: {  	v29 =	vor.u32 v58, v5;
	v30 =	vld.idx.msk [tilespmem:v59+s15+$0x0], $0xffff;
	[tilespmem:s29+$0x300] =	vst v33  }
0x75f: {  	v31 =	vor.u32 v48, v4;
	v19 =	vld.idx.msk [tilespmem:v19+s15+$0x0], $0xffff;
	[tilespmem:s29+$0xFFFFFC00] =	vst v24  }
0x760: {  	v44 =	vld [tilespmem:$0x1FE60];
	[tilespmem:s29+$0xFFFFFC90] =	vst v34  }
0x761: {  	v43 =	vor.u32 v51, v12;
	v27 =	vld.idx.msk [tilespmem:v27+s15+$0x0], $0xffff;
	[tilespmem:s29+$0xFFFFFD10] =	vst v35  }
0x762: {  	v21 =	vld.idx.msk [tilespmem:v21+s15+$0x0], $0xffff;
	[tilespmem:s29+$0xFFFFFD90] =	vst v36  }
0x763: {  	v28 =	vor.u32 v46, v18;
	v29 =	vld.idx.msk [tilespmem:v29+s15+$0x0], $0xffff;
	[tilespmem:s29+$0xFFFFFE10] =	vst v37  }
0x764: {  	v53 =	vor.u32 v47, v16;
	v24 =	vld.idx.msk [tilespmem:v31+s15+$0x0], $0xffff;
	[tilespmem:s29+$0xFFFFFE90] =	vst v8  }
0x765: {  	v59 =	vor.u32 v42, v15;
	v58 =	vld.idx.msk [tilespmem:v49+s15+$0x0], $0xffff;
	[tilespmem:s29+$0xFFFFFF10] =	vst v26  }
0x766: {  	v35 =	vld.idx.msk [tilespmem:v43+s15+$0x0], $0xffff;
	[tilespmem:s29+$0x3B0] =	vst v27;
	v31 =	vor.u32 v44, v2  }
0x767: {  	v48 =	vor.u32 v41, v13;
	v43 =	vld [tilespmem:$0x1FE70]  }
0x768: {  	v49 =	vor.u32 v3, v9;
	v28 =	vld.idx.msk [tilespmem:v28+s15+$0x0], $0xffff  }
0x769: {  	v8 =	vor.u32 v46, v14;
	v32 =	vld.idx.msk [tilespmem:v53+s15+$0x0], $0xffff  }
0x76a: {  	v34 =	vld.idx.msk [tilespmem:v59+s15+$0x0], $0xffff;
	v23 =	vor.u32 v40, v17  }
0x76b: {  	v27 =	vor.u32 v39, v6;
	[tilespmem:s29+$0xFFFFFF90] =	vst v20;
	v31 =	vld.idx.msk [tilespmem:v31+s15+$0x0], $0xffff  }
0x76c: {  	v36 =	vld.idx.msk [tilespmem:v48+s15+$0x0], $0xffff;
	[tilespmem:s29+$0x10] =	vst v25;
	v26 =	vor.u32 v43, v2  }
0x76d: {  	[tilespmem:s29+$0x90] =	vst v22;
	v37 =	vld.idx.msk [tilespmem:v49+s15+$0x0], $0xffff  }
0x76e: {  	v20 =	vor.u32 v40, v10;
	[tilespmem:s29+$0x110] =	vst v30;
	v8 =	vld.idx.msk [tilespmem:v8+s15+$0x0], $0xffff  }
0x76f: {  	v25 =	vor.u32 v47, v11;
	[tilespmem:s29+$0x190] =	vst v21;
	v23 =	vld.idx.msk [tilespmem:v23+s15+$0x0], $0xffff  }
0x770: {  	v27 =	vld.idx.msk [tilespmem:v27+s15+$0x0], $0xffff;
	[tilespmem:s29+$0x3C0] =	vst v31  }
0x771: {  	[tilespmem:s29+$0x210] =	vst v19;
	v26 =	vld.idx.msk [tilespmem:v26+s15+$0x0], $0xffff  }
0x772: {  	v22 =	vor.u32 v42, v7;
	v40 =	vld [tilespmem:$0x1FE80];
	[tilespmem:s29+$0x290] =	vst v29  }
0x773: {  	v20 =	vld.idx.msk [tilespmem:v20+s15+$0x0], $0xffff;
	[tilespmem:s29+$0x310] =	vst v24  }
0x774: {  	v21 =	vld.idx.msk [tilespmem:v25+s15+$0x0], $0xffff;
	[tilespmem:s29+$0xFFFFFC10] =	vst v58  }
0x775: {  	v46 =	vld [tilespmem:$0x1FFA0]  }
0x776: {  	v51 =	vor.u32 v51, v5;
	v42 =	vld [tilespmem:$0x1FF00];
	[tilespmem:s29+$0xFFFFFCA0] =	vst v28  }
0x777: {  	v30 =	vor.u32 v41, v4;
	v22 =	vld.idx.msk [tilespmem:v22+s15+$0x0], $0xffff;
	[tilespmem:s29+$0x3D0] =	vst v26  }
0x778: {  	v25 =	vor.u32 v63, v18;
	v31 =	vor.u32 v39, v60;
	v39 =	vld [tilespmem:$0x1FD80];
	[tilespmem:s29+$0xFFFFFD20] =	vst v23  }
0x779: {  	v19 =	vor.u32 v40, v2;
	v47 =	vld [tilespmem:$0x1FDF0];
	[tilespmem:s29+$0xFFFFFDA0] =	vst v32  }
0x77a: {  	v29 =	vor.u32 v55, v17;
	v59 =	vld [tilespmem:$0x1FB80]  }
0x77b: {  	v38 =	vld.idx.msk [tilespmem:v51+s15+$0x0], $0xffff  }
0x77c: {  	v48 =	vor.u32 v45, v9;
	v30 =	vld.idx.msk [tilespmem:v30+s15+$0x0], $0xffff  }
0x77d: {  	v49 =	vor.u32 v61, v6;
	v25 =	vld.idx.msk [tilespmem:v25+s15+$0x0], $0xffff  }
0x77e: {  	v51 =	vor.u32 v63, v14;
	[tilespmem:s29+$0xFFFFFE20] =	vst v34;
	v19 =	vld.idx.msk [tilespmem:v19+s15+$0x0], $0xffff  }
0x77f: {  	v28 =	vld.idx.msk [tilespmem:v29+s15+$0x0], $0xffff;
	[tilespmem:s29+$0xFFFFFEA0] =	vst v35;
	v29 =	vor.u32 v59, v2  }
0x780: {  	v31 =	vld.idx.msk [tilespmem:v31+s15+$0x0], $0xffff;
	v24 =	vor.u32 v46, v16;
	[tilespmem:s29+$0xFFFFFFA0] =	vst v37  }
0x781: {  	v53 =	vor.u32 v42, v15;
	[tilespmem:s29+$0x20] =	vst v27;
	v32 =	vld.idx.msk [tilespmem:v48+s15+$0x0], $0xffff  }
0x782: {  	v27 =	vor.u32 v42, v7;
	[tilespmem:s29+$0xA0] =	vst v8;
	v34 =	vld.idx.msk [tilespmem:v49+s15+$0x0], $0xffff  }
0x783: {  	v35 =	vld.idx.msk [tilespmem:v51+s15+$0x0], $0xffff;
	v26 =	vor.u32 v39, v12;
	[tilespmem:s29+$0x3E0] =	vst v19  }
0x784: {  	v29 =	vld.idx.msk [tilespmem:v29+s15+$0x0], $0xffff  }
0x785: {  	[tilespmem:s29+$0xFFFFFF20] =	vst v36;
	v24 =	vld.idx.msk [tilespmem:v24+s15+$0x0], $0xffff  }
0x786: {  	[tilespmem:s29+$0x220] =	vst v22;
	v33 =	vld.idx.msk [tilespmem:v53+s15+$0x0], $0xffff  }
0x787: {  	s1 =	simm.s32 $0x10;
	[tilespmem:s29+$0x120] =	vst v20;
	v23 =	vor.u32 v47, v13;
	v27 =	vld.idx.msk [tilespmem:v27+s15+$0x0], $0xffff  }
0x788: {  	[tilespmem:s29+$0x1A0] =	vst v21;
	v2 =	vmov s1;
	v26 =	vld.idx.msk [tilespmem:v26+s15+$0x0], $0xffff  }
0x789: {  	v2 =	vshrl.u32 v2, $0x3;
	v63 =	vld [tilespmem:$0x1FF50];
	[tilespmem:s29+$0x3F0] =	vst v29  }
0x78a: {  	v2 =	vshll.u32 v2, v1;
	v3 =	vld [tilespmem:$0x1FC90];
	[tilespmem:s29+$0x2A0] =	vst v38  }
0x78b: {  	v53 =	vor.u32 v55, v10;
	v21 =	vor.u32 v47, v4;
	v2 =	vbroadcast v2, $0x0;
	v47 =	vld [tilespmem:$0x1FFB0];
	[tilespmem:s29+$0x320] =	vst v30  }
0x78c: {  	v19 =	vor.u32 v46, v11;
	v23 =	vld.idx.msk [tilespmem:v23+s15+$0x0], $0xffff;
	[tilespmem:s29+$0xFFFFFC20] =	vst v31  }
0x78d: {  	v58 =	vor.u32 v52, v2;
	v38 =	vld [tilespmem:$0x1FEF0];
	[tilespmem:s29+$0xFFFFFCB0] =	vst v25  }
0x78e: {  	v20 =	vor.u32 v39, v5;
	v49 =	vld [tilespmem:$0x1FD90];
	[tilespmem:s29+$0xFFFFFD30] =	vst v28  }
0x78f: {  	v51 =	vld [tilespmem:$0x1FE00];
	[tilespmem:s29+$0xFFFFFDB0] =	vst v24  }
0x790: {  	v61 =	vor.u32 v61, v60;
	v36 =	vld.idx.msk [tilespmem:v53+s15+$0x0], $0xffff;
	[tilespmem:s29+$0xFFFFFE30] =	vst v33  }
0x791: {  	v19 =	vld.idx.msk [tilespmem:v19+s15+$0x0], $0xffff;
	v22 =	vor.u32 v63, v18;
	[tilespmem:s29+$0xFFFFFEB0] =	vst v26  }
0x792: {  	v52 =	vor.u32 v57, v6;
	v8 =	vld.idx.msk [tilespmem:v58+s15+$0x0], $0xffff;
	[tilespmem:s29+$0xFFFFFF30] =	vst v23  }
0x793: {  	v20 =	vld.idx.msk [tilespmem:v20+s15+$0x0], $0xffff;
	[tilespmem:s29+$0xFFFFFFB0] =	vst v32  }
0x794: {  	v21 =	vld.idx.msk [tilespmem:v21+s15+$0x0], $0xffff;
	v24 =	vor.u32 v44, v9;
	[tilespmem:s29+$0x30] =	vst v34  }
0x795: {  	v31 =	vld.idx.msk [tilespmem:v61+s15+$0x0], $0xffff;
	v26 =	vor.u32 v63, v14;
	[tilespmem:s29+$0xB0] =	vst v35  }
0x796: {  	v22 =	vld.idx.msk [tilespmem:v22+s15+$0x0], $0xffff;
	[tilespmem:s29+$0x130] =	vst v36  }
0x797: {  	[tilespmem:s29+$0x1B0] =	vst v19;
	v29 =	vor.u32 v3, v17;
	v33 =	vld.idx.msk [tilespmem:v52+s15+$0x0], $0xffff  }
0x798: {  	v23 =	vor.u32 v3, v10;
	v25 =	vor.u32 v49, v12;
	v61 =	vor.u32 v49, v5;
	v49 =	vld [tilespmem:$0x1FF70]  }
0x799: {  	[tilespmem:s29+$0x230] =	vst v27;
	v24 =	vld.idx.msk [tilespmem:v24+s15+$0x0], $0xffff  }
0x79a: {  	v48 =	vor.u32 v47, v16;
	[tilespmem:s29+$0x2B0] =	vst v20;
	v26 =	vld.idx.msk [tilespmem:v26+s15+$0x0], $0xffff  }
0x79b: {  	v53 =	vor.u32 v47, v11;
	v28 =	vor.u32 v51, v13;
	v63 =	vor.u32 v51, v4;
	v51 =	vld [tilespmem:$0x1FFC0]  }
0x79c: {  	[tilespmem:s29+$0x330] =	vst v21;
	v29 =	vld.idx.msk [tilespmem:v29+s15+$0x0], $0xffff  }
0x79d: {  	v30 =	vor.u32 v38, v15;
	[tilespmem:s29+$0xFFFFFC30] =	vst v31;
	v23 =	vld.idx.msk [tilespmem:v23+s15+$0x0], $0xffff  }
0x79e: {  	v58 =	vor.u32 v38, v7;
	v52 =	vld [tilespmem:$0x1FFD0]  }
0x79f: {  	v37 =	vld.idx.msk [tilespmem:v48+s15+$0x0], $0xffff  }
0x7a0: {  	[tilespmem:s29+$0xFFFFFCC0] =	vst v22;
	v32 =	vld.idx.msk [tilespmem:v53+s15+$0x0], $0xffff  }
0x7a1: {  	v53 =	vld [tilespmem:$0x1FDA0]  }
0x7a2: {  	v30 =	vld.idx.msk [tilespmem:v30+s15+$0x0], $0xffff  }
0x7a3: {  	v34 =	vld.idx.msk [tilespmem:v58+s15+$0x0], $0xffff  }
0x7a4: {  	v48 =	vor.u32 v57, v60;
	v25 =	vld.idx.msk [tilespmem:v25+s15+$0x0], $0xffff  }
0x7a5: {  	v27 =	vor.u32 v54, v17;
	v35 =	vld.idx.msk [tilespmem:v61+s15+$0x0], $0xffff;
	[tilespmem:s29+$0xFFFFFD40] =	vst v29  }
0x7a6: {  	v58 =	vor.u32 v43, v9;
	v57 =	vld [tilespmem:$0x1FE10];
	[tilespmem:s29+$0xFFFFFDC0] =	vst v37  }
0x7a7: {  	v19 =	vor.u32 v49, v18;
	v28 =	vld.idx.msk [tilespmem:v28+s15+$0x0], $0xffff;
	[tilespmem:s29+$0xFFFFFFC0] =	vst v24  }
0x7a8: {  	v20 =	vor.u32 v51, v16;
	v31 =	vld.idx.msk [tilespmem:v63+s15+$0x0], $0xffff;
	[tilespmem:s29+$0x40] =	vst v33  }
0x7a9: {  	v21 =	vor.u32 v52, v15;
	v36 =	vld.idx.msk [tilespmem:v48+s15+$0x0], $0xffff;
	[tilespmem:s29+$0xC0] =	vst v26  }
0x7aa: {  	v27 =	vld.idx.msk [tilespmem:v27+s15+$0x0], $0xffff;
	[tilespmem:s29+$0x140] =	vst v23  }
0x7ab: {  	v22 =	vor.u32 v53, v12;
	[tilespmem:s29+$0x1C0] =	vst v32;
	v37 =	vld.idx.msk [tilespmem:v58+s15+$0x0], $0xffff  }
0x7ac: {  	v24 =	vor.u32 v51, v11;
	[tilespmem:s29+$0xFFFFFE40] =	vst v30;
	v19 =	vld.idx.msk [tilespmem:v19+s15+$0x0], $0xffff  }
0x7ad: {  	v61 =	vor.u32 v52, v7;
	[tilespmem:s29+$0xFFFFFEC0] =	vst v25;
	v20 =	vld.idx.msk [tilespmem:v20+s15+$0x0], $0xffff  }
0x7ae: {  	[tilespmem:s29+$0xFFFFFF40] =	vst v28;
	v21 =	vld.idx.msk [tilespmem:v21+s15+$0x0], $0xffff  }
0x7af: {  	v26 =	vor.u32 v53, v5;
	v48 =	vld [tilespmem:$0x1FC30]  }
0x7b0: {  	v30 =	vor.u32 v50, v6;
	v22 =	vld.idx.msk [tilespmem:v22+s15+$0x0], $0xffff  }
0x7b1: {  	[tilespmem:s29+$0x240] =	vst v34;
	v24 =	vld.idx.msk [tilespmem:v24+s15+$0x0], $0xffff  }
0x7b2: {  	v63 =	vor.u32 v50, v60;
	[tilespmem:s29+$0x2C0] =	vst v35;
	v33 =	vld.idx.msk [tilespmem:v61+s15+$0x0], $0xffff  }
0x7b3: {  	v25 =	vor.u32 v49, v14;
	v51 =	vld [tilespmem:$0x1FFE0]  }
0x7b4: {  	v28 =	vor.u32 v54, v10;
	v26 =	vld.idx.msk [tilespmem:v26+s15+$0x0], $0xffff;
	[tilespmem:s29+$0x340] =	vst v31  }
0x7b5: {  	[tilespmem:s29+$0xFFFFFC40] =	vst v36;
	v30 =	vld.idx.msk [tilespmem:v30+s15+$0x0], $0xffff  }
0x7b6: {  	v53 =	vld [tilespmem:$0x1FD40]  }
0x7b7: {  	v50 =	vor.u32 v56, v17;
	v36 =	vld.idx.msk [tilespmem:v63+s15+$0x0], $0xffff  }
0x7b8: {  	v29 =	vor.u32 v57, v13;
	v25 =	vld.idx.msk [tilespmem:v25+s15+$0x0], $0xffff  }
0x7b9: {  	[tilespmem:s29+$0xFFFFFCD0] =	vst v19;
	v28 =	vld.idx.msk [tilespmem:v28+s15+$0x0], $0xffff  }
0x7ba: {  	v23 =	vor.u32 v57, v4;
	v54 =	vld [tilespmem:$0x1FDB0];
	[tilespmem:s29+$0xFFFFFD50] =	vst v27  }
0x7bb: {  	v49 =	vor.u32 v48, v18;
	v57 =	vld [tilespmem:$0x1FE20]  }
0x7bc: {  	v34 =	vld.idx.msk [tilespmem:v50+s15+$0x0], $0xffff;
	[tilespmem:s29+$0xFFFFFDD0] =	vst v20;
	v20 =	vor.u32 v40, v9  }
0x7bd: {  	[tilespmem:s29+$0xFFFFFE50] =	vst v21;
	v29 =	vld.idx.msk [tilespmem:v29+s15+$0x0], $0xffff;
	v52 =	vor.u32 v51, v16  }
0x7be: {  	v58 =	vld [tilespmem:$0x1FF60];
	[tilespmem:s29+$0xFFFFFED0] =	vst v22;
	v22 =	vor.u32 v48, v14  }
0x7bf: {  	v23 =	vld.idx.msk [tilespmem:v23+s15+$0x0], $0xffff;
	v31 =	vor.u32 v53, v15  }
0x7c0: {  	[tilespmem:s29+$0xFFFFFFD0] =	vst v37;
	v32 =	vld.idx.msk [tilespmem:v49+s15+$0x0], $0xffff;
	v27 =	vor.u32 v57, v13  }
0x7c1: {  	[tilespmem:s29+$0x1D0] =	vst v24;
	v20 =	vld.idx.msk [tilespmem:v20+s15+$0x0], $0xffff  }
0x7c2: {  	[tilespmem:s29+$0xD0] =	vst v25;
	v19 =	vor.u32 v54, v12;
	v35 =	vld.idx.msk [tilespmem:v52+s15+$0x0], $0xffff  }
0x7c3: {  	[tilespmem:s29+$0x50] =	vst v30;
	v21 =	vor.u32 v58, v6;
	v41 =	vld.idx.msk [tilespmem:v22+s15+$0x0], $0xffff  }
0x7c4: {  	[tilespmem:s29+$0xFFFFFF50] =	vst v29;
	v29 =	vor.u32 v56, v10;
	v31 =	vld.idx.msk [tilespmem:v31+s15+$0x0], $0xffff  }
0x7c5: {  	[tilespmem:s29+$0x150] =	vst v28;
	v38 =	vld.idx.msk [tilespmem:v27+s15+$0x0], $0xffff;
	v27 =	vor.u32 v51, v11  }
0x7c6: {  	v63 =	vld [tilespmem:$0x1FC40]  }
0x7c7: {  	v19 =	vld.idx.msk [tilespmem:v19+s15+$0x0], $0xffff  }
0x7c8: {  	v25 =	vor.u32 v54, v5;
	v21 =	vld.idx.msk [tilespmem:v21+s15+$0x0], $0xffff  }
0x7c9: {  	v44 =	vld.idx.msk [tilespmem:v29+s15+$0x0], $0xffff  }
0x7ca: {  	v22 =	vor.u32 v57, v4;
	[tilespmem:s29+$0x250] =	vst v33;
	v45 =	vld.idx.msk [tilespmem:v27+s15+$0x0], $0xffff  }
0x7cb: {  	v43 =	vor.u32 v58, v60;
	v27 =	vld [tilespmem:$0x1FCC0];
	[tilespmem:s29+$0x2D0] =	vst v26  }
0x7cc: {  	v58 =	vld [tilespmem:$0x1FF10];
	[tilespmem:s29+$0x350] =	vst v23  }
0x7cd: {  	v49 =	vld.idx.msk [tilespmem:v25+s15+$0x0], $0xffff;
	[tilespmem:s29+$0xFFFFFC50] =	vst v36  }
0x7ce: {  	v57 =	vld [tilespmem:$0x1FD50]  }
0x7cf: {  	v18 =	vor.u32 v63, v18;
	v51 =	vld.idx.msk [tilespmem:v22+s15+$0x0], $0xffff  }
0x7d0: {  	[tilespmem:s29+$0xFFFFFCE0] =	vst v32;
	v25 =	vld.idx.msk [tilespmem:v43+s15+$0x0], $0xffff  }
0x7d1: {  	v22 =	vmov v63;
	v63 =	vld [tilespmem:$0x1FC70];
	v16 =	vor.u32 v58, v16  }
0x7d2: {  	s12 =	simm.s32 $0x11;
	v56 =	vld [tilespmem:$0x1FCD0]  }
0x7d3: {  	s30 =	simm.s32 $0x12;
	v61 =	vmov s12;
	s12 =	simm.s32 $0x15;
	v54 =	vld [tilespmem:$0x1FDC0]  }
0x7d4: {  	v39 =	vmov s30;
	s1 =	simm.s32 $0x14;
	v42 =	vmov s12;
	s12 =	simm.s32 $0x19;
	v30 =	vor.u32 v53, v7;
	[tilespmem:s29+$0xFFFFFD60] =	vst v34;
	v26 =	vld.idx.msk [tilespmem:v18+s15+$0x0], $0xffff  }
0x7d5: {  	s31 =	simm.s32 $0x13;
	v46 =	vmov s12;
	v28 =	vmov s1;
	v43 =	vld [tilespmem:$0x1FE30];
	[tilespmem:s29+$0xFFFFFDE0] =	vst v35;
	v17 =	vor.u32 v27, v17  }
0x7d6: {  	s30 =	simm.s32 $0x16;
	s12 =	simm.s32 $0x1C;
	v40 =	vmov s31;
	v18 =	vshrl.u32 v28, $0x3;
	[tilespmem:s29+$0xFFFFFE60] =	vst v31;
	v15 =	vor.u32 v57, v15;
	v28 =	vld.idx.msk [tilespmem:v16+s15+$0x0], $0xffff  }
0x7d7: {  	s31 =	simm.s32 $0x17;
	v50 =	vmov s12;
	v9 =	vor.u32 v59, v9;
	v24 =	vmov s30;
	s1 =	simm.s32 $0x18;
	v16 =	vld [tilespmem:$0x1FEE0];
	[tilespmem:s29+$0xFFFFFEE0] =	vst v19  }
0x7d8: {  	s30 =	simm.s32 $0x1A;
	v37 =	vshrl.u32 v61, $0x3;
	v33 =	vmov s1;
	v29 =	vmov s31;
	s31 =	simm.s32 $0x1B;
	[tilespmem:s29+$0xFFFFFF60] =	vst v38  }
0x7d9: {  	v61 =	vshrl.u32 v40, $0x3;
	v47 =	vld.idx.msk [tilespmem:v30+s15+$0x0], $0xffff;
	v30 =	vmov s30;
	v48 =	vmov s31;
	s31 =	simm.s32 $0x1E;
	[tilespmem:s29+$0xFFFFFFE0] =	vst v20  }
0x7da: {  	v40 =	vshrl.u32 v33, $0x3;
	v52 =	vmov s31;
	v53 =	vmovc v27;
	v13 =	vor.u32 v43, v13;
	v27 =	vld.idx.msk [tilespmem:v17+s15+$0x0], $0xffff;
	[tilespmem:s29+$0x60] =	vst v21  }
0x7db: {  	s30 =	simm.s32 $0x1D;
	v32 =	vshrl.u32 v39, $0x3;
	v39 =	vshrl.u32 v29, $0x3;
	v14 =	vor.u32 v22, v14;
	[tilespmem:s29+$0xE0] =	vst v41;
	v29 =	vld.idx.msk [tilespmem:v15+s15+$0x0], $0xffff  }
0x7dc: {  	v36 =	vmov s30;
	v12 =	vor.u32 v54, v12;
	[tilespmem:s29+$0x160] =	vst v44;
	v15 =	vshll.u32 v32, v1;
	v32 =	vld.idx.msk [tilespmem:v9+s15+$0x0], $0xffff  }
0x7dd: {  	v23 =	vshrl.u32 v30, $0x3;
	v22 =	vshrl.u32 v48, $0x3;
	v59 =	vor.u32 v57, v7;
	v44 =	vld [tilespmem:$0x1FCF0];
	[tilespmem:s29+$0x1E0] =	vst v45  }
0x7de: {  	v35 =	vshrl.u32 v42, $0x3;
	v7 =	vshll.u32 v61, v1;
	v61 =	vor.u32 v54, v5;
	v9 =	vld [tilespmem:$0x1FEE0]  }
0x7df: {  	v10 =	vor.u32 v53, v10;
	v7 =	vbroadcast v7, $0x0;
	v31 =	vld.idx.msk [tilespmem:v13+s15+$0x0], $0xffff;
	v13 =	vor.u32 v58, v11  }
0x7e0: {  	v17 =	vshrl.u32 v24, $0x3;
	v24 =	vshrl.u32 v46, $0x3;
	v34 =	vld.idx.msk [tilespmem:v14+s15+$0x0], $0xffff;
	v6 =	vor.u32 v16, v6  }
0x7e1: {  	v30 =	vld.idx.msk [tilespmem:v12+s15+$0x0], $0xffff;
	v12 =	vshll.u32 v37, v1;
	[tilespmem:s29+$0x260] =	vst v47;
	v11 =	vor.u32 v43, v4;
	v4 =	vbroadcast v15, $0x0  }
0x7e2: {  	v20 =	vshrl.u32 v50, $0x3;
	v21 =	vshrl.u32 v36, $0x3;
	[tilespmem:s29+$0x2E0] =	vst v49;
	v3 =	vbroadcast v12, $0x0;
	v37 =	vld.idx.msk [tilespmem:v59+s15+$0x0], $0xffff  }
0x7e3: {  	v19 =	vshrl.u32 v52, $0x3;
	v38 =	vld.idx.msk [tilespmem:v61+s15+$0x0], $0xffff;
	v15 =	vor.u32 v0, v4;
	v16 =	vshll.u32 v39, v1  }
0x7e4: {  	v12 =	vor.u32 v44, v3;
	v14 =	vor.u32 v9, v60;
	v9 =	vshll.u32 v17, v1;
	v36 =	vld.idx.msk [tilespmem:v13+s15+$0x0], $0xffff  }
0x7e5: {  	v17 =	vshll.u32 v40, v1;
	v33 =	vld.idx.msk [tilespmem:v6+s15+$0x0], $0xffff;
	v6 =	vshll.u32 v18, v1;
	v18 =	vshll.u32 v35, v1  }
0x7e6: {  	s0 =	simm.s32 $0x20;
	s1 =	simm.s32 $0x1F;
	[tilespmem:s29+$0x360] =	vst v51;
	v13 =	vor.u32 v56, v7;
	v35 =	vld.idx.msk [tilespmem:v10+s15+$0x0], $0xffff;
	v5 =	vbroadcast v6, $0x0;
	v6 =	vbroadcast v18, $0x0  }
.LBB2_9:
0x7e7: {  	_ =	sdelay $0x1  }
0x7e8: {  	v45 =	vld [tilespmem:$0x1FFF0]  }
0x7e9: {  	[tilespmem:s29+$0xFFFFFC60] =	vst v25;
	v25 =	vld.idx.msk [tilespmem:v11+s15+$0x0], $0xffff  }
0x7ea: {  	v42 =	vld [tilespmem:$0x1FEB0]  }
0x7eb: {  	v43 =	vld [tilespmem:$0x1FEC0]  }
0x7ec: {  	v41 =	vld [tilespmem:$0x1FE90]  }
0x7ed: {  	v48 =	vld [tilespmem:$0x1FD00]  }
0x7ee: {  	v54 =	vld [tilespmem:$0x1FEA0]  }
0x7ef: {  	v58 =	vld [tilespmem:$0x1FF20]  }
0x7f0: {  	v39 =	vmov s1;
	[tilespmem:s29+$0xFFFFFCF0] =	vst v26;
	v61 =	vld [tilespmem:$0x1FF80]  }
0x7f1: {  	v10 =	vbroadcast v9, $0x0;
	v9 =	vmovc v2;
	[tilespmem:s29+$0xFFFFFDF0] =	vst v28;
	v2 =	vshrl.u32 v39, $0x3;
	v39 =	vld.idx.msk [tilespmem:v14+s15+$0x0], $0xffff;
	v14 =	vshll.u32 v24, v1  }
0x7f2: {  	[tilespmem:s29+$0xFFFFFD70] =	vst v27;
	v24 =	vld.idx.msk [tilespmem:v13+s15+$0x0], $0xffff;
	v13 =	vshll.u32 v23, v1;
	v14 =	vbroadcast v14, $0x0  }
0x7f3: {  	[tilespmem:s29+$0xFFFFFE70] =	vst v29;
	v27 =	vld.idx.msk [tilespmem:v15+s15+$0x0], $0xffff;
	v15 =	vshll.u32 v22, v1;
	v13 =	vbroadcast v13, $0x0  }
0x7f4: {  	[tilespmem:s29+$0xFFFFFEF0] =	vst v30;
	v46 =	vld [tilespmem:$0x1FCE0];
	v15 =	vbroadcast v15, $0x0;
	v30 =	vor.u32 v44, v14  }
0x7f5: {  	v50 =	vld [tilespmem:$0x1FD60];
	v2 =	vshll.u32 v2, v1;
	[tilespmem:s29+$0xFFFFFF70] =	vst v31;
	v31 =	vor.u32 v0, v13  }
0x7f6: {  	v11 =	vbroadcast v16, $0x0;
	v47 =	vld [tilespmem:$0x1FF90];
	[tilespmem:s29+$0xFFFFFFF0] =	vst v32;
	v2 =	vbroadcast v2, $0x0;
	v51 =	vor.u32 v56, v15  }
0x7f7: {  	v26 =	vld.idx.msk [tilespmem:v12+s15+$0x0], $0xffff;
	v12 =	vbroadcast v17, $0x0;
	[tilespmem:s29+$0x70] =	vst v33;
	v18 =	vor.u32 v45, v5  }
0x7f8: {  	[tilespmem:s29+$0xF0] =	vst v34;
	v40 =	vor.u32 v42, v6;
	v17 =	vor.u32 v41, v11;
	v22 =	vor.u32 v41, v2;
	v41 =	vld [tilespmem:$0x1FE40]  }
0x7f9: {  	[tilespmem:s29+$0x170] =	vst v35;
	v16 =	vor.u32 v43, v10;
	v30 =	vld.idx.msk [tilespmem:v30+s15+$0x0], $0xffff  }
0x7fa: {  	[tilespmem:s29+$0x1F0] =	vst v36;
	v31 =	vld.idx.msk [tilespmem:v31+s15+$0x0], $0xffff  }
0x7fb: {  	[tilespmem:s29+$0x270] =	vst v37;
	v59 =	vor.u32 v58, v3;
	v32 =	vld.idx.msk [tilespmem:v51+s15+$0x0], $0xffff  }
0x7fc: {  	[tilespmem:s29+$0x370] =	vst v25;
	v25 =	vor.u32 v61, v7;
	v23 =	vld.idx.msk [tilespmem:v18+s15+$0x0], $0xffff  }
0x7fd: {  	[tilespmem:s29+$0x2F0] =	vst v38;
	v29 =	vld.idx.msk [tilespmem:v40+s15+$0x0], $0xffff  }
0x7fe: {  	[tilespmem:s29+$0xFFFFFC70] =	vst v39;
	s29 =	sadd.s32 $0x800, s29;
	v18 =	vshll.u32 v20, v1;
	v20 =	vld.idx.msk [tilespmem:v16+s15+$0x0], $0xffff  }
0x7ff: {  	v28 =	vor.u32 v48, v12;
	[tilespmem:s29+$0xFFFFFC80] =	vst v26;
	v22 =	vld.idx.msk [tilespmem:v22+s15+$0x0], $0xffff  }
0x800: {  	[tilespmem:s29+$0xFFFFFD80] =	vst v24;
	v51 =	vld.idx.msk [tilespmem:v59+s15+$0x0], $0xffff  }
0x801: {  	v25 =	vld.idx.msk [tilespmem:v25+s15+$0x0], $0xffff  }
0x802: {  	v40 =	vld [tilespmem:$0x1FE50];
	v16 =	vbroadcast v18, $0x0;
	v18 =	vshll.u32 v21, v1  }
0x803: {  	v21 =	vld.idx.msk [tilespmem:v17+s15+$0x0], $0xffff;
	v17 =	vbroadcast v18, $0x0  }
0x804: {  	v57 =	vor.u32 v54, v2;
	v18 =	vshll.u32 v19, v1;
	v19 =	vld.idx.msk [tilespmem:v28+s15+$0x0], $0xffff  }
0x805: {  	v49 =	vor.u32 v46, v5;
	v52 =	vor.u32 v42, v17;
	v42 =	vld [tilespmem:$0x1FE60]  }
0x806: {  	v28 =	vor.u32 v45, v16;
	v18 =	vbroadcast v18, $0x0;
	[tilespmem:s29+$0xFFFFFE00] =	vst v23;
	v23 =	vor.u32 v54, v11;
	v54 =	vld [tilespmem:$0x1FD10]  }
0x807: {  	[tilespmem:s29+$0xFFFFFC90] =	vst v51;
	v51 =	vld [tilespmem:$0x1FED0]  }
0x808: {  	v53 =	vor.u32 v43, v18;
	[tilespmem:s29+$0x380] =	vst v22;
	v43 =	vld [tilespmem:$0x1FE80]  }
0x809: {  	v26 =	vld.idx.msk [tilespmem:v57+s15+$0x0], $0xffff  }
0x80a: {  	v60 =	vor.u32 v62, v4;
	v37 =	vld.idx.msk [tilespmem:v49+s15+$0x0], $0xffff  }
0x80b: {  	v22 =	vor.u32 v50, v6;
	v28 =	vld.idx.msk [tilespmem:v28+s15+$0x0], $0xffff  }
0x80c: {  	v33 =	vld.idx.msk [tilespmem:v52+s15+$0x0], $0xffff  }
0x80d: {  	[tilespmem:s29+$0xFFFFFF00] =	vst v20;
	v20 =	vor.u32 v58, v14;
	v52 =	vld [tilespmem:$0x1FDD0]  }
0x80e: {  	[tilespmem:s29+$0xFFFFFD00] =	vst v27;
	v34 =	vld.idx.msk [tilespmem:v53+s15+$0x0], $0xffff  }
0x80f: {  	[tilespmem:s29+$0xFFFFFE80] =	vst v29;
	v57 =	vor.u32 v62, v13;
	v53 =	vld.idx.msk [tilespmem:v60+s15+$0x0], $0xffff  }
0x810: {  	[tilespmem:s29+$0xFFFFFF80] =	vst v21;
	v21 =	vor.u32 v61, v15;
	v22 =	vld.idx.msk [tilespmem:v22+s15+$0x0], $0xffff  }
0x811: {  	[tilespmem:s29+$0x80] =	vst v30;
	v23 =	vld.idx.msk [tilespmem:v23+s15+$0x0], $0xffff  }
0x812: {  	v24 =	vor.u32 v41, v2;
	[tilespmem:s29+$0x100] =	vst v31;
	v20 =	vld.idx.msk [tilespmem:v20+s15+$0x0], $0xffff  }
0x813: {  	[tilespmem:s29+$0x0] =	vst v19;
	v19 =	vor.u32 v46, v16;
	v60 =	vld [tilespmem:$0x1FF30]  }
0x814: {  	[tilespmem:s29+$0x180] =	vst v32;
	v61 =	vor.u32 v47, v7;
	v31 =	vld.idx.msk [tilespmem:v57+s15+$0x0], $0xffff  }
0x815: {  	v29 =	vor.u32 v54, v12;
	v21 =	vld.idx.msk [tilespmem:v21+s15+$0x0], $0xffff  }
0x816: {  	v30 =	vor.u32 v50, v17;
	[tilespmem:s29+$0x390] =	vst v26;
	v57 =	vld [tilespmem:$0x1FDE0]  }
0x817: {  	v59 =	vor.u32 v54, v9;
	v24 =	vld.idx.msk [tilespmem:v24+s15+$0x0], $0xffff;
	[tilespmem:s29+$0x200] =	vst v28  }
0x818: {  	[tilespmem:s29+$0xFFFFFD90] =	vst v25;
	v19 =	vld.idx.msk [tilespmem:v19+s15+$0x0], $0xffff  }
0x819: {  	[tilespmem:s29+$0x280] =	vst v33;
	v33 =	vld.idx.msk [tilespmem:v61+s15+$0x0], $0xffff  }
0x81a: {  	v26 =	vld.idx.msk [tilespmem:v29+s15+$0x0], $0xffff  }
0x81b: {  	[tilespmem:s29+$0xFFFFFC00] =	vst v8;
	v30 =	vld.idx.msk [tilespmem:v30+s15+$0x0], $0xffff  }
0x81c: {  	v27 =	vor.u32 v52, v10;
	v50 =	vld.idx.msk [tilespmem:v59+s15+$0x0], $0xffff  }
0x81d: {  	v58 =	vor.u32 v52, v18;
	[tilespmem:s29+$0xFFFFFD10] =	vst v53;
	v53 =	vld [tilespmem:$0x1FD70]  }
0x81e: {  	[tilespmem:s29+$0xFFFFFE10] =	vst v37;
	v52 =	vor.u32 v51, v5;
	v59 =	vld [tilespmem:$0x1FD20]  }
0x81f: {  	[tilespmem:s29+$0x90] =	vst v20;
	v20 =	vor.u32 v51, v16;
	v51 =	vld [tilespmem:$0x1FF00]  }
0x820: {  	v29 =	vor.u32 v40, v2;
	v25 =	vor.u32 v57, v10;
	[tilespmem:s29+$0x110] =	vst v31;
	v31 =	vor.u32 v57, v18;
	v57 =	vld [tilespmem:$0x1FD30]  }
0x821: {  	v28 =	vor.u32 v60, v3;
	[tilespmem:s29+$0x300] =	vst v34;
	v27 =	vld.idx.msk [tilespmem:v27+s15+$0x0], $0xffff  }
0x822: {  	[tilespmem:s29+$0xFFFFFE90] =	vst v22;
	v22 =	vor.u32 v60, v14;
	v8 =	vld.idx.msk [tilespmem:v58+s15+$0x0], $0xffff  }
0x823: {  	[tilespmem:s29+$0xFFFFFF90] =	vst v23;
	v23 =	vor.u32 v63, v13;
	v35 =	vld.idx.msk [tilespmem:v52+s15+$0x0], $0xffff  }
0x824: {  	[tilespmem:s29+$0x3A0] =	vst v24;
	v58 =	vor.u32 v41, v11;
	v41 =	vld [tilespmem:$0x1FE70]  }
0x825: {  	v29 =	vld.idx.msk [tilespmem:v29+s15+$0x0], $0xffff  }
0x826: {  	v28 =	vld.idx.msk [tilespmem:v28+s15+$0x0], $0xffff  }
0x827: {  	v24 =	vor.u32 v63, v4;
	v22 =	vld.idx.msk [tilespmem:v22+s15+$0x0], $0xffff  }
0x828: {  	[tilespmem:s29+$0x210] =	vst v19;
	v23 =	vld.idx.msk [tilespmem:v23+s15+$0x0], $0xffff  }
0x829: {  	v54 =	vor.u32 v53, v6;
	v20 =	vld.idx.msk [tilespmem:v20+s15+$0x0], $0xffff  }
0x82a: {  	[tilespmem:s29+$0xFFFFFC10] =	vst v50;
	v50 =	vld [tilespmem:$0x1FFA0]  }
0x82b: {  	[tilespmem:s29+$0x10] =	vst v26;
	v26 =	vor.u32 v47, v15;
	v60 =	vor.u32 v53, v17;
	v53 =	vld [tilespmem:$0x1FD80]  }
0x82c: {  	v24 =	vld.idx.msk [tilespmem:v24+s15+$0x0], $0xffff  }
0x82d: {  	v37 =	vld.idx.msk [tilespmem:v58+s15+$0x0], $0xffff  }
0x82e: {  	[tilespmem:s29+$0xFFFFFF10] =	vst v27;
	v36 =	vld.idx.msk [tilespmem:v54+s15+$0x0], $0xffff  }
0x82f: {  	[tilespmem:s29+$0x190] =	vst v21;
	v52 =	vor.u32 v51, v5;
	v25 =	vld.idx.msk [tilespmem:v25+s15+$0x0], $0xffff  }
0x830: {  	[tilespmem:s29+$0x290] =	vst v30;
	v21 =	vld.idx.msk [tilespmem:v26+s15+$0x0], $0xffff  }
0x831: {  	[tilespmem:s29+$0x310] =	vst v8;
	v38 =	vld.idx.msk [tilespmem:v60+s15+$0x0], $0xffff  }
0x832: {  	v49 =	vor.u32 v42, v2;
	v31 =	vld.idx.msk [tilespmem:v31+s15+$0x0], $0xffff  }
0x833: {  	[tilespmem:s29+$0xFFFFFE20] =	vst v35;
	v54 =	vld [tilespmem:$0x1FDF0]  }
0x834: {  	v30 =	vor.u32 v55, v4;
	v34 =	vld.idx.msk [tilespmem:v52+s15+$0x0], $0xffff  }
0x835: {  	[tilespmem:s29+$0x3B0] =	vst v29;
	v29 =	vor.u32 v59, v12;
	v52 =	vld [tilespmem:$0x1FD90]  }
0x836: {  	v58 =	vor.u32 v57, v12;
	v8 =	vor.u32 v50, v7;
	v60 =	vor.u32 v57, v9;
	v57 =	vld [tilespmem:$0x1FC10]  }
0x837: {  	[tilespmem:s29+$0xFFFFFDA0] =	vst v33;
	v61 =	vor.u32 v59, v9;
	v32 =	vld.idx.msk [tilespmem:v49+s15+$0x0], $0xffff  }
0x838: {  	v49 =	vld [tilespmem:$0x1FF40];
	[tilespmem:s29+$0xFFFFFD20] =	vst v24  }
0x839: {  	[tilespmem:s29+$0xFFFFFCA0] =	vst v28;
	v28 =	vld.idx.msk [tilespmem:v30+s15+$0x0], $0xffff  }
0x83a: {  	[tilespmem:s29+$0x120] =	vst v23;
	v23 =	vor.u32 v53, v17;
	v29 =	vld.idx.msk [tilespmem:v29+s15+$0x0], $0xffff  }
0x83b: {  	v27 =	vor.u32 v41, v2;
	v33 =	vld.idx.msk [tilespmem:v8+s15+$0x0], $0xffff  }
0x83c: {  	v24 =	vor.u32 v54, v10;
	[tilespmem:s29+$0x3C0] =	vst v32;
	v32 =	vld.idx.msk [tilespmem:v61+s15+$0x0], $0xffff  }
0x83d: {  	v8 =	vor.u32 v40, v11;
	[tilespmem:s29+$0xFFFFFF20] =	vst v25;
	v61 =	vld [tilespmem:$0x1FB80]  }
0x83e: {  	[tilespmem:s29+$0x2A0] =	vst v38;
	v26 =	vor.u32 v49, v3;
	v25 =	vor.u32 v49, v14;
	v49 =	vld [tilespmem:$0x1FC90]  }
0x83f: {  	[tilespmem:s29+$0x1A0] =	vst v21;
	v21 =	vor.u32 v54, v18;
	v23 =	vld.idx.msk [tilespmem:v23+s15+$0x0], $0xffff  }
0x840: {  	v27 =	vld.idx.msk [tilespmem:v27+s15+$0x0], $0xffff  }
0x841: {  	[tilespmem:s29+$0xFFFFFFA0] =	vst v37;
	v24 =	vld.idx.msk [tilespmem:v24+s15+$0x0], $0xffff  }
0x842: {  	v37 =	vld.idx.msk [tilespmem:v8+s15+$0x0], $0xffff  }
0x843: {  	v59 =	vor.u32 v55, v13;
	[tilespmem:s29+$0x320] =	vst v31;
	v8 =	vor.u32 v51, v16;
	v51 =	vld [tilespmem:$0x1FEF0]  }
0x844: {  	v21 =	vld.idx.msk [tilespmem:v21+s15+$0x0], $0xffff  }
0x845: {  	v19 =	vor.u32 v43, v2;
	[tilespmem:s29+$0x20] =	vst v29;
	v26 =	vld.idx.msk [tilespmem:v26+s15+$0x0], $0xffff  }
0x846: {  	[tilespmem:s29+$0xA0] =	vst v22;
	v35 =	vld.idx.msk [tilespmem:v58+s15+$0x0], $0xffff  }
0x847: {  	[tilespmem:s29+$0x220] =	vst v20;
	v30 =	vor.u32 v61, v2;
	v2 =	vmov s0;
	v22 =	vld.idx.msk [tilespmem:v25+s15+$0x0], $0xffff  }
0x848: {  	[tilespmem:s29+$0xFFFFFEA0] =	vst v36;
	v54 =	vor.u32 v42, v11;
	v25 =	vld.idx.msk [tilespmem:v59+s15+$0x0], $0xffff;
	v2 =	vshrl.u32 v2, $0x3  }
0x849: {  	[tilespmem:s29+$0x3D0] =	vst v27;
	v27 =	vor.u32 v53, v6;
	v53 =	vld [tilespmem:$0x1FE00];
	v2 =	vshll.u32 v2, v1  }
0x84a: {  	[tilespmem:s29+$0xFFFFFE30] =	vst v34;
	v19 =	vld.idx.msk [tilespmem:v19+s15+$0x0], $0xffff;
	v2 =	vbroadcast v2, $0x0  }
0x84b: {  	[tilespmem:s29+$0xFFFFFDB0] =	vst v33;
	v39 =	vld.idx.msk [tilespmem:v8+s15+$0x0], $0xffff  }
0x84c: {  	v58 =	vor.u32 v57, v12;
	[tilespmem:s29+$0xFFFFFFB0] =	vst v37;
	v29 =	vor.u32 v48, v2;
	v48 =	vld [tilespmem:$0x1FF50]  }
0x84d: {  	[tilespmem:s29+$0xFFFFFCB0] =	vst v26;
	v33 =	vld.idx.msk [tilespmem:v54+s15+$0x0], $0xffff  }
0x84e: {  	v26 =	vor.u32 v52, v6;
	[tilespmem:s29+$0xB0] =	vst v22;
	v22 =	vor.u32 v52, v17;
	v52 =	vld [tilespmem:$0x1FFC0]  }
0x84f: {  	[tilespmem:s29+$0xFFFFFD30] =	vst v28;
	v54 =	vld [tilespmem:$0x1FDA0]  }
0x850: {  	v31 =	vor.u32 v51, v5;
	[tilespmem:s29+$0x30] =	vst v35;
	v27 =	vld.idx.msk [tilespmem:v27+s15+$0x0], $0xffff  }
0x851: {  	[tilespmem:s29+$0xFFFFFF30] =	vst v24;
	v24 =	vor.u32 v49, v13;
	v34 =	vld.idx.msk [tilespmem:v58+s15+$0x0], $0xffff  }
0x852: {  	[tilespmem:s29+$0x130] =	vst v25;
	v28 =	vor.u32 v53, v10;
	v25 =	vor.u32 v53, v18;
	v53 =	vld [tilespmem:$0x1FFD0]  }
0x853: {  	[tilespmem:s29+$0x3E0] =	vst v19;
	v19 =	vor.u32 v50, v15;
	v50 =	vld [tilespmem:$0x1FFB0]  }
0x854: {  	v30 =	vld.idx.msk [tilespmem:v30+s15+$0x0], $0xffff  }
0x855: {  	v31 =	vld.idx.msk [tilespmem:v31+s15+$0x0], $0xffff  }
0x856: {  	v24 =	vld.idx.msk [tilespmem:v24+s15+$0x0], $0xffff  }
0x857: {  	v8 =	vld.idx.msk [tilespmem:v29+s15+$0x0], $0xffff  }
0x858: {  	[tilespmem:s29+$0x2B0] =	vst v23;
	v29 =	vor.u32 v49, v4;
	v49 =	vld [tilespmem:$0x1FF70]  }
0x859: {  	[tilespmem:s29+$0xFFFFFC20] =	vst v32;
	v22 =	vld.idx.msk [tilespmem:v22+s15+$0x0], $0xffff  }
0x85a: {  	v32 =	vld.idx.msk [tilespmem:v60+s15+$0x0], $0xffff  }
0x85b: {  	[tilespmem:s29+$0x330] =	vst v21;
	v28 =	vld.idx.msk [tilespmem:v28+s15+$0x0], $0xffff  }
0x85c: {  	v25 =	vld.idx.msk [tilespmem:v25+s15+$0x0], $0xffff  }
0x85d: {  	v20 =	vor.u32 v48, v3;
	[tilespmem:s29+$0xFFFFFEB0] =	vst v27;
	v27 =	vor.u32 v48, v14;
	v48 =	vor.u32 v57, v9;
	v57 =	vld [tilespmem:$0x1FE10]  }
0x85e: {  	v21 =	vor.u32 v53, v5;
	v42 =	vor.u32 v53, v16;
	v53 =	vld [tilespmem:$0x1FD40]  }
0x85f: {  	v19 =	vld.idx.msk [tilespmem:v19+s15+$0x0], $0xffff  }
0x860: {  	v60 =	vor.u32 v51, v16;
	v26 =	vld.idx.msk [tilespmem:v26+s15+$0x0], $0xffff  }
0x861: {  	v59 =	vor.u32 v50, v15;
	[tilespmem:s29+$0x3F0] =	vst v30;
	v30 =	vor.u32 v50, v7;
	v50 =	vld [tilespmem:$0x1FCA0]  }
0x862: {  	v20 =	vld.idx.msk [tilespmem:v20+s15+$0x0], $0xffff  }
0x863: {  	v29 =	vld.idx.msk [tilespmem:v29+s15+$0x0], $0xffff  }
0x864: {  	[tilespmem:s29+$0x230] =	vst v39;
	v27 =	vld.idx.msk [tilespmem:v27+s15+$0x0], $0xffff  }
0x865: {  	[tilespmem:s29+$0xFFFFFE40] =	vst v31;
	v35 =	vld.idx.msk [tilespmem:v60+s15+$0x0], $0xffff  }
0x866: {  	v21 =	vld.idx.msk [tilespmem:v21+s15+$0x0], $0xffff  }
0x867: {  	v23 =	vor.u32 v52, v7;
	[tilespmem:s29+$0xFFFFFC30] =	vst v32;
	v60 =	vor.u32 v52, v15;
	v52 =	vld [tilespmem:$0x1FFE0]  }
0x868: {  	v32 =	vld.idx.msk [tilespmem:v48+s15+$0x0], $0xffff  }
0x869: {  	[tilespmem:s29+$0x140] =	vst v24;
	v48 =	vld [tilespmem:$0x1FC30]  }
0x86a: {  	v24 =	vor.u32 v57, v18;
	[tilespmem:s29+$0x1B0] =	vst v19;
	v30 =	vld.idx.msk [tilespmem:v30+s15+$0x0], $0xffff  }
0x86b: {  	[tilespmem:s29+$0xFFFFFF40] =	vst v28;
	v36 =	vld.idx.msk [tilespmem:v59+s15+$0x0], $0xffff  }
0x86c: {  	[tilespmem:s29+$0x340] =	vst v25;
	v19 =	vor.u32 v49, v3;
	v59 =	vld [tilespmem:$0x1FC20]  }
0x86d: {  	[tilespmem:s29+$0xFFFFFEC0] =	vst v26;
	v26 =	vor.u32 v49, v14;
	v51 =	vor.u32 v50, v4;
	v28 =	vor.u32 v50, v13;
	v50 =	vld [tilespmem:$0x1FCB0]  }
0x86e: {  	[tilespmem:s29+$0xFFFFFD40] =	vst v29;
	v29 =	vor.u32 v57, v10;
	v57 =	vld [tilespmem:$0x1FE20]  }
0x86f: {  	[tilespmem:s29+$0xFFFFFCC0] =	vst v20;
	v24 =	vld.idx.msk [tilespmem:v24+s15+$0x0], $0xffff  }
0x870: {  	v20 =	vor.u32 v54, v6;
	[tilespmem:s29+$0xC0] =	vst v27;
	v27 =	vor.u32 v54, v17;
	v54 =	vld [tilespmem:$0x1FDB0]  }
0x871: {  	v19 =	vld.idx.msk [tilespmem:v19+s15+$0x0], $0xffff  }
0x872: {  	[tilespmem:s29+$0x240] =	vst v35;
	v26 =	vld.idx.msk [tilespmem:v26+s15+$0x0], $0xffff  }
0x873: {  	[tilespmem:s29+$0x40] =	vst v34;
	v34 =	vld.idx.msk [tilespmem:v42+s15+$0x0], $0xffff  }
0x874: {  	v58 =	vld.idx.msk [tilespmem:v51+s15+$0x0], $0xffff  }
0x875: {  	v28 =	vld.idx.msk [tilespmem:v28+s15+$0x0], $0xffff  }
0x876: {  	[tilespmem:s29+$0xFFFFFDC0] =	vst v30;
	v31 =	vor.u32 v59, v12;
	v38 =	vor.u32 v59, v9;
	v59 =	vld [tilespmem:$0x1FF60]  }
0x877: {  	[tilespmem:s29+$0x1C0] =	vst v36;
	v23 =	vld.idx.msk [tilespmem:v23+s15+$0x0], $0xffff  }
0x878: {  	[tilespmem:s29+$0xFFFFFFC0] =	vst v33;
	v30 =	vor.u32 v41, v11;
	v33 =	vld.idx.msk [tilespmem:v60+s15+$0x0], $0xffff  }
0x879: {  	v60 =	vld [tilespmem:$0x1FD50]  }
0x87a: {  	v20 =	vld.idx.msk [tilespmem:v20+s15+$0x0], $0xffff  }
0x87b: {  	[tilespmem:s29+$0x2C0] =	vst v22;
	v49 =	vor.u32 v48, v3;
	v29 =	vld.idx.msk [tilespmem:v29+s15+$0x0], $0xffff  }
0x87c: {  	v25 =	vor.u32 v53, v5;
	v27 =	vld.idx.msk [tilespmem:v27+s15+$0x0], $0xffff  }
0x87d: {  	v51 =	vor.u32 v50, v4;
	v30 =	vld.idx.msk [tilespmem:v30+s15+$0x0], $0xffff  }
0x87e: {  	[tilespmem:s29+$0xFFFFFC40] =	vst v32;
	v31 =	vld.idx.msk [tilespmem:v31+s15+$0x0], $0xffff  }
0x87f: {  	v22 =	vor.u32 v52, v7;
	[tilespmem:s29+$0xFFFFFCD0] =	vst v19;
	v32 =	vld.idx.msk [tilespmem:v38+s15+$0x0], $0xffff  }
0x880: {  	[tilespmem:s29+$0xFFFFFE50] =	vst v21;
	v19 =	vor.u32 v54, v6;
	v36 =	vld.idx.msk [tilespmem:v49+s15+$0x0], $0xffff  }
0x881: {  	[tilespmem:s29+$0xFFFFFD50] =	vst v58;
	v58 =	vor.u32 v57, v10;
	v38 =	vld.idx.msk [tilespmem:v25+s15+$0x0], $0xffff  }
0x882: {  	v25 =	vor.u32 v50, v13;
	v35 =	vld.idx.msk [tilespmem:v51+s15+$0x0], $0xffff  }
0x883: {  	v21 =	vor.u32 v59, v12;
	[tilespmem:s29+$0xFFFFFDD0] =	vst v23;
	v23 =	vor.u32 v43, v11;
	v43 =	vor.u32 v59, v9;
	v59 =	vld [tilespmem:$0x1FDC0]  }
0x884: {  	v22 =	vld.idx.msk [tilespmem:v22+s15+$0x0], $0xffff;
	[tilespmem:s29+$0xFFFFFED0] =	vst v20  }
0x885: {  	[tilespmem:s29+$0xFFFFFF50] =	vst v29;
	v19 =	vld.idx.msk [tilespmem:v19+s15+$0x0], $0xffff  }
0x886: {  	[tilespmem:s29+$0x150] =	vst v28;
	v37 =	vld.idx.msk [tilespmem:v58+s15+$0x0], $0xffff  }
0x887: {  	v44 =	vld.idx.msk [tilespmem:v25+s15+$0x0], $0xffff  }
0x888: {  	[tilespmem:s29+$0xFFFFFFD0] =	vst v30;
	v58 =	vld [tilespmem:$0x1FE30]  }
0x889: {  	v20 =	vor.u32 v48, v14;
	[tilespmem:s29+$0x50] =	vst v31;
	v39 =	vld.idx.msk [tilespmem:v23+s15+$0x0], $0xffff  }
0x88a: {  	v40 =	vld.idx.msk [tilespmem:v21+s15+$0x0], $0xffff  }
0x88b: {  	v21 =	vor.u32 v54, v17;
	v54 =	vld [tilespmem:$0x1FCC0]  }
0x88c: {  	s31 =	sadd.s32 $0x2, s0;
	v29 =	vor.u32 v52, v15;
	[tilespmem:s29+$0xFFFFFC50] =	vst v32;
	v23 =	vor.u32 v53, v16;
	v53 =	vld [tilespmem:$0x1FF10]  }
0x88d: {  	s30 =	sadd.s32 $0x1, s0;
	[tilespmem:s29+$0xD0] =	vst v26;
	v26 =	vmov s31;
	s31 =	sadd.s32 $0x5, s0;
	v5 =	vor.u32 v60, v5;
	v25 =	vld.idx.msk [tilespmem:v43+s15+$0x0], $0xffff  }
0x88e: {  	v42 =	vmov s31;
	s31 =	sadd.s32 $0x7, s0;
	v30 =	vmov s30;
	s30 =	sadd.s32 $0x4, s0;
	v41 =	vld.idx.msk [tilespmem:v20+s15+$0x0], $0xffff  }
0x88f: {  	[tilespmem:s29+$0x350] =	vst v24;
	v45 =	vmov s31;
	v28 =	vmov s30;
	s30 =	sadd.s32 $0x6, s0;
	v20 =	vor.u32 v57, v18;
	v57 =	vld [tilespmem:$0x1FC40]  }
0x890: {  	[tilespmem:s29+$0x1D0] =	vst v33;
	v43 =	vshrl.u32 v45, $0x3;
	v45 =	vld [tilespmem:$0x1FEE0];
	v33 =	vmov s30;
	s30 =	sadd.s32 $0x8, s0  }
0x891: {  	[tilespmem:s29+$0xFFFFFE60] =	vst v38;
	v46 =	vld.idx.msk [tilespmem:v29+s15+$0x0], $0xffff;
	v29 =	vmov s30  }
0x892: {  	[tilespmem:s29+$0x250] =	vst v34;
	s31 =	sadd.s32 $0x9, s0;
	v6 =	vor.u32 v59, v6;
	v38 =	vshrl.u32 v29, $0x3;
	v29 =	vld.idx.msk [tilespmem:v5+s15+$0x0], $0xffff  }
0x893: {  	v60 =	vor.u32 v60, v16;
	v34 =	vmov s31;
	s31 =	sadd.s32 $0xB, s0;
	[tilespmem:s29+$0x160] =	vst v44;
	v44 =	vld [tilespmem:$0x1FCF0];
	v4 =	vor.u32 v54, v4  }
0x894: {  	s12 =	sadd.s32 $0x3, s0;
	[tilespmem:s29+$0x2D0] =	vst v27;
	v48 =	vmov s31;
	s31 =	sadd.s32 $0xE, s0;
	v24 =	vshrl.u32 v34, $0x3;
	v47 =	vld.idx.msk [tilespmem:v23+s15+$0x0], $0xffff;
	v3 =	vor.u32 v57, v3  }
0x895: {  	v52 =	vmov s31;
	v31 =	vmov s12;
	[tilespmem:s29+$0xFFFFFCE0] =	vst v36;
	v7 =	vor.u32 v53, v7;
	v49 =	vld.idx.msk [tilespmem:v21+s15+$0x0], $0xffff  }
0x896: {  	v32 =	vshrl.u32 v26, $0x3;
	v36 =	vshrl.u32 v31, $0x3;
	[tilespmem:s29+$0xFFFFFEE0] =	vst v19;
	v51 =	vld.idx.msk [tilespmem:v20+s15+$0x0], $0xffff;
	v5 =	vor.u32 v57, v14  }
0x897: {  	[tilespmem:s29+$0xFFFFFD60] =	vst v35;
	v35 =	vshrl.u32 v42, $0x3;
	v20 =	vshrl.u32 v30, $0x3;
	v30 =	vld.idx.msk [tilespmem:v6+s15+$0x0], $0xffff;
	v6 =	vor.u32 v54, v13  }
0x898: {  	[tilespmem:s29+$0xFFFFFDE0] =	vst v22;
	v22 =	vshrl.u32 v48, $0x3;
	v16 =	vshll.u32 v43, v1;
	v13 =	vor.u32 v53, v15;
	v27 =	vld.idx.msk [tilespmem:v4+s15+$0x0], $0xffff  }
0x899: {  	s30 =	sadd.s32 $0xA, s0;
	v42 =	vshrl.u32 v33, $0x3;
	v19 =	vshrl.u32 v52, $0x3;
	[tilespmem:s29+$0xFFFFFF60] =	vst v37;
	v4 =	vor.u32 v61, v11;
	v26 =	vld.idx.msk [tilespmem:v3+s15+$0x0], $0xffff  }
0x89a: {  	s12 =	sadd.s32 $0xC, s0;
	v23 =	vmov s30;
	s30 =	sadd.s32 $0xD, s0;
	[tilespmem:s29+$0xE0] =	vst v41;
	v3 =	vor.u32 v58, v10;
	v10 =	vshrl.u32 v28, $0x3;
	v28 =	vld.idx.msk [tilespmem:v7+s15+$0x0], $0xffff  }
0x89b: {  	v21 =	vmov s12;
	[tilespmem:s29+$0xFFFFFFE0] =	vst v39;
	v50 =	vmov s30;
	v7 =	vor.u32 v45, v12;
	v34 =	vld.idx.msk [tilespmem:v5+s15+$0x0], $0xffff  }
0x89c: {  	v23 =	vshrl.u32 v23, $0x3;
	[tilespmem:s29+$0x1E0] =	vst v46;
	v61 =	vor.u32 v59, v17;
	v17 =	vshll.u32 v35, v1;
	v35 =	vld.idx.msk [tilespmem:v6+s15+$0x0], $0xffff  }
0x89d: {  	p1 =	slt.u32 s0, $0x30;
	v15 =	vshll.u32 v36, v1;
	v14 =	vor.u32 v45, v9;
	v9 =	vshll.u32 v42, v1;
	v36 =	vld.idx.msk [tilespmem:v13+s15+$0x0], $0xffff  }
.Ltmp5:
0x89e: {  	[tilespmem:s29+$0x60] =	vst v40;
	v11 =	vshll.u32 v20, v1;
	v20 =	vshrl.u32 v21, $0x3;
	v12 =	vshll.u32 v32, v1;
	v32 =	vld.idx.msk [tilespmem:v4+s15+$0x0], $0xffff;
	(pc) =	sbr.rel @p1 .LBB2_9-.Ltmp5, $4  }
0x89f: {  	v21 =	vshrl.u32 v50, $0x3;
	[tilespmem:s29+$0x260] =	vst v47;
	v6 =	vbroadcast v17, $0x0;
	v4 =	vbroadcast v12, $0x0;
	v31 =	vld.idx.msk [tilespmem:v3+s15+$0x0], $0xffff  }
0x8a0: {  	[tilespmem:s29+$0x2E0] =	vst v49;
	v10 =	vshll.u32 v10, v1;
	v33 =	vld.idx.msk [tilespmem:v7+s15+$0x0], $0xffff;
	v3 =	vbroadcast v11, $0x0;
	v7 =	vbroadcast v15, $0x0  }
0x8a1: {  	v37 =	vld.idx.msk [tilespmem:v60+s15+$0x0], $0xffff;
	v17 =	vshll.u32 v38, v1;
	[tilespmem:s29+$0x360] =	vst v51;
	v5 =	vbroadcast v10, $0x0;
	v11 =	vor.u32 v58, v18  }
0x8a2: {  	s1 =	sadd.s32 $0xF, s0;
	s0 =	sadd.s32 $0x10, s0;
	v38 =	vld.idx.msk [tilespmem:v61+s15+$0x0], $0xffff;
	v15 =	vor.u32 v0, v4;
	v12 =	vor.u32 v44, v3;
	v13 =	vor.u32 v56, v7  }
0x8a3: {  	[tilespmem:s29+$0xFFFFFC60] =	vst v25  }
0x8a4: {  	[tilespmem:s29+$0xFFFFFCF0] =	vst v26  }
0x8a5: {  	[tilespmem:s29+$0xFFFFFD70] =	vst v27  }
0x8a6: {  	[tilespmem:s29+$0xFFFFFDF0] =	vst v28  }
0x8a7: {  	[tilespmem:s29+$0xFFFFFE70] =	vst v29  }
0x8a8: {  	[tilespmem:s29+$0xFFFFFEF0] =	vst v30  }
0x8a9: {  	[tilespmem:s29+$0xFFFFFF70] =	vst v31  }
0x8aa: {  	v30 =	vld [tilespmem:$0x1FE90];
	[tilespmem:s29+$0xFFFFFFF0] =	vst v32  }
0x8ab: {  	[tilespmem:s29+$0x70] =	vst v33  }
0x8ac: {  	v10 =	vmov s1;
	v25 =	vld.idx.msk [tilespmem:v11+s15+$0x0], $0xffff;
	[tilespmem:s29+$0xF0] =	vst v34  }
0x8ad: {  	v10 =	vshrl.u32 v10, $0x3;
	v14 =	vld.idx.msk [tilespmem:v14+s15+$0x0], $0xffff;
	[tilespmem:s29+$0x170] =	vst v35  }
0x8ae: {  	v10 =	vshll.u32 v10, v1;
	v31 =	vld [tilespmem:$0x1FFF0];
	[tilespmem:s29+$0x1F0] =	vst v36  }
0x8af: {  	v18 =	vbroadcast v10, $0x0;
	v32 =	vld [tilespmem:$0x1FEB0]  }
0x8b0: {  	[tilespmem:s29+$0x270] =	vst v37  }
0x8b1: {  	v33 =	vld [tilespmem:$0x1FEC0];
	[tilespmem:s29+$0x2F0] =	vst v38;
	v10 =	vor.u32 v30, v18  }
0x8b2: {  	v34 =	vld [tilespmem:$0x1FEA0]  }
0x8b3: {  	v11 =	vbroadcast v16, $0x0;
	v49 =	vld.idx.msk [tilespmem:v12+s15+$0x0], $0xffff;
	[tilespmem:s29+$0x370] =	vst v25;
	v26 =	vor.u32 v31, v5  }
0x8b4: {  	v9 =	vbroadcast v9, $0x0;
	v50 =	vld.idx.msk [tilespmem:v15+s15+$0x0], $0xffff;
	[tilespmem:s29+$0xFFFFFC70] =	vst v14;
	v27 =	vor.u32 v32, v6  }
0x8b5: {  	v25 =	vor.u32 v30, v11;
	v14 =	vld [tilespmem:$0x1FD00]  }
0x8b6: {  	v29 =	vor.u32 v33, v9;
	v28 =	vld.idx.msk [tilespmem:v10+s15+$0x0], $0xffff  }
0x8b7: {  	v51 =	vshll.u32 v24, v1;
	v30 =	vld.idx.msk [tilespmem:v13+s15+$0x0], $0xffff;
	v24 =	vor.u32 v34, v18  }
0x8b8: {  	s0 =	sadd.s32 $0x800, s29;
	v10 =	vbroadcast v17, $0x0;
	v26 =	vld.idx.msk [tilespmem:v26+s15+$0x0], $0xffff  }
0x8b9: {  	v53 =	vshll.u32 v22, v1;
	v12 =	vbroadcast v51, $0x0;
	[tilespmem:s0+$0xFFFFFC80] =	vst v49;
	v22 =	vld.idx.msk [tilespmem:v27+s15+$0x0], $0xffff  }
0x8ba: {  	v52 =	vshll.u32 v23, v1;
	v46 =	vbroadcast v53, $0x0;
	[tilespmem:s0+$0xFFFFFD00] =	vst v50;
	v25 =	vld.idx.msk [tilespmem:v25+s15+$0x0], $0xffff;
	v23 =	vor.u32 v14, v10  }
0x8bb: {  	v54 =	vshll.u32 v20, v1;
	v27 =	vor.u32 v44, v12;
	v20 =	vld.idx.msk [tilespmem:v29+s15+$0x0], $0xffff;
	[tilespmem:s0+$0x380] =	vst v28  }
0x8bc: {  	v57 =	vshll.u32 v21, v1;
	v43 =	vbroadcast v52, $0x0;
	v21 =	vor.u32 v56, v46;
	[tilespmem:s0+$0xFFFFFD80] =	vst v30;
	v24 =	vld.idx.msk [tilespmem:v24+s15+$0x0], $0xffff  }
0x8bd: {  	v47 =	vbroadcast v54, $0x0;
	[tilespmem:s0+$0xFFFFFE00] =	vst v26  }
0x8be: {  	v29 =	vbroadcast v57, $0x0;
	v28 =	vor.u32 v0, v43;
	v35 =	vld [tilespmem:$0x1FE40];
	[tilespmem:s0+$0xFFFFFE80] =	vst v22  }
0x8bf: {  	v58 =	vshll.u32 v19, v1;
	v59 =	vor.u32 v31, v47;
	v23 =	vld.idx.msk [tilespmem:v23+s15+$0x0], $0xffff;
	[tilespmem:s0+$0xFFFFFF80] =	vst v25  }
0x8c0: {  	v17 =	vbroadcast v58, $0x0;
	v22 =	vor.u32 v32, v29;
	v27 =	vld.idx.msk [tilespmem:v27+s15+$0x0], $0xffff;
	[tilespmem:s0+$0xFFFFFF00] =	vst v20  }
0x8c1: {  	v21 =	vld.idx.msk [tilespmem:v21+s15+$0x0], $0xffff;
	[tilespmem:s0+$0x390] =	vst v24  }
0x8c2: {  	v20 =	vor.u32 v33, v17;
	v60 =	vld [tilespmem:$0x1FF20]  }
0x8c3: {  	v28 =	vld.idx.msk [tilespmem:v28+s15+$0x0], $0xffff;
	v26 =	vor.u32 v35, v18  }
0x8c4: {  	v19 =	vld.idx.msk [tilespmem:v59+s15+$0x0], $0xffff;
	[tilespmem:s0+$0x0] =	vst v23  }
0x8c5: {  	[tilespmem:s0+$0x80] =	vst v27;
	v22 =	vld.idx.msk [tilespmem:v22+s15+$0x0], $0xffff  }
0x8c6: {  	v58 =	vld [tilespmem:$0x1FF80]  }
0x8c7: {  	v20 =	vld.idx.msk [tilespmem:v20+s15+$0x0], $0xffff;
	v24 =	vor.u32 v60, v3  }
0x8c8: {  	[tilespmem:s0+$0x100] =	vst v28;
	v25 =	vld.idx.msk [tilespmem:v26+s15+$0x0], $0xffff  }
0x8c9: {  	v14 =	vld [tilespmem:$0x1FE50];
	[tilespmem:s0+$0x180] =	vst v21  }
0x8ca: {  	v23 =	vor.u32 v62, v4;
	v0 =	vld [tilespmem:$0x1FCE0];
	[tilespmem:s0+$0x200] =	vst v19  }
0x8cb: {  	v40 =	vld [tilespmem:$0x1FD60]  }
0x8cc: {  	v26 =	vor.u32 v58, v7;
	v24 =	vld.idx.msk [tilespmem:v24+s15+$0x0], $0xffff  }
0x8cd: {  	[tilespmem:s0+$0x3A0] =	vst v25  }
0x8ce: {  	v52 =	vor.u32 v60, v12;
	v42 =	vld [tilespmem:$0x1FDD0];
	[tilespmem:s0+$0x280] =	vst v22  }
0x8cf: {  	v23 =	vld.idx.msk [tilespmem:v23+s15+$0x0], $0xffff;
	v27 =	vor.u32 v14, v18;
	[tilespmem:s0+$0x300] =	vst v20  }
0x8d0: {  	v21 =	vor.u32 v0, v5;
	v51 =	vld [tilespmem:$0x1FD10];
	[tilespmem:s0+$0xFFFFFC00] =	vst v8  }
0x8d1: {  	v41 =	vor.u32 v40, v6;
	v26 =	vld.idx.msk [tilespmem:v26+s15+$0x0], $0xffff;
	[tilespmem:s0+$0xFFFFFC90] =	vst v24  }
0x8d2: {  	v22 =	vor.u32 v34, v11;
	v28 =	vld [tilespmem:$0x1FE60]  }
0x8d3: {  	v8 =	vld.idx.msk [tilespmem:v52+s15+$0x0], $0xffff;
	v25 =	vor.u32 v42, v9  }
0x8d4: {  	v27 =	vld.idx.msk [tilespmem:v27+s15+$0x0], $0xffff;
	[tilespmem:s0+$0xFFFFFD10] =	vst v23;
	v23 =	vor.u32 v62, v43  }
0x8d5: {  	v21 =	vld.idx.msk [tilespmem:v21+s15+$0x0], $0xffff;
	v20 =	vor.u32 v51, v10  }
0x8d6: {  	v19 =	vld.idx.msk [tilespmem:v41+s15+$0x0], $0xffff;
	[tilespmem:s0+$0xFFFFFD90] =	vst v26;
	v26 =	vor.u32 v58, v46  }
0x8d7: {  	v22 =	vld.idx.msk [tilespmem:v22+s15+$0x0], $0xffff;
	v24 =	vor.u32 v28, v18  }
0x8d8: {  	v53 =	vor.u32 v42, v17;
	v25 =	vld.idx.msk [tilespmem:v25+s15+$0x0], $0xffff  }
0x8d9: {  	[tilespmem:s0+$0x3B0] =	vst v27;
	v27 =	vor.u32 v0, v47;
	v23 =	vld.idx.msk [tilespmem:v23+s15+$0x0], $0xffff  }
0x8da: {  	v20 =	vld.idx.msk [tilespmem:v20+s15+$0x0], $0xffff  }
0x8db: {  	[tilespmem:s0+$0xFFFFFE10] =	vst v21;
	v26 =	vld.idx.msk [tilespmem:v26+s15+$0x0], $0xffff  }
0x8dc: {  	v21 =	vor.u32 v40, v29;
	[tilespmem:s0+$0xFFFFFE90] =	vst v19;
	v24 =	vld.idx.msk [tilespmem:v24+s15+$0x0], $0xffff  }
0x8dd: {  	[tilespmem:s0+$0xFFFFFF90] =	vst v22;
	v19 =	vld.idx.msk [tilespmem:v53+s15+$0x0], $0xffff  }
0x8de: {  	v27 =	vld.idx.msk [tilespmem:v27+s15+$0x0], $0xffff;
	[tilespmem:s0+$0xFFFFFF10] =	vst v25  }
0x8df: {  	v25 =	vor.u32 v51, v2;
	v58 =	vld [tilespmem:$0x1FE70];
	[tilespmem:s0+$0x10] =	vst v20  }
0x8e0: {  	v54 =	vor.u32 v63, v4;
	v59 =	vld [tilespmem:$0x1FF30];
	[tilespmem:s0+$0x90] =	vst v8  }
0x8e1: {  	v21 =	vld.idx.msk [tilespmem:v21+s15+$0x0], $0xffff;
	[tilespmem:s0+$0x3C0] =	vst v24  }
0x8e2: {  	v48 =	vld [tilespmem:$0x1FF90];
	[tilespmem:s0+$0x110] =	vst v23  }
0x8e3: {  	v38 =	vld [tilespmem:$0x1FED0]  }
0x8e4: {  	v25 =	vld.idx.msk [tilespmem:v25+s15+$0x0], $0xffff;
	v22 =	vor.u32 v58, v18  }
0x8e5: {  	v8 =	vld.idx.msk [tilespmem:v54+s15+$0x0], $0xffff;
	[tilespmem:s0+$0x190] =	vst v26  }
0x8e6: {  	v20 =	vor.u32 v59, v3;
	v39 =	vld [tilespmem:$0x1FD70];
	[tilespmem:s0+$0x210] =	vst v27  }
0x8e7: {  	v37 =	vld [tilespmem:$0x1FDE0];
	[tilespmem:s0+$0x290] =	vst v21;
	v24 =	vor.u32 v48, v7  }
0x8e8: {  	v40 =	vld [tilespmem:$0x1FE80];
	[tilespmem:s0+$0x310] =	vst v19;
	v23 =	vor.u32 v38, v5  }
0x8e9: {  	[tilespmem:s0+$0xFFFFFC10] =	vst v25;
	v22 =	vld.idx.msk [tilespmem:v22+s15+$0x0], $0xffff  }
0x8ea: {  	v56 =	vor.u32 v35, v11;
	v52 =	vld [tilespmem:$0x1FD20]  }
0x8eb: {  	v20 =	vld.idx.msk [tilespmem:v20+s15+$0x0], $0xffff;
	v26 =	vor.u32 v39, v6  }
0x8ec: {  	v27 =	vor.u32 v37, v9;
	v24 =	vld.idx.msk [tilespmem:v24+s15+$0x0], $0xffff  }
0x8ed: {  	v21 =	vor.u32 v40, v18;
	v23 =	vld.idx.msk [tilespmem:v23+s15+$0x0], $0xffff  }
0x8ee: {  	[tilespmem:s0+$0xFFFFFD20] =	vst v8  }
0x8ef: {  	v19 =	vld.idx.msk [tilespmem:v56+s15+$0x0], $0xffff;
	[tilespmem:s0+$0x3D0] =	vst v22  }
0x8f0: {  	v22 =	vor.u32 v59, v12;
	[tilespmem:s0+$0xFFFFFCA0] =	vst v20;
	v26 =	vld.idx.msk [tilespmem:v26+s15+$0x0], $0xffff  }
0x8f1: {  	v25 =	vor.u32 v52, v10;
	v27 =	vld.idx.msk [tilespmem:v27+s15+$0x0], $0xffff;
	[tilespmem:s0+$0xFFFFFDA0] =	vst v24  }
0x8f2: {  	v57 =	vor.u32 v48, v46;
	v21 =	vld.idx.msk [tilespmem:v21+s15+$0x0], $0xffff;
	[tilespmem:s0+$0xFFFFFE20] =	vst v23  }
0x8f3: {  	v20 =	vor.u32 v63, v43;
	v62 =	vld [tilespmem:$0x1FB80];
	_ =	sdelay $0x1  }
0x8f4: {  	v24 =	vor.u32 v38, v47;
	v22 =	vld.idx.msk [tilespmem:v22+s15+$0x0], $0xffff;
	[tilespmem:s0+$0xFFFFFEA0] =	vst v26  }
0x8f5: {  	v23 =	vld.idx.msk [tilespmem:v25+s15+$0x0], $0xffff;
	v25 =	vor.u32 v39, v29;
	[tilespmem:s0+$0xFFFFFFA0] =	vst v19  }
0x8f6: {  	v8 =	vld.idx.msk [tilespmem:v57+s15+$0x0], $0xffff;
	[tilespmem:s0+$0xFFFFFF20] =	vst v27  }
0x8f7: {  	v20 =	vld.idx.msk [tilespmem:v20+s15+$0x0], $0xffff;
	[tilespmem:s0+$0x3E0] =	vst v21;
	v18 =	vor.u32 v62, v18  }
0x8f8: {  	v42 =	vld [tilespmem:$0x1FF40]  }
0x8f9: {  	v24 =	vld.idx.msk [tilespmem:v24+s15+$0x0], $0xffff;
	[tilespmem:s0+$0xA0] =	vst v22  }
0x8fa: {  	[tilespmem:s0+$0x20] =	vst v23;
	v25 =	vld.idx.msk [tilespmem:v25+s15+$0x0], $0xffff  }
0x8fb: {  	v26 =	vor.u32 v37, v17;
	v36 =	vld [tilespmem:$0x1FFA0]  }
0x8fc: {  	v21 =	vor.u32 v52, v2;
	[tilespmem:s0+$0x120] =	vst v20;
	v18 =	vld.idx.msk [tilespmem:v18+s15+$0x0], $0xffff  }
0x8fd: {  	v35 =	vld [tilespmem:$0x1FF00];
	[tilespmem:s0+$0x1A0] =	vst v8  }
0x8fe: {  	v23 =	vor.u32 v55, v4;
	v15 =	vld [tilespmem:$0x1FD80];
	[tilespmem:s0+$0x220] =	vst v24  }
0x8ff: {  	v13 =	vor.u32 v42, v3;
	v41 =	vld [tilespmem:$0x1FDF0]  }
0x900: {  	v26 =	vld.idx.msk [tilespmem:v26+s15+$0x0], $0xffff;
	[tilespmem:s0+$0x2A0] =	vst v25;
	v22 =	vor.u32 v36, v7  }
0x901: {  	v37 =	vor.u32 v14, v11;
	v21 =	vld.idx.msk [tilespmem:v21+s15+$0x0], $0xffff;
	[tilespmem:s0+$0x3F0] =	vst v18  }
0x902: {  	v20 =	vor.u32 v35, v5;
	v53 =	vld [tilespmem:$0x1FD30]  }
0x903: {  	v23 =	vld.idx.msk [tilespmem:v23+s15+$0x0], $0xffff;
	v33 =	vor.u32 v15, v6  }
0x904: {  	v19 =	vld.idx.msk [tilespmem:v13+s15+$0x0], $0xffff;
	v24 =	vor.u32 v41, v9  }
0x905: {  	v39 =	vor.u32 v36, v46;
	v22 =	vld.idx.msk [tilespmem:v22+s15+$0x0], $0xffff  }
0x906: {  	v18 =	vld.idx.msk [tilespmem:v37+s15+$0x0], $0xffff;
	[tilespmem:s0+$0x320] =	vst v26;
	v26 =	vor.u32 v42, v12  }
0x907: {  	v20 =	vld.idx.msk [tilespmem:v20+s15+$0x0], $0xffff;
	v25 =	vor.u32 v53, v10  }
0x908: {  	[tilespmem:s0+$0xFFFFFC20] =	vst v21;
	v21 =	vor.u32 v55, v43;
	v8 =	vld.idx.msk [tilespmem:v33+s15+$0x0], $0xffff  }
0x909: {  	[tilespmem:s0+$0xFFFFFD30] =	vst v23;
	v23 =	vor.u32 v35, v47;
	v24 =	vld.idx.msk [tilespmem:v24+s15+$0x0], $0xffff  }
0x90a: {  	[tilespmem:s0+$0xFFFFFCB0] =	vst v19;
	v19 =	vld.idx.msk [tilespmem:v39+s15+$0x0], $0xffff  }
0x90b: {  	[tilespmem:s0+$0xFFFFFDB0] =	vst v22;
	v26 =	vld.idx.msk [tilespmem:v26+s15+$0x0], $0xffff  }
0x90c: {  	v22 =	vor.u32 v15, v29;
	[tilespmem:s0+$0xFFFFFE30] =	vst v20;
	v25 =	vld.idx.msk [tilespmem:v25+s15+$0x0], $0xffff  }
0x90d: {  	v21 =	vld.idx.msk [tilespmem:v21+s15+$0x0], $0xffff;
	[tilespmem:s0+$0xFFFFFEB0] =	vst v8  }
0x90e: {  	v23 =	vld.idx.msk [tilespmem:v23+s15+$0x0], $0xffff;
	[tilespmem:s0+$0xFFFFFF30] =	vst v24  }
0x90f: {  	v56 =	vld [tilespmem:$0x1FF50];
	[tilespmem:s0+$0xFFFFFFB0] =	vst v18  }
0x910: {  	v0 =	vld [tilespmem:$0x1FC90]  }
0x911: {  	v20 =	vor.u32 v41, v17;
	v41 =	vor.u32 v53, v2;
	v22 =	vld.idx.msk [tilespmem:v22+s15+$0x0], $0xffff;
	[tilespmem:s0+$0x30] =	vst v25  }
0x912: {  	v50 =	vld [tilespmem:$0x1FFB0];
	[tilespmem:s0+$0xB0] =	vst v26  }
0x913: {  	v31 =	vld [tilespmem:$0x1FEF0];
	[tilespmem:s0+$0x130] =	vst v21  }
0x914: {  	v24 =	vor.u32 v56, v3;
	v55 =	vld [tilespmem:$0x1FD90];
	[tilespmem:s0+$0x1B0] =	vst v19  }
0x915: {  	v54 =	vor.u32 v0, v4;
	v57 =	vld [tilespmem:$0x1FE00]  }
0x916: {  	v8 =	vld.idx.msk [tilespmem:v41+s15+$0x0], $0xffff;
	v34 =	vor.u32 v0, v43;
	[tilespmem:s0+$0x230] =	vst v23  }
0x917: {  	v20 =	vld.idx.msk [tilespmem:v20+s15+$0x0], $0xffff;
	[tilespmem:s0+$0x2B0] =	vst v22;
	v25 =	vor.u32 v50, v7  }
0x918: {  	v63 =	vld [tilespmem:$0x1FC10];
	v26 =	vor.u32 v31, v5  }
0x919: {  	v24 =	vld.idx.msk [tilespmem:v24+s15+$0x0], $0xffff;
	v21 =	vor.u32 v55, v6  }
0x91a: {  	v18 =	vld.idx.msk [tilespmem:v54+s15+$0x0], $0xffff;
	v61 =	vor.u32 v57, v9  }
0x91b: {  	v23 =	vor.u32 v28, v11;
	[tilespmem:s0+$0xFFFFFC30] =	vst v8;
	v8 =	vld.idx.msk [tilespmem:v34+s15+$0x0], $0xffff  }
0x91c: {  	[tilespmem:s0+$0x330] =	vst v20;
	v20 =	vor.u32 v56, v12;
	v25 =	vld.idx.msk [tilespmem:v25+s15+$0x0], $0xffff  }
0x91d: {  	v22 =	vor.u32 v63, v10;
	v26 =	vld.idx.msk [tilespmem:v26+s15+$0x0], $0xffff  }
0x91e: {  	v37 =	vor.u32 v31, v47;
	v21 =	vld.idx.msk [tilespmem:v21+s15+$0x0], $0xffff  }
0x91f: {  	[tilespmem:s0+$0xFFFFFCC0] =	vst v24;
	v24 =	vor.u32 v50, v46;
	v19 =	vld.idx.msk [tilespmem:v61+s15+$0x0], $0xffff  }
0x920: {  	v23 =	vld.idx.msk [tilespmem:v23+s15+$0x0], $0xffff;
	[tilespmem:s0+$0xFFFFFD40] =	vst v18  }
0x921: {  	v20 =	vld.idx.msk [tilespmem:v20+s15+$0x0], $0xffff;
	[tilespmem:s0+$0xFFFFFDC0] =	vst v25  }
0x922: {  	v22 =	vld.idx.msk [tilespmem:v22+s15+$0x0], $0xffff;
	v25 =	vor.u32 v55, v29;
	[tilespmem:s0+$0xFFFFFE40] =	vst v26  }
0x923: {  	v18 =	vld.idx.msk [tilespmem:v37+s15+$0x0], $0xffff;
	[tilespmem:s0+$0xFFFFFEC0] =	vst v21  }
0x924: {  	v24 =	vld.idx.msk [tilespmem:v24+s15+$0x0], $0xffff;
	[tilespmem:s0+$0xFFFFFF40] =	vst v19  }
0x925: {  	v49 =	vld [tilespmem:$0x1FF70];
	[tilespmem:s0+$0xFFFFFFC0] =	vst v23  }
0x926: {  	v0 =	vld [tilespmem:$0x1FCA0]  }
0x927: {  	[tilespmem:s0+$0x40] =	vst v22;
	v25 =	vld.idx.msk [tilespmem:v25+s15+$0x0], $0xffff  }
0x928: {  	v26 =	vor.u32 v57, v17;
	v57 =	vld [tilespmem:$0x1FFC0];
	[tilespmem:s0+$0xC0] =	vst v20  }
0x929: {  	v21 =	vor.u32 v63, v2;
	v63 =	vld [tilespmem:$0x1FFD0];
	[tilespmem:s0+$0x140] =	vst v8  }
0x92a: {  	v27 =	vld [tilespmem:$0x1FDA0];
	[tilespmem:s0+$0x1C0] =	vst v24  }
0x92b: {  	v39 =	vor.u32 v49, v3;
	v28 =	vld [tilespmem:$0x1FE10]  }
0x92c: {  	v23 =	vor.u32 v0, v4  }
0x92d: {  	v26 =	vld.idx.msk [tilespmem:v26+s15+$0x0], $0xffff;
	[tilespmem:s0+$0x240] =	vst v18;
	v22 =	vor.u32 v57, v7  }
0x92e: {  	v21 =	vld.idx.msk [tilespmem:v21+s15+$0x0], $0xffff;
	[tilespmem:s0+$0x2C0] =	vst v25;
	v20 =	vor.u32 v63, v5  }
0x92f: {  	v55 =	vld [tilespmem:$0x1FC20];
	v41 =	vor.u32 v27, v6  }
0x930: {  	v19 =	vld.idx.msk [tilespmem:v39+s15+$0x0], $0xffff;
	v24 =	vor.u32 v28, v9  }
0x931: {  	v54 =	vor.u32 v58, v11;
	v23 =	vld.idx.msk [tilespmem:v23+s15+$0x0], $0xffff  }
0x932: {  	[tilespmem:s0+$0x340] =	vst v26;
	v26 =	vor.u32 v49, v12;
	v22 =	vld.idx.msk [tilespmem:v22+s15+$0x0], $0xffff  }
0x933: {  	[tilespmem:s0+$0xFFFFFC40] =	vst v21;
	v21 =	vor.u32 v0, v43;
	v20 =	vld.idx.msk [tilespmem:v20+s15+$0x0], $0xffff  }
0x934: {  	v25 =	vor.u32 v55, v10;
	v8 =	vld.idx.msk [tilespmem:v41+s15+$0x0], $0xffff  }
0x935: {  	v57 =	vor.u32 v57, v46;
	v24 =	vld.idx.msk [tilespmem:v24+s15+$0x0], $0xffff;
	[tilespmem:s0+$0xFFFFFCD0] =	vst v19  }
0x936: {  	v18 =	vld.idx.msk [tilespmem:v54+s15+$0x0], $0xffff;
	[tilespmem:s0+$0xFFFFFD50] =	vst v23  }
0x937: {  	v26 =	vld.idx.msk [tilespmem:v26+s15+$0x0], $0xffff;
	v23 =	vor.u32 v63, v47;
	[tilespmem:s0+$0xFFFFFDD0] =	vst v22  }
0x938: {  	v21 =	vld.idx.msk [tilespmem:v21+s15+$0x0], $0xffff;
	[tilespmem:s0+$0xFFFFFE50] =	vst v20  }
0x939: {  	v25 =	vld.idx.msk [tilespmem:v25+s15+$0x0], $0xffff;
	v22 =	vor.u32 v27, v29;
	[tilespmem:s0+$0xFFFFFED0] =	vst v8  }
0x93a: {  	v19 =	vld.idx.msk [tilespmem:v57+s15+$0x0], $0xffff;
	[tilespmem:s0+$0xFFFFFF50] =	vst v24  }
0x93b: {  	v0 =	vld [tilespmem:$0x1FC30]  }
0x93c: {  	[tilespmem:s0+$0xFFFFFFD0] =	vst v18;
	v23 =	vld.idx.msk [tilespmem:v23+s15+$0x0], $0xffff  }
0x93d: {  	v61 =	vld [tilespmem:$0x1FCB0]  }
0x93e: {  	v58 =	vor.u32 v55, v2;
	[tilespmem:s0+$0x50] =	vst v25;
	v22 =	vld.idx.msk [tilespmem:v22+s15+$0x0], $0xffff  }
0x93f: {  	v20 =	vor.u32 v28, v17;
	v49 =	vld [tilespmem:$0x1FFE0];
	[tilespmem:s0+$0xD0] =	vst v26  }
0x940: {  	v33 =	vld [tilespmem:$0x1FD40];
	[tilespmem:s0+$0x150] =	vst v21  }
0x941: {  	v34 =	vld [tilespmem:$0x1FDB0];
	[tilespmem:s0+$0x1D0] =	vst v19;
	v24 =	vor.u32 v0, v3  }
0x942: {  	v37 =	vld [tilespmem:$0x1FE20];
	[tilespmem:s0+$0x250] =	vst v23;
	v23 =	vor.u32 v40, v11  }
0x943: {  	v8 =	vld.idx.msk [tilespmem:v58+s15+$0x0], $0xffff;
	v32 =	vor.u32 v61, v4  }
0x944: {  	v20 =	vld.idx.msk [tilespmem:v20+s15+$0x0], $0xffff;
	[tilespmem:s0+$0x2D0] =	vst v22;
	v25 =	vor.u32 v49, v7  }
0x945: {  	v54 =	vld [tilespmem:$0x1FF60];
	v26 =	vor.u32 v33, v5  }
0x946: {  	v21 =	vor.u32 v34, v6;
	v24 =	vld.idx.msk [tilespmem:v24+s15+$0x0], $0xffff  }
0x947: {  	v39 =	vor.u32 v37, v9;
	v23 =	vld.idx.msk [tilespmem:v23+s15+$0x0], $0xffff  }
0x948: {  	v40 =	vor.u32 v61, v43;
	v18 =	vld.idx.msk [tilespmem:v32+s15+$0x0], $0xffff  }
0x949: {  	[tilespmem:s0+$0x350] =	vst v20;
	v20 =	vor.u32 v0, v12;
	v25 =	vld.idx.msk [tilespmem:v25+s15+$0x0], $0xffff  }
0x94a: {  	v22 =	vor.u32 v54, v10;
	v26 =	vld.idx.msk [tilespmem:v26+s15+$0x0], $0xffff  }
0x94b: {  	[tilespmem:s0+$0xFFFFFC50] =	vst v8;
	v41 =	vor.u32 v33, v47;
	v21 =	vld.idx.msk [tilespmem:v21+s15+$0x0], $0xffff  }
0x94c: {  	v19 =	vld.idx.msk [tilespmem:v39+s15+$0x0], $0xffff;
	[tilespmem:s0+$0xFFFFFCE0] =	vst v24;
	v24 =	vor.u32 v49, v46  }
0x94d: {  	v8 =	vld.idx.msk [tilespmem:v40+s15+$0x0], $0xffff;
	[tilespmem:s0+$0xFFFFFD60] =	vst v18  }
0x94e: {  	v20 =	vld.idx.msk [tilespmem:v20+s15+$0x0], $0xffff;
	[tilespmem:s0+$0xFFFFFDE0] =	vst v25  }
0x94f: {  	v22 =	vld.idx.msk [tilespmem:v22+s15+$0x0], $0xffff;
	v25 =	vor.u32 v34, v29;
	[tilespmem:s0+$0xFFFFFE60] =	vst v26  }
0x950: {  	v18 =	vld.idx.msk [tilespmem:v41+s15+$0x0], $0xffff;
	v34 =	vor.u32 v62, v11;
	[tilespmem:s0+$0xFFFFFEE0] =	vst v21  }
0x951: {  	[tilespmem:s0+$0xFFFFFF60] =	vst v19;
	v58 =	vld.idx.msk [tilespmem:v24+s15+$0x0], $0xffff  }
0x952: {  	v21 =	vor.u32 v54, v2;
	v57 =	vld [tilespmem:$0x1FC40];
	[tilespmem:s0+$0xFFFFFFE0] =	vst v23  }
0x953: {  	v61 =	vld [tilespmem:$0x1FCC0]  }
0x954: {  	[tilespmem:s0+$0x60] =	vst v22;
	v22 =	vld.idx.msk [tilespmem:v25+s15+$0x0], $0xffff  }
0x955: {  	v41 =	vld.idx.msk [tilespmem:v34+s15+$0x0], $0xffff  }
0x956: {  	v26 =	vor.u32 v37, v17;
	v0 =	vld [tilespmem:$0x1FF10]  }
0x957: {  	v10 =	vor.u32 v45, v10;
	[tilespmem:s0+$0xE0] =	vst v20;
	v32 =	vld.idx.msk [tilespmem:v21+s15+$0x0], $0xffff  }
0x958: {  	v2 =	vor.u32 v45, v2;
	v23 =	vld [tilespmem:$0x1FD50];
	[tilespmem:s0+$0x160] =	vst v8  }
0x959: {  	v21 =	vld [tilespmem:$0x1FDC0];
	[tilespmem:s0+$0x1E0] =	vst v58;
	v3 =	vor.u32 v57, v3  }
0x95a: {  	v24 =	vld [tilespmem:$0x1FE30];
	v37 =	vor.u32 v57, v12  }
0x95b: {  	v20 =	vld.idx.msk [tilespmem:v26+s15+$0x0], $0xffff;
	v13 =	vor.u32 v61, v4  }
0x95c: {  	v39 =	vor.u32 v61, v43;
	v40 =	vor.u32 v0, v46;
	v46 =	vld.idx.msk [tilespmem:v10+s15+$0x0], $0xffff;
	[tilespmem:s0+$0xFFFFFC60] =	vst v32  }
0x95d: {  	[tilespmem:s0+$0x260] =	vst v18;
	v14 =	vor.u32 v0, v7;
	v2 =	vld.idx.msk [tilespmem:v2+s15+$0x0], $0xffff  }
0x95e: {  	[tilespmem:s0+$0x2E0] =	vst v22;
	v15 =	vor.u32 v23, v5;
	v3 =	vld.idx.msk [tilespmem:v3+s15+$0x0], $0xffff  }
0x95f: {  	[tilespmem:s0+$0xFFFFFFF0] =	vst v41;
	v9 =	vor.u32 v24, v9;
	v54 =	vld.idx.msk [tilespmem:v37+s15+$0x0], $0xffff  }
0x960: {  	[tilespmem:s0+$0x360] =	vst v20;
	v43 =	vor.u32 v23, v47;
	v4 =	vld.idx.msk [tilespmem:v13+s15+$0x0], $0xffff  }
0x961: {  	v33 =	vor.u32 v21, v6;
	v57 =	vld.idx.msk [tilespmem:v39+s15+$0x0], $0xffff;
	[tilespmem:s0+$0x70] =	vst v46  }
0x962: {  	v47 =	vor.u32 v21, v29;
	v7 =	vld.idx.msk [tilespmem:v14+s15+$0x0], $0xffff;
	[tilespmem:s0+$0xFFFFFC70] =	vst v2  }
0x963: {  	v55 =	vor.u32 v24, v17;
	v5 =	vld.idx.msk [tilespmem:v15+s15+$0x0], $0xffff;
	[tilespmem:s0+$0xFFFFFCF0] =	vst v3  }
0x964: {  	v3 =	vld.idx.msk [tilespmem:v9+s15+$0x0], $0xffff;
	[tilespmem:s0+$0xF0] =	vst v54  }
0x965: {  	v58 =	vld.idx.msk [tilespmem:v43+s15+$0x0], $0xffff;
	[tilespmem:s0+$0xFFFFFD70] =	vst v4  }
0x966: {  	v6 =	vld.idx.msk [tilespmem:v33+s15+$0x0], $0xffff;
	[tilespmem:s0+$0x170] =	vst v57  }
0x967: {  	v61 =	vld.idx.msk [tilespmem:v47+s15+$0x0], $0xffff;
	[tilespmem:s0+$0xFFFFFDF0] =	vst v7  }
0x968: {  	v62 =	vld.idx.msk [tilespmem:v55+s15+$0x0], $0xffff;
	[tilespmem:s0+$0xFFFFFE70] =	vst v5  }
0x969: {  	[tilespmem:s0+$0xFFFFFF70] =	vst v3;
	v3 =	vld.idx.msk [tilespmem:v40+s15+$0x0], $0xffff  }
0x96a: {  	[tilespmem:s0+$0x270] =	vst v58  }
0x96b: {  	[tilespmem:s0+$0xFFFFFEF0] =	vst v6  }
0x96c: {  	[tilespmem:s0+$0x2F0] =	vst v61  }
0x96d: {  	[tilespmem:s0+$0x370] =	vst v62  }
0x96e: {  	[tilespmem:s0+$0x1F0] =	vst v3  }
0x96f: {  	v22 =	vld [tilespmem:$0x1FD00]  }
0x970: {  	s30 =	sadd.s32 $0x3, s28;
	v46 =	vld [tilespmem:$0x1FF80]  }
.Ltmp6:
0x971: {  	s12 =	sshll.u32 s30, $0x4;
	v25 =	vld [tilespmem:$0x1FFF0];
	(pc) =	sbr.rel @p0 .LBB2_12-.Ltmp6, $4  }
0x972: {  	s1 =	sshll.u32 s30, $0xA;
	s12 =	sand.u32 $0x70, s12;
	v61 =	vmov v35;
	v35 =	vmov v31;
	v31 =	vld [tilespmem:$0x1FEB0]  }
0x973: {  	s1 =	sand.u32 $0xFFFE000, s1;
	s12 =	sadd.s32 s4, s12;
	v32 =	vld [tilespmem:$0x1FEC0]  }
0x974: {  	s31 =	sadd.s32 s1, s12;
	v47 =	vmov v51;
	v51 =	vmov v56;
	v27 =	vld [tilespmem:$0x1FE90]  }
0x975: {  	v55 =	vmovc v52;
	v52 =	vmovc v36;
	v62 =	vmov v53;
	v53 =	vmov v60;
	v60 =	vmov v59;
	[hbm4b:s31+s9] =	stream.strided.scatter [tilespmem:s20], [sflag:$0x6], $0x2000, s17, s9, $0x38;
	v34 =	vld [tilespmem:$0x1FEA0]  }
.Ltmp7:
0x976: {  	(pc) =	sbr.rel .LBB2_2-.Ltmp7, $4  }
0x977: {  	s0 =	sshll.u32 s26, $0x9  }
0x978: {  	s0 =	sand.u32 $0x3FFFFE00, s0  }
0x979: {  	s26 =	sadd.s32 $0x1, s26;
	s0 =	sadd.s32 $0x380, s0  }
0x97a: {  	v58 =	vmov v52;
	[tilespmem:s15], [sflag:$0x4] =	stream.indirect.gather [hbm4b:s3+s9], $0x40, s0, s9, $0xb8;
	[tilespmem:$0xF200] =	vst v63  }
.LBB2_13:
0x97b: {  	_ =	sfence.sel $0x180000  }
0x97c: {  	[bflag:$0x0] =	sbarrier.arrive $0xFFFF  }
0x97d: {  	_ =	strace $0x90000047  }
0x97e: {  	s0 =	stileid.u32;
	[bflag:$0x2] =	sbarrier.arrive $0xFFFF  }
0x97f: {  	p0 =	sne.s32 s0, $0x0;
	s0 =	rddreg [dreg:$0x2]  }
0x980: {  	s0 =	sadd.s32 @!p0 $0x100000, s0  }
0x981: {  	[sflag:s0] =	ssyncadd.tile.s32 @!p0 $0x1;
	_ =	shalt  }
.Lfunc_end2:
_tile_overlayer_lowered:
.L_overlay_start_2:
0x982: {  	(tag) =	ssettag $0x2  }
0x983: {  	s0 =	rddreg [dreg:$0x0];
	s2 =	stileid.u32  }
0x984: {  	s1 =	rddreg [dreg:$0x1];
	p0 =	sne.s32 s2, $0x0  }
0x985: {  	s3 =	rddreg [dreg:$0x2];
	[bflag:$0x3] =	sbarrier.arrive $0xFFFF;
	s2 =	simm.s32 @!p0 $0x1C07  }
0x986: {  	[timem:s3], [sflag:s2] =	dma.local @!p0 [hbm:s0], s1  }
0x987: {  	s0 =	simm.s32 @!p0 $0x7  }
0x988: {  	_ =	swait.ge @!p0 [sflag:s0], s1  }
0x989: {  	s1 =	ssub.s32 @!p0 $0x0, s1;
	[sflag:s0] =	ssyncset.done @!p0 $0x0  }
0x98a: {  	[sflag:s0] =	ssyncadd.s32 @!p0 s1  }
0x98b: {  	[bflag:$0x3] =	sbarrier.arrive $0xFFFF  }
0x98c: {  	_ =	shalt  }

</sc_bundles>
